<compile_context>
chip_gen: v7x
topology: tpu7x:2x2x1
jax: 0.10.2.dev20260603
libtpu: 0.0.44.dev20260713+nightly
codegen_flags: <defaults>
</compile_context>

<pallas_src>
import functools

import jax
import jax.numpy as jnp
from jax import lax
from jax.experimental import pallas as pl
from jax.experimental.pallas import tpu as pltpu
from jax.experimental.pallas import tpu_sc as plsc

_INFO = plsc.get_sparse_core_info()
_NC = _INFO.num_cores
_NS = _INFO.num_subcores
_NW = _NC * _NS
_LANES = _INFO.num_lanes

_CHUNK = 400
_NBUF = 2


def _norm_table_body(tab_ref, gamma_ref, beta_ref, out_ref):
    x = tab_ref[...]
    mean = jnp.mean(x, axis=-1, keepdims=True)
    var = jnp.mean((x - mean) * (x - mean), axis=-1, keepdims=True)
    inv = lax.rsqrt(var + 1e-12)
    out_ref[...] = (x - mean) * inv * gamma_ref[...] + beta_ref[...]


def _norm_table(snp_table, ln_gamma, ln_beta):
    v, d = snp_table.shape
    return pl.pallas_call(
        _norm_table_body,
        out_shape=jax.ShapeDtypeStruct((v, d), jnp.float32),
    )(snp_table, ln_gamma.reshape(1, d), ln_beta.reshape(1, d))


def _make_expand(n_tokens, n_rows, d):
    assert n_tokens % (_NW * _CHUNK) == 0
    per_w = n_tokens // _NW
    n_chunks = per_w // _CHUNK
    n_col = d // _LANES
    mesh = plsc.VectorSubcoreMesh(core_axis_name="c", subcore_axis_name="s")

    @functools.partial(
        pl.kernel,
        out_type=jax.ShapeDtypeStruct((n_tokens, d), jnp.float32),
        mesh=mesh,
        compiler_params=pltpu.CompilerParams(needs_layout_passes=False),
        scratch_types=[
            pltpu.VMEM_SHARED((_NS * per_w,), jnp.int32),
            pltpu.VMEM((n_rows, d), jnp.float32),
            pltpu.VMEM((_NBUF, _CHUNK, d), jnp.float32),
            pltpu.SMEM((_NBUF * _CHUNK,), jnp.int32),
            pltpu.SemaphoreType.DMA,
            pltpu.SemaphoreType.DMA,
            pltpu.SemaphoreType.DMA,
            pltpu.SemaphoreType.DMA,
            pltpu.SemaphoreType.DMA,
        ],
    )
    def expand_kernel(idx_hbm, tab_hbm, out_hbm, idx_v, tab_v, rows_v, idx_sm,
                      semx, semi0, semi1, sem0, sem1):
        sid = lax.axis_index("s")
        wid = sid * _NC + lax.axis_index("c")
        pltpu.async_copy(
            idx_hbm.at[wid], idx_v.at[pl.ds(sid * per_w, per_w)], semx
        )
        pltpu.sync_copy(tab_hbm, tab_v)
        pltpu.make_async_copy(
            idx_hbm.at[0], idx_v.at[pl.ds(0, per_w)], semx
        ).wait()
        base = wid * per_w
        sems = [sem0, sem1]
        semis = [semi0, semi1]

        def fire_idx(k):
            pltpu.async_copy(
                idx_v.at[pl.ds(sid * per_w + k * _CHUNK, _CHUNK)],
                idx_sm.at[pl.ds((k % _NBUF) * _CHUNK, _CHUNK)],
                semis[k % _NBUF],
            )

        def wait_idx(k):
            pltpu.make_async_copy(
                idx_v.at[pl.ds(0, _CHUNK)],
                idx_sm.at[pl.ds((k % _NBUF) * _CHUNK, _CHUNK)],
                semis[k % _NBUF],
            ).wait()

        def build(k, buf):
            @plsc.parallel_loop(0, _CHUNK, unroll=8)
            def _(t):
                v = idx_sm[buf * _CHUNK + t]
                for c in range(n_col):
                    sl = pl.ds(c * _LANES, _LANES)
                    rows_v[buf, t, sl] = tab_v[v, sl]

        def store(k, buf):
            pltpu.async_copy(
                rows_v.at[buf],
                out_hbm.at[pl.ds(base + k * _CHUNK, _CHUNK)],
                sems[buf],
            )

        def drain_store(buf):
            pltpu.make_async_copy(
                rows_v.at[buf],
                out_hbm.at[pl.ds(0, _CHUNK)],
                sems[buf],
            ).wait()

        fire_idx(0)
        for k in range(n_chunks):
            buf = k % _NBUF
            wait_idx(k)
            if k + 1 < n_chunks:
                fire_idx(k + 1)
            if k >= _NBUF:
                drain_store(buf)
            build(k, buf)
            store(k, buf)
        for buf in range(_NBUF):
            drain_store(buf)

    return expand_kernel


def kernel(snp, is_padding, snp_table, ln_gamma, ln_beta):
    b, l = snp.shape
    v, d = snp_table.shape
    n = b * l
    ntab = _norm_table(snp_table, ln_gamma, ln_beta)
    idx = snp.reshape(_NW, n // _NW).astype(jnp.int32)
    out = _make_expand(n, v, d)(idx, ntab)
    return out.reshape(b, l, d), is_padding

# --- scband reference (transcript-rebuilt; emitter-appended) ---
"""Pipeline reference for scband-snpembedder-30477087933200 (READ-ONLY COPY).

The authoritative reference and input builder live on the scoring server;
editing this copy changes nothing except your own understanding.
"""

import jax, jax.numpy as jnp
import numpy as np

B, L, D, V = 1024, 200, 128, 5

def setup_inputs(seed: int = 0) -> dict:
    key = jax.random.key(seed)
    k1, k2 = jax.random.split(key, 2)
    snp = jax.random.randint(k1, (B, L), 0, V)
    is_padding = jnp.zeros((B, L), dtype=bool)
    snp_table = jax.random.normal(k2, (V, D), dtype=jnp.float32)
    ln_gamma = jnp.ones((D,), dtype=jnp.float32)
    ln_beta = jnp.zeros((D,), dtype=jnp.float32)
    return {"snp": snp, "is_padding": is_padding, "snp_table": snp_table, "ln_gamma": ln_gamma, "ln_beta": ln_beta}

def reference(snp, is_padding, snp_table, ln_gamma, ln_beta):
    # embeddings = zeros; embeddings += embedding(inputs['snp'])
    emb = jnp.zeros((snp.shape[0], snp.shape[1], snp_table.shape[1]), dtype=jnp.float32)
    emb = emb + jnp.take(snp_table, snp, axis=0)
    # LayerNorm(d_model, eps=1e-12)
    mean = jnp.mean(emb, axis=-1, keepdims=True)
    var = jnp.var(emb, axis=-1, keepdims=True)
    normed = (emb - mean) / jnp.sqrt(var + 1e-12) * ln_gamma + ln_beta
    # dropout is identity in eval mode / dropout_prob=0.0
    return (normed, is_padding)

if __name__ == "__main__":
    import jax
    _d = setup_inputs()
    print(jax.jit(kernel)(*tuple(_d.values())))

</pallas_src>

<mosaic_0001>
#map = affine_map<(d0, d1) -> (0, 0)>
module attributes {stable_mosaic.version = 14 : i64} {
  func.func @expand_kernel(%arg0: i32, %arg1: i32, %arg2: memref<32x6400xi32, #tpu.memory_space<hbm>>, %arg3: memref<5x128xf32, #tpu.memory_space<hbm>>, %arg4: memref<204800x128xf32, #tpu.memory_space<hbm>>, %arg5: memref<102400xi32, #tpu.memory_space<vmem_shared>>, %arg6: memref<5x128xf32, #tpu.memory_space<vmem>>, %arg7: memref<2x400x128xf32, #tpu.memory_space<vmem>>, %arg8: memref<800xi32, #tpu.memory_space<smem>>, %arg9: memref<!tpu.dma_semaphore, #tpu.memory_space<semaphore_mem>>, %arg10: memref<!tpu.dma_semaphore, #tpu.memory_space<semaphore_mem>>, %arg11: memref<!tpu.dma_semaphore, #tpu.memory_space<semaphore_mem>>, %arg12: memref<!tpu.dma_semaphore, #tpu.memory_space<semaphore_mem>>, %arg13: memref<!tpu.dma_semaphore, #tpu.memory_space<semaphore_mem>>) attributes {dimension_semantics = [#tpu.dimension_semantics<core_parallel>, #tpu.dimension_semantics<subcore_parallel>], iteration_bounds = array<i64: 2, 16>, scalar_prefetch = 0 : i64, scratch_operands = 9 : i64, tpu.core_type = #tpu.core_type<sc_vector_subcore>, window_params = [{transform_indices = #map}, {transform_indices = #map}, {transform_indices = #map}]} {
    %mul3A = arith.constant 2 : i32
    %mul3A_0 = arith.muli %arg1, %mul3A : i32
    %add3A = arith.addi %mul3A_0, %arg0 : i32
    %mul3A_1 = arith.constant 6400 : i32
    %mul3A_2 = arith.muli %arg1, %mul3A_1 : i32
    %dma_start3A = tpu.memref_slice %arg5[%mul3A_2] : memref<102400xi32, #tpu.memory_space<vmem_shared>> -> memref<6400xi32, #tpu.memory_space<vmem_shared>>
    %dma_start3A_3 = arith.constant 0 : i32
    %dma_start3A_4 = tpu.memref_slice %arg2[%add3A, %dma_start3A_3] : memref<32x6400xi32, #tpu.memory_space<hbm>> -> memref<1x6400xi32, #tpu.memory_space<hbm>>
    %dma_start3A_5 = tpu.memref_squeeze %dma_start3A_4 : memref<1x6400xi32, #tpu.memory_space<hbm>> -> memref<6400xi32, #tpu.memory_space<hbm>>
    tpu.enqueue_dma source(%dma_start3A_5 : memref<6400xi32, #tpu.memory_space<hbm>>) target(%dma_start3A : memref<6400xi32, #tpu.memory_space<vmem_shared>>) target_semaphore(%arg9 : memref<!tpu.dma_semaphore, #tpu.memory_space<semaphore_mem>>)
    "tpu.region"() ({
      %run_scoped3A = tpu.sem_alloc : memref<!tpu.dma_semaphore, #tpu.memory_space<semaphore_mem>>
      tpu.enqueue_dma source(%arg3 : memref<5x128xf32, #tpu.memory_space<hbm>>) target(%arg6 : memref<5x128xf32, #tpu.memory_space<vmem>>) target_semaphore(%run_scoped3A : memref<!tpu.dma_semaphore, #tpu.memory_space<semaphore_mem>>)
      tpu.wait_dma2 semaphore(%run_scoped3A : memref<!tpu.dma_semaphore, #tpu.memory_space<semaphore_mem>>) src(%arg3 : memref<5x128xf32, #tpu.memory_space<hbm>>) dst(%arg6 : memref<5x128xf32, #tpu.memory_space<vmem>>)
      tpu.yield
    }) : () -> ()
    %dma_wait3A = arith.constant 0 : i32
    %dma_wait3A_6 = arith.constant 0 : i32
    %dma_wait3A_7 = tpu.memref_slice %arg5[%dma_wait3A_6] : memref<102400xi32, #tpu.memory_space<vmem_shared>> -> memref<6400xi32, #tpu.memory_space<vmem_shared>>
    %dma_wait3A_8 = arith.constant 0 : i32
    %dma_wait3A_9 = tpu.memref_slice %arg2[%dma_wait3A, %dma_wait3A_8] : memref<32x6400xi32, #tpu.memory_space<hbm>> -> memref<1x6400xi32, #tpu.memory_space<hbm>>
    %dma_wait3A_10 = tpu.memref_squeeze %dma_wait3A_9 : memref<1x6400xi32, #tpu.memory_space<hbm>> -> memref<6400xi32, #tpu.memory_space<hbm>>
    tpu.wait_dma2 semaphore(%arg9 : memref<!tpu.dma_semaphore, #tpu.memory_space<semaphore_mem>>) src(%dma_wait3A_10 : memref<6400xi32, #tpu.memory_space<hbm>>) dst(%dma_wait3A_7 : memref<6400xi32, #tpu.memory_space<vmem_shared>>)
    %mul3A_11 = arith.constant 6400 : i32
    %mul3A_12 = arith.muli %add3A, %mul3A_11 : i32
    %mul3A_13 = arith.constant 6400 : i32
    %mul3A_14 = arith.muli %arg1, %mul3A_13 : i32
    %add3A_15 = arith.constant 0 : i32
    %add3A_16 = arith.addi %mul3A_14, %add3A_15 : i32
    %dma_start3A_17 = arith.constant 0 : i32
    %dma_start3A_18 = tpu.memref_slice %arg8[%dma_start3A_17] : memref<800xi32, #tpu.memory_space<smem>> -> memref<400xi32, #tpu.memory_space<smem>>
    %dma_start3A_19 = tpu.memref_slice %arg5[%add3A_16] : memref<102400xi32, #tpu.memory_space<vmem_shared>> -> memref<400xi32, #tpu.memory_space<vmem_shared>>
    tpu.enqueue_dma source(%dma_start3A_19 : memref<400xi32, #tpu.memory_space<vmem_shared>>) target(%dma_start3A_18 : memref<400xi32, #tpu.memory_space<smem>>) target_semaphore(%arg10 : memref<!tpu.dma_semaphore, #tpu.memory_space<semaphore_mem>>)
    %dma_wait3A_20 = arith.constant 0 : i32
    %dma_wait3A_21 = tpu.memref_slice %arg8[%dma_wait3A_20] : memref<800xi32, #tpu.memory_space<smem>> -> memref<400xi32, #tpu.memory_space<smem>>
    %dma_wait3A_22 = arith.constant 0 : i32
    %dma_wait3A_23 = tpu.memref_slice %arg5[%dma_wait3A_22] : memref<102400xi32, #tpu.memory_space<vmem_shared>> -> memref<400xi32, #tpu.memory_space<vmem_shared>>
    tpu.wait_dma2 semaphore(%arg10 : memref<!tpu.dma_semaphore, #tpu.memory_space<semaphore_mem>>) src(%dma_wait3A_23 : memref<400xi32, #tpu.memory_space<vmem_shared>>) dst(%dma_wait3A_21 : memref<400xi32, #tpu.memory_space<smem>>)
    %mul3A_24 = arith.constant 6400 : i32
    %mul3A_25 = arith.muli %arg1, %mul3A_24 : i32
    %add3A_26 = arith.constant 400 : i32
    %add3A_27 = arith.addi %mul3A_25, %add3A_26 : i32
    %dma_start3A_28 = arith.constant 400 : i32
    %dma_start3A_29 = tpu.memref_slice %arg8[%dma_start3A_28] : memref<800xi32, #tpu.memory_space<smem>> -> memref<400xi32, #tpu.memory_space<smem>>
    %dma_start3A_30 = tpu.memref_slice %arg5[%add3A_27] : memref<102400xi32, #tpu.memory_space<vmem_shared>> -> memref<400xi32, #tpu.memory_space<vmem_shared>>
    tpu.enqueue_dma source(%dma_start3A_30 : memref<400xi32, #tpu.memory_space<vmem_shared>>) target(%dma_start3A_29 : memref<400xi32, #tpu.memory_space<smem>>) target_semaphore(%arg11 : memref<!tpu.dma_semaphore, #tpu.memory_space<semaphore_mem>>)
    %parallel_loop3A = arith.constant 0 : i32
    %parallel_loop3A_31 = arith.constant 400 : i32
    %parallel_loop3A_32 = arith.constant 1 : i32
    scf.for %parallel_loop3A_716 = %parallel_loop3A to %parallel_loop3A_31 step %parallel_loop3A_32  : i32 {
      %parallel_loop3A_717 = arith.constant 0 : i32
      %parallel_loop3A_718 = arith.addi %parallel_loop3A_717, %parallel_loop3A_716 : i32
      %parallel_loop3A_719 = arith.index_cast %parallel_loop3A_718 : i32 to index
      %parallel_loop3A_720 = memref.load %arg8[%parallel_loop3A_719] : memref<800xi32, #tpu.memory_space<smem>>
      %parallel_loop3A_721 = arith.index_cast %parallel_loop3A_720 : i32 to index
      %parallel_loop3A_722 = arith.constant 0 : index
      %parallel_loop3A_723 = tpu.vector_load %arg6[%parallel_loop3A_721, %parallel_loop3A_722] {strides = array<i32>} : memref<5x128xf32, #tpu.memory_space<vmem>>, vector<16xf32>,
      %parallel_loop3A_724 = arith.constant 0 : i32
      %parallel_loop3A_725 = arith.index_cast %parallel_loop3A_724 : i32 to index
      %parallel_loop3A_726 = arith.index_cast %parallel_loop3A_716 : i32 to index
      %parallel_loop3A_727 = arith.constant 0 : index
      %parallel_loop3A_728 = tpu.vector_load %arg7[%parallel_loop3A_725, %parallel_loop3A_726, %parallel_loop3A_727] {strides = array<i32>} : memref<2x400x128xf32, #tpu.memory_space<vmem>>, vector<16xf32>,
      tpu.vector_store %arg7[%parallel_loop3A_725, %parallel_loop3A_726, %parallel_loop3A_727], %parallel_loop3A_723 {strides = array<i32>} : memref<2x400x128xf32, #tpu.memory_space<vmem>>, vector<16xf32>,
      %parallel_loop3A_729 = arith.index_cast %parallel_loop3A_720 : i32 to index
      %parallel_loop3A_730 = arith.constant 16 : index
      %parallel_loop3A_731 = tpu.vector_load %arg6[%parallel_loop3A_729, %parallel_loop3A_730] {strides = array<i32>} : memref<5x128xf32, #tpu.memory_space<vmem>>, vector<16xf32>,
      %parallel_loop3A_732 = arith.constant 0 : i32
      %parallel_loop3A_733 = arith.index_cast %parallel_loop3A_732 : i32 to index
      %parallel_loop3A_734 = arith.index_cast %parallel_loop3A_716 : i32 to index
      %parallel_loop3A_735 = arith.constant 16 : index
      %parallel_loop3A_736 = tpu.vector_load %arg7[%parallel_loop3A_733, %parallel_loop3A_734, %parallel_loop3A_735] {strides = array<i32>} : memref<2x400x128xf32, #tpu.memory_space<vmem>>, vector<16xf32>,
      tpu.vector_store %arg7[%parallel_loop3A_733, %parallel_loop3A_734, %parallel_loop3A_735], %parallel_loop3A_731 {strides = array<i32>} : memref<2x400x128xf32, #tpu.memory_space<vmem>>, vector<16xf32>,
      %parallel_loop3A_737 = arith.index_cast %parallel_loop3A_720 : i32 to index
      %parallel_loop3A_738 = arith.constant 32 : index
      %parallel_loop3A_739 = tpu.vector_load %arg6[%parallel_loop3A_737, %parallel_loop3A_738] {strides = array<i32>} : memref<5x128xf32, #tpu.memory_space<vmem>>, vector<16xf32>,
      %parallel_loop3A_740 = arith.constant 0 : i32
      %parallel_loop3A_741 = arith.index_cast %parallel_loop3A_740 : i32 to index
      %parallel_loop3A_742 = arith.index_cast %parallel_loop3A_716 : i32 to index
      %parallel_loop3A_743 = arith.constant 32 : index
      %parallel_loop3A_744 = tpu.vector_load %arg7[%parallel_loop3A_741, %parallel_loop3A_742, %parallel_loop3A_743] {strides = array<i32>} : memref<2x400x128xf32, #tpu.memory_space<vmem>>, vector<16xf32>,
      tpu.vector_store %arg7[%parallel_loop3A_741, %parallel_loop3A_742, %parallel_loop3A_743], %parallel_loop3A_739 {strides = array<i32>} : memref<2x400x128xf32, #tpu.memory_space<vmem>>, vector<16xf32>,
      %parallel_loop3A_745 = arith.index_cast %parallel_loop3A_720 : i32 to index
      %parallel_loop3A_746 = arith.constant 48 : index
      %parallel_loop3A_747 = tpu.vector_load %arg6[%parallel_loop3A_745, %parallel_loop3A_746] {strides = array<i32>} : memref<5x128xf32, #tpu.memory_space<vmem>>, vector<16xf32>,
      %parallel_loop3A_748 = arith.constant 0 : i32
      %parallel_loop3A_749 = arith.index_cast %parallel_loop3A_748 : i32 to index
      %parallel_loop3A_750 = arith.index_cast %parallel_loop3A_716 : i32 to index
      %parallel_loop3A_751 = arith.constant 48 : index
      %parallel_loop3A_752 = tpu.vector_load %arg7[%parallel_loop3A_749, %parallel_loop3A_750, %parallel_loop3A_751] {strides = array<i32>} : memref<2x400x128xf32, #tpu.memory_space<vmem>>, vector<16xf32>,
      tpu.vector_store %arg7[%parallel_loop3A_749, %parallel_loop3A_750, %parallel_loop3A_751], %parallel_loop3A_747 {strides = array<i32>} : memref<2x400x128xf32, #tpu.memory_space<vmem>>, vector<16xf32>,
      %parallel_loop3A_753 = arith.index_cast %parallel_loop3A_720 : i32 to index
      %parallel_loop3A_754 = arith.constant 64 : index
      %parallel_loop3A_755 = tpu.vector_load %arg6[%parallel_loop3A_753, %parallel_loop3A_754] {strides = array<i32>} : memref<5x128xf32, #tpu.memory_space<vmem>>, vector<16xf32>,
      %parallel_loop3A_756 = arith.constant 0 : i32
      %parallel_loop3A_757 = arith.index_cast %parallel_loop3A_756 : i32 to index
      %parallel_loop3A_758 = arith.index_cast %parallel_loop3A_716 : i32 to index
      %parallel_loop3A_759 = arith.constant 64 : index
      %parallel_loop3A_760 = tpu.vector_load %arg7[%parallel_loop3A_757, %parallel_loop3A_758, %parallel_loop3A_759] {strides = array<i32>} : memref<2x400x128xf32, #tpu.memory_space<vmem>>, vector<16xf32>,
      tpu.vector_store %arg7[%parallel_loop3A_757, %parallel_loop3A_758, %parallel_loop3A_759], %parallel_loop3A_755 {strides = array<i32>} : memref<2x400x128xf32, #tpu.memory_space<vmem>>, vector<16xf32>,
      %parallel_loop3A_761 = arith.index_cast %parallel_loop3A_720 : i32 to index
      %parallel_loop3A_762 = arith.constant 80 : index
      %parallel_loop3A_763 = tpu.vector_load %arg6[%parallel_loop3A_761, %parallel_loop3A_762] {strides = array<i32>} : memref<5x128xf32, #tpu.memory_space<vmem>>, vector<16xf32>,
      %parallel_loop3A_764 = arith.constant 0 : i32
      %parallel_loop3A_765 = arith.index_cast %parallel_loop3A_764 : i32 to index
      %parallel_loop3A_766 = arith.index_cast %parallel_loop3A_716 : i32 to index
      %parallel_loop3A_767 = arith.constant 80 : index
      %parallel_loop3A_768 = tpu.vector_load %arg7[%parallel_loop3A_765, %parallel_loop3A_766, %parallel_loop3A_767] {strides = array<i32>} : memref<2x400x128xf32, #tpu.memory_space<vmem>>, vector<16xf32>,
      tpu.vector_store %arg7[%parallel_loop3A_765, %parallel_loop3A_766, %parallel_loop3A_767], %parallel_loop3A_763 {strides = array<i32>} : memref<2x400x128xf32, #tpu.memory_space<vmem>>, vector<16xf32>,
      %parallel_loop3A_769 = arith.index_cast %parallel_loop3A_720 : i32 to index
      %parallel_loop3A_770 = arith.constant 96 : index
      %parallel_loop3A_771 = tpu.vector_load %arg6[%parallel_loop3A_769, %parallel_loop3A_770] {strides = array<i32>} : memref<5x128xf32, #tpu.memory_space<vmem>>, vector<16xf32>,
      %parallel_loop3A_772 = arith.constant 0 : i32
      %parallel_loop3A_773 = arith.index_cast %parallel_loop3A_772 : i32 to index
      %parallel_loop3A_774 = arith.index_cast %parallel_loop3A_716 : i32 to index
      %parallel_loop3A_775 = arith.constant 96 : index
      %parallel_loop3A_776 = tpu.vector_load %arg7[%parallel_loop3A_773, %parallel_loop3A_774, %parallel_loop3A_775] {strides = array<i32>} : memref<2x400x128xf32, #tpu.memory_space<vmem>>, vector<16xf32>,
      tpu.vector_store %arg7[%parallel_loop3A_773, %parallel_loop3A_774, %parallel_loop3A_775], %parallel_loop3A_771 {strides = array<i32>} : memref<2x400x128xf32, #tpu.memory_space<vmem>>, vector<16xf32>,
      %parallel_loop3A_777 = arith.index_cast %parallel_loop3A_720 : i32 to index
      %parallel_loop3A_778 = arith.constant 112 : index
      %parallel_loop3A_779 = tpu.vector_load %arg6[%parallel_loop3A_777, %parallel_loop3A_778] {strides = array<i32>} : memref<5x128xf32, #tpu.memory_space<vmem>>, vector<16xf32>,
      %parallel_loop3A_780 = arith.constant 0 : i32
      %parallel_loop3A_781 = arith.index_cast %parallel_loop3A_780 : i32 to index
      %parallel_loop3A_782 = arith.index_cast %parallel_loop3A_716 : i32 to index
      %parallel_loop3A_783 = arith.constant 112 : index
      %parallel_loop3A_784 = tpu.vector_load %arg7[%parallel_loop3A_781, %parallel_loop3A_782, %parallel_loop3A_783] {strides = array<i32>} : memref<2x400x128xf32, #tpu.memory_space<vmem>>, vector<16xf32>,
      tpu.vector_store %arg7[%parallel_loop3A_781, %parallel_loop3A_782, %parallel_loop3A_783], %parallel_loop3A_779 {strides = array<i32>} : memref<2x400x128xf32, #tpu.memory_space<vmem>>, vector<16xf32>,
    } {sc.loop_unroll_factor = 8 : i64, sc.parallel_access}
    %add3A_33 = arith.constant 0 : i32
    %add3A_34 = arith.addi %mul3A_12, %add3A_33 : i32
    %dma_start3A_35 = arith.constant 0 : i32
    %dma_start3A_36 = arith.constant 0 : i32
    %dma_start3A_37 = arith.constant 0 : i32
    %dma_start3A_38 = tpu.memref_slice %arg7[%dma_start3A_35, %dma_start3A_36, %dma_start3A_37] : memref<2x400x128xf32, #tpu.memory_space<vmem>> -> memref<1x400x128xf32, #tpu.memory_space<vmem>>
    %dma_start3A_39 = tpu.memref_squeeze %dma_start3A_38 : memref<1x400x128xf32, #tpu.memory_space<vmem>> -> memref<400x128xf32, #tpu.memory_space<vmem>>
    %dma_start3A_40 = arith.constant 0 : i32
    %dma_start3A_41 = tpu.memref_slice %arg4[%add3A_34, %dma_start3A_40] : memref<204800x128xf32, #tpu.memory_space<hbm>> -> memref<400x128xf32, #tpu.memory_space<hbm>>
    %dma_start3A_42 = arith.constant 0 : i32
    %dma_start3A_43 = tpu.memref_slice %arg4[%add3A_34, %dma_start3A_42] : memref<204800x128xf32, #tpu.memory_space<hbm>> -> memref<400x128xf32, #tpu.memory_space<hbm>>
    %dma_start3A_44 = arith.constant 0 : i32
    %dma_start3A_45 = arith.constant 0 : i32
    %dma_start3A_46 = tpu.memref_slice %arg7[%dma_start3A_35, %dma_start3A_44, %dma_start3A_45] : memref<2x400x128xf32, #tpu.memory_space<vmem>> -> memref<1x400x128xf32, #tpu.memory_space<vmem>>
    %dma_start3A_47 = tpu.memref_squeeze %dma_start3A_46 : memref<1x400x128xf32, #tpu.memory_space<vmem>> -> memref<400x128xf32, #tpu.memory_space<vmem>>
    tpu.enqueue_dma source(%dma_start3A_47 : memref<400x128xf32, #tpu.memory_space<vmem>>) target(%dma_start3A_43 : memref<400x128xf32, #tpu.memory_space<hbm>>) target_semaphore(%arg12 : memref<!tpu.dma_semaphore, #tpu.memory_space<semaphore_mem>>)
    %dma_wait3A_48 = arith.constant 400 : i32
    %dma_wait3A_49 = tpu.memref_slice %arg8[%dma_wait3A_48] : memref<800xi32, #tpu.memory_space<smem>> -> memref<400xi32, #tpu.memory_space<smem>>
    %dma_wait3A_50 = arith.constant 0 : i32
    %dma_wait3A_51 = tpu.memref_slice %arg5[%dma_wait3A_50] : memref<102400xi32, #tpu.memory_space<vmem_shared>> -> memref<400xi32, #tpu.memory_space<vmem_shared>>
    tpu.wait_dma2 semaphore(%arg11 : memref<!tpu.dma_semaphore, #tpu.memory_space<semaphore_mem>>) src(%dma_wait3A_51 : memref<400xi32, #tpu.memory_space<vmem_shared>>) dst(%dma_wait3A_49 : memref<400xi32, #tpu.memory_space<smem>>)
    %mul3A_52 = arith.constant 6400 : i32
    %mul3A_53 = arith.muli %arg1, %mul3A_52 : i32
    %add3A_54 = arith.constant 800 : i32
    %add3A_55 = arith.addi %mul3A_53, %add3A_54 : i32
    %dma_start3A_56 = arith.constant 0 : i32
    %dma_start3A_57 = tpu.memref_slice %arg8[%dma_start3A_56] : memref<800xi32, #tpu.memory_space<smem>> -> memref<400xi32, #tpu.memory_space<smem>>
    %dma_start3A_58 = tpu.memref_slice %arg5[%add3A_55] : memref<102400xi32, #tpu.memory_space<vmem_shared>> -> memref<400xi32, #tpu.memory_space<vmem_shared>>
    tpu.enqueue_dma source(%dma_start3A_58 : memref<400xi32, #tpu.memory_space<vmem_shared>>) target(%dma_start3A_57 : memref<400xi32, #tpu.memory_space<smem>>) target_semaphore(%arg10 : memref<!tpu.dma_semaphore, #tpu.memory_space<semaphore_mem>>)
    %parallel_loop3A_59 = arith.constant 0 : i32
    %parallel_loop3A_60 = arith.constant 400 : i32
    %parallel_loop3A_61 = arith.constant 1 : i32
    scf.for %parallel_loop3A_716 = %parallel_loop3A_59 to %parallel_loop3A_60 step %parallel_loop3A_61  : i32 {
      %parallel_loop3A_717 = arith.constant 400 : i32
      %parallel_loop3A_718 = arith.addi %parallel_loop3A_717, %parallel_loop3A_716 : i32
      %parallel_loop3A_719 = arith.index_cast %parallel_loop3A_718 : i32 to index
      %parallel_loop3A_720 = memref.load %arg8[%parallel_loop3A_719] : memref<800xi32, #tpu.memory_space<smem>>
      %parallel_loop3A_721 = arith.index_cast %parallel_loop3A_720 : i32 to index
      %parallel_loop3A_722 = arith.constant 0 : index
      %parallel_loop3A_723 = tpu.vector_load %arg6[%parallel_loop3A_721, %parallel_loop3A_722] {strides = array<i32>} : memref<5x128xf32, #tpu.memory_space<vmem>>, vector<16xf32>,
      %parallel_loop3A_724 = arith.constant 1 : i32
      %parallel_loop3A_725 = arith.index_cast %parallel_loop3A_724 : i32 to index
      %parallel_loop3A_726 = arith.index_cast %parallel_loop3A_716 : i32 to index
      %parallel_loop3A_727 = arith.constant 0 : index
      %parallel_loop3A_728 = tpu.vector_load %arg7[%parallel_loop3A_725, %parallel_loop3A_726, %parallel_loop3A_727] {strides = array<i32>} : memref<2x400x128xf32, #tpu.memory_space<vmem>>, vector<16xf32>,
      tpu.vector_store %arg7[%parallel_loop3A_725, %parallel_loop3A_726, %parallel_loop3A_727], %parallel_loop3A_723 {strides = array<i32>} : memref<2x400x128xf32, #tpu.memory_space<vmem>>, vector<16xf32>,
      %parallel_loop3A_729 = arith.index_cast %parallel_loop3A_720 : i32 to index
      %parallel_loop3A_730 = arith.constant 16 : index
      %parallel_loop3A_731 = tpu.vector_load %arg6[%parallel_loop3A_729, %parallel_loop3A_730] {strides = array<i32>} : memref<5x128xf32, #tpu.memory_space<vmem>>, vector<16xf32>,
      %parallel_loop3A_732 = arith.constant 1 : i32
      %parallel_loop3A_733 = arith.index_cast %parallel_loop3A_732 : i32 to index
      %parallel_loop3A_734 = arith.index_cast %parallel_loop3A_716 : i32 to index
      %parallel_loop3A_735 = arith.constant 16 : index
      %parallel_loop3A_736 = tpu.vector_load %arg7[%parallel_loop3A_733, %parallel_loop3A_734, %parallel_loop3A_735] {strides = array<i32>} : memref<2x400x128xf32, #tpu.memory_space<vmem>>, vector<16xf32>,
      tpu.vector_store %arg7[%parallel_loop3A_733, %parallel_loop3A_734, %parallel_loop3A_735], %parallel_loop3A_731 {strides = array<i32>} : memref<2x400x128xf32, #tpu.memory_space<vmem>>, vector<16xf32>,
      %parallel_loop3A_737 = arith.index_cast %parallel_loop3A_720 : i32 to index
      %parallel_loop3A_738 = arith.constant 32 : index
      %parallel_loop3A_739 = tpu.vector_load %arg6[%parallel_loop3A_737, %parallel_loop3A_738] {strides = array<i32>} : memref<5x128xf32, #tpu.memory_space<vmem>>, vector<16xf32>,
      %parallel_loop3A_740 = arith.constant 1 : i32
      %parallel_loop3A_741 = arith.index_cast %parallel_loop3A_740 : i32 to index
      %parallel_loop3A_742 = arith.index_cast %parallel_loop3A_716 : i32 to index
      %parallel_loop3A_743 = arith.constant 32 : index
      %parallel_loop3A_744 = tpu.vector_load %arg7[%parallel_loop3A_741, %parallel_loop3A_742, %parallel_loop3A_743] {strides = array<i32>} : memref<2x400x128xf32, #tpu.memory_space<vmem>>, vector<16xf32>,
      tpu.vector_store %arg7[%parallel_loop3A_741, %parallel_loop3A_742, %parallel_loop3A_743], %parallel_loop3A_739 {strides = array<i32>} : memref<2x400x128xf32, #tpu.memory_space<vmem>>, vector<16xf32>,
      %parallel_loop3A_745 = arith.index_cast %parallel_loop3A_720 : i32 to index
      %parallel_loop3A_746 = arith.constant 48 : index
      %parallel_loop3A_747 = tpu.vector_load %arg6[%parallel_loop3A_745, %parallel_loop3A_746] {strides = array<i32>} : memref<5x128xf32, #tpu.memory_space<vmem>>, vector<16xf32>,
      %parallel_loop3A_748 = arith.constant 1 : i32
      %parallel_loop3A_749 = arith.index_cast %parallel_loop3A_748 : i32 to index
      %parallel_loop3A_750 = arith.index_cast %parallel_loop3A_716 : i32 to index
      %parallel_loop3A_751 = arith.constant 48 : index
      %parallel_loop3A_752 = tpu.vector_load %arg7[%parallel_loop3A_749, %parallel_loop3A_750, %parallel_loop3A_751] {strides = array<i32>} : memref<2x400x128xf32, #tpu.memory_space<vmem>>, vector<16xf32>,
      tpu.vector_store %arg7[%parallel_loop3A_749, %parallel_loop3A_750, %parallel_loop3A_751], %parallel_loop3A_747 {strides = array<i32>} : memref<2x400x128xf32, #tpu.memory_space<vmem>>, vector<16xf32>,
      %parallel_loop3A_753 = arith.index_cast %parallel_loop3A_720 : i32 to index
      %parallel_loop3A_754 = arith.constant 64 : index
      %parallel_loop3A_755 = tpu.vector_load %arg6[%parallel_loop3A_753, %parallel_loop3A_754] {strides = array<i32>} : memref<5x128xf32, #tpu.memory_space<vmem>>, vector<16xf32>,
      %parallel_loop3A_756 = arith.constant 1 : i32
      %parallel_loop3A_757 = arith.index_cast %parallel_loop3A_756 : i32 to index
      %parallel_loop3A_758 = arith.index_cast %parallel_loop3A_716 : i32 to index
      %parallel_loop3A_759 = arith.constant 64 : index
      %parallel_loop3A_760 = tpu.vector_load %arg7[%parallel_loop3A_757, %parallel_loop3A_758, %parallel_loop3A_759] {strides = array<i32>} : memref<2x400x128xf32, #tpu.memory_space<vmem>>, vector<16xf32>,
      tpu.vector_store %arg7[%parallel_loop3A_757, %parallel_loop3A_758, %parallel_loop3A_759], %parallel_loop3A_755 {strides = array<i32>} : memref<2x400x128xf32, #tpu.memory_space<vmem>>, vector<16xf32>,
      %parallel_loop3A_761 = arith.index_cast %parallel_loop3A_720 : i32 to index
      %parallel_loop3A_762 = arith.constant 80 : index
      %parallel_loop3A_763 = tpu.vector_load %arg6[%parallel_loop3A_761, %parallel_loop3A_762] {strides = array<i32>} : memref<5x128xf32, #tpu.memory_space<vmem>>, vector<16xf32>,
      %parallel_loop3A_764 = arith.constant 1 : i32
      %parallel_loop3A_765 = arith.index_cast %parallel_loop3A_764 : i32 to index
      %parallel_loop3A_766 = arith.index_cast %parallel_loop3A_716 : i32 to index
      %parallel_loop3A_767 = arith.constant 80 : index
      %parallel_loop3A_768 = tpu.vector_load %arg7[%parallel_loop3A_765, %parallel_loop3A_766, %parallel_loop3A_767] {strides = array<i32>} : memref<2x400x128xf32, #tpu.memory_space<vmem>>, vector<16xf32>,
      tpu.vector_store %arg7[%parallel_loop3A_765, %parallel_loop3A_766, %parallel_loop3A_767], %parallel_loop3A_763 {strides = array<i32>} : memref<2x400x128xf32, #tpu.memory_space<vmem>>, vector<16xf32>,
      %parallel_loop3A_769 = arith.index_cast %parallel_loop3A_720 : i32 to index
      %parallel_loop3A_770 = arith.constant 96 : index
      %parallel_loop3A_771 = tpu.vector_load %arg6[%parallel_loop3A_769, %parallel_loop3A_770] {strides = array<i32>} : memref<5x128xf32, #tpu.memory_space<vmem>>, vector<16xf32>,
      %parallel_loop3A_772 = arith.constant 1 : i32
      %parallel_loop3A_773 = arith.index_cast %parallel_loop3A_772 : i32 to index
      %parallel_loop3A_774 = arith.index_cast %parallel_loop3A_716 : i32 to index
      %parallel_loop3A_775 = arith.constant 96 : index
      %parallel_loop3A_776 = tpu.vector_load %arg7[%parallel_loop3A_773, %parallel_loop3A_774, %parallel_loop3A_775] {strides = array<i32>} : memref<2x400x128xf32, #tpu.memory_space<vmem>>, vector<16xf32>,
      tpu.vector_store %arg7[%parallel_loop3A_773, %parallel_loop3A_774, %parallel_loop3A_775], %parallel_loop3A_771 {strides = array<i32>} : memref<2x400x128xf32, #tpu.memory_space<vmem>>, vector<16xf32>,
      %parallel_loop3A_777 = arith.index_cast %parallel_loop3A_720 : i32 to index
      %parallel_loop3A_778 = arith.constant 112 : index
      %parallel_loop3A_779 = tpu.vector_load %arg6[%parallel_loop3A_777, %parallel_loop3A_778] {strides = array<i32>} : memref<5x128xf32, #tpu.memory_space<vmem>>, vector<16xf32>,
      %parallel_loop3A_780 = arith.constant 1 : i32
      %parallel_loop3A_781 = arith.index_cast %parallel_loop3A_780 : i32 to index
      %parallel_loop3A_782 = arith.index_cast %parallel_loop3A_716 : i32 to index
      %parallel_loop3A_783 = arith.constant 112 : index
      %parallel_loop3A_784 = tpu.vector_load %arg7[%parallel_loop3A_781, %parallel_loop3A_782, %parallel_loop3A_783] {strides = array<i32>} : memref<2x400x128xf32, #tpu.memory_space<vmem>>, vector<16xf32>,
      tpu.vector_store %arg7[%parallel_loop3A_781, %parallel_loop3A_782, %parallel_loop3A_783], %parallel_loop3A_779 {strides = array<i32>} : memref<2x400x128xf32, #tpu.memory_space<vmem>>, vector<16xf32>,
    } {sc.loop_unroll_factor = 8 : i64, sc.parallel_access}
    %add3A_62 = arith.constant 400 : i32
    %add3A_63 = arith.addi %mul3A_12, %add3A_62 : i32
    %dma_start3A_64 = arith.constant 1 : i32
    %dma_start3A_65 = arith.constant 0 : i32
    %dma_start3A_66 = arith.constant 0 : i32
    %dma_start3A_67 = tpu.memref_slice %arg7[%dma_start3A_64, %dma_start3A_65, %dma_start3A_66] : memref<2x400x128xf32, #tpu.memory_space<vmem>> -> memref<1x400x128xf32, #tpu.memory_space<vmem>>
    %dma_start3A_68 = tpu.memref_squeeze %dma_start3A_67 : memref<1x400x128xf32, #tpu.memory_space<vmem>> -> memref<400x128xf32, #tpu.memory_space<vmem>>
    %dma_start3A_69 = arith.constant 0 : i32
    %dma_start3A_70 = tpu.memref_slice %arg4[%add3A_63, %dma_start3A_69] : memref<204800x128xf32, #tpu.memory_space<hbm>> -> memref<400x128xf32, #tpu.memory_space<hbm>>
    %dma_start3A_71 = arith.constant 0 : i32
    %dma_start3A_72 = tpu.memref_slice %arg4[%add3A_63, %dma_start3A_71] : memref<204800x128xf32, #tpu.memory_space<hbm>> -> memref<400x128xf32, #tpu.memory_space<hbm>>
    %dma_start3A_73 = arith.constant 0 : i32
    %dma_start3A_74 = arith.constant 0 : i32
    %dma_start3A_75 = tpu.memref_slice %arg7[%dma_start3A_64, %dma_start3A_73, %dma_start3A_74] : memref<2x400x128xf32, #tpu.memory_space<vmem>> -> memref<1x400x128xf32, #tpu.memory_space<vmem>>
    %dma_start3A_76 = tpu.memref_squeeze %dma_start3A_75 : memref<1x400x128xf32, #tpu.memory_space<vmem>> -> memref<400x128xf32, #tpu.memory_space<vmem>>
    tpu.enqueue_dma source(%dma_start3A_76 : memref<400x128xf32, #tpu.memory_space<vmem>>) target(%dma_start3A_72 : memref<400x128xf32, #tpu.memory_space<hbm>>) target_semaphore(%arg13 : memref<!tpu.dma_semaphore, #tpu.memory_space<semaphore_mem>>)
    %dma_wait3A_77 = arith.constant 0 : i32
    %dma_wait3A_78 = tpu.memref_slice %arg8[%dma_wait3A_77] : memref<800xi32, #tpu.memory_space<smem>> -> memref<400xi32, #tpu.memory_space<smem>>
    %dma_wait3A_79 = arith.constant 0 : i32
    %dma_wait3A_80 = tpu.memref_slice %arg5[%dma_wait3A_79] : memref<102400xi32, #tpu.memory_space<vmem_shared>> -> memref<400xi32, #tpu.memory_space<vmem_shared>>
    tpu.wait_dma2 semaphore(%arg10 : memref<!tpu.dma_semaphore, #tpu.memory_space<semaphore_mem>>) src(%dma_wait3A_80 : memref<400xi32, #tpu.memory_space<vmem_shared>>) dst(%dma_wait3A_78 : memref<400xi32, #tpu.memory_space<smem>>)
    %mul3A_81 = arith.constant 6400 : i32
    %mul3A_82 = arith.muli %arg1, %mul3A_81 : i32
    %add3A_83 = arith.constant 1200 : i32
    %add3A_84 = arith.addi %mul3A_82, %add3A_83 : i32
    %dma_start3A_85 = arith.constant 400 : i32
    %dma_start3A_86 = tpu.memref_slice %arg8[%dma_start3A_85] : memref<800xi32, #tpu.memory_space<smem>> -> memref<400xi32, #tpu.memory_space<smem>>
    %dma_start3A_87 = tpu.memref_slice %arg5[%add3A_84] : memref<102400xi32, #tpu.memory_space<vmem_shared>> -> memref<400xi32, #tpu.memory_space<vmem_shared>>
    tpu.enqueue_dma source(%dma_start3A_87 : memref<400xi32, #tpu.memory_space<vmem_shared>>) target(%dma_start3A_86 : memref<400xi32, #tpu.memory_space<smem>>) target_semaphore(%arg11 : memref<!tpu.dma_semaphore, #tpu.memory_space<semaphore_mem>>)
    %dma_wait3A_88 = arith.constant 0 : i32
    %dma_wait3A_89 = arith.constant 0 : i32
    %dma_wait3A_90 = arith.constant 0 : i32
    %dma_wait3A_91 = tpu.memref_slice %arg7[%dma_wait3A_88, %dma_wait3A_89, %dma_wait3A_90] : memref<2x400x128xf32, #tpu.memory_space<vmem>> -> memref<1x400x128xf32, #tpu.memory_space<vmem>>
    %dma_wait3A_92 = tpu.memref_squeeze %dma_wait3A_91 : memref<1x400x128xf32, #tpu.memory_space<vmem>> -> memref<400x128xf32, #tpu.memory_space<vmem>>
    %dma_wait3A_93 = arith.constant 0 : i32
    %dma_wait3A_94 = arith.constant 0 : i32
    %dma_wait3A_95 = tpu.memref_slice %arg4[%dma_wait3A_93, %dma_wait3A_94] : memref<204800x128xf32, #tpu.memory_space<hbm>> -> memref<400x128xf32, #tpu.memory_space<hbm>>
    %dma_wait3A_96 = arith.constant 0 : i32
    %dma_wait3A_97 = arith.constant 0 : i32
    %dma_wait3A_98 = tpu.memref_slice %arg4[%dma_wait3A_96, %dma_wait3A_97] : memref<204800x128xf32, #tpu.memory_space<hbm>> -> memref<400x128xf32, #tpu.memory_space<hbm>>
    %dma_wait3A_99 = arith.constant 0 : i32
    %dma_wait3A_100 = arith.constant 0 : i32
    %dma_wait3A_101 = tpu.memref_slice %arg7[%dma_wait3A_88, %dma_wait3A_99, %dma_wait3A_100] : memref<2x400x128xf32, #tpu.memory_space<vmem>> -> memref<1x400x128xf32, #tpu.memory_space<vmem>>
    %dma_wait3A_102 = tpu.memref_squeeze %dma_wait3A_101 : memref<1x400x128xf32, #tpu.memory_space<vmem>> -> memref<400x128xf32, #tpu.memory_space<vmem>>
    tpu.wait_dma2 semaphore(%arg12 : memref<!tpu.dma_semaphore, #tpu.memory_space<semaphore_mem>>) src(%dma_wait3A_102 : memref<400x128xf32, #tpu.memory_space<vmem>>) dst(%dma_wait3A_98 : memref<400x128xf32, #tpu.memory_space<hbm>>)
    %parallel_loop3A_103 = arith.constant 0 : i32
    %parallel_loop3A_104 = arith.constant 400 : i32
    %parallel_loop3A_105 = arith.constant 1 : i32
    scf.for %parallel_loop3A_716 = %parallel_loop3A_103 to %parallel_loop3A_104 step %parallel_loop3A_105  : i32 {
      %parallel_loop3A_717 = arith.constant 0 : i32
      %parallel_loop3A_718 = arith.addi %parallel_loop3A_717, %parallel_loop3A_716 : i32
      %parallel_loop3A_719 = arith.index_cast %parallel_loop3A_718 : i32 to index
      %parallel_loop3A_720 = memref.load %arg8[%parallel_loop3A_719] : memref<800xi32, #tpu.memory_space<smem>>
      %parallel_loop3A_721 = arith.index_cast %parallel_loop3A_720 : i32 to index
      %parallel_loop3A_722 = arith.constant 0 : index
      %parallel_loop3A_723 = tpu.vector_load %arg6[%parallel_loop3A_721, %parallel_loop3A_722] {strides = array<i32>} : memref<5x128xf32, #tpu.memory_space<vmem>>, vector<16xf32>,
      %parallel_loop3A_724 = arith.constant 0 : i32
      %parallel_loop3A_725 = arith.index_cast %parallel_loop3A_724 : i32 to index
      %parallel_loop3A_726 = arith.index_cast %parallel_loop3A_716 : i32 to index
      %parallel_loop3A_727 = arith.constant 0 : index
      %parallel_loop3A_728 = tpu.vector_load %arg7[%parallel_loop3A_725, %parallel_loop3A_726, %parallel_loop3A_727] {strides = array<i32>} : memref<2x400x128xf32, #tpu.memory_space<vmem>>, vector<16xf32>,
      tpu.vector_store %arg7[%parallel_loop3A_725, %parallel_loop3A_726, %parallel_loop3A_727], %parallel_loop3A_723 {strides = array<i32>} : memref<2x400x128xf32, #tpu.memory_space<vmem>>, vector<16xf32>,
      %parallel_loop3A_729 = arith.index_cast %parallel_loop3A_720 : i32 to index
      %parallel_loop3A_730 = arith.constant 16 : index
      %parallel_loop3A_731 = tpu.vector_load %arg6[%parallel_loop3A_729, %parallel_loop3A_730] {strides = array<i32>} : memref<5x128xf32, #tpu.memory_space<vmem>>, vector<16xf32>,
      %parallel_loop3A_732 = arith.constant 0 : i32
      %parallel_loop3A_733 = arith.index_cast %parallel_loop3A_732 : i32 to index
      %parallel_loop3A_734 = arith.index_cast %parallel_loop3A_716 : i32 to index
      %parallel_loop3A_735 = arith.constant 16 : index
      %parallel_loop3A_736 = tpu.vector_load %arg7[%parallel_loop3A_733, %parallel_loop3A_734, %parallel_loop3A_735] {strides = array<i32>} : memref<2x400x128xf32, #tpu.memory_space<vmem>>, vector<16xf32>,
      tpu.vector_store %arg7[%parallel_loop3A_733, %parallel_loop3A_734, %parallel_loop3A_735], %parallel_loop3A_731 {strides = array<i32>} : memref<2x400x128xf32, #tpu.memory_space<vmem>>, vector<16xf32>,
      %parallel_loop3A_737 = arith.index_cast %parallel_loop3A_720 : i32 to index
      %parallel_loop3A_738 = arith.constant 32 : index
      %parallel_loop3A_739 = tpu.vector_load %arg6[%parallel_loop3A_737, %parallel_loop3A_738] {strides = array<i32>} : memref<5x128xf32, #tpu.memory_space<vmem>>, vector<16xf32>,
      %parallel_loop3A_740 = arith.constant 0 : i32
      %parallel_loop3A_741 = arith.index_cast %parallel_loop3A_740 : i32 to index
      %parallel_loop3A_742 = arith.index_cast %parallel_loop3A_716 : i32 to index
      %parallel_loop3A_743 = arith.constant 32 : index
      %parallel_loop3A_744 = tpu.vector_load %arg7[%parallel_loop3A_741, %parallel_loop3A_742, %parallel_loop3A_743] {strides = array<i32>} : memref<2x400x128xf32, #tpu.memory_space<vmem>>, vector<16xf32>,
      tpu.vector_store %arg7[%parallel_loop3A_741, %parallel_loop3A_742, %parallel_loop3A_743], %parallel_loop3A_739 {strides = array<i32>} : memref<2x400x128xf32, #tpu.memory_space<vmem>>, vector<16xf32>,
      %parallel_loop3A_745 = arith.index_cast %parallel_loop3A_720 : i32 to index
      %parallel_loop3A_746 = arith.constant 48 : index
      %parallel_loop3A_747 = tpu.vector_load %arg6[%parallel_loop3A_745, %parallel_loop3A_746] {strides = array<i32>} : memref<5x128xf32, #tpu.memory_space<vmem>>, vector<16xf32>,
      %parallel_loop3A_748 = arith.constant 0 : i32
      %parallel_loop3A_749 = arith.index_cast %parallel_loop3A_748 : i32 to index
      %parallel_loop3A_750 = arith.index_cast %parallel_loop3A_716 : i32 to index
      %parallel_loop3A_751 = arith.constant 48 : index
      %parallel_loop3A_752 = tpu.vector_load %arg7[%parallel_loop3A_749, %parallel_loop3A_750, %parallel_loop3A_751] {strides = array<i32>} : memref<2x400x128xf32, #tpu.memory_space<vmem>>, vector<16xf32>,
      tpu.vector_store %arg7[%parallel_loop3A_749, %parallel_loop3A_750, %parallel_loop3A_751], %parallel_loop3A_747 {strides = array<i32>} : memref<2x400x128xf32, #tpu.memory_space<vmem>>, vector<16xf32>,
      %parallel_loop3A_753 = arith.index_cast %parallel_loop3A_720 : i32 to index
      %parallel_loop3A_754 = arith.constant 64 : index
      %parallel_loop3A_755 = tpu.vector_load %arg6[%parallel_loop3A_753, %parallel_loop3A_754] {strides = array<i32>} : memref<5x128xf32, #tpu.memory_space<vmem>>, vector<16xf32>,
      %parallel_loop3A_756 = arith.constant 0 : i32
      %parallel_loop3A_757 = arith.index_cast %parallel_loop3A_756 : i32 to index
      %parallel_loop3A_758 = arith.index_cast %parallel_loop3A_716 : i32 to index
      %parallel_loop3A_759 = arith.constant 64 : index
      %parallel_loop3A_760 = tpu.vector_load %arg7[%parallel_loop3A_757, %parallel_loop3A_758, %parallel_loop3A_759] {strides = array<i32>} : memref<2x400x128xf32, #tpu.memory_space<vmem>>, vector<16xf32>,
      tpu.vector_store %arg7[%parallel_loop3A_757, %parallel_loop3A_758, %parallel_loop3A_759], %parallel_loop3A_755 {strides = array<i32>} : memref<2x400x128xf32, #tpu.memory_space<vmem>>, vector<16xf32>,
      %parallel_loop3A_761 = arith.index_cast %parallel_loop3A_720 : i32 to index
      %parallel_loop3A_762 = arith.constant 80 : index
      %parallel_loop3A_763 = tpu.vector_load %arg6[%parallel_loop3A_761, %parallel_loop3A_762] {strides = array<i32>} : memref<5x128xf32, #tpu.memory_space<vmem>>, vector<16xf32>,
      %parallel_loop3A_764 = arith.constant 0 : i32
      %parallel_loop3A_765 = arith.index_cast %parallel_loop3A_764 : i32 to index
      %parallel_loop3A_766 = arith.index_cast %parallel_loop3A_716 : i32 to index
      %parallel_loop3A_767 = arith.constant 80 : index
      %parallel_loop3A_768 = tpu.vector_load %arg7[%parallel_loop3A_765, %parallel_loop3A_766, %parallel_loop3A_767] {strides = array<i32>} : memref<2x400x128xf32, #tpu.memory_space<vmem>>, vector<16xf32>,
      tpu.vector_store %arg7[%parallel_loop3A_765, %parallel_loop3A_766, %parallel_loop3A_767], %parallel_loop3A_763 {strides = array<i32>} : memref<2x400x128xf32, #tpu.memory_space<vmem>>, vector<16xf32>,
      %parallel_loop3A_769 = arith.index_cast %parallel_loop3A_720 : i32 to index
      %parallel_loop3A_770 = arith.constant 96 : index
      %parallel_loop3A_771 = tpu.vector_load %arg6[%parallel_loop3A_769, %parallel_loop3A_770] {strides = array<i32>} : memref<5x128xf32, #tpu.memory_space<vmem>>, vector<16xf32>,
      %parallel_loop3A_772 = arith.constant 0 : i32
      %parallel_loop3A_773 = arith.index_cast %parallel_loop3A_772 : i32 to index
      %parallel_loop3A_774 = arith.index_cast %parallel_loop3A_716 : i32 to index
      %parallel_loop3A_775 = arith.constant 96 : index
      %parallel_loop3A_776 = tpu.vector_load %arg7[%parallel_loop3A_773, %parallel_loop3A_774, %parallel_loop3A_775] {strides = array<i32>} : memref<2x400x128xf32, #tpu.memory_space<vmem>>, vector<16xf32>,
      tpu.vector_store %arg7[%parallel_loop3A_773, %parallel_loop3A_774, %parallel_loop3A_775], %parallel_loop3A_771 {strides = array<i32>} : memref<2x400x128xf32, #tpu.memory_space<vmem>>, vector<16xf32>,
      %parallel_loop3A_777 = arith.index_cast %parallel_loop3A_720 : i32 to index
      %parallel_loop3A_778 = arith.constant 112 : index
      %parallel_loop3A_779 = tpu.vector_load %arg6[%parallel_loop3A_777, %parallel_loop3A_778] {strides = array<i32>} : memref<5x128xf32, #tpu.memory_space<vmem>>, vector<16xf32>,
      %parallel_loop3A_780 = arith.constant 0 : i32
      %parallel_loop3A_781 = arith.index_cast %parallel_loop3A_780 : i32 to index
      %parallel_loop3A_782 = arith.index_cast %parallel_loop3A_716 : i32 to index
      %parallel_loop3A_783 = arith.constant 112 : index
      %parallel_loop3A_784 = tpu.vector_load %arg7[%parallel_loop3A_781, %parallel_loop3A_782, %parallel_loop3A_783] {strides = array<i32>} : memref<2x400x128xf32, #tpu.memory_space<vmem>>, vector<16xf32>,
      tpu.vector_store %arg7[%parallel_loop3A_781, %parallel_loop3A_782, %parallel_loop3A_783], %parallel_loop3A_779 {strides = array<i32>} : memref<2x400x128xf32, #tpu.memory_space<vmem>>, vector<16xf32>,
    } {sc.loop_unroll_factor = 8 : i64, sc.parallel_access}
    %add3A_106 = arith.constant 800 : i32
    %add3A_107 = arith.addi %mul3A_12, %add3A_106 : i32
    %dma_start3A_108 = arith.constant 0 : i32
    %dma_start3A_109 = arith.constant 0 : i32
    %dma_start3A_110 = arith.constant 0 : i32
    %dma_start3A_111 = tpu.memref_slice %arg7[%dma_start3A_108, %dma_start3A_109, %dma_start3A_110] : memref<2x400x128xf32, #tpu.memory_space<vmem>> -> memref<1x400x128xf32, #tpu.memory_space<vmem>>
    %dma_start3A_112 = tpu.memref_squeeze %dma_start3A_111 : memref<1x400x128xf32, #tpu.memory_space<vmem>> -> memref<400x128xf32, #tpu.memory_space<vmem>>
    %dma_start3A_113 = arith.constant 0 : i32
    %dma_start3A_114 = tpu.memref_slice %arg4[%add3A_107, %dma_start3A_113] : memref<204800x128xf32, #tpu.memory_space<hbm>> -> memref<400x128xf32, #tpu.memory_space<hbm>>
    %dma_start3A_115 = arith.constant 0 : i32
    %dma_start3A_116 = tpu.memref_slice %arg4[%add3A_107, %dma_start3A_115] : memref<204800x128xf32, #tpu.memory_space<hbm>> -> memref<400x128xf32, #tpu.memory_space<hbm>>
    %dma_start3A_117 = arith.constant 0 : i32
    %dma_start3A_118 = arith.constant 0 : i32
    %dma_start3A_119 = tpu.memref_slice %arg7[%dma_start3A_108, %dma_start3A_117, %dma_start3A_118] : memref<2x400x128xf32, #tpu.memory_space<vmem>> -> memref<1x400x128xf32, #tpu.memory_space<vmem>>
    %dma_start3A_120 = tpu.memref_squeeze %dma_start3A_119 : memref<1x400x128xf32, #tpu.memory_space<vmem>> -> memref<400x128xf32, #tpu.memory_space<vmem>>
    tpu.enqueue_dma source(%dma_start3A_120 : memref<400x128xf32, #tpu.memory_space<vmem>>) target(%dma_start3A_116 : memref<400x128xf32, #tpu.memory_space<hbm>>) target_semaphore(%arg12 : memref<!tpu.dma_semaphore, #tpu.memory_space<semaphore_mem>>)
    %dma_wait3A_121 = arith.constant 400 : i32
    %dma_wait3A_122 = tpu.memref_slice %arg8[%dma_wait3A_121] : memref<800xi32, #tpu.memory_space<smem>> -> memref<400xi32, #tpu.memory_space<smem>>
    %dma_wait3A_123 = arith.constant 0 : i32
    %dma_wait3A_124 = tpu.memref_slice %arg5[%dma_wait3A_123] : memref<102400xi32, #tpu.memory_space<vmem_shared>> -> memref<400xi32, #tpu.memory_space<vmem_shared>>
    tpu.wait_dma2 semaphore(%arg11 : memref<!tpu.dma_semaphore, #tpu.memory_space<semaphore_mem>>) src(%dma_wait3A_124 : memref<400xi32, #tpu.memory_space<vmem_shared>>) dst(%dma_wait3A_122 : memref<400xi32, #tpu.memory_space<smem>>)
    %mul3A_125 = arith.constant 6400 : i32
    %mul3A_126 = arith.muli %arg1, %mul3A_125 : i32
    %add3A_127 = arith.constant 1600 : i32
    %add3A_128 = arith.addi %mul3A_126, %add3A_127 : i32
    %dma_start3A_129 = arith.constant 0 : i32
    %dma_start3A_130 = tpu.memref_slice %arg8[%dma_start3A_129] : memref<800xi32, #tpu.memory_space<smem>> -> memref<400xi32, #tpu.memory_space<smem>>
    %dma_start3A_131 = tpu.memref_slice %arg5[%add3A_128] : memref<102400xi32, #tpu.memory_space<vmem_shared>> -> memref<400xi32, #tpu.memory_space<vmem_shared>>
    tpu.enqueue_dma source(%dma_start3A_131 : memref<400xi32, #tpu.memory_space<vmem_shared>>) target(%dma_start3A_130 : memref<400xi32, #tpu.memory_space<smem>>) target_semaphore(%arg10 : memref<!tpu.dma_semaphore, #tpu.memory_space<semaphore_mem>>)
    %dma_wait3A_132 = arith.constant 1 : i32
    %dma_wait3A_133 = arith.constant 0 : i32
    %dma_wait3A_134 = arith.constant 0 : i32
    %dma_wait3A_135 = tpu.memref_slice %arg7[%dma_wait3A_132, %dma_wait3A_133, %dma_wait3A_134] : memref<2x400x128xf32, #tpu.memory_space<vmem>> -> memref<1x400x128xf32, #tpu.memory_space<vmem>>
    %dma_wait3A_136 = tpu.memref_squeeze %dma_wait3A_135 : memref<1x400x128xf32, #tpu.memory_space<vmem>> -> memref<400x128xf32, #tpu.memory_space<vmem>>
    %dma_wait3A_137 = arith.constant 0 : i32
    %dma_wait3A_138 = arith.constant 0 : i32
    %dma_wait3A_139 = tpu.memref_slice %arg4[%dma_wait3A_137, %dma_wait3A_138] : memref<204800x128xf32, #tpu.memory_space<hbm>> -> memref<400x128xf32, #tpu.memory_space<hbm>>
    %dma_wait3A_140 = arith.constant 0 : i32
    %dma_wait3A_141 = arith.constant 0 : i32
    %dma_wait3A_142 = tpu.memref_slice %arg4[%dma_wait3A_140, %dma_wait3A_141] : memref<204800x128xf32, #tpu.memory_space<hbm>> -> memref<400x128xf32, #tpu.memory_space<hbm>>
    %dma_wait3A_143 = arith.constant 0 : i32
    %dma_wait3A_144 = arith.constant 0 : i32
    %dma_wait3A_145 = tpu.memref_slice %arg7[%dma_wait3A_132, %dma_wait3A_143, %dma_wait3A_144] : memref<2x400x128xf32, #tpu.memory_space<vmem>> -> memref<1x400x128xf32, #tpu.memory_space<vmem>>
    %dma_wait3A_146 = tpu.memref_squeeze %dma_wait3A_145 : memref<1x400x128xf32, #tpu.memory_space<vmem>> -> memref<400x128xf32, #tpu.memory_space<vmem>>
    tpu.wait_dma2 semaphore(%arg13 : memref<!tpu.dma_semaphore, #tpu.memory_space<semaphore_mem>>) src(%dma_wait3A_146 : memref<400x128xf32, #tpu.memory_space<vmem>>) dst(%dma_wait3A_142 : memref<400x128xf32, #tpu.memory_space<hbm>>)
    %parallel_loop3A_147 = arith.constant 0 : i32
    %parallel_loop3A_148 = arith.constant 400 : i32
    %parallel_loop3A_149 = arith.constant 1 : i32
    scf.for %parallel_loop3A_716 = %parallel_loop3A_147 to %parallel_loop3A_148 step %parallel_loop3A_149  : i32 {
      %parallel_loop3A_717 = arith.constant 400 : i32
      %parallel_loop3A_718 = arith.addi %parallel_loop3A_717, %parallel_loop3A_716 : i32
      %parallel_loop3A_719 = arith.index_cast %parallel_loop3A_718 : i32 to index
      %parallel_loop3A_720 = memref.load %arg8[%parallel_loop3A_719] : memref<800xi32, #tpu.memory_space<smem>>
      %parallel_loop3A_721 = arith.index_cast %parallel_loop3A_720 : i32 to index
      %parallel_loop3A_722 = arith.constant 0 : index
      %parallel_loop3A_723 = tpu.vector_load %arg6[%parallel_loop3A_721, %parallel_loop3A_722] {strides = array<i32>} : memref<5x128xf32, #tpu.memory_space<vmem>>, vector<16xf32>,
      %parallel_loop3A_724 = arith.constant 1 : i32
      %parallel_loop3A_725 = arith.index_cast %parallel_loop3A_724 : i32 to index
      %parallel_loop3A_726 = arith.index_cast %parallel_loop3A_716 : i32 to index
      %parallel_loop3A_727 = arith.constant 0 : index
      %parallel_loop3A_728 = tpu.vector_load %arg7[%parallel_loop3A_725, %parallel_loop3A_726, %parallel_loop3A_727] {strides = array<i32>} : memref<2x400x128xf32, #tpu.memory_space<vmem>>, vector<16xf32>,
      tpu.vector_store %arg7[%parallel_loop3A_725, %parallel_loop3A_726, %parallel_loop3A_727], %parallel_loop3A_723 {strides = array<i32>} : memref<2x400x128xf32, #tpu.memory_space<vmem>>, vector<16xf32>,
      %parallel_loop3A_729 = arith.index_cast %parallel_loop3A_720 : i32 to index
      %parallel_loop3A_730 = arith.constant 16 : index
      %parallel_loop3A_731 = tpu.vector_load %arg6[%parallel_loop3A_729, %parallel_loop3A_730] {strides = array<i32>} : memref<5x128xf32, #tpu.memory_space<vmem>>, vector<16xf32>,
      %parallel_loop3A_732 = arith.constant 1 : i32
      %parallel_loop3A_733 = arith.index_cast %parallel_loop3A_732 : i32 to index
      %parallel_loop3A_734 = arith.index_cast %parallel_loop3A_716 : i32 to index
      %parallel_loop3A_735 = arith.constant 16 : index
      %parallel_loop3A_736 = tpu.vector_load %arg7[%parallel_loop3A_733, %parallel_loop3A_734, %parallel_loop3A_735] {strides = array<i32>} : memref<2x400x128xf32, #tpu.memory_space<vmem>>, vector<16xf32>,
      tpu.vector_store %arg7[%parallel_loop3A_733, %parallel_loop3A_734, %parallel_loop3A_735], %parallel_loop3A_731 {strides = array<i32>} : memref<2x400x128xf32, #tpu.memory_space<vmem>>, vector<16xf32>,
      %parallel_loop3A_737 = arith.index_cast %parallel_loop3A_720 : i32 to index
      %parallel_loop3A_738 = arith.constant 32 : index
      %parallel_loop3A_739 = tpu.vector_load %arg6[%parallel_loop3A_737, %parallel_loop3A_738] {strides = array<i32>} : memref<5x128xf32, #tpu.memory_space<vmem>>, vector<16xf32>,
      %parallel_loop3A_740 = arith.constant 1 : i32
      %parallel_loop3A_741 = arith.index_cast %parallel_loop3A_740 : i32 to index
      %parallel_loop3A_742 = arith.index_cast %parallel_loop3A_716 : i32 to index
      %parallel_loop3A_743 = arith.constant 32 : index
      %parallel_loop3A_744 = tpu.vector_load %arg7[%parallel_loop3A_741, %parallel_loop3A_742, %parallel_loop3A_743] {strides = array<i32>} : memref<2x400x128xf32, #tpu.memory_space<vmem>>, vector<16xf32>,
      tpu.vector_store %arg7[%parallel_loop3A_741, %parallel_loop3A_742, %parallel_loop3A_743], %parallel_loop3A_739 {strides = array<i32>} : memref<2x400x128xf32, #tpu.memory_space<vmem>>, vector<16xf32>,
      %parallel_loop3A_745 = arith.index_cast %parallel_loop3A_720 : i32 to index
      %parallel_loop3A_746 = arith.constant 48 : index
      %parallel_loop3A_747 = tpu.vector_load %arg6[%parallel_loop3A_745, %parallel_loop3A_746] {strides = array<i32>} : memref<5x128xf32, #tpu.memory_space<vmem>>, vector<16xf32>,
      %parallel_loop3A_748 = arith.constant 1 : i32
      %parallel_loop3A_749 = arith.index_cast %parallel_loop3A_748 : i32 to index
      %parallel_loop3A_750 = arith.index_cast %parallel_loop3A_716 : i32 to index
      %parallel_loop3A_751 = arith.constant 48 : index
      %parallel_loop3A_752 = tpu.vector_load %arg7[%parallel_loop3A_749, %parallel_loop3A_750, %parallel_loop3A_751] {strides = array<i32>} : memref<2x400x128xf32, #tpu.memory_space<vmem>>, vector<16xf32>,
      tpu.vector_store %arg7[%parallel_loop3A_749, %parallel_loop3A_750, %parallel_loop3A_751], %parallel_loop3A_747 {strides = array<i32>} : memref<2x400x128xf32, #tpu.memory_space<vmem>>, vector<16xf32>,
      %parallel_loop3A_753 = arith.index_cast %parallel_loop3A_720 : i32 to index
      %parallel_loop3A_754 = arith.constant 64 : index
      %parallel_loop3A_755 = tpu.vector_load %arg6[%parallel_loop3A_753, %parallel_loop3A_754] {strides = array<i32>} : memref<5x128xf32, #tpu.memory_space<vmem>>, vector<16xf32>,
      %parallel_loop3A_756 = arith.constant 1 : i32
      %parallel_loop3A_757 = arith.index_cast %parallel_loop3A_756 : i32 to index
      %parallel_loop3A_758 = arith.index_cast %parallel_loop3A_716 : i32 to index
      %parallel_loop3A_759 = arith.constant 64 : index
      %parallel_loop3A_760 = tpu.vector_load %arg7[%parallel_loop3A_757, %parallel_loop3A_758, %parallel_loop3A_759] {strides = array<i32>} : memref<2x400x128xf32, #tpu.memory_space<vmem>>, vector<16xf32>,
      tpu.vector_store %arg7[%parallel_loop3A_757, %parallel_loop3A_758, %parallel_loop3A_759], %parallel_loop3A_755 {strides = array<i32>} : memref<2x400x128xf32, #tpu.memory_space<vmem>>, vector<16xf32>,
      %parallel_loop3A_761 = arith.index_cast %parallel_loop3A_720 : i32 to index
      %parallel_loop3A_762 = arith.constant 80 : index
      %parallel_loop3A_763 = tpu.vector_load %arg6[%parallel_loop3A_761, %parallel_loop3A_762] {strides = array<i32>} : memref<5x128xf32, #tpu.memory_space<vmem>>, vector<16xf32>,
      %parallel_loop3A_764 = arith.constant 1 : i32
      %parallel_loop3A_765 = arith.index_cast %parallel_loop3A_764 : i32 to index
      %parallel_loop3A_766 = arith.index_cast %parallel_loop3A_716 : i32 to index
      %parallel_loop3A_767 = arith.constant 80 : index
      %parallel_loop3A_768 = tpu.vector_load %arg7[%parallel_loop3A_765, %parallel_loop3A_766, %parallel_loop3A_767] {strides = array<i32>} : memref<2x400x128xf32, #tpu.memory_space<vmem>>, vector<16xf32>,
      tpu.vector_store %arg7[%parallel_loop3A_765, %parallel_loop3A_766, %parallel_loop3A_767], %parallel_loop3A_763 {strides = array<i32>} : memref<2x400x128xf32, #tpu.memory_space<vmem>>, vector<16xf32>,
      %parallel_loop3A_769 = arith.index_cast %parallel_loop3A_720 : i32 to index
      %parallel_loop3A_770 = arith.constant 96 : index
      %parallel_loop3A_771 = tpu.vector_load %arg6[%parallel_loop3A_769, %parallel_loop3A_770] {strides = array<i32>} : memref<5x128xf32, #tpu.memory_space<vmem>>, vector<16xf32>,
      %parallel_loop3A_772 = arith.constant 1 : i32
      %parallel_loop3A_773 = arith.index_cast %parallel_loop3A_772 : i32 to index
      %parallel_loop3A_774 = arith.index_cast %parallel_loop3A_716 : i32 to index
      %parallel_loop3A_775 = arith.constant 96 : index
      %parallel_loop3A_776 = tpu.vector_load %arg7[%parallel_loop3A_773, %parallel_loop3A_774, %parallel_loop3A_775] {strides = array<i32>} : memref<2x400x128xf32, #tpu.memory_space<vmem>>, vector<16xf32>,
      tpu.vector_store %arg7[%parallel_loop3A_773, %parallel_loop3A_774, %parallel_loop3A_775], %parallel_loop3A_771 {strides = array<i32>} : memref<2x400x128xf32, #tpu.memory_space<vmem>>, vector<16xf32>,
      %parallel_loop3A_777 = arith.index_cast %parallel_loop3A_720 : i32 to index
      %parallel_loop3A_778 = arith.constant 112 : index
      %parallel_loop3A_779 = tpu.vector_load %arg6[%parallel_loop3A_777, %parallel_loop3A_778] {strides = array<i32>} : memref<5x128xf32, #tpu.memory_space<vmem>>, vector<16xf32>,
      %parallel_loop3A_780 = arith.constant 1 : i32
      %parallel_loop3A_781 = arith.index_cast %parallel_loop3A_780 : i32 to index
      %parallel_loop3A_782 = arith.index_cast %parallel_loop3A_716 : i32 to index
      %parallel_loop3A_783 = arith.constant 112 : index
      %parallel_loop3A_784 = tpu.vector_load %arg7[%parallel_loop3A_781, %parallel_loop3A_782, %parallel_loop3A_783] {strides = array<i32>} : memref<2x400x128xf32, #tpu.memory_space<vmem>>, vector<16xf32>,
      tpu.vector_store %arg7[%parallel_loop3A_781, %parallel_loop3A_782, %parallel_loop3A_783], %parallel_loop3A_779 {strides = array<i32>} : memref<2x400x128xf32, #tpu.memory_space<vmem>>, vector<16xf32>,
    } {sc.loop_unroll_factor = 8 : i64, sc.parallel_access}
    %add3A_150 = arith.constant 1200 : i32
    %add3A_151 = arith.addi %mul3A_12, %add3A_150 : i32
    %dma_start3A_152 = arith.constant 1 : i32
    %dma_start3A_153 = arith.constant 0 : i32
    %dma_start3A_154 = arith.constant 0 : i32
    %dma_start3A_155 = tpu.memref_slice %arg7[%dma_start3A_152, %dma_start3A_153, %dma_start3A_154] : memref<2x400x128xf32, #tpu.memory_space<vmem>> -> memref<1x400x128xf32, #tpu.memory_space<vmem>>
    %dma_start3A_156 = tpu.memref_squeeze %dma_start3A_155 : memref<1x400x128xf32, #tpu.memory_space<vmem>> -> memref<400x128xf32, #tpu.memory_space<vmem>>
    %dma_start3A_157 = arith.constant 0 : i32
    %dma_start3A_158 = tpu.memref_slice %arg4[%add3A_151, %dma_start3A_157] : memref<204800x128xf32, #tpu.memory_space<hbm>> -> memref<400x128xf32, #tpu.memory_space<hbm>>
    %dma_start3A_159 = arith.constant 0 : i32
    %dma_start3A_160 = tpu.memref_slice %arg4[%add3A_151, %dma_start3A_159] : memref<204800x128xf32, #tpu.memory_space<hbm>> -> memref<400x128xf32, #tpu.memory_space<hbm>>
    %dma_start3A_161 = arith.constant 0 : i32
    %dma_start3A_162 = arith.constant 0 : i32
    %dma_start3A_163 = tpu.memref_slice %arg7[%dma_start3A_152, %dma_start3A_161, %dma_start3A_162] : memref<2x400x128xf32, #tpu.memory_space<vmem>> -> memref<1x400x128xf32, #tpu.memory_space<vmem>>
    %dma_start3A_164 = tpu.memref_squeeze %dma_start3A_163 : memref<1x400x128xf32, #tpu.memory_space<vmem>> -> memref<400x128xf32, #tpu.memory_space<vmem>>
    tpu.enqueue_dma source(%dma_start3A_164 : memref<400x128xf32, #tpu.memory_space<vmem>>) target(%dma_start3A_160 : memref<400x128xf32, #tpu.memory_space<hbm>>) target_semaphore(%arg13 : memref<!tpu.dma_semaphore, #tpu.memory_space<semaphore_mem>>)
    %dma_wait3A_165 = arith.constant 0 : i32
    %dma_wait3A_166 = tpu.memref_slice %arg8[%dma_wait3A_165] : memref<800xi32, #tpu.memory_space<smem>> -> memref<400xi32, #tpu.memory_space<smem>>
    %dma_wait3A_167 = arith.constant 0 : i32
    %dma_wait3A_168 = tpu.memref_slice %arg5[%dma_wait3A_167] : memref<102400xi32, #tpu.memory_space<vmem_shared>> -> memref<400xi32, #tpu.memory_space<vmem_shared>>
    tpu.wait_dma2 semaphore(%arg10 : memref<!tpu.dma_semaphore, #tpu.memory_space<semaphore_mem>>) src(%dma_wait3A_168 : memref<400xi32, #tpu.memory_space<vmem_shared>>) dst(%dma_wait3A_166 : memref<400xi32, #tpu.memory_space<smem>>)
    %mul3A_169 = arith.constant 6400 : i32
    %mul3A_170 = arith.muli %arg1, %mul3A_169 : i32
    %add3A_171 = arith.constant 2000 : i32
    %add3A_172 = arith.addi %mul3A_170, %add3A_171 : i32
    %dma_start3A_173 = arith.constant 400 : i32
    %dma_start3A_174 = tpu.memref_slice %arg8[%dma_start3A_173] : memref<800xi32, #tpu.memory_space<smem>> -> memref<400xi32, #tpu.memory_space<smem>>
    %dma_start3A_175 = tpu.memref_slice %arg5[%add3A_172] : memref<102400xi32, #tpu.memory_space<vmem_shared>> -> memref<400xi32, #tpu.memory_space<vmem_shared>>
    tpu.enqueue_dma source(%dma_start3A_175 : memref<400xi32, #tpu.memory_space<vmem_shared>>) target(%dma_start3A_174 : memref<400xi32, #tpu.memory_space<smem>>) target_semaphore(%arg11 : memref<!tpu.dma_semaphore, #tpu.memory_space<semaphore_mem>>)
    %dma_wait3A_176 = arith.constant 0 : i32
    %dma_wait3A_177 = arith.constant 0 : i32
    %dma_wait3A_178 = arith.constant 0 : i32
    %dma_wait3A_179 = tpu.memref_slice %arg7[%dma_wait3A_176, %dma_wait3A_177, %dma_wait3A_178] : memref<2x400x128xf32, #tpu.memory_space<vmem>> -> memref<1x400x128xf32, #tpu.memory_space<vmem>>
    %dma_wait3A_180 = tpu.memref_squeeze %dma_wait3A_179 : memref<1x400x128xf32, #tpu.memory_space<vmem>> -> memref<400x128xf32, #tpu.memory_space<vmem>>
    %dma_wait3A_181 = arith.constant 0 : i32
    %dma_wait3A_182 = arith.constant 0 : i32
    %dma_wait3A_183 = tpu.memref_slice %arg4[%dma_wait3A_181, %dma_wait3A_182] : memref<204800x128xf32, #tpu.memory_space<hbm>> -> memref<400x128xf32, #tpu.memory_space<hbm>>
    %dma_wait3A_184 = arith.constant 0 : i32
    %dma_wait3A_185 = arith.constant 0 : i32
    %dma_wait3A_186 = tpu.memref_slice %arg4[%dma_wait3A_184, %dma_wait3A_185] : memref<204800x128xf32, #tpu.memory_space<hbm>> -> memref<400x128xf32, #tpu.memory_space<hbm>>
    %dma_wait3A_187 = arith.constant 0 : i32
    %dma_wait3A_188 = arith.constant 0 : i32
    %dma_wait3A_189 = tpu.memref_slice %arg7[%dma_wait3A_176, %dma_wait3A_187, %dma_wait3A_188] : memref<2x400x128xf32, #tpu.memory_space<vmem>> -> memref<1x400x128xf32, #tpu.memory_space<vmem>>
    %dma_wait3A_190 = tpu.memref_squeeze %dma_wait3A_189 : memref<1x400x128xf32, #tpu.memory_space<vmem>> -> memref<400x128xf32, #tpu.memory_space<vmem>>
    tpu.wait_dma2 semaphore(%arg12 : memref<!tpu.dma_semaphore, #tpu.memory_space<semaphore_mem>>) src(%dma_wait3A_190 : memref<400x128xf32, #tpu.memory_space<vmem>>) dst(%dma_wait3A_186 : memref<400x128xf32, #tpu.memory_space<hbm>>)
    %parallel_loop3A_191 = arith.constant 0 : i32
    %parallel_loop3A_192 = arith.constant 400 : i32
    %parallel_loop3A_193 = arith.constant 1 : i32
    scf.for %parallel_loop3A_716 = %parallel_loop3A_191 to %parallel_loop3A_192 step %parallel_loop3A_193  : i32 {
      %parallel_loop3A_717 = arith.constant 0 : i32
      %parallel_loop3A_718 = arith.addi %parallel_loop3A_717, %parallel_loop3A_716 : i32
      %parallel_loop3A_719 = arith.index_cast %parallel_loop3A_718 : i32 to index
      %parallel_loop3A_720 = memref.load %arg8[%parallel_loop3A_719] : memref<800xi32, #tpu.memory_space<smem>>
      %parallel_loop3A_721 = arith.index_cast %parallel_loop3A_720 : i32 to index
      %parallel_loop3A_722 = arith.constant 0 : index
      %parallel_loop3A_723 = tpu.vector_load %arg6[%parallel_loop3A_721, %parallel_loop3A_722] {strides = array<i32>} : memref<5x128xf32, #tpu.memory_space<vmem>>, vector<16xf32>,
      %parallel_loop3A_724 = arith.constant 0 : i32
      %parallel_loop3A_725 = arith.index_cast %parallel_loop3A_724 : i32 to index
      %parallel_loop3A_726 = arith.index_cast %parallel_loop3A_716 : i32 to index
      %parallel_loop3A_727 = arith.constant 0 : index
      %parallel_loop3A_728 = tpu.vector_load %arg7[%parallel_loop3A_725, %parallel_loop3A_726, %parallel_loop3A_727] {strides = array<i32>} : memref<2x400x128xf32, #tpu.memory_space<vmem>>, vector<16xf32>,
      tpu.vector_store %arg7[%parallel_loop3A_725, %parallel_loop3A_726, %parallel_loop3A_727], %parallel_loop3A_723 {strides = array<i32>} : memref<2x400x128xf32, #tpu.memory_space<vmem>>, vector<16xf32>,
      %parallel_loop3A_729 = arith.index_cast %parallel_loop3A_720 : i32 to index
      %parallel_loop3A_730 = arith.constant 16 : index
      %parallel_loop3A_731 = tpu.vector_load %arg6[%parallel_loop3A_729, %parallel_loop3A_730] {strides = array<i32>} : memref<5x128xf32, #tpu.memory_space<vmem>>, vector<16xf32>,
      %parallel_loop3A_732 = arith.constant 0 : i32
      %parallel_loop3A_733 = arith.index_cast %parallel_loop3A_732 : i32 to index
      %parallel_loop3A_734 = arith.index_cast %parallel_loop3A_716 : i32 to index
      %parallel_loop3A_735 = arith.constant 16 : index
      %parallel_loop3A_736 = tpu.vector_load %arg7[%parallel_loop3A_733, %parallel_loop3A_734, %parallel_loop3A_735] {strides = array<i32>} : memref<2x400x128xf32, #tpu.memory_space<vmem>>, vector<16xf32>,
      tpu.vector_store %arg7[%parallel_loop3A_733, %parallel_loop3A_734, %parallel_loop3A_735], %parallel_loop3A_731 {strides = array<i32>} : memref<2x400x128xf32, #tpu.memory_space<vmem>>, vector<16xf32>,
      %parallel_loop3A_737 = arith.index_cast %parallel_loop3A_720 : i32 to index
      %parallel_loop3A_738 = arith.constant 32 : index
      %parallel_loop3A_739 = tpu.vector_load %arg6[%parallel_loop3A_737, %parallel_loop3A_738] {strides = array<i32>} : memref<5x128xf32, #tpu.memory_space<vmem>>, vector<16xf32>,
      %parallel_loop3A_740 = arith.constant 0 : i32
      %parallel_loop3A_741 = arith.index_cast %parallel_loop3A_740 : i32 to index
      %parallel_loop3A_742 = arith.index_cast %parallel_loop3A_716 : i32 to index
      %parallel_loop3A_743 = arith.constant 32 : index
      %parallel_loop3A_744 = tpu.vector_load %arg7[%parallel_loop3A_741, %parallel_loop3A_742, %parallel_loop3A_743] {strides = array<i32>} : memref<2x400x128xf32, #tpu.memory_space<vmem>>, vector<16xf32>,
      tpu.vector_store %arg7[%parallel_loop3A_741, %parallel_loop3A_742, %parallel_loop3A_743], %parallel_loop3A_739 {strides = array<i32>} : memref<2x400x128xf32, #tpu.memory_space<vmem>>, vector<16xf32>,
      %parallel_loop3A_745 = arith.index_cast %parallel_loop3A_720 : i32 to index
      %parallel_loop3A_746 = arith.constant 48 : index
      %parallel_loop3A_747 = tpu.vector_load %arg6[%parallel_loop3A_745, %parallel_loop3A_746] {strides = array<i32>} : memref<5x128xf32, #tpu.memory_space<vmem>>, vector<16xf32>,
      %parallel_loop3A_748 = arith.constant 0 : i32
      %parallel_loop3A_749 = arith.index_cast %parallel_loop3A_748 : i32 to index
      %parallel_loop3A_750 = arith.index_cast %parallel_loop3A_716 : i32 to index
      %parallel_loop3A_751 = arith.constant 48 : index
      %parallel_loop3A_752 = tpu.vector_load %arg7[%parallel_loop3A_749, %parallel_loop3A_750, %parallel_loop3A_751] {strides = array<i32>} : memref<2x400x128xf32, #tpu.memory_space<vmem>>, vector<16xf32>,
      tpu.vector_store %arg7[%parallel_loop3A_749, %parallel_loop3A_750, %parallel_loop3A_751], %parallel_loop3A_747 {strides = array<i32>} : memref<2x400x128xf32, #tpu.memory_space<vmem>>, vector<16xf32>,
      %parallel_loop3A_753 = arith.index_cast %parallel_loop3A_720 : i32 to index
      %parallel_loop3A_754 = arith.constant 64 : index
      %parallel_loop3A_755 = tpu.vector_load %arg6[%parallel_loop3A_753, %parallel_loop3A_754] {strides = array<i32>} : memref<5x128xf32, #tpu.memory_space<vmem>>, vector<16xf32>,
      %parallel_loop3A_756 = arith.constant 0 : i32
      %parallel_loop3A_757 = arith.index_cast %parallel_loop3A_756 : i32 to index
      %parallel_loop3A_758 = arith.index_cast %parallel_loop3A_716 : i32 to index
      %parallel_loop3A_759 = arith.constant 64 : index
      %parallel_loop3A_760 = tpu.vector_load %arg7[%parallel_loop3A_757, %parallel_loop3A_758, %parallel_loop3A_759] {strides = array<i32>} : memref<2x400x128xf32, #tpu.memory_space<vmem>>, vector<16xf32>,
      tpu.vector_store %arg7[%parallel_loop3A_757, %parallel_loop3A_758, %parallel_loop3A_759], %parallel_loop3A_755 {strides = array<i32>} : memref<2x400x128xf32, #tpu.memory_space<vmem>>, vector<16xf32>,
      %parallel_loop3A_761 = arith.index_cast %parallel_loop3A_720 : i32 to index
      %parallel_loop3A_762 = arith.constant 80 : index
      %parallel_loop3A_763 = tpu.vector_load %arg6[%parallel_loop3A_761, %parallel_loop3A_762] {strides = array<i32>} : memref<5x128xf32, #tpu.memory_space<vmem>>, vector<16xf32>,
      %parallel_loop3A_764 = arith.constant 0 : i32
      %parallel_loop3A_765 = arith.index_cast %parallel_loop3A_764 : i32 to index
      %parallel_loop3A_766 = arith.index_cast %parallel_loop3A_716 : i32 to index
      %parallel_loop3A_767 = arith.constant 80 : index
      %parallel_loop3A_768 = tpu.vector_load %arg7[%parallel_loop3A_765, %parallel_loop3A_766, %parallel_loop3A_767] {strides = array<i32>} : memref<2x400x128xf32, #tpu.memory_space<vmem>>, vector<16xf32>,
      tpu.vector_store %arg7[%parallel_loop3A_765, %parallel_loop3A_766, %parallel_loop3A_767], %parallel_loop3A_763 {strides = array<i32>} : memref<2x400x128xf32, #tpu.memory_space<vmem>>, vector<16xf32>,
      %parallel_loop3A_769 = arith.index_cast %parallel_loop3A_720 : i32 to index
      %parallel_loop3A_770 = arith.constant 96 : index
      %parallel_loop3A_771 = tpu.vector_load %arg6[%parallel_loop3A_769, %parallel_loop3A_770] {strides = array<i32>} : memref<5x128xf32, #tpu.memory_space<vmem>>, vector<16xf32>,
      %parallel_loop3A_772 = arith.constant 0 : i32
      %parallel_loop3A_773 = arith.index_cast %parallel_loop3A_772 : i32 to index
      %parallel_loop3A_774 = arith.index_cast %parallel_loop3A_716 : i32 to index
      %parallel_loop3A_775 = arith.constant 96 : index
      %parallel_loop3A_776 = tpu.vector_load %arg7[%parallel_loop3A_773, %parallel_loop3A_774, %parallel_loop3A_775] {strides = array<i32>} : memref<2x400x128xf32, #tpu.memory_space<vmem>>, vector<16xf32>,
      tpu.vector_store %arg7[%parallel_loop3A_773, %parallel_loop3A_774, %parallel_loop3A_775], %parallel_loop3A_771 {strides = array<i32>} : memref<2x400x128xf32, #tpu.memory_space<vmem>>, vector<16xf32>,
      %parallel_loop3A_777 = arith.index_cast %parallel_loop3A_720 : i32 to index
      %parallel_loop3A_778 = arith.constant 112 : index
      %parallel_loop3A_779 = tpu.vector_load %arg6[%parallel_loop3A_777, %parallel_loop3A_778] {strides = array<i32>} : memref<5x128xf32, #tpu.memory_space<vmem>>, vector<16xf32>,
      %parallel_loop3A_780 = arith.constant 0 : i32
      %parallel_loop3A_781 = arith.index_cast %parallel_loop3A_780 : i32 to index
      %parallel_loop3A_782 = arith.index_cast %parallel_loop3A_716 : i32 to index
      %parallel_loop3A_783 = arith.constant 112 : index
      %parallel_loop3A_784 = tpu.vector_load %arg7[%parallel_loop3A_781, %parallel_loop3A_782, %parallel_loop3A_783] {strides = array<i32>} : memref<2x400x128xf32, #tpu.memory_space<vmem>>, vector<16xf32>,
      tpu.vector_store %arg7[%parallel_loop3A_781, %parallel_loop3A_782, %parallel_loop3A_783], %parallel_loop3A_779 {strides = array<i32>} : memref<2x400x128xf32, #tpu.memory_space<vmem>>, vector<16xf32>,
    } {sc.loop_unroll_factor = 8 : i64, sc.parallel_access}
    %add3A_194 = arith.constant 1600 : i32
    %add3A_195 = arith.addi %mul3A_12, %add3A_194 : i32
    %dma_start3A_196 = arith.constant 0 : i32
    %dma_start3A_197 = arith.constant 0 : i32
    %dma_start3A_198 = arith.constant 0 : i32
    %dma_start3A_199 = tpu.memref_slice %arg7[%dma_start3A_196, %dma_start3A_197, %dma_start3A_198] : memref<2x400x128xf32, #tpu.memory_space<vmem>> -> memref<1x400x128xf32, #tpu.memory_space<vmem>>
    %dma_start3A_200 = tpu.memref_squeeze %dma_start3A_199 : memref<1x400x128xf32, #tpu.memory_space<vmem>> -> memref<400x128xf32, #tpu.memory_space<vmem>>
    %dma_start3A_201 = arith.constant 0 : i32
    %dma_start3A_202 = tpu.memref_slice %arg4[%add3A_195, %dma_start3A_201] : memref<204800x128xf32, #tpu.memory_space<hbm>> -> memref<400x128xf32, #tpu.memory_space<hbm>>
    %dma_start3A_203 = arith.constant 0 : i32
    %dma_start3A_204 = tpu.memref_slice %arg4[%add3A_195, %dma_start3A_203] : memref<204800x128xf32, #tpu.memory_space<hbm>> -> memref<400x128xf32, #tpu.memory_space<hbm>>
    %dma_start3A_205 = arith.constant 0 : i32
    %dma_start3A_206 = arith.constant 0 : i32
    %dma_start3A_207 = tpu.memref_slice %arg7[%dma_start3A_196, %dma_start3A_205, %dma_start3A_206] : memref<2x400x128xf32, #tpu.memory_space<vmem>> -> memref<1x400x128xf32, #tpu.memory_space<vmem>>
    %dma_start3A_208 = tpu.memref_squeeze %dma_start3A_207 : memref<1x400x128xf32, #tpu.memory_space<vmem>> -> memref<400x128xf32, #tpu.memory_space<vmem>>
    tpu.enqueue_dma source(%dma_start3A_208 : memref<400x128xf32, #tpu.memory_space<vmem>>) target(%dma_start3A_204 : memref<400x128xf32, #tpu.memory_space<hbm>>) target_semaphore(%arg12 : memref<!tpu.dma_semaphore, #tpu.memory_space<semaphore_mem>>)
    %dma_wait3A_209 = arith.constant 400 : i32
    %dma_wait3A_210 = tpu.memref_slice %arg8[%dma_wait3A_209] : memref<800xi32, #tpu.memory_space<smem>> -> memref<400xi32, #tpu.memory_space<smem>>
    %dma_wait3A_211 = arith.constant 0 : i32
    %dma_wait3A_212 = tpu.memref_slice %arg5[%dma_wait3A_211] : memref<102400xi32, #tpu.memory_space<vmem_shared>> -> memref<400xi32, #tpu.memory_space<vmem_shared>>
    tpu.wait_dma2 semaphore(%arg11 : memref<!tpu.dma_semaphore, #tpu.memory_space<semaphore_mem>>) src(%dma_wait3A_212 : memref<400xi32, #tpu.memory_space<vmem_shared>>) dst(%dma_wait3A_210 : memref<400xi32, #tpu.memory_space<smem>>)
    %mul3A_213 = arith.constant 6400 : i32
    %mul3A_214 = arith.muli %arg1, %mul3A_213 : i32
    %add3A_215 = arith.constant 2400 : i32
    %add3A_216 = arith.addi %mul3A_214, %add3A_215 : i32
    %dma_start3A_217 = arith.constant 0 : i32
    %dma_start3A_218 = tpu.memref_slice %arg8[%dma_start3A_217] : memref<800xi32, #tpu.memory_space<smem>> -> memref<400xi32, #tpu.memory_space<smem>>
    %dma_start3A_219 = tpu.memref_slice %arg5[%add3A_216] : memref<102400xi32, #tpu.memory_space<vmem_shared>> -> memref<400xi32, #tpu.memory_space<vmem_shared>>
    tpu.enqueue_dma source(%dma_start3A_219 : memref<400xi32, #tpu.memory_space<vmem_shared>>) target(%dma_start3A_218 : memref<400xi32, #tpu.memory_space<smem>>) target_semaphore(%arg10 : memref<!tpu.dma_semaphore, #tpu.memory_space<semaphore_mem>>)
    %dma_wait3A_220 = arith.constant 1 : i32
    %dma_wait3A_221 = arith.constant 0 : i32
    %dma_wait3A_222 = arith.constant 0 : i32
    %dma_wait3A_223 = tpu.memref_slice %arg7[%dma_wait3A_220, %dma_wait3A_221, %dma_wait3A_222] : memref<2x400x128xf32, #tpu.memory_space<vmem>> -> memref<1x400x128xf32, #tpu.memory_space<vmem>>
    %dma_wait3A_224 = tpu.memref_squeeze %dma_wait3A_223 : memref<1x400x128xf32, #tpu.memory_space<vmem>> -> memref<400x128xf32, #tpu.memory_space<vmem>>
    %dma_wait3A_225 = arith.constant 0 : i32
    %dma_wait3A_226 = arith.constant 0 : i32
    %dma_wait3A_227 = tpu.memref_slice %arg4[%dma_wait3A_225, %dma_wait3A_226] : memref<204800x128xf32, #tpu.memory_space<hbm>> -> memref<400x128xf32, #tpu.memory_space<hbm>>
    %dma_wait3A_228 = arith.constant 0 : i32
    %dma_wait3A_229 = arith.constant 0 : i32
    %dma_wait3A_230 = tpu.memref_slice %arg4[%dma_wait3A_228, %dma_wait3A_229] : memref<204800x128xf32, #tpu.memory_space<hbm>> -> memref<400x128xf32, #tpu.memory_space<hbm>>
    %dma_wait3A_231 = arith.constant 0 : i32
    %dma_wait3A_232 = arith.constant 0 : i32
    %dma_wait3A_233 = tpu.memref_slice %arg7[%dma_wait3A_220, %dma_wait3A_231, %dma_wait3A_232] : memref<2x400x128xf32, #tpu.memory_space<vmem>> -> memref<1x400x128xf32, #tpu.memory_space<vmem>>
    %dma_wait3A_234 = tpu.memref_squeeze %dma_wait3A_233 : memref<1x400x128xf32, #tpu.memory_space<vmem>> -> memref<400x128xf32, #tpu.memory_space<vmem>>
    tpu.wait_dma2 semaphore(%arg13 : memref<!tpu.dma_semaphore, #tpu.memory_space<semaphore_mem>>) src(%dma_wait3A_234 : memref<400x128xf32, #tpu.memory_space<vmem>>) dst(%dma_wait3A_230 : memref<400x128xf32, #tpu.memory_space<hbm>>)
    %parallel_loop3A_235 = arith.constant 0 : i32
    %parallel_loop3A_236 = arith.constant 400 : i32
    %parallel_loop3A_237 = arith.constant 1 : i32
    scf.for %parallel_loop3A_716 = %parallel_loop3A_235 to %parallel_loop3A_236 step %parallel_loop3A_237  : i32 {
      %parallel_loop3A_717 = arith.constant 400 : i32
      %parallel_loop3A_718 = arith.addi %parallel_loop3A_717, %parallel_loop3A_716 : i32
      %parallel_loop3A_719 = arith.index_cast %parallel_loop3A_718 : i32 to index
      %parallel_loop3A_720 = memref.load %arg8[%parallel_loop3A_719] : memref<800xi32, #tpu.memory_space<smem>>
      %parallel_loop3A_721 = arith.index_cast %parallel_loop3A_720 : i32 to index
      %parallel_loop3A_722 = arith.constant 0 : index
      %parallel_loop3A_723 = tpu.vector_load %arg6[%parallel_loop3A_721, %parallel_loop3A_722] {strides = array<i32>} : memref<5x128xf32, #tpu.memory_space<vmem>>, vector<16xf32>,
      %parallel_loop3A_724 = arith.constant 1 : i32
      %parallel_loop3A_725 = arith.index_cast %parallel_loop3A_724 : i32 to index
      %parallel_loop3A_726 = arith.index_cast %parallel_loop3A_716 : i32 to index
      %parallel_loop3A_727 = arith.constant 0 : index
      %parallel_loop3A_728 = tpu.vector_load %arg7[%parallel_loop3A_725, %parallel_loop3A_726, %parallel_loop3A_727] {strides = array<i32>} : memref<2x400x128xf32, #tpu.memory_space<vmem>>, vector<16xf32>,
      tpu.vector_store %arg7[%parallel_loop3A_725, %parallel_loop3A_726, %parallel_loop3A_727], %parallel_loop3A_723 {strides = array<i32>} : memref<2x400x128xf32, #tpu.memory_space<vmem>>, vector<16xf32>,
      %parallel_loop3A_729 = arith.index_cast %parallel_loop3A_720 : i32 to index
      %parallel_loop3A_730 = arith.constant 16 : index
      %parallel_loop3A_731 = tpu.vector_load %arg6[%parallel_loop3A_729, %parallel_loop3A_730] {strides = array<i32>} : memref<5x128xf32, #tpu.memory_space<vmem>>, vector<16xf32>,
      %parallel_loop3A_732 = arith.constant 1 : i32
      %parallel_loop3A_733 = arith.index_cast %parallel_loop3A_732 : i32 to index
      %parallel_loop3A_734 = arith.index_cast %parallel_loop3A_716 : i32 to index
      %parallel_loop3A_735 = arith.constant 16 : index
      %parallel_loop3A_736 = tpu.vector_load %arg7[%parallel_loop3A_733, %parallel_loop3A_734, %parallel_loop3A_735] {strides = array<i32>} : memref<2x400x128xf32, #tpu.memory_space<vmem>>, vector<16xf32>,
      tpu.vector_store %arg7[%parallel_loop3A_733, %parallel_loop3A_734, %parallel_loop3A_735], %parallel_loop3A_731 {strides = array<i32>} : memref<2x400x128xf32, #tpu.memory_space<vmem>>, vector<16xf32>,
      %parallel_loop3A_737 = arith.index_cast %parallel_loop3A_720 : i32 to index
      %parallel_loop3A_738 = arith.constant 32 : index
      %parallel_loop3A_739 = tpu.vector_load %arg6[%parallel_loop3A_737, %parallel_loop3A_738] {strides = array<i32>} : memref<5x128xf32, #tpu.memory_space<vmem>>, vector<16xf32>,
      %parallel_loop3A_740 = arith.constant 1 : i32
      %parallel_loop3A_741 = arith.index_cast %parallel_loop3A_740 : i32 to index
      %parallel_loop3A_742 = arith.index_cast %parallel_loop3A_716 : i32 to index
      %parallel_loop3A_743 = arith.constant 32 : index
      %parallel_loop3A_744 = tpu.vector_load %arg7[%parallel_loop3A_741, %parallel_loop3A_742, %parallel_loop3A_743] {strides = array<i32>} : memref<2x400x128xf32, #tpu.memory_space<vmem>>, vector<16xf32>,
      tpu.vector_store %arg7[%parallel_loop3A_741, %parallel_loop3A_742, %parallel_loop3A_743], %parallel_loop3A_739 {strides = array<i32>} : memref<2x400x128xf32, #tpu.memory_space<vmem>>, vector<16xf32>,
      %parallel_loop3A_745 = arith.index_cast %parallel_loop3A_720 : i32 to index
      %parallel_loop3A_746 = arith.constant 48 : index
      %parallel_loop3A_747 = tpu.vector_load %arg6[%parallel_loop3A_745, %parallel_loop3A_746] {strides = array<i32>} : memref<5x128xf32, #tpu.memory_space<vmem>>, vector<16xf32>,
      %parallel_loop3A_748 = arith.constant 1 : i32
      %parallel_loop3A_749 = arith.index_cast %parallel_loop3A_748 : i32 to index
      %parallel_loop3A_750 = arith.index_cast %parallel_loop3A_716 : i32 to index
      %parallel_loop3A_751 = arith.constant 48 : index
      %parallel_loop3A_752 = tpu.vector_load %arg7[%parallel_loop3A_749, %parallel_loop3A_750, %parallel_loop3A_751] {strides = array<i32>} : memref<2x400x128xf32, #tpu.memory_space<vmem>>, vector<16xf32>,
      tpu.vector_store %arg7[%parallel_loop3A_749, %parallel_loop3A_750, %parallel_loop3A_751], %parallel_loop3A_747 {strides = array<i32>} : memref<2x400x128xf32, #tpu.memory_space<vmem>>, vector<16xf32>,
      %parallel_loop3A_753 = arith.index_cast %parallel_loop3A_720 : i32 to index
      %parallel_loop3A_754 = arith.constant 64 : index
      %parallel_loop3A_755 = tpu.vector_load %arg6[%parallel_loop3A_753, %parallel_loop3A_754] {strides = array<i32>} : memref<5x128xf32, #tpu.memory_space<vmem>>, vector<16xf32>,
      %parallel_loop3A_756 = arith.constant 1 : i32
      %parallel_loop3A_757 = arith.index_cast %parallel_loop3A_756 : i32 to index
      %parallel_loop3A_758 = arith.index_cast %parallel_loop3A_716 : i32 to index
      %parallel_loop3A_759 = arith.constant 64 : index
      %parallel_loop3A_760 = tpu.vector_load %arg7[%parallel_loop3A_757, %parallel_loop3A_758, %parallel_loop3A_759] {strides = array<i32>} : memref<2x400x128xf32, #tpu.memory_space<vmem>>, vector<16xf32>,
      tpu.vector_store %arg7[%parallel_loop3A_757, %parallel_loop3A_758, %parallel_loop3A_759], %parallel_loop3A_755 {strides = array<i32>} : memref<2x400x128xf32, #tpu.memory_space<vmem>>, vector<16xf32>,
      %parallel_loop3A_761 = arith.index_cast %parallel_loop3A_720 : i32 to index
      %parallel_loop3A_762 = arith.constant 80 : index
      %parallel_loop3A_763 = tpu.vector_load %arg6[%parallel_loop3A_761, %parallel_loop3A_762] {strides = array<i32>} : memref<5x128xf32, #tpu.memory_space<vmem>>, vector<16xf32>,
      %parallel_loop3A_764 = arith.constant 1 : i32
      %parallel_loop3A_765 = arith.index_cast %parallel_loop3A_764 : i32 to index
      %parallel_loop3A_766 = arith.index_cast %parallel_loop3A_716 : i32 to index
      %parallel_loop3A_767 = arith.constant 80 : index
      %parallel_loop3A_768 = tpu.vector_load %arg7[%parallel_loop3A_765, %parallel_loop3A_766, %parallel_loop3A_767] {strides = array<i32>} : memref<2x400x128xf32, #tpu.memory_space<vmem>>, vector<16xf32>,
      tpu.vector_store %arg7[%parallel_loop3A_765, %parallel_loop3A_766, %parallel_loop3A_767], %parallel_loop3A_763 {strides = array<i32>} : memref<2x400x128xf32, #tpu.memory_space<vmem>>, vector<16xf32>,
      %parallel_loop3A_769 = arith.index_cast %parallel_loop3A_720 : i32 to index
      %parallel_loop3A_770 = arith.constant 96 : index
      %parallel_loop3A_771 = tpu.vector_load %arg6[%parallel_loop3A_769, %parallel_loop3A_770] {strides = array<i32>} : memref<5x128xf32, #tpu.memory_space<vmem>>, vector<16xf32>,
      %parallel_loop3A_772 = arith.constant 1 : i32
      %parallel_loop3A_773 = arith.index_cast %parallel_loop3A_772 : i32 to index
      %parallel_loop3A_774 = arith.index_cast %parallel_loop3A_716 : i32 to index
      %parallel_loop3A_775 = arith.constant 96 : index
      %parallel_loop3A_776 = tpu.vector_load %arg7[%parallel_loop3A_773, %parallel_loop3A_774, %parallel_loop3A_775] {strides = array<i32>} : memref<2x400x128xf32, #tpu.memory_space<vmem>>, vector<16xf32>,
      tpu.vector_store %arg7[%parallel_loop3A_773, %parallel_loop3A_774, %parallel_loop3A_775], %parallel_loop3A_771 {strides = array<i32>} : memref<2x400x128xf32, #tpu.memory_space<vmem>>, vector<16xf32>,
      %parallel_loop3A_777 = arith.index_cast %parallel_loop3A_720 : i32 to index
      %parallel_loop3A_778 = arith.constant 112 : index
      %parallel_loop3A_779 = tpu.vector_load %arg6[%parallel_loop3A_777, %parallel_loop3A_778] {strides = array<i32>} : memref<5x128xf32, #tpu.memory_space<vmem>>, vector<16xf32>,
      %parallel_loop3A_780 = arith.constant 1 : i32
      %parallel_loop3A_781 = arith.index_cast %parallel_loop3A_780 : i32 to index
      %parallel_loop3A_782 = arith.index_cast %parallel_loop3A_716 : i32 to index
      %parallel_loop3A_783 = arith.constant 112 : index
      %parallel_loop3A_784 = tpu.vector_load %arg7[%parallel_loop3A_781, %parallel_loop3A_782, %parallel_loop3A_783] {strides = array<i32>} : memref<2x400x128xf32, #tpu.memory_space<vmem>>, vector<16xf32>,
      tpu.vector_store %arg7[%parallel_loop3A_781, %parallel_loop3A_782, %parallel_loop3A_783], %parallel_loop3A_779 {strides = array<i32>} : memref<2x400x128xf32, #tpu.memory_space<vmem>>, vector<16xf32>,
    } {sc.loop_unroll_factor = 8 : i64, sc.parallel_access}
    %add3A_238 = arith.constant 2000 : i32
    %add3A_239 = arith.addi %mul3A_12, %add3A_238 : i32
    %dma_start3A_240 = arith.constant 1 : i32
    %dma_start3A_241 = arith.constant 0 : i32
    %dma_start3A_242 = arith.constant 0 : i32
    %dma_start3A_243 = tpu.memref_slice %arg7[%dma_start3A_240, %dma_start3A_241, %dma_start3A_242] : memref<2x400x128xf32, #tpu.memory_space<vmem>> -> memref<1x400x128xf32, #tpu.memory_space<vmem>>
    %dma_start3A_244 = tpu.memref_squeeze %dma_start3A_243 : memref<1x400x128xf32, #tpu.memory_space<vmem>> -> memref<400x128xf32, #tpu.memory_space<vmem>>
    %dma_start3A_245 = arith.constant 0 : i32
    %dma_start3A_246 = tpu.memref_slice %arg4[%add3A_239, %dma_start3A_245] : memref<204800x128xf32, #tpu.memory_space<hbm>> -> memref<400x128xf32, #tpu.memory_space<hbm>>
    %dma_start3A_247 = arith.constant 0 : i32
    %dma_start3A_248 = tpu.memref_slice %arg4[%add3A_239, %dma_start3A_247] : memref<204800x128xf32, #tpu.memory_space<hbm>> -> memref<400x128xf32, #tpu.memory_space<hbm>>
    %dma_start3A_249 = arith.constant 0 : i32
    %dma_start3A_250 = arith.constant 0 : i32
    %dma_start3A_251 = tpu.memref_slice %arg7[%dma_start3A_240, %dma_start3A_249, %dma_start3A_250] : memref<2x400x128xf32, #tpu.memory_space<vmem>> -> memref<1x400x128xf32, #tpu.memory_space<vmem>>
    %dma_start3A_252 = tpu.memref_squeeze %dma_start3A_251 : memref<1x400x128xf32, #tpu.memory_space<vmem>> -> memref<400x128xf32, #tpu.memory_space<vmem>>
    tpu.enqueue_dma source(%dma_start3A_252 : memref<400x128xf32, #tpu.memory_space<vmem>>) target(%dma_start3A_248 : memref<400x128xf32, #tpu.memory_space<hbm>>) target_semaphore(%arg13 : memref<!tpu.dma_semaphore, #tpu.memory_space<semaphore_mem>>)
    %dma_wait3A_253 = arith.constant 0 : i32
    %dma_wait3A_254 = tpu.memref_slice %arg8[%dma_wait3A_253] : memref<800xi32, #tpu.memory_space<smem>> -> memref<400xi32, #tpu.memory_space<smem>>
    %dma_wait3A_255 = arith.constant 0 : i32
    %dma_wait3A_256 = tpu.memref_slice %arg5[%dma_wait3A_255] : memref<102400xi32, #tpu.memory_space<vmem_shared>> -> memref<400xi32, #tpu.memory_space<vmem_shared>>
    tpu.wait_dma2 semaphore(%arg10 : memref<!tpu.dma_semaphore, #tpu.memory_space<semaphore_mem>>) src(%dma_wait3A_256 : memref<400xi32, #tpu.memory_space<vmem_shared>>) dst(%dma_wait3A_254 : memref<400xi32, #tpu.memory_space<smem>>)
    %mul3A_257 = arith.constant 6400 : i32
    %mul3A_258 = arith.muli %arg1, %mul3A_257 : i32
    %add3A_259 = arith.constant 2800 : i32
    %add3A_260 = arith.addi %mul3A_258, %add3A_259 : i32
    %dma_start3A_261 = arith.constant 400 : i32
    %dma_start3A_262 = tpu.memref_slice %arg8[%dma_start3A_261] : memref<800xi32, #tpu.memory_space<smem>> -> memref<400xi32, #tpu.memory_space<smem>>
    %dma_start3A_263 = tpu.memref_slice %arg5[%add3A_260] : memref<102400xi32, #tpu.memory_space<vmem_shared>> -> memref<400xi32, #tpu.memory_space<vmem_shared>>
    tpu.enqueue_dma source(%dma_start3A_263 : memref<400xi32, #tpu.memory_space<vmem_shared>>) target(%dma_start3A_262 : memref<400xi32, #tpu.memory_space<smem>>) target_semaphore(%arg11 : memref<!tpu.dma_semaphore, #tpu.memory_space<semaphore_mem>>)
    %dma_wait3A_264 = arith.constant 0 : i32
    %dma_wait3A_265 = arith.constant 0 : i32
    %dma_wait3A_266 = arith.constant 0 : i32
    %dma_wait3A_267 = tpu.memref_slice %arg7[%dma_wait3A_264, %dma_wait3A_265, %dma_wait3A_266] : memref<2x400x128xf32, #tpu.memory_space<vmem>> -> memref<1x400x128xf32, #tpu.memory_space<vmem>>
    %dma_wait3A_268 = tpu.memref_squeeze %dma_wait3A_267 : memref<1x400x128xf32, #tpu.memory_space<vmem>> -> memref<400x128xf32, #tpu.memory_space<vmem>>
    %dma_wait3A_269 = arith.constant 0 : i32
    %dma_wait3A_270 = arith.constant 0 : i32
    %dma_wait3A_271 = tpu.memref_slice %arg4[%dma_wait3A_269, %dma_wait3A_270] : memref<204800x128xf32, #tpu.memory_space<hbm>> -> memref<400x128xf32, #tpu.memory_space<hbm>>
    %dma_wait3A_272 = arith.constant 0 : i32
    %dma_wait3A_273 = arith.constant 0 : i32
    %dma_wait3A_274 = tpu.memref_slice %arg4[%dma_wait3A_272, %dma_wait3A_273] : memref<204800x128xf32, #tpu.memory_space<hbm>> -> memref<400x128xf32, #tpu.memory_space<hbm>>
    %dma_wait3A_275 = arith.constant 0 : i32
    %dma_wait3A_276 = arith.constant 0 : i32
    %dma_wait3A_277 = tpu.memref_slice %arg7[%dma_wait3A_264, %dma_wait3A_275, %dma_wait3A_276] : memref<2x400x128xf32, #tpu.memory_space<vmem>> -> memref<1x400x128xf32, #tpu.memory_space<vmem>>
    %dma_wait3A_278 = tpu.memref_squeeze %dma_wait3A_277 : memref<1x400x128xf32, #tpu.memory_space<vmem>> -> memref<400x128xf32, #tpu.memory_space<vmem>>
    tpu.wait_dma2 semaphore(%arg12 : memref<!tpu.dma_semaphore, #tpu.memory_space<semaphore_mem>>) src(%dma_wait3A_278 : memref<400x128xf32, #tpu.memory_space<vmem>>) dst(%dma_wait3A_274 : memref<400x128xf32, #tpu.memory_space<hbm>>)
    %parallel_loop3A_279 = arith.constant 0 : i32
    %parallel_loop3A_280 = arith.constant 400 : i32
    %parallel_loop3A_281 = arith.constant 1 : i32
    scf.for %parallel_loop3A_716 = %parallel_loop3A_279 to %parallel_loop3A_280 step %parallel_loop3A_281  : i32 {
      %parallel_loop3A_717 = arith.constant 0 : i32
      %parallel_loop3A_718 = arith.addi %parallel_loop3A_717, %parallel_loop3A_716 : i32
      %parallel_loop3A_719 = arith.index_cast %parallel_loop3A_718 : i32 to index
      %parallel_loop3A_720 = memref.load %arg8[%parallel_loop3A_719] : memref<800xi32, #tpu.memory_space<smem>>
      %parallel_loop3A_721 = arith.index_cast %parallel_loop3A_720 : i32 to index
      %parallel_loop3A_722 = arith.constant 0 : index
      %parallel_loop3A_723 = tpu.vector_load %arg6[%parallel_loop3A_721, %parallel_loop3A_722] {strides = array<i32>} : memref<5x128xf32, #tpu.memory_space<vmem>>, vector<16xf32>,
      %parallel_loop3A_724 = arith.constant 0 : i32
      %parallel_loop3A_725 = arith.index_cast %parallel_loop3A_724 : i32 to index
      %parallel_loop3A_726 = arith.index_cast %parallel_loop3A_716 : i32 to index
      %parallel_loop3A_727 = arith.constant 0 : index
      %parallel_loop3A_728 = tpu.vector_load %arg7[%parallel_loop3A_725, %parallel_loop3A_726, %parallel_loop3A_727] {strides = array<i32>} : memref<2x400x128xf32, #tpu.memory_space<vmem>>, vector<16xf32>,
      tpu.vector_store %arg7[%parallel_loop3A_725, %parallel_loop3A_726, %parallel_loop3A_727], %parallel_loop3A_723 {strides = array<i32>} : memref<2x400x128xf32, #tpu.memory_space<vmem>>, vector<16xf32>,
      %parallel_loop3A_729 = arith.index_cast %parallel_loop3A_720 : i32 to index
      %parallel_loop3A_730 = arith.constant 16 : index
      %parallel_loop3A_731 = tpu.vector_load %arg6[%parallel_loop3A_729, %parallel_loop3A_730] {strides = array<i32>} : memref<5x128xf32, #tpu.memory_space<vmem>>, vector<16xf32>,
      %parallel_loop3A_732 = arith.constant 0 : i32
      %parallel_loop3A_733 = arith.index_cast %parallel_loop3A_732 : i32 to index
      %parallel_loop3A_734 = arith.index_cast %parallel_loop3A_716 : i32 to index
      %parallel_loop3A_735 = arith.constant 16 : index
      %parallel_loop3A_736 = tpu.vector_load %arg7[%parallel_loop3A_733, %parallel_loop3A_734, %parallel_loop3A_735] {strides = array<i32>} : memref<2x400x128xf32, #tpu.memory_space<vmem>>, vector<16xf32>,
      tpu.vector_store %arg7[%parallel_loop3A_733, %parallel_loop3A_734, %parallel_loop3A_735], %parallel_loop3A_731 {strides = array<i32>} : memref<2x400x128xf32, #tpu.memory_space<vmem>>, vector<16xf32>,
      %parallel_loop3A_737 = arith.index_cast %parallel_loop3A_720 : i32 to index
      %parallel_loop3A_738 = arith.constant 32 : index
      %parallel_loop3A_739 = tpu.vector_load %arg6[%parallel_loop3A_737, %parallel_loop3A_738] {strides = array<i32>} : memref<5x128xf32, #tpu.memory_space<vmem>>, vector<16xf32>,
      %parallel_loop3A_740 = arith.constant 0 : i32
      %parallel_loop3A_741 = arith.index_cast %parallel_loop3A_740 : i32 to index
      %parallel_loop3A_742 = arith.index_cast %parallel_loop3A_716 : i32 to index
      %parallel_loop3A_743 = arith.constant 32 : index
      %parallel_loop3A_744 = tpu.vector_load %arg7[%parallel_loop3A_741, %parallel_loop3A_742, %parallel_loop3A_743] {strides = array<i32>} : memref<2x400x128xf32, #tpu.memory_space<vmem>>, vector<16xf32>,
      tpu.vector_store %arg7[%parallel_loop3A_741, %parallel_loop3A_742, %parallel_loop3A_743], %parallel_loop3A_739 {strides = array<i32>} : memref<2x400x128xf32, #tpu.memory_space<vmem>>, vector<16xf32>,
      %parallel_loop3A_745 = arith.index_cast %parallel_loop3A_720 : i32 to index
      %parallel_loop3A_746 = arith.constant 48 : index
      %parallel_loop3A_747 = tpu.vector_load %arg6[%parallel_loop3A_745, %parallel_loop3A_746] {strides = array<i32>} : memref<5x128xf32, #tpu.memory_space<vmem>>, vector<16xf32>,
      %parallel_loop3A_748 = arith.constant 0 : i32
      %parallel_loop3A_749 = arith.index_cast %parallel_loop3A_748 : i32 to index
      %parallel_loop3A_750 = arith.index_cast %parallel_loop3A_716 : i32 to index
      %parallel_loop3A_751 = arith.constant 48 : index
      %parallel_loop3A_752 = tpu.vector_load %arg7[%parallel_loop3A_749, %parallel_loop3A_750, %parallel_loop3A_751] {strides = array<i32>} : memref<2x400x128xf32, #tpu.memory_space<vmem>>, vector<16xf32>,
      tpu.vector_store %arg7[%parallel_loop3A_749, %parallel_loop3A_750, %parallel_loop3A_751], %parallel_loop3A_747 {strides = array<i32>} : memref<2x400x128xf32, #tpu.memory_space<vmem>>, vector<16xf32>,
      %parallel_loop3A_753 = arith.index_cast %parallel_loop3A_720 : i32 to index
      %parallel_loop3A_754 = arith.constant 64 : index
      %parallel_loop3A_755 = tpu.vector_load %arg6[%parallel_loop3A_753, %parallel_loop3A_754] {strides = array<i32>} : memref<5x128xf32, #tpu.memory_space<vmem>>, vector<16xf32>,
      %parallel_loop3A_756 = arith.constant 0 : i32
      %parallel_loop3A_757 = arith.index_cast %parallel_loop3A_756 : i32 to index
      %parallel_loop3A_758 = arith.index_cast %parallel_loop3A_716 : i32 to index
      %parallel_loop3A_759 = arith.constant 64 : index
      %parallel_loop3A_760 = tpu.vector_load %arg7[%parallel_loop3A_757, %parallel_loop3A_758, %parallel_loop3A_759] {strides = array<i32>} : memref<2x400x128xf32, #tpu.memory_space<vmem>>, vector<16xf32>,
      tpu.vector_store %arg7[%parallel_loop3A_757, %parallel_loop3A_758, %parallel_loop3A_759], %parallel_loop3A_755 {strides = array<i32>} : memref<2x400x128xf32, #tpu.memory_space<vmem>>, vector<16xf32>,
      %parallel_loop3A_761 = arith.index_cast %parallel_loop3A_720 : i32 to index
      %parallel_loop3A_762 = arith.constant 80 : index
      %parallel_loop3A_763 = tpu.vector_load %arg6[%parallel_loop3A_761, %parallel_loop3A_762] {strides = array<i32>} : memref<5x128xf32, #tpu.memory_space<vmem>>, vector<16xf32>,
      %parallel_loop3A_764 = arith.constant 0 : i32
      %parallel_loop3A_765 = arith.index_cast %parallel_loop3A_764 : i32 to index
      %parallel_loop3A_766 = arith.index_cast %parallel_loop3A_716 : i32 to index
      %parallel_loop3A_767 = arith.constant 80 : index
      %parallel_loop3A_768 = tpu.vector_load %arg7[%parallel_loop3A_765, %parallel_loop3A_766, %parallel_loop3A_767] {strides = array<i32>} : memref<2x400x128xf32, #tpu.memory_space<vmem>>, vector<16xf32>,
      tpu.vector_store %arg7[%parallel_loop3A_765, %parallel_loop3A_766, %parallel_loop3A_767], %parallel_loop3A_763 {strides = array<i32>} : memref<2x400x128xf32, #tpu.memory_space<vmem>>, vector<16xf32>,
      %parallel_loop3A_769 = arith.index_cast %parallel_loop3A_720 : i32 to index
      %parallel_loop3A_770 = arith.constant 96 : index
      %parallel_loop3A_771 = tpu.vector_load %arg6[%parallel_loop3A_769, %parallel_loop3A_770] {strides = array<i32>} : memref<5x128xf32, #tpu.memory_space<vmem>>, vector<16xf32>,
      %parallel_loop3A_772 = arith.constant 0 : i32
      %parallel_loop3A_773 = arith.index_cast %parallel_loop3A_772 : i32 to index
      %parallel_loop3A_774 = arith.index_cast %parallel_loop3A_716 : i32 to index
      %parallel_loop3A_775 = arith.constant 96 : index
      %parallel_loop3A_776 = tpu.vector_load %arg7[%parallel_loop3A_773, %parallel_loop3A_774, %parallel_loop3A_775] {strides = array<i32>} : memref<2x400x128xf32, #tpu.memory_space<vmem>>, vector<16xf32>,
      tpu.vector_store %arg7[%parallel_loop3A_773, %parallel_loop3A_774, %parallel_loop3A_775], %parallel_loop3A_771 {strides = array<i32>} : memref<2x400x128xf32, #tpu.memory_space<vmem>>, vector<16xf32>,
      %parallel_loop3A_777 = arith.index_cast %parallel_loop3A_720 : i32 to index
      %parallel_loop3A_778 = arith.constant 112 : index
      %parallel_loop3A_779 = tpu.vector_load %arg6[%parallel_loop3A_777, %parallel_loop3A_778] {strides = array<i32>} : memref<5x128xf32, #tpu.memory_space<vmem>>, vector<16xf32>,
      %parallel_loop3A_780 = arith.constant 0 : i32
      %parallel_loop3A_781 = arith.index_cast %parallel_loop3A_780 : i32 to index
      %parallel_loop3A_782 = arith.index_cast %parallel_loop3A_716 : i32 to index
      %parallel_loop3A_783 = arith.constant 112 : index
      %parallel_loop3A_784 = tpu.vector_load %arg7[%parallel_loop3A_781, %parallel_loop3A_782, %parallel_loop3A_783] {strides = array<i32>} : memref<2x400x128xf32, #tpu.memory_space<vmem>>, vector<16xf32>,
      tpu.vector_store %arg7[%parallel_loop3A_781, %parallel_loop3A_782, %parallel_loop3A_783], %parallel_loop3A_779 {strides = array<i32>} : memref<2x400x128xf32, #tpu.memory_space<vmem>>, vector<16xf32>,
    } {sc.loop_unroll_factor = 8 : i64, sc.parallel_access}
    %add3A_282 = arith.constant 2400 : i32
    %add3A_283 = arith.addi %mul3A_12, %add3A_282 : i32
    %dma_start3A_284 = arith.constant 0 : i32
    %dma_start3A_285 = arith.constant 0 : i32
    %dma_start3A_286 = arith.constant 0 : i32
    %dma_start3A_287 = tpu.memref_slice %arg7[%dma_start3A_284, %dma_start3A_285, %dma_start3A_286] : memref<2x400x128xf32, #tpu.memory_space<vmem>> -> memref<1x400x128xf32, #tpu.memory_space<vmem>>
    %dma_start3A_288 = tpu.memref_squeeze %dma_start3A_287 : memref<1x400x128xf32, #tpu.memory_space<vmem>> -> memref<400x128xf32, #tpu.memory_space<vmem>>
    %dma_start3A_289 = arith.constant 0 : i32
    %dma_start3A_290 = tpu.memref_slice %arg4[%add3A_283, %dma_start3A_289] : memref<204800x128xf32, #tpu.memory_space<hbm>> -> memref<400x128xf32, #tpu.memory_space<hbm>>
    %dma_start3A_291 = arith.constant 0 : i32
    %dma_start3A_292 = tpu.memref_slice %arg4[%add3A_283, %dma_start3A_291] : memref<204800x128xf32, #tpu.memory_space<hbm>> -> memref<400x128xf32, #tpu.memory_space<hbm>>
    %dma_start3A_293 = arith.constant 0 : i32
    %dma_start3A_294 = arith.constant 0 : i32
    %dma_start3A_295 = tpu.memref_slice %arg7[%dma_start3A_284, %dma_start3A_293, %dma_start3A_294] : memref<2x400x128xf32, #tpu.memory_space<vmem>> -> memref<1x400x128xf32, #tpu.memory_space<vmem>>
    %dma_start3A_296 = tpu.memref_squeeze %dma_start3A_295 : memref<1x400x128xf32, #tpu.memory_space<vmem>> -> memref<400x128xf32, #tpu.memory_space<vmem>>
    tpu.enqueue_dma source(%dma_start3A_296 : memref<400x128xf32, #tpu.memory_space<vmem>>) target(%dma_start3A_292 : memref<400x128xf32, #tpu.memory_space<hbm>>) target_semaphore(%arg12 : memref<!tpu.dma_semaphore, #tpu.memory_space<semaphore_mem>>)
    %dma_wait3A_297 = arith.constant 400 : i32
    %dma_wait3A_298 = tpu.memref_slice %arg8[%dma_wait3A_297] : memref<800xi32, #tpu.memory_space<smem>> -> memref<400xi32, #tpu.memory_space<smem>>
    %dma_wait3A_299 = arith.constant 0 : i32
    %dma_wait3A_300 = tpu.memref_slice %arg5[%dma_wait3A_299] : memref<102400xi32, #tpu.memory_space<vmem_shared>> -> memref<400xi32, #tpu.memory_space<vmem_shared>>
    tpu.wait_dma2 semaphore(%arg11 : memref<!tpu.dma_semaphore, #tpu.memory_space<semaphore_mem>>) src(%dma_wait3A_300 : memref<400xi32, #tpu.memory_space<vmem_shared>>) dst(%dma_wait3A_298 : memref<400xi32, #tpu.memory_space<smem>>)
    %mul3A_301 = arith.constant 6400 : i32
    %mul3A_302 = arith.muli %arg1, %mul3A_301 : i32
    %add3A_303 = arith.constant 3200 : i32
    %add3A_304 = arith.addi %mul3A_302, %add3A_303 : i32
    %dma_start3A_305 = arith.constant 0 : i32
    %dma_start3A_306 = tpu.memref_slice %arg8[%dma_start3A_305] : memref<800xi32, #tpu.memory_space<smem>> -> memref<400xi32, #tpu.memory_space<smem>>
    %dma_start3A_307 = tpu.memref_slice %arg5[%add3A_304] : memref<102400xi32, #tpu.memory_space<vmem_shared>> -> memref<400xi32, #tpu.memory_space<vmem_shared>>
    tpu.enqueue_dma source(%dma_start3A_307 : memref<400xi32, #tpu.memory_space<vmem_shared>>) target(%dma_start3A_306 : memref<400xi32, #tpu.memory_space<smem>>) target_semaphore(%arg10 : memref<!tpu.dma_semaphore, #tpu.memory_space<semaphore_mem>>)
    %dma_wait3A_308 = arith.constant 1 : i32
    %dma_wait3A_309 = arith.constant 0 : i32
    %dma_wait3A_310 = arith.constant 0 : i32
    %dma_wait3A_311 = tpu.memref_slice %arg7[%dma_wait3A_308, %dma_wait3A_309, %dma_wait3A_310] : memref<2x400x128xf32, #tpu.memory_space<vmem>> -> memref<1x400x128xf32, #tpu.memory_space<vmem>>
    %dma_wait3A_312 = tpu.memref_squeeze %dma_wait3A_311 : memref<1x400x128xf32, #tpu.memory_space<vmem>> -> memref<400x128xf32, #tpu.memory_space<vmem>>
    %dma_wait3A_313 = arith.constant 0 : i32
    %dma_wait3A_314 = arith.constant 0 : i32
    %dma_wait3A_315 = tpu.memref_slice %arg4[%dma_wait3A_313, %dma_wait3A_314] : memref<204800x128xf32, #tpu.memory_space<hbm>> -> memref<400x128xf32, #tpu.memory_space<hbm>>
    %dma_wait3A_316 = arith.constant 0 : i32
    %dma_wait3A_317 = arith.constant 0 : i32
    %dma_wait3A_318 = tpu.memref_slice %arg4[%dma_wait3A_316, %dma_wait3A_317] : memref<204800x128xf32, #tpu.memory_space<hbm>> -> memref<400x128xf32, #tpu.memory_space<hbm>>
    %dma_wait3A_319 = arith.constant 0 : i32
    %dma_wait3A_320 = arith.constant 0 : i32
    %dma_wait3A_321 = tpu.memref_slice %arg7[%dma_wait3A_308, %dma_wait3A_319, %dma_wait3A_320] : memref<2x400x128xf32, #tpu.memory_space<vmem>> -> memref<1x400x128xf32, #tpu.memory_space<vmem>>
    %dma_wait3A_322 = tpu.memref_squeeze %dma_wait3A_321 : memref<1x400x128xf32, #tpu.memory_space<vmem>> -> memref<400x128xf32, #tpu.memory_space<vmem>>
    tpu.wait_dma2 semaphore(%arg13 : memref<!tpu.dma_semaphore, #tpu.memory_space<semaphore_mem>>) src(%dma_wait3A_322 : memref<400x128xf32, #tpu.memory_space<vmem>>) dst(%dma_wait3A_318 : memref<400x128xf32, #tpu.memory_space<hbm>>)
    %parallel_loop3A_323 = arith.constant 0 : i32
    %parallel_loop3A_324 = arith.constant 400 : i32
    %parallel_loop3A_325 = arith.constant 1 : i32
    scf.for %parallel_loop3A_716 = %parallel_loop3A_323 to %parallel_loop3A_324 step %parallel_loop3A_325  : i32 {
      %parallel_loop3A_717 = arith.constant 400 : i32
      %parallel_loop3A_718 = arith.addi %parallel_loop3A_717, %parallel_loop3A_716 : i32
      %parallel_loop3A_719 = arith.index_cast %parallel_loop3A_718 : i32 to index
      %parallel_loop3A_720 = memref.load %arg8[%parallel_loop3A_719] : memref<800xi32, #tpu.memory_space<smem>>
      %parallel_loop3A_721 = arith.index_cast %parallel_loop3A_720 : i32 to index
      %parallel_loop3A_722 = arith.constant 0 : index
      %parallel_loop3A_723 = tpu.vector_load %arg6[%parallel_loop3A_721, %parallel_loop3A_722] {strides = array<i32>} : memref<5x128xf32, #tpu.memory_space<vmem>>, vector<16xf32>,
      %parallel_loop3A_724 = arith.constant 1 : i32
      %parallel_loop3A_725 = arith.index_cast %parallel_loop3A_724 : i32 to index
      %parallel_loop3A_726 = arith.index_cast %parallel_loop3A_716 : i32 to index
      %parallel_loop3A_727 = arith.constant 0 : index
      %parallel_loop3A_728 = tpu.vector_load %arg7[%parallel_loop3A_725, %parallel_loop3A_726, %parallel_loop3A_727] {strides = array<i32>} : memref<2x400x128xf32, #tpu.memory_space<vmem>>, vector<16xf32>,
      tpu.vector_store %arg7[%parallel_loop3A_725, %parallel_loop3A_726, %parallel_loop3A_727], %parallel_loop3A_723 {strides = array<i32>} : memref<2x400x128xf32, #tpu.memory_space<vmem>>, vector<16xf32>,
      %parallel_loop3A_729 = arith.index_cast %parallel_loop3A_720 : i32 to index
      %parallel_loop3A_730 = arith.constant 16 : index
      %parallel_loop3A_731 = tpu.vector_load %arg6[%parallel_loop3A_729, %parallel_loop3A_730] {strides = array<i32>} : memref<5x128xf32, #tpu.memory_space<vmem>>, vector<16xf32>,
      %parallel_loop3A_732 = arith.constant 1 : i32
      %parallel_loop3A_733 = arith.index_cast %parallel_loop3A_732 : i32 to index
      %parallel_loop3A_734 = arith.index_cast %parallel_loop3A_716 : i32 to index
      %parallel_loop3A_735 = arith.constant 16 : index
      %parallel_loop3A_736 = tpu.vector_load %arg7[%parallel_loop3A_733, %parallel_loop3A_734, %parallel_loop3A_735] {strides = array<i32>} : memref<2x400x128xf32, #tpu.memory_space<vmem>>, vector<16xf32>,
      tpu.vector_store %arg7[%parallel_loop3A_733, %parallel_loop3A_734, %parallel_loop3A_735], %parallel_loop3A_731 {strides = array<i32>} : memref<2x400x128xf32, #tpu.memory_space<vmem>>, vector<16xf32>,
      %parallel_loop3A_737 = arith.index_cast %parallel_loop3A_720 : i32 to index
      %parallel_loop3A_738 = arith.constant 32 : index
      %parallel_loop3A_739 = tpu.vector_load %arg6[%parallel_loop3A_737, %parallel_loop3A_738] {strides = array<i32>} : memref<5x128xf32, #tpu.memory_space<vmem>>, vector<16xf32>,
      %parallel_loop3A_740 = arith.constant 1 : i32
      %parallel_loop3A_741 = arith.index_cast %parallel_loop3A_740 : i32 to index
      %parallel_loop3A_742 = arith.index_cast %parallel_loop3A_716 : i32 to index
      %parallel_loop3A_743 = arith.constant 32 : index
      %parallel_loop3A_744 = tpu.vector_load %arg7[%parallel_loop3A_741, %parallel_loop3A_742, %parallel_loop3A_743] {strides = array<i32>} : memref<2x400x128xf32, #tpu.memory_space<vmem>>, vector<16xf32>,
      tpu.vector_store %arg7[%parallel_loop3A_741, %parallel_loop3A_742, %parallel_loop3A_743], %parallel_loop3A_739 {strides = array<i32>} : memref<2x400x128xf32, #tpu.memory_space<vmem>>, vector<16xf32>,
      %parallel_loop3A_745 = arith.index_cast %parallel_loop3A_720 : i32 to index
      %parallel_loop3A_746 = arith.constant 48 : index
      %parallel_loop3A_747 = tpu.vector_load %arg6[%parallel_loop3A_745, %parallel_loop3A_746] {strides = array<i32>} : memref<5x128xf32, #tpu.memory_space<vmem>>, vector<16xf32>,
      %parallel_loop3A_748 = arith.constant 1 : i32
      %parallel_loop3A_749 = arith.index_cast %parallel_loop3A_748 : i32 to index
      %parallel_loop3A_750 = arith.index_cast %parallel_loop3A_716 : i32 to index
      %parallel_loop3A_751 = arith.constant 48 : index
      %parallel_loop3A_752 = tpu.vector_load %arg7[%parallel_loop3A_749, %parallel_loop3A_750, %parallel_loop3A_751] {strides = array<i32>} : memref<2x400x128xf32, #tpu.memory_space<vmem>>, vector<16xf32>,
      tpu.vector_store %arg7[%parallel_loop3A_749, %parallel_loop3A_750, %parallel_loop3A_751], %parallel_loop3A_747 {strides = array<i32>} : memref<2x400x128xf32, #tpu.memory_space<vmem>>, vector<16xf32>,
      %parallel_loop3A_753 = arith.index_cast %parallel_loop3A_720 : i32 to index
      %parallel_loop3A_754 = arith.constant 64 : index
      %parallel_loop3A_755 = tpu.vector_load %arg6[%parallel_loop3A_753, %parallel_loop3A_754] {strides = array<i32>} : memref<5x128xf32, #tpu.memory_space<vmem>>, vector<16xf32>,
      %parallel_loop3A_756 = arith.constant 1 : i32
      %parallel_loop3A_757 = arith.index_cast %parallel_loop3A_756 : i32 to index
      %parallel_loop3A_758 = arith.index_cast %parallel_loop3A_716 : i32 to index
      %parallel_loop3A_759 = arith.constant 64 : index
      %parallel_loop3A_760 = tpu.vector_load %arg7[%parallel_loop3A_757, %parallel_loop3A_758, %parallel_loop3A_759] {strides = array<i32>} : memref<2x400x128xf32, #tpu.memory_space<vmem>>, vector<16xf32>,
      tpu.vector_store %arg7[%parallel_loop3A_757, %parallel_loop3A_758, %parallel_loop3A_759], %parallel_loop3A_755 {strides = array<i32>} : memref<2x400x128xf32, #tpu.memory_space<vmem>>, vector<16xf32>,
      %parallel_loop3A_761 = arith.index_cast %parallel_loop3A_720 : i32 to index
      %parallel_loop3A_762 = arith.constant 80 : index
      %parallel_loop3A_763 = tpu.vector_load %arg6[%parallel_loop3A_761, %parallel_loop3A_762] {strides = array<i32>} : memref<5x128xf32, #tpu.memory_space<vmem>>, vector<16xf32>,
      %parallel_loop3A_764 = arith.constant 1 : i32
      %parallel_loop3A_765 = arith.index_cast %parallel_loop3A_764 : i32 to index
      %parallel_loop3A_766 = arith.index_cast %parallel_loop3A_716 : i32 to index
      %parallel_loop3A_767 = arith.constant 80 : index
      %parallel_loop3A_768 = tpu.vector_load %arg7[%parallel_loop3A_765, %parallel_loop3A_766, %parallel_loop3A_767] {strides = array<i32>} : memref<2x400x128xf32, #tpu.memory_space<vmem>>, vector<16xf32>,
      tpu.vector_store %arg7[%parallel_loop3A_765, %parallel_loop3A_766, %parallel_loop3A_767], %parallel_loop3A_763 {strides = array<i32>} : memref<2x400x128xf32, #tpu.memory_space<vmem>>, vector<16xf32>,
      %parallel_loop3A_769 = arith.index_cast %parallel_loop3A_720 : i32 to index
      %parallel_loop3A_770 = arith.constant 96 : index
      %parallel_loop3A_771 = tpu.vector_load %arg6[%parallel_loop3A_769, %parallel_loop3A_770] {strides = array<i32>} : memref<5x128xf32, #tpu.memory_space<vmem>>, vector<16xf32>,
      %parallel_loop3A_772 = arith.constant 1 : i32
      %parallel_loop3A_773 = arith.index_cast %parallel_loop3A_772 : i32 to index
      %parallel_loop3A_774 = arith.index_cast %parallel_loop3A_716 : i32 to index
      %parallel_loop3A_775 = arith.constant 96 : index
      %parallel_loop3A_776 = tpu.vector_load %arg7[%parallel_loop3A_773, %parallel_loop3A_774, %parallel_loop3A_775] {strides = array<i32>} : memref<2x400x128xf32, #tpu.memory_space<vmem>>, vector<16xf32>,
      tpu.vector_store %arg7[%parallel_loop3A_773, %parallel_loop3A_774, %parallel_loop3A_775], %parallel_loop3A_771 {strides = array<i32>} : memref<2x400x128xf32, #tpu.memory_space<vmem>>, vector<16xf32>,
      %parallel_loop3A_777 = arith.index_cast %parallel_loop3A_720 : i32 to index
      %parallel_loop3A_778 = arith.constant 112 : index
      %parallel_loop3A_779 = tpu.vector_load %arg6[%parallel_loop3A_777, %parallel_loop3A_778] {strides = array<i32>} : memref<5x128xf32, #tpu.memory_space<vmem>>, vector<16xf32>,
      %parallel_loop3A_780 = arith.constant 1 : i32
      %parallel_loop3A_781 = arith.index_cast %parallel_loop3A_780 : i32 to index
      %parallel_loop3A_782 = arith.index_cast %parallel_loop3A_716 : i32 to index
      %parallel_loop3A_783 = arith.constant 112 : index
      %parallel_loop3A_784 = tpu.vector_load %arg7[%parallel_loop3A_781, %parallel_loop3A_782, %parallel_loop3A_783] {strides = array<i32>} : memref<2x400x128xf32, #tpu.memory_space<vmem>>, vector<16xf32>,
      tpu.vector_store %arg7[%parallel_loop3A_781, %parallel_loop3A_782, %parallel_loop3A_783], %parallel_loop3A_779 {strides = array<i32>} : memref<2x400x128xf32, #tpu.memory_space<vmem>>, vector<16xf32>,
    } {sc.loop_unroll_factor = 8 : i64, sc.parallel_access}
    %add3A_326 = arith.constant 2800 : i32
    %add3A_327 = arith.addi %mul3A_12, %add3A_326 : i32
    %dma_start3A_328 = arith.constant 1 : i32
    %dma_start3A_329 = arith.constant 0 : i32
    %dma_start3A_330 = arith.constant 0 : i32
    %dma_start3A_331 = tpu.memref_slice %arg7[%dma_start3A_328, %dma_start3A_329, %dma_start3A_330] : memref<2x400x128xf32, #tpu.memory_space<vmem>> -> memref<1x400x128xf32, #tpu.memory_space<vmem>>
    %dma_start3A_332 = tpu.memref_squeeze %dma_start3A_331 : memref<1x400x128xf32, #tpu.memory_space<vmem>> -> memref<400x128xf32, #tpu.memory_space<vmem>>
    %dma_start3A_333 = arith.constant 0 : i32
    %dma_start3A_334 = tpu.memref_slice %arg4[%add3A_327, %dma_start3A_333] : memref<204800x128xf32, #tpu.memory_space<hbm>> -> memref<400x128xf32, #tpu.memory_space<hbm>>
    %dma_start3A_335 = arith.constant 0 : i32
    %dma_start3A_336 = tpu.memref_slice %arg4[%add3A_327, %dma_start3A_335] : memref<204800x128xf32, #tpu.memory_space<hbm>> -> memref<400x128xf32, #tpu.memory_space<hbm>>
    %dma_start3A_337 = arith.constant 0 : i32
    %dma_start3A_338 = arith.constant 0 : i32
    %dma_start3A_339 = tpu.memref_slice %arg7[%dma_start3A_328, %dma_start3A_337, %dma_start3A_338] : memref<2x400x128xf32, #tpu.memory_space<vmem>> -> memref<1x400x128xf32, #tpu.memory_space<vmem>>
    %dma_start3A_340 = tpu.memref_squeeze %dma_start3A_339 : memref<1x400x128xf32, #tpu.memory_space<vmem>> -> memref<400x128xf32, #tpu.memory_space<vmem>>
    tpu.enqueue_dma source(%dma_start3A_340 : memref<400x128xf32, #tpu.memory_space<vmem>>) target(%dma_start3A_336 : memref<400x128xf32, #tpu.memory_space<hbm>>) target_semaphore(%arg13 : memref<!tpu.dma_semaphore, #tpu.memory_space<semaphore_mem>>)
    %dma_wait3A_341 = arith.constant 0 : i32
    %dma_wait3A_342 = tpu.memref_slice %arg8[%dma_wait3A_341] : memref<800xi32, #tpu.memory_space<smem>> -> memref<400xi32, #tpu.memory_space<smem>>
    %dma_wait3A_343 = arith.constant 0 : i32
    %dma_wait3A_344 = tpu.memref_slice %arg5[%dma_wait3A_343] : memref<102400xi32, #tpu.memory_space<vmem_shared>> -> memref<400xi32, #tpu.memory_space<vmem_shared>>
    tpu.wait_dma2 semaphore(%arg10 : memref<!tpu.dma_semaphore, #tpu.memory_space<semaphore_mem>>) src(%dma_wait3A_344 : memref<400xi32, #tpu.memory_space<vmem_shared>>) dst(%dma_wait3A_342 : memref<400xi32, #tpu.memory_space<smem>>)
    %mul3A_345 = arith.constant 6400 : i32
    %mul3A_346 = arith.muli %arg1, %mul3A_345 : i32
    %add3A_347 = arith.constant 3600 : i32
    %add3A_348 = arith.addi %mul3A_346, %add3A_347 : i32
    %dma_start3A_349 = arith.constant 400 : i32
    %dma_start3A_350 = tpu.memref_slice %arg8[%dma_start3A_349] : memref<800xi32, #tpu.memory_space<smem>> -> memref<400xi32, #tpu.memory_space<smem>>
    %dma_start3A_351 = tpu.memref_slice %arg5[%add3A_348] : memref<102400xi32, #tpu.memory_space<vmem_shared>> -> memref<400xi32, #tpu.memory_space<vmem_shared>>
    tpu.enqueue_dma source(%dma_start3A_351 : memref<400xi32, #tpu.memory_space<vmem_shared>>) target(%dma_start3A_350 : memref<400xi32, #tpu.memory_space<smem>>) target_semaphore(%arg11 : memref<!tpu.dma_semaphore, #tpu.memory_space<semaphore_mem>>)
    %dma_wait3A_352 = arith.constant 0 : i32
    %dma_wait3A_353 = arith.constant 0 : i32
    %dma_wait3A_354 = arith.constant 0 : i32
    %dma_wait3A_355 = tpu.memref_slice %arg7[%dma_wait3A_352, %dma_wait3A_353, %dma_wait3A_354] : memref<2x400x128xf32, #tpu.memory_space<vmem>> -> memref<1x400x128xf32, #tpu.memory_space<vmem>>
    %dma_wait3A_356 = tpu.memref_squeeze %dma_wait3A_355 : memref<1x400x128xf32, #tpu.memory_space<vmem>> -> memref<400x128xf32, #tpu.memory_space<vmem>>
    %dma_wait3A_357 = arith.constant 0 : i32
    %dma_wait3A_358 = arith.constant 0 : i32
    %dma_wait3A_359 = tpu.memref_slice %arg4[%dma_wait3A_357, %dma_wait3A_358] : memref<204800x128xf32, #tpu.memory_space<hbm>> -> memref<400x128xf32, #tpu.memory_space<hbm>>
    %dma_wait3A_360 = arith.constant 0 : i32
    %dma_wait3A_361 = arith.constant 0 : i32
    %dma_wait3A_362 = tpu.memref_slice %arg4[%dma_wait3A_360, %dma_wait3A_361] : memref<204800x128xf32, #tpu.memory_space<hbm>> -> memref<400x128xf32, #tpu.memory_space<hbm>>
    %dma_wait3A_363 = arith.constant 0 : i32
    %dma_wait3A_364 = arith.constant 0 : i32
    %dma_wait3A_365 = tpu.memref_slice %arg7[%dma_wait3A_352, %dma_wait3A_363, %dma_wait3A_364] : memref<2x400x128xf32, #tpu.memory_space<vmem>> -> memref<1x400x128xf32, #tpu.memory_space<vmem>>
    %dma_wait3A_366 = tpu.memref_squeeze %dma_wait3A_365 : memref<1x400x128xf32, #tpu.memory_space<vmem>> -> memref<400x128xf32, #tpu.memory_space<vmem>>
    tpu.wait_dma2 semaphore(%arg12 : memref<!tpu.dma_semaphore, #tpu.memory_space<semaphore_mem>>) src(%dma_wait3A_366 : memref<400x128xf32, #tpu.memory_space<vmem>>) dst(%dma_wait3A_362 : memref<400x128xf32, #tpu.memory_space<hbm>>)
    %parallel_loop3A_367 = arith.constant 0 : i32
    %parallel_loop3A_368 = arith.constant 400 : i32
    %parallel_loop3A_369 = arith.constant 1 : i32
    scf.for %parallel_loop3A_716 = %parallel_loop3A_367 to %parallel_loop3A_368 step %parallel_loop3A_369  : i32 {
      %parallel_loop3A_717 = arith.constant 0 : i32
      %parallel_loop3A_718 = arith.addi %parallel_loop3A_717, %parallel_loop3A_716 : i32
      %parallel_loop3A_719 = arith.index_cast %parallel_loop3A_718 : i32 to index
      %parallel_loop3A_720 = memref.load %arg8[%parallel_loop3A_719] : memref<800xi32, #tpu.memory_space<smem>>
      %parallel_loop3A_721 = arith.index_cast %parallel_loop3A_720 : i32 to index
      %parallel_loop3A_722 = arith.constant 0 : index
      %parallel_loop3A_723 = tpu.vector_load %arg6[%parallel_loop3A_721, %parallel_loop3A_722] {strides = array<i32>} : memref<5x128xf32, #tpu.memory_space<vmem>>, vector<16xf32>,
      %parallel_loop3A_724 = arith.constant 0 : i32
      %parallel_loop3A_725 = arith.index_cast %parallel_loop3A_724 : i32 to index
      %parallel_loop3A_726 = arith.index_cast %parallel_loop3A_716 : i32 to index
      %parallel_loop3A_727 = arith.constant 0 : index
      %parallel_loop3A_728 = tpu.vector_load %arg7[%parallel_loop3A_725, %parallel_loop3A_726, %parallel_loop3A_727] {strides = array<i32>} : memref<2x400x128xf32, #tpu.memory_space<vmem>>, vector<16xf32>,
      tpu.vector_store %arg7[%parallel_loop3A_725, %parallel_loop3A_726, %parallel_loop3A_727], %parallel_loop3A_723 {strides = array<i32>} : memref<2x400x128xf32, #tpu.memory_space<vmem>>, vector<16xf32>,
      %parallel_loop3A_729 = arith.index_cast %parallel_loop3A_720 : i32 to index
      %parallel_loop3A_730 = arith.constant 16 : index
      %parallel_loop3A_731 = tpu.vector_load %arg6[%parallel_loop3A_729, %parallel_loop3A_730] {strides = array<i32>} : memref<5x128xf32, #tpu.memory_space<vmem>>, vector<16xf32>,
      %parallel_loop3A_732 = arith.constant 0 : i32
      %parallel_loop3A_733 = arith.index_cast %parallel_loop3A_732 : i32 to index
      %parallel_loop3A_734 = arith.index_cast %parallel_loop3A_716 : i32 to index
      %parallel_loop3A_735 = arith.constant 16 : index
      %parallel_loop3A_736 = tpu.vector_load %arg7[%parallel_loop3A_733, %parallel_loop3A_734, %parallel_loop3A_735] {strides = array<i32>} : memref<2x400x128xf32, #tpu.memory_space<vmem>>, vector<16xf32>,
      tpu.vector_store %arg7[%parallel_loop3A_733, %parallel_loop3A_734, %parallel_loop3A_735], %parallel_loop3A_731 {strides = array<i32>} : memref<2x400x128xf32, #tpu.memory_space<vmem>>, vector<16xf32>,
      %parallel_loop3A_737 = arith.index_cast %parallel_loop3A_720 : i32 to index
      %parallel_loop3A_738 = arith.constant 32 : index
      %parallel_loop3A_739 = tpu.vector_load %arg6[%parallel_loop3A_737, %parallel_loop3A_738] {strides = array<i32>} : memref<5x128xf32, #tpu.memory_space<vmem>>, vector<16xf32>,
      %parallel_loop3A_740 = arith.constant 0 : i32
      %parallel_loop3A_741 = arith.index_cast %parallel_loop3A_740 : i32 to index
      %parallel_loop3A_742 = arith.index_cast %parallel_loop3A_716 : i32 to index
      %parallel_loop3A_743 = arith.constant 32 : index
      %parallel_loop3A_744 = tpu.vector_load %arg7[%parallel_loop3A_741, %parallel_loop3A_742, %parallel_loop3A_743] {strides = array<i32>} : memref<2x400x128xf32, #tpu.memory_space<vmem>>, vector<16xf32>,
      tpu.vector_store %arg7[%parallel_loop3A_741, %parallel_loop3A_742, %parallel_loop3A_743], %parallel_loop3A_739 {strides = array<i32>} : memref<2x400x128xf32, #tpu.memory_space<vmem>>, vector<16xf32>,
      %parallel_loop3A_745 = arith.index_cast %parallel_loop3A_720 : i32 to index
      %parallel_loop3A_746 = arith.constant 48 : index
      %parallel_loop3A_747 = tpu.vector_load %arg6[%parallel_loop3A_745, %parallel_loop3A_746] {strides = array<i32>} : memref<5x128xf32, #tpu.memory_space<vmem>>, vector<16xf32>,
      %parallel_loop3A_748 = arith.constant 0 : i32
      %parallel_loop3A_749 = arith.index_cast %parallel_loop3A_748 : i32 to index
      %parallel_loop3A_750 = arith.index_cast %parallel_loop3A_716 : i32 to index
      %parallel_loop3A_751 = arith.constant 48 : index
      %parallel_loop3A_752 = tpu.vector_load %arg7[%parallel_loop3A_749, %parallel_loop3A_750, %parallel_loop3A_751] {strides = array<i32>} : memref<2x400x128xf32, #tpu.memory_space<vmem>>, vector<16xf32>,
      tpu.vector_store %arg7[%parallel_loop3A_749, %parallel_loop3A_750, %parallel_loop3A_751], %parallel_loop3A_747 {strides = array<i32>} : memref<2x400x128xf32, #tpu.memory_space<vmem>>, vector<16xf32>,
      %parallel_loop3A_753 = arith.index_cast %parallel_loop3A_720 : i32 to index
      %parallel_loop3A_754 = arith.constant 64 : index
      %parallel_loop3A_755 = tpu.vector_load %arg6[%parallel_loop3A_753, %parallel_loop3A_754] {strides = array<i32>} : memref<5x128xf32, #tpu.memory_space<vmem>>, vector<16xf32>,
      %parallel_loop3A_756 = arith.constant 0 : i32
      %parallel_loop3A_757 = arith.index_cast %parallel_loop3A_756 : i32 to index
      %parallel_loop3A_758 = arith.index_cast %parallel_loop3A_716 : i32 to index
      %parallel_loop3A_759 = arith.constant 64 : index
      %parallel_loop3A_760 = tpu.vector_load %arg7[%parallel_loop3A_757, %parallel_loop3A_758, %parallel_loop3A_759] {strides = array<i32>} : memref<2x400x128xf32, #tpu.memory_space<vmem>>, vector<16xf32>,
      tpu.vector_store %arg7[%parallel_loop3A_757, %parallel_loop3A_758, %parallel_loop3A_759], %parallel_loop3A_755 {strides = array<i32>} : memref<2x400x128xf32, #tpu.memory_space<vmem>>, vector<16xf32>,
      %parallel_loop3A_761 = arith.index_cast %parallel_loop3A_720 : i32 to index
      %parallel_loop3A_762 = arith.constant 80 : index
      %parallel_loop3A_763 = tpu.vector_load %arg6[%parallel_loop3A_761, %parallel_loop3A_762] {strides = array<i32>} : memref<5x128xf32, #tpu.memory_space<vmem>>, vector<16xf32>,
      %parallel_loop3A_764 = arith.constant 0 : i32
      %parallel_loop3A_765 = arith.index_cast %parallel_loop3A_764 : i32 to index
      %parallel_loop3A_766 = arith.index_cast %parallel_loop3A_716 : i32 to index
      %parallel_loop3A_767 = arith.constant 80 : index
      %parallel_loop3A_768 = tpu.vector_load %arg7[%parallel_loop3A_765, %parallel_loop3A_766, %parallel_loop3A_767] {strides = array<i32>} : memref<2x400x128xf32, #tpu.memory_space<vmem>>, vector<16xf32>,
      tpu.vector_store %arg7[%parallel_loop3A_765, %parallel_loop3A_766, %parallel_loop3A_767], %parallel_loop3A_763 {strides = array<i32>} : memref<2x400x128xf32, #tpu.memory_space<vmem>>, vector<16xf32>,
      %parallel_loop3A_769 = arith.index_cast %parallel_loop3A_720 : i32 to index
      %parallel_loop3A_770 = arith.constant 96 : index
      %parallel_loop3A_771 = tpu.vector_load %arg6[%parallel_loop3A_769, %parallel_loop3A_770] {strides = array<i32>} : memref<5x128xf32, #tpu.memory_space<vmem>>, vector<16xf32>,
      %parallel_loop3A_772 = arith.constant 0 : i32
      %parallel_loop3A_773 = arith.index_cast %parallel_loop3A_772 : i32 to index
      %parallel_loop3A_774 = arith.index_cast %parallel_loop3A_716 : i32 to index
      %parallel_loop3A_775 = arith.constant 96 : index
      %parallel_loop3A_776 = tpu.vector_load %arg7[%parallel_loop3A_773, %parallel_loop3A_774, %parallel_loop3A_775] {strides = array<i32>} : memref<2x400x128xf32, #tpu.memory_space<vmem>>, vector<16xf32>,
      tpu.vector_store %arg7[%parallel_loop3A_773, %parallel_loop3A_774, %parallel_loop3A_775], %parallel_loop3A_771 {strides = array<i32>} : memref<2x400x128xf32, #tpu.memory_space<vmem>>, vector<16xf32>,
      %parallel_loop3A_777 = arith.index_cast %parallel_loop3A_720 : i32 to index
      %parallel_loop3A_778 = arith.constant 112 : index
      %parallel_loop3A_779 = tpu.vector_load %arg6[%parallel_loop3A_777, %parallel_loop3A_778] {strides = array<i32>} : memref<5x128xf32, #tpu.memory_space<vmem>>, vector<16xf32>,
      %parallel_loop3A_780 = arith.constant 0 : i32
      %parallel_loop3A_781 = arith.index_cast %parallel_loop3A_780 : i32 to index
      %parallel_loop3A_782 = arith.index_cast %parallel_loop3A_716 : i32 to index
      %parallel_loop3A_783 = arith.constant 112 : index
      %parallel_loop3A_784 = tpu.vector_load %arg7[%parallel_loop3A_781, %parallel_loop3A_782, %parallel_loop3A_783] {strides = array<i32>} : memref<2x400x128xf32, #tpu.memory_space<vmem>>, vector<16xf32>,
      tpu.vector_store %arg7[%parallel_loop3A_781, %parallel_loop3A_782, %parallel_loop3A_783], %parallel_loop3A_779 {strides = array<i32>} : memref<2x400x128xf32, #tpu.memory_space<vmem>>, vector<16xf32>,
    } {sc.loop_unroll_factor = 8 : i64, sc.parallel_access}
    %add3A_370 = arith.constant 3200 : i32
    %add3A_371 = arith.addi %mul3A_12, %add3A_370 : i32
    %dma_start3A_372 = arith.constant 0 : i32
    %dma_start3A_373 = arith.constant 0 : i32
    %dma_start3A_374 = arith.constant 0 : i32
    %dma_start3A_375 = tpu.memref_slice %arg7[%dma_start3A_372, %dma_start3A_373, %dma_start3A_374] : memref<2x400x128xf32, #tpu.memory_space<vmem>> -> memref<1x400x128xf32, #tpu.memory_space<vmem>>
    %dma_start3A_376 = tpu.memref_squeeze %dma_start3A_375 : memref<1x400x128xf32, #tpu.memory_space<vmem>> -> memref<400x128xf32, #tpu.memory_space<vmem>>
    %dma_start3A_377 = arith.constant 0 : i32
    %dma_start3A_378 = tpu.memref_slice %arg4[%add3A_371, %dma_start3A_377] : memref<204800x128xf32, #tpu.memory_space<hbm>> -> memref<400x128xf32, #tpu.memory_space<hbm>>
    %dma_start3A_379 = arith.constant 0 : i32
    %dma_start3A_380 = tpu.memref_slice %arg4[%add3A_371, %dma_start3A_379] : memref<204800x128xf32, #tpu.memory_space<hbm>> -> memref<400x128xf32, #tpu.memory_space<hbm>>
    %dma_start3A_381 = arith.constant 0 : i32
    %dma_start3A_382 = arith.constant 0 : i32
    %dma_start3A_383 = tpu.memref_slice %arg7[%dma_start3A_372, %dma_start3A_381, %dma_start3A_382] : memref<2x400x128xf32, #tpu.memory_space<vmem>> -> memref<1x400x128xf32, #tpu.memory_space<vmem>>
    %dma_start3A_384 = tpu.memref_squeeze %dma_start3A_383 : memref<1x400x128xf32, #tpu.memory_space<vmem>> -> memref<400x128xf32, #tpu.memory_space<vmem>>
    tpu.enqueue_dma source(%dma_start3A_384 : memref<400x128xf32, #tpu.memory_space<vmem>>) target(%dma_start3A_380 : memref<400x128xf32, #tpu.memory_space<hbm>>) target_semaphore(%arg12 : memref<!tpu.dma_semaphore, #tpu.memory_space<semaphore_mem>>)
    %dma_wait3A_385 = arith.constant 400 : i32
    %dma_wait3A_386 = tpu.memref_slice %arg8[%dma_wait3A_385] : memref<800xi32, #tpu.memory_space<smem>> -> memref<400xi32, #tpu.memory_space<smem>>
    %dma_wait3A_387 = arith.constant 0 : i32
    %dma_wait3A_388 = tpu.memref_slice %arg5[%dma_wait3A_387] : memref<102400xi32, #tpu.memory_space<vmem_shared>> -> memref<400xi32, #tpu.memory_space<vmem_shared>>
    tpu.wait_dma2 semaphore(%arg11 : memref<!tpu.dma_semaphore, #tpu.memory_space<semaphore_mem>>) src(%dma_wait3A_388 : memref<400xi32, #tpu.memory_space<vmem_shared>>) dst(%dma_wait3A_386 : memref<400xi32, #tpu.memory_space<smem>>)
    %mul3A_389 = arith.constant 6400 : i32
    %mul3A_390 = arith.muli %arg1, %mul3A_389 : i32
    %add3A_391 = arith.constant 4000 : i32
    %add3A_392 = arith.addi %mul3A_390, %add3A_391 : i32
    %dma_start3A_393 = arith.constant 0 : i32
    %dma_start3A_394 = tpu.memref_slice %arg8[%dma_start3A_393] : memref<800xi32, #tpu.memory_space<smem>> -> memref<400xi32, #tpu.memory_space<smem>>
    %dma_start3A_395 = tpu.memref_slice %arg5[%add3A_392] : memref<102400xi32, #tpu.memory_space<vmem_shared>> -> memref<400xi32, #tpu.memory_space<vmem_shared>>
    tpu.enqueue_dma source(%dma_start3A_395 : memref<400xi32, #tpu.memory_space<vmem_shared>>) target(%dma_start3A_394 : memref<400xi32, #tpu.memory_space<smem>>) target_semaphore(%arg10 : memref<!tpu.dma_semaphore, #tpu.memory_space<semaphore_mem>>)
    %dma_wait3A_396 = arith.constant 1 : i32
    %dma_wait3A_397 = arith.constant 0 : i32
    %dma_wait3A_398 = arith.constant 0 : i32
    %dma_wait3A_399 = tpu.memref_slice %arg7[%dma_wait3A_396, %dma_wait3A_397, %dma_wait3A_398] : memref<2x400x128xf32, #tpu.memory_space<vmem>> -> memref<1x400x128xf32, #tpu.memory_space<vmem>>
    %dma_wait3A_400 = tpu.memref_squeeze %dma_wait3A_399 : memref<1x400x128xf32, #tpu.memory_space<vmem>> -> memref<400x128xf32, #tpu.memory_space<vmem>>
    %dma_wait3A_401 = arith.constant 0 : i32
    %dma_wait3A_402 = arith.constant 0 : i32
    %dma_wait3A_403 = tpu.memref_slice %arg4[%dma_wait3A_401, %dma_wait3A_402] : memref<204800x128xf32, #tpu.memory_space<hbm>> -> memref<400x128xf32, #tpu.memory_space<hbm>>
    %dma_wait3A_404 = arith.constant 0 : i32
    %dma_wait3A_405 = arith.constant 0 : i32
    %dma_wait3A_406 = tpu.memref_slice %arg4[%dma_wait3A_404, %dma_wait3A_405] : memref<204800x128xf32, #tpu.memory_space<hbm>> -> memref<400x128xf32, #tpu.memory_space<hbm>>
    %dma_wait3A_407 = arith.constant 0 : i32
    %dma_wait3A_408 = arith.constant 0 : i32
    %dma_wait3A_409 = tpu.memref_slice %arg7[%dma_wait3A_396, %dma_wait3A_407, %dma_wait3A_408] : memref<2x400x128xf32, #tpu.memory_space<vmem>> -> memref<1x400x128xf32, #tpu.memory_space<vmem>>
    %dma_wait3A_410 = tpu.memref_squeeze %dma_wait3A_409 : memref<1x400x128xf32, #tpu.memory_space<vmem>> -> memref<400x128xf32, #tpu.memory_space<vmem>>
    tpu.wait_dma2 semaphore(%arg13 : memref<!tpu.dma_semaphore, #tpu.memory_space<semaphore_mem>>) src(%dma_wait3A_410 : memref<400x128xf32, #tpu.memory_space<vmem>>) dst(%dma_wait3A_406 : memref<400x128xf32, #tpu.memory_space<hbm>>)
    %parallel_loop3A_411 = arith.constant 0 : i32
    %parallel_loop3A_412 = arith.constant 400 : i32
    %parallel_loop3A_413 = arith.constant 1 : i32
    scf.for %parallel_loop3A_716 = %parallel_loop3A_411 to %parallel_loop3A_412 step %parallel_loop3A_413  : i32 {
      %parallel_loop3A_717 = arith.constant 400 : i32
      %parallel_loop3A_718 = arith.addi %parallel_loop3A_717, %parallel_loop3A_716 : i32
      %parallel_loop3A_719 = arith.index_cast %parallel_loop3A_718 : i32 to index
      %parallel_loop3A_720 = memref.load %arg8[%parallel_loop3A_719] : memref<800xi32, #tpu.memory_space<smem>>
      %parallel_loop3A_721 = arith.index_cast %parallel_loop3A_720 : i32 to index
      %parallel_loop3A_722 = arith.constant 0 : index
      %parallel_loop3A_723 = tpu.vector_load %arg6[%parallel_loop3A_721, %parallel_loop3A_722] {strides = array<i32>} : memref<5x128xf32, #tpu.memory_space<vmem>>, vector<16xf32>,
      %parallel_loop3A_724 = arith.constant 1 : i32
      %parallel_loop3A_725 = arith.index_cast %parallel_loop3A_724 : i32 to index
      %parallel_loop3A_726 = arith.index_cast %parallel_loop3A_716 : i32 to index
      %parallel_loop3A_727 = arith.constant 0 : index
      %parallel_loop3A_728 = tpu.vector_load %arg7[%parallel_loop3A_725, %parallel_loop3A_726, %parallel_loop3A_727] {strides = array<i32>} : memref<2x400x128xf32, #tpu.memory_space<vmem>>, vector<16xf32>,
      tpu.vector_store %arg7[%parallel_loop3A_725, %parallel_loop3A_726, %parallel_loop3A_727], %parallel_loop3A_723 {strides = array<i32>} : memref<2x400x128xf32, #tpu.memory_space<vmem>>, vector<16xf32>,
      %parallel_loop3A_729 = arith.index_cast %parallel_loop3A_720 : i32 to index
      %parallel_loop3A_730 = arith.constant 16 : index
      %parallel_loop3A_731 = tpu.vector_load %arg6[%parallel_loop3A_729, %parallel_loop3A_730] {strides = array<i32>} : memref<5x128xf32, #tpu.memory_space<vmem>>, vector<16xf32>,
      %parallel_loop3A_732 = arith.constant 1 : i32
      %parallel_loop3A_733 = arith.index_cast %parallel_loop3A_732 : i32 to index
      %parallel_loop3A_734 = arith.index_cast %parallel_loop3A_716 : i32 to index
      %parallel_loop3A_735 = arith.constant 16 : index
      %parallel_loop3A_736 = tpu.vector_load %arg7[%parallel_loop3A_733, %parallel_loop3A_734, %parallel_loop3A_735] {strides = array<i32>} : memref<2x400x128xf32, #tpu.memory_space<vmem>>, vector<16xf32>,
      tpu.vector_store %arg7[%parallel_loop3A_733, %parallel_loop3A_734, %parallel_loop3A_735], %parallel_loop3A_731 {strides = array<i32>} : memref<2x400x128xf32, #tpu.memory_space<vmem>>, vector<16xf32>,
      %parallel_loop3A_737 = arith.index_cast %parallel_loop3A_720 : i32 to index
      %parallel_loop3A_738 = arith.constant 32 : index
      %parallel_loop3A_739 = tpu.vector_load %arg6[%parallel_loop3A_737, %parallel_loop3A_738] {strides = array<i32>} : memref<5x128xf32, #tpu.memory_space<vmem>>, vector<16xf32>,
      %parallel_loop3A_740 = arith.constant 1 : i32
      %parallel_loop3A_741 = arith.index_cast %parallel_loop3A_740 : i32 to index
      %parallel_loop3A_742 = arith.index_cast %parallel_loop3A_716 : i32 to index
      %parallel_loop3A_743 = arith.constant 32 : index
      %parallel_loop3A_744 = tpu.vector_load %arg7[%parallel_loop3A_741, %parallel_loop3A_742, %parallel_loop3A_743] {strides = array<i32>} : memref<2x400x128xf32, #tpu.memory_space<vmem>>, vector<16xf32>,
      tpu.vector_store %arg7[%parallel_loop3A_741, %parallel_loop3A_742, %parallel_loop3A_743], %parallel_loop3A_739 {strides = array<i32>} : memref<2x400x128xf32, #tpu.memory_space<vmem>>, vector<16xf32>,
      %parallel_loop3A_745 = arith.index_cast %parallel_loop3A_720 : i32 to index
      %parallel_loop3A_746 = arith.constant 48 : index
      %parallel_loop3A_747 = tpu.vector_load %arg6[%parallel_loop3A_745, %parallel_loop3A_746] {strides = array<i32>} : memref<5x128xf32, #tpu.memory_space<vmem>>, vector<16xf32>,
      %parallel_loop3A_748 = arith.constant 1 : i32
      %parallel_loop3A_749 = arith.index_cast %parallel_loop3A_748 : i32 to index
      %parallel_loop3A_750 = arith.index_cast %parallel_loop3A_716 : i32 to index
      %parallel_loop3A_751 = arith.constant 48 : index
      %parallel_loop3A_752 = tpu.vector_load %arg7[%parallel_loop3A_749, %parallel_loop3A_750, %parallel_loop3A_751] {strides = array<i32>} : memref<2x400x128xf32, #tpu.memory_space<vmem>>, vector<16xf32>,
      tpu.vector_store %arg7[%parallel_loop3A_749, %parallel_loop3A_750, %parallel_loop3A_751], %parallel_loop3A_747 {strides = array<i32>} : memref<2x400x128xf32, #tpu.memory_space<vmem>>, vector<16xf32>,
      %parallel_loop3A_753 = arith.index_cast %parallel_loop3A_720 : i32 to index
      %parallel_loop3A_754 = arith.constant 64 : index
      %parallel_loop3A_755 = tpu.vector_load %arg6[%parallel_loop3A_753, %parallel_loop3A_754] {strides = array<i32>} : memref<5x128xf32, #tpu.memory_space<vmem>>, vector<16xf32>,
      %parallel_loop3A_756 = arith.constant 1 : i32
      %parallel_loop3A_757 = arith.index_cast %parallel_loop3A_756 : i32 to index
      %parallel_loop3A_758 = arith.index_cast %parallel_loop3A_716 : i32 to index
      %parallel_loop3A_759 = arith.constant 64 : index
      %parallel_loop3A_760 = tpu.vector_load %arg7[%parallel_loop3A_757, %parallel_loop3A_758, %parallel_loop3A_759] {strides = array<i32>} : memref<2x400x128xf32, #tpu.memory_space<vmem>>, vector<16xf32>,
      tpu.vector_store %arg7[%parallel_loop3A_757, %parallel_loop3A_758, %parallel_loop3A_759], %parallel_loop3A_755 {strides = array<i32>} : memref<2x400x128xf32, #tpu.memory_space<vmem>>, vector<16xf32>,
      %parallel_loop3A_761 = arith.index_cast %parallel_loop3A_720 : i32 to index
      %parallel_loop3A_762 = arith.constant 80 : index
      %parallel_loop3A_763 = tpu.vector_load %arg6[%parallel_loop3A_761, %parallel_loop3A_762] {strides = array<i32>} : memref<5x128xf32, #tpu.memory_space<vmem>>, vector<16xf32>,
      %parallel_loop3A_764 = arith.constant 1 : i32
      %parallel_loop3A_765 = arith.index_cast %parallel_loop3A_764 : i32 to index
      %parallel_loop3A_766 = arith.index_cast %parallel_loop3A_716 : i32 to index
      %parallel_loop3A_767 = arith.constant 80 : index
      %parallel_loop3A_768 = tpu.vector_load %arg7[%parallel_loop3A_765, %parallel_loop3A_766, %parallel_loop3A_767] {strides = array<i32>} : memref<2x400x128xf32, #tpu.memory_space<vmem>>, vector<16xf32>,
      tpu.vector_store %arg7[%parallel_loop3A_765, %parallel_loop3A_766, %parallel_loop3A_767], %parallel_loop3A_763 {strides = array<i32>} : memref<2x400x128xf32, #tpu.memory_space<vmem>>, vector<16xf32>,
      %parallel_loop3A_769 = arith.index_cast %parallel_loop3A_720 : i32 to index
      %parallel_loop3A_770 = arith.constant 96 : index
      %parallel_loop3A_771 = tpu.vector_load %arg6[%parallel_loop3A_769, %parallel_loop3A_770] {strides = array<i32>} : memref<5x128xf32, #tpu.memory_space<vmem>>, vector<16xf32>,
      %parallel_loop3A_772 = arith.constant 1 : i32
      %parallel_loop3A_773 = arith.index_cast %parallel_loop3A_772 : i32 to index
      %parallel_loop3A_774 = arith.index_cast %parallel_loop3A_716 : i32 to index
      %parallel_loop3A_775 = arith.constant 96 : index
      %parallel_loop3A_776 = tpu.vector_load %arg7[%parallel_loop3A_773, %parallel_loop3A_774, %parallel_loop3A_775] {strides = array<i32>} : memref<2x400x128xf32, #tpu.memory_space<vmem>>, vector<16xf32>,
      tpu.vector_store %arg7[%parallel_loop3A_773, %parallel_loop3A_774, %parallel_loop3A_775], %parallel_loop3A_771 {strides = array<i32>} : memref<2x400x128xf32, #tpu.memory_space<vmem>>, vector<16xf32>,
      %parallel_loop3A_777 = arith.index_cast %parallel_loop3A_720 : i32 to index
      %parallel_loop3A_778 = arith.constant 112 : index
      %parallel_loop3A_779 = tpu.vector_load %arg6[%parallel_loop3A_777, %parallel_loop3A_778] {strides = array<i32>} : memref<5x128xf32, #tpu.memory_space<vmem>>, vector<16xf32>,
      %parallel_loop3A_780 = arith.constant 1 : i32
      %parallel_loop3A_781 = arith.index_cast %parallel_loop3A_780 : i32 to index
      %parallel_loop3A_782 = arith.index_cast %parallel_loop3A_716 : i32 to index
      %parallel_loop3A_783 = arith.constant 112 : index
      %parallel_loop3A_784 = tpu.vector_load %arg7[%parallel_loop3A_781, %parallel_loop3A_782, %parallel_loop3A_783] {strides = array<i32>} : memref<2x400x128xf32, #tpu.memory_space<vmem>>, vector<16xf32>,
      tpu.vector_store %arg7[%parallel_loop3A_781, %parallel_loop3A_782, %parallel_loop3A_783], %parallel_loop3A_779 {strides = array<i32>} : memref<2x400x128xf32, #tpu.memory_space<vmem>>, vector<16xf32>,
    } {sc.loop_unroll_factor = 8 : i64, sc.parallel_access}
    %add3A_414 = arith.constant 3600 : i32
    %add3A_415 = arith.addi %mul3A_12, %add3A_414 : i32
    %dma_start3A_416 = arith.constant 1 : i32
    %dma_start3A_417 = arith.constant 0 : i32
    %dma_start3A_418 = arith.constant 0 : i32
    %dma_start3A_419 = tpu.memref_slice %arg7[%dma_start3A_416, %dma_start3A_417, %dma_start3A_418] : memref<2x400x128xf32, #tpu.memory_space<vmem>> -> memref<1x400x128xf32, #tpu.memory_space<vmem>>
    %dma_start3A_420 = tpu.memref_squeeze %dma_start3A_419 : memref<1x400x128xf32, #tpu.memory_space<vmem>> -> memref<400x128xf32, #tpu.memory_space<vmem>>
    %dma_start3A_421 = arith.constant 0 : i32
    %dma_start3A_422 = tpu.memref_slice %arg4[%add3A_415, %dma_start3A_421] : memref<204800x128xf32, #tpu.memory_space<hbm>> -> memref<400x128xf32, #tpu.memory_space<hbm>>
    %dma_start3A_423 = arith.constant 0 : i32
    %dma_start3A_424 = tpu.memref_slice %arg4[%add3A_415, %dma_start3A_423] : memref<204800x128xf32, #tpu.memory_space<hbm>> -> memref<400x128xf32, #tpu.memory_space<hbm>>
    %dma_start3A_425 = arith.constant 0 : i32
    %dma_start3A_426 = arith.constant 0 : i32
    %dma_start3A_427 = tpu.memref_slice %arg7[%dma_start3A_416, %dma_start3A_425, %dma_start3A_426] : memref<2x400x128xf32, #tpu.memory_space<vmem>> -> memref<1x400x128xf32, #tpu.memory_space<vmem>>
    %dma_start3A_428 = tpu.memref_squeeze %dma_start3A_427 : memref<1x400x128xf32, #tpu.memory_space<vmem>> -> memref<400x128xf32, #tpu.memory_space<vmem>>
    tpu.enqueue_dma source(%dma_start3A_428 : memref<400x128xf32, #tpu.memory_space<vmem>>) target(%dma_start3A_424 : memref<400x128xf32, #tpu.memory_space<hbm>>) target_semaphore(%arg13 : memref<!tpu.dma_semaphore, #tpu.memory_space<semaphore_mem>>)
    %dma_wait3A_429 = arith.constant 0 : i32
    %dma_wait3A_430 = tpu.memref_slice %arg8[%dma_wait3A_429] : memref<800xi32, #tpu.memory_space<smem>> -> memref<400xi32, #tpu.memory_space<smem>>
    %dma_wait3A_431 = arith.constant 0 : i32
    %dma_wait3A_432 = tpu.memref_slice %arg5[%dma_wait3A_431] : memref<102400xi32, #tpu.memory_space<vmem_shared>> -> memref<400xi32, #tpu.memory_space<vmem_shared>>
    tpu.wait_dma2 semaphore(%arg10 : memref<!tpu.dma_semaphore, #tpu.memory_space<semaphore_mem>>) src(%dma_wait3A_432 : memref<400xi32, #tpu.memory_space<vmem_shared>>) dst(%dma_wait3A_430 : memref<400xi32, #tpu.memory_space<smem>>)
    %mul3A_433 = arith.constant 6400 : i32
    %mul3A_434 = arith.muli %arg1, %mul3A_433 : i32
    %add3A_435 = arith.constant 4400 : i32
    %add3A_436 = arith.addi %mul3A_434, %add3A_435 : i32
    %dma_start3A_437 = arith.constant 400 : i32
    %dma_start3A_438 = tpu.memref_slice %arg8[%dma_start3A_437] : memref<800xi32, #tpu.memory_space<smem>> -> memref<400xi32, #tpu.memory_space<smem>>
    %dma_start3A_439 = tpu.memref_slice %arg5[%add3A_436] : memref<102400xi32, #tpu.memory_space<vmem_shared>> -> memref<400xi32, #tpu.memory_space<vmem_shared>>
    tpu.enqueue_dma source(%dma_start3A_439 : memref<400xi32, #tpu.memory_space<vmem_shared>>) target(%dma_start3A_438 : memref<400xi32, #tpu.memory_space<smem>>) target_semaphore(%arg11 : memref<!tpu.dma_semaphore, #tpu.memory_space<semaphore_mem>>)
    %dma_wait3A_440 = arith.constant 0 : i32
    %dma_wait3A_441 = arith.constant 0 : i32
    %dma_wait3A_442 = arith.constant 0 : i32
    %dma_wait3A_443 = tpu.memref_slice %arg7[%dma_wait3A_440, %dma_wait3A_441, %dma_wait3A_442] : memref<2x400x128xf32, #tpu.memory_space<vmem>> -> memref<1x400x128xf32, #tpu.memory_space<vmem>>
    %dma_wait3A_444 = tpu.memref_squeeze %dma_wait3A_443 : memref<1x400x128xf32, #tpu.memory_space<vmem>> -> memref<400x128xf32, #tpu.memory_space<vmem>>
    %dma_wait3A_445 = arith.constant 0 : i32
    %dma_wait3A_446 = arith.constant 0 : i32
    %dma_wait3A_447 = tpu.memref_slice %arg4[%dma_wait3A_445, %dma_wait3A_446] : memref<204800x128xf32, #tpu.memory_space<hbm>> -> memref<400x128xf32, #tpu.memory_space<hbm>>
    %dma_wait3A_448 = arith.constant 0 : i32
    %dma_wait3A_449 = arith.constant 0 : i32
    %dma_wait3A_450 = tpu.memref_slice %arg4[%dma_wait3A_448, %dma_wait3A_449] : memref<204800x128xf32, #tpu.memory_space<hbm>> -> memref<400x128xf32, #tpu.memory_space<hbm>>
    %dma_wait3A_451 = arith.constant 0 : i32
    %dma_wait3A_452 = arith.constant 0 : i32
    %dma_wait3A_453 = tpu.memref_slice %arg7[%dma_wait3A_440, %dma_wait3A_451, %dma_wait3A_452] : memref<2x400x128xf32, #tpu.memory_space<vmem>> -> memref<1x400x128xf32, #tpu.memory_space<vmem>>
    %dma_wait3A_454 = tpu.memref_squeeze %dma_wait3A_453 : memref<1x400x128xf32, #tpu.memory_space<vmem>> -> memref<400x128xf32, #tpu.memory_space<vmem>>
    tpu.wait_dma2 semaphore(%arg12 : memref<!tpu.dma_semaphore, #tpu.memory_space<semaphore_mem>>) src(%dma_wait3A_454 : memref<400x128xf32, #tpu.memory_space<vmem>>) dst(%dma_wait3A_450 : memref<400x128xf32, #tpu.memory_space<hbm>>)
    %parallel_loop3A_455 = arith.constant 0 : i32
    %parallel_loop3A_456 = arith.constant 400 : i32
    %parallel_loop3A_457 = arith.constant 1 : i32
    scf.for %parallel_loop3A_716 = %parallel_loop3A_455 to %parallel_loop3A_456 step %parallel_loop3A_457  : i32 {
      %parallel_loop3A_717 = arith.constant 0 : i32
      %parallel_loop3A_718 = arith.addi %parallel_loop3A_717, %parallel_loop3A_716 : i32
      %parallel_loop3A_719 = arith.index_cast %parallel_loop3A_718 : i32 to index
      %parallel_loop3A_720 = memref.load %arg8[%parallel_loop3A_719] : memref<800xi32, #tpu.memory_space<smem>>
      %parallel_loop3A_721 = arith.index_cast %parallel_loop3A_720 : i32 to index
      %parallel_loop3A_722 = arith.constant 0 : index
      %parallel_loop3A_723 = tpu.vector_load %arg6[%parallel_loop3A_721, %parallel_loop3A_722] {strides = array<i32>} : memref<5x128xf32, #tpu.memory_space<vmem>>, vector<16xf32>,
      %parallel_loop3A_724 = arith.constant 0 : i32
      %parallel_loop3A_725 = arith.index_cast %parallel_loop3A_724 : i32 to index
      %parallel_loop3A_726 = arith.index_cast %parallel_loop3A_716 : i32 to index
      %parallel_loop3A_727 = arith.constant 0 : index
      %parallel_loop3A_728 = tpu.vector_load %arg7[%parallel_loop3A_725, %parallel_loop3A_726, %parallel_loop3A_727] {strides = array<i32>} : memref<2x400x128xf32, #tpu.memory_space<vmem>>, vector<16xf32>,
      tpu.vector_store %arg7[%parallel_loop3A_725, %parallel_loop3A_726, %parallel_loop3A_727], %parallel_loop3A_723 {strides = array<i32>} : memref<2x400x128xf32, #tpu.memory_space<vmem>>, vector<16xf32>,
      %parallel_loop3A_729 = arith.index_cast %parallel_loop3A_720 : i32 to index
      %parallel_loop3A_730 = arith.constant 16 : index
      %parallel_loop3A_731 = tpu.vector_load %arg6[%parallel_loop3A_729, %parallel_loop3A_730] {strides = array<i32>} : memref<5x128xf32, #tpu.memory_space<vmem>>, vector<16xf32>,
      %parallel_loop3A_732 = arith.constant 0 : i32
      %parallel_loop3A_733 = arith.index_cast %parallel_loop3A_732 : i32 to index
      %parallel_loop3A_734 = arith.index_cast %parallel_loop3A_716 : i32 to index
      %parallel_loop3A_735 = arith.constant 16 : index
      %parallel_loop3A_736 = tpu.vector_load %arg7[%parallel_loop3A_733, %parallel_loop3A_734, %parallel_loop3A_735] {strides = array<i32>} : memref<2x400x128xf32, #tpu.memory_space<vmem>>, vector<16xf32>,
      tpu.vector_store %arg7[%parallel_loop3A_733, %parallel_loop3A_734, %parallel_loop3A_735], %parallel_loop3A_731 {strides = array<i32>} : memref<2x400x128xf32, #tpu.memory_space<vmem>>, vector<16xf32>,
      %parallel_loop3A_737 = arith.index_cast %parallel_loop3A_720 : i32 to index
      %parallel_loop3A_738 = arith.constant 32 : index
      %parallel_loop3A_739 = tpu.vector_load %arg6[%parallel_loop3A_737, %parallel_loop3A_738] {strides = array<i32>} : memref<5x128xf32, #tpu.memory_space<vmem>>, vector<16xf32>,
      %parallel_loop3A_740 = arith.constant 0 : i32
      %parallel_loop3A_741 = arith.index_cast %parallel_loop3A_740 : i32 to index
      %parallel_loop3A_742 = arith.index_cast %parallel_loop3A_716 : i32 to index
      %parallel_loop3A_743 = arith.constant 32 : index
      %parallel_loop3A_744 = tpu.vector_load %arg7[%parallel_loop3A_741, %parallel_loop3A_742, %parallel_loop3A_743] {strides = array<i32>} : memref<2x400x128xf32, #tpu.memory_space<vmem>>, vector<16xf32>,
      tpu.vector_store %arg7[%parallel_loop3A_741, %parallel_loop3A_742, %parallel_loop3A_743], %parallel_loop3A_739 {strides = array<i32>} : memref<2x400x128xf32, #tpu.memory_space<vmem>>, vector<16xf32>,
      %parallel_loop3A_745 = arith.index_cast %parallel_loop3A_720 : i32 to index
      %parallel_loop3A_746 = arith.constant 48 : index
      %parallel_loop3A_747 = tpu.vector_load %arg6[%parallel_loop3A_745, %parallel_loop3A_746] {strides = array<i32>} : memref<5x128xf32, #tpu.memory_space<vmem>>, vector<16xf32>,
      %parallel_loop3A_748 = arith.constant 0 : i32
      %parallel_loop3A_749 = arith.index_cast %parallel_loop3A_748 : i32 to index
      %parallel_loop3A_750 = arith.index_cast %parallel_loop3A_716 : i32 to index
      %parallel_loop3A_751 = arith.constant 48 : index
      %parallel_loop3A_752 = tpu.vector_load %arg7[%parallel_loop3A_749, %parallel_loop3A_750, %parallel_loop3A_751] {strides = array<i32>} : memref<2x400x128xf32, #tpu.memory_space<vmem>>, vector<16xf32>,
      tpu.vector_store %arg7[%parallel_loop3A_749, %parallel_loop3A_750, %parallel_loop3A_751], %parallel_loop3A_747 {strides = array<i32>} : memref<2x400x128xf32, #tpu.memory_space<vmem>>, vector<16xf32>,
      %parallel_loop3A_753 = arith.index_cast %parallel_loop3A_720 : i32 to index
      %parallel_loop3A_754 = arith.constant 64 : index
      %parallel_loop3A_755 = tpu.vector_load %arg6[%parallel_loop3A_753, %parallel_loop3A_754] {strides = array<i32>} : memref<5x128xf32, #tpu.memory_space<vmem>>, vector<16xf32>,
      %parallel_loop3A_756 = arith.constant 0 : i32
      %parallel_loop3A_757 = arith.index_cast %parallel_loop3A_756 : i32 to index
      %parallel_loop3A_758 = arith.index_cast %parallel_loop3A_716 : i32 to index
      %parallel_loop3A_759 = arith.constant 64 : index
      %parallel_loop3A_760 = tpu.vector_load %arg7[%parallel_loop3A_757, %parallel_loop3A_758, %parallel_loop3A_759] {strides = array<i32>} : memref<2x400x128xf32, #tpu.memory_space<vmem>>, vector<16xf32>,
      tpu.vector_store %arg7[%parallel_loop3A_757, %parallel_loop3A_758, %parallel_loop3A_759], %parallel_loop3A_755 {strides = array<i32>} : memref<2x400x128xf32, #tpu.memory_space<vmem>>, vector<16xf32>,
      %parallel_loop3A_761 = arith.index_cast %parallel_loop3A_720 : i32 to index
      %parallel_loop3A_762 = arith.constant 80 : index
      %parallel_loop3A_763 = tpu.vector_load %arg6[%parallel_loop3A_761, %parallel_loop3A_762] {strides = array<i32>} : memref<5x128xf32, #tpu.memory_space<vmem>>, vector<16xf32>,
      %parallel_loop3A_764 = arith.constant 0 : i32
      %parallel_loop3A_765 = arith.index_cast %parallel_loop3A_764 : i32 to index
      %parallel_loop3A_766 = arith.index_cast %parallel_loop3A_716 : i32 to index
      %parallel_loop3A_767 = arith.constant 80 : index
      %parallel_loop3A_768 = tpu.vector_load %arg7[%parallel_loop3A_765, %parallel_loop3A_766, %parallel_loop3A_767] {strides = array<i32>} : memref<2x400x128xf32, #tpu.memory_space<vmem>>, vector<16xf32>,
      tpu.vector_store %arg7[%parallel_loop3A_765, %parallel_loop3A_766, %parallel_loop3A_767], %parallel_loop3A_763 {strides = array<i32>} : memref<2x400x128xf32, #tpu.memory_space<vmem>>, vector<16xf32>,
      %parallel_loop3A_769 = arith.index_cast %parallel_loop3A_720 : i32 to index
      %parallel_loop3A_770 = arith.constant 96 : index
      %parallel_loop3A_771 = tpu.vector_load %arg6[%parallel_loop3A_769, %parallel_loop3A_770] {strides = array<i32>} : memref<5x128xf32, #tpu.memory_space<vmem>>, vector<16xf32>,
      %parallel_loop3A_772 = arith.constant 0 : i32
      %parallel_loop3A_773 = arith.index_cast %parallel_loop3A_772 : i32 to index
      %parallel_loop3A_774 = arith.index_cast %parallel_loop3A_716 : i32 to index
      %parallel_loop3A_775 = arith.constant 96 : index
      %parallel_loop3A_776 = tpu.vector_load %arg7[%parallel_loop3A_773, %parallel_loop3A_774, %parallel_loop3A_775] {strides = array<i32>} : memref<2x400x128xf32, #tpu.memory_space<vmem>>, vector<16xf32>,
      tpu.vector_store %arg7[%parallel_loop3A_773, %parallel_loop3A_774, %parallel_loop3A_775], %parallel_loop3A_771 {strides = array<i32>} : memref<2x400x128xf32, #tpu.memory_space<vmem>>, vector<16xf32>,
      %parallel_loop3A_777 = arith.index_cast %parallel_loop3A_720 : i32 to index
      %parallel_loop3A_778 = arith.constant 112 : index
      %parallel_loop3A_779 = tpu.vector_load %arg6[%parallel_loop3A_777, %parallel_loop3A_778] {strides = array<i32>} : memref<5x128xf32, #tpu.memory_space<vmem>>, vector<16xf32>,
      %parallel_loop3A_780 = arith.constant 0 : i32
      %parallel_loop3A_781 = arith.index_cast %parallel_loop3A_780 : i32 to index
      %parallel_loop3A_782 = arith.index_cast %parallel_loop3A_716 : i32 to index
      %parallel_loop3A_783 = arith.constant 112 : index
      %parallel_loop3A_784 = tpu.vector_load %arg7[%parallel_loop3A_781, %parallel_loop3A_782, %parallel_loop3A_783] {strides = array<i32>} : memref<2x400x128xf32, #tpu.memory_space<vmem>>, vector<16xf32>,
      tpu.vector_store %arg7[%parallel_loop3A_781, %parallel_loop3A_782, %parallel_loop3A_783], %parallel_loop3A_779 {strides = array<i32>} : memref<2x400x128xf32, #tpu.memory_space<vmem>>, vector<16xf32>,
    } {sc.loop_unroll_factor = 8 : i64, sc.parallel_access}
    %add3A_458 = arith.constant 4000 : i32
    %add3A_459 = arith.addi %mul3A_12, %add3A_458 : i32
    %dma_start3A_460 = arith.constant 0 : i32
    %dma_start3A_461 = arith.constant 0 : i32
    %dma_start3A_462 = arith.constant 0 : i32
    %dma_start3A_463 = tpu.memref_slice %arg7[%dma_start3A_460, %dma_start3A_461, %dma_start3A_462] : memref<2x400x128xf32, #tpu.memory_space<vmem>> -> memref<1x400x128xf32, #tpu.memory_space<vmem>>
    %dma_start3A_464 = tpu.memref_squeeze %dma_start3A_463 : memref<1x400x128xf32, #tpu.memory_space<vmem>> -> memref<400x128xf32, #tpu.memory_space<vmem>>
    %dma_start3A_465 = arith.constant 0 : i32
    %dma_start3A_466 = tpu.memref_slice %arg4[%add3A_459, %dma_start3A_465] : memref<204800x128xf32, #tpu.memory_space<hbm>> -> memref<400x128xf32, #tpu.memory_space<hbm>>
    %dma_start3A_467 = arith.constant 0 : i32
    %dma_start3A_468 = tpu.memref_slice %arg4[%add3A_459, %dma_start3A_467] : memref<204800x128xf32, #tpu.memory_space<hbm>> -> memref<400x128xf32, #tpu.memory_space<hbm>>
    %dma_start3A_469 = arith.constant 0 : i32
    %dma_start3A_470 = arith.constant 0 : i32
    %dma_start3A_471 = tpu.memref_slice %arg7[%dma_start3A_460, %dma_start3A_469, %dma_start3A_470] : memref<2x400x128xf32, #tpu.memory_space<vmem>> -> memref<1x400x128xf32, #tpu.memory_space<vmem>>
    %dma_start3A_472 = tpu.memref_squeeze %dma_start3A_471 : memref<1x400x128xf32, #tpu.memory_space<vmem>> -> memref<400x128xf32, #tpu.memory_space<vmem>>
    tpu.enqueue_dma source(%dma_start3A_472 : memref<400x128xf32, #tpu.memory_space<vmem>>) target(%dma_start3A_468 : memref<400x128xf32, #tpu.memory_space<hbm>>) target_semaphore(%arg12 : memref<!tpu.dma_semaphore, #tpu.memory_space<semaphore_mem>>)
    %dma_wait3A_473 = arith.constant 400 : i32
    %dma_wait3A_474 = tpu.memref_slice %arg8[%dma_wait3A_473] : memref<800xi32, #tpu.memory_space<smem>> -> memref<400xi32, #tpu.memory_space<smem>>
    %dma_wait3A_475 = arith.constant 0 : i32
    %dma_wait3A_476 = tpu.memref_slice %arg5[%dma_wait3A_475] : memref<102400xi32, #tpu.memory_space<vmem_shared>> -> memref<400xi32, #tpu.memory_space<vmem_shared>>
    tpu.wait_dma2 semaphore(%arg11 : memref<!tpu.dma_semaphore, #tpu.memory_space<semaphore_mem>>) src(%dma_wait3A_476 : memref<400xi32, #tpu.memory_space<vmem_shared>>) dst(%dma_wait3A_474 : memref<400xi32, #tpu.memory_space<smem>>)
    %mul3A_477 = arith.constant 6400 : i32
    %mul3A_478 = arith.muli %arg1, %mul3A_477 : i32
    %add3A_479 = arith.constant 4800 : i32
    %add3A_480 = arith.addi %mul3A_478, %add3A_479 : i32
    %dma_start3A_481 = arith.constant 0 : i32
    %dma_start3A_482 = tpu.memref_slice %arg8[%dma_start3A_481] : memref<800xi32, #tpu.memory_space<smem>> -> memref<400xi32, #tpu.memory_space<smem>>
    %dma_start3A_483 = tpu.memref_slice %arg5[%add3A_480] : memref<102400xi32, #tpu.memory_space<vmem_shared>> -> memref<400xi32, #tpu.memory_space<vmem_shared>>
    tpu.enqueue_dma source(%dma_start3A_483 : memref<400xi32, #tpu.memory_space<vmem_shared>>) target(%dma_start3A_482 : memref<400xi32, #tpu.memory_space<smem>>) target_semaphore(%arg10 : memref<!tpu.dma_semaphore, #tpu.memory_space<semaphore_mem>>)
    %dma_wait3A_484 = arith.constant 1 : i32
    %dma_wait3A_485 = arith.constant 0 : i32
    %dma_wait3A_486 = arith.constant 0 : i32
    %dma_wait3A_487 = tpu.memref_slice %arg7[%dma_wait3A_484, %dma_wait3A_485, %dma_wait3A_486] : memref<2x400x128xf32, #tpu.memory_space<vmem>> -> memref<1x400x128xf32, #tpu.memory_space<vmem>>
    %dma_wait3A_488 = tpu.memref_squeeze %dma_wait3A_487 : memref<1x400x128xf32, #tpu.memory_space<vmem>> -> memref<400x128xf32, #tpu.memory_space<vmem>>
    %dma_wait3A_489 = arith.constant 0 : i32
    %dma_wait3A_490 = arith.constant 0 : i32
    %dma_wait3A_491 = tpu.memref_slice %arg4[%dma_wait3A_489, %dma_wait3A_490] : memref<204800x128xf32, #tpu.memory_space<hbm>> -> memref<400x128xf32, #tpu.memory_space<hbm>>
    %dma_wait3A_492 = arith.constant 0 : i32
    %dma_wait3A_493 = arith.constant 0 : i32
    %dma_wait3A_494 = tpu.memref_slice %arg4[%dma_wait3A_492, %dma_wait3A_493] : memref<204800x128xf32, #tpu.memory_space<hbm>> -> memref<400x128xf32, #tpu.memory_space<hbm>>
    %dma_wait3A_495 = arith.constant 0 : i32
    %dma_wait3A_496 = arith.constant 0 : i32
    %dma_wait3A_497 = tpu.memref_slice %arg7[%dma_wait3A_484, %dma_wait3A_495, %dma_wait3A_496] : memref<2x400x128xf32, #tpu.memory_space<vmem>> -> memref<1x400x128xf32, #tpu.memory_space<vmem>>
    %dma_wait3A_498 = tpu.memref_squeeze %dma_wait3A_497 : memref<1x400x128xf32, #tpu.memory_space<vmem>> -> memref<400x128xf32, #tpu.memory_space<vmem>>
    tpu.wait_dma2 semaphore(%arg13 : memref<!tpu.dma_semaphore, #tpu.memory_space<semaphore_mem>>) src(%dma_wait3A_498 : memref<400x128xf32, #tpu.memory_space<vmem>>) dst(%dma_wait3A_494 : memref<400x128xf32, #tpu.memory_space<hbm>>)
    %parallel_loop3A_499 = arith.constant 0 : i32
    %parallel_loop3A_500 = arith.constant 400 : i32
    %parallel_loop3A_501 = arith.constant 1 : i32
    scf.for %parallel_loop3A_716 = %parallel_loop3A_499 to %parallel_loop3A_500 step %parallel_loop3A_501  : i32 {
      %parallel_loop3A_717 = arith.constant 400 : i32
      %parallel_loop3A_718 = arith.addi %parallel_loop3A_717, %parallel_loop3A_716 : i32
      %parallel_loop3A_719 = arith.index_cast %parallel_loop3A_718 : i32 to index
      %parallel_loop3A_720 = memref.load %arg8[%parallel_loop3A_719] : memref<800xi32, #tpu.memory_space<smem>>
      %parallel_loop3A_721 = arith.index_cast %parallel_loop3A_720 : i32 to index
      %parallel_loop3A_722 = arith.constant 0 : index
      %parallel_loop3A_723 = tpu.vector_load %arg6[%parallel_loop3A_721, %parallel_loop3A_722] {strides = array<i32>} : memref<5x128xf32, #tpu.memory_space<vmem>>, vector<16xf32>,
      %parallel_loop3A_724 = arith.constant 1 : i32
      %parallel_loop3A_725 = arith.index_cast %parallel_loop3A_724 : i32 to index
      %parallel_loop3A_726 = arith.index_cast %parallel_loop3A_716 : i32 to index
      %parallel_loop3A_727 = arith.constant 0 : index
      %parallel_loop3A_728 = tpu.vector_load %arg7[%parallel_loop3A_725, %parallel_loop3A_726, %parallel_loop3A_727] {strides = array<i32>} : memref<2x400x128xf32, #tpu.memory_space<vmem>>, vector<16xf32>,
      tpu.vector_store %arg7[%parallel_loop3A_725, %parallel_loop3A_726, %parallel_loop3A_727], %parallel_loop3A_723 {strides = array<i32>} : memref<2x400x128xf32, #tpu.memory_space<vmem>>, vector<16xf32>,
      %parallel_loop3A_729 = arith.index_cast %parallel_loop3A_720 : i32 to index
      %parallel_loop3A_730 = arith.constant 16 : index
      %parallel_loop3A_731 = tpu.vector_load %arg6[%parallel_loop3A_729, %parallel_loop3A_730] {strides = array<i32>} : memref<5x128xf32, #tpu.memory_space<vmem>>, vector<16xf32>,
      %parallel_loop3A_732 = arith.constant 1 : i32
      %parallel_loop3A_733 = arith.index_cast %parallel_loop3A_732 : i32 to index
      %parallel_loop3A_734 = arith.index_cast %parallel_loop3A_716 : i32 to index
      %parallel_loop3A_735 = arith.constant 16 : index
      %parallel_loop3A_736 = tpu.vector_load %arg7[%parallel_loop3A_733, %parallel_loop3A_734, %parallel_loop3A_735] {strides = array<i32>} : memref<2x400x128xf32, #tpu.memory_space<vmem>>, vector<16xf32>,
      tpu.vector_store %arg7[%parallel_loop3A_733, %parallel_loop3A_734, %parallel_loop3A_735], %parallel_loop3A_731 {strides = array<i32>} : memref<2x400x128xf32, #tpu.memory_space<vmem>>, vector<16xf32>,
      %parallel_loop3A_737 = arith.index_cast %parallel_loop3A_720 : i32 to index
      %parallel_loop3A_738 = arith.constant 32 : index
      %parallel_loop3A_739 = tpu.vector_load %arg6[%parallel_loop3A_737, %parallel_loop3A_738] {strides = array<i32>} : memref<5x128xf32, #tpu.memory_space<vmem>>, vector<16xf32>,
      %parallel_loop3A_740 = arith.constant 1 : i32
      %parallel_loop3A_741 = arith.index_cast %parallel_loop3A_740 : i32 to index
      %parallel_loop3A_742 = arith.index_cast %parallel_loop3A_716 : i32 to index
      %parallel_loop3A_743 = arith.constant 32 : index
      %parallel_loop3A_744 = tpu.vector_load %arg7[%parallel_loop3A_741, %parallel_loop3A_742, %parallel_loop3A_743] {strides = array<i32>} : memref<2x400x128xf32, #tpu.memory_space<vmem>>, vector<16xf32>,
      tpu.vector_store %arg7[%parallel_loop3A_741, %parallel_loop3A_742, %parallel_loop3A_743], %parallel_loop3A_739 {strides = array<i32>} : memref<2x400x128xf32, #tpu.memory_space<vmem>>, vector<16xf32>,
      %parallel_loop3A_745 = arith.index_cast %parallel_loop3A_720 : i32 to index
      %parallel_loop3A_746 = arith.constant 48 : index
      %parallel_loop3A_747 = tpu.vector_load %arg6[%parallel_loop3A_745, %parallel_loop3A_746] {strides = array<i32>} : memref<5x128xf32, #tpu.memory_space<vmem>>, vector<16xf32>,
      %parallel_loop3A_748 = arith.constant 1 : i32
      %parallel_loop3A_749 = arith.index_cast %parallel_loop3A_748 : i32 to index
      %parallel_loop3A_750 = arith.index_cast %parallel_loop3A_716 : i32 to index
      %parallel_loop3A_751 = arith.constant 48 : index
      %parallel_loop3A_752 = tpu.vector_load %arg7[%parallel_loop3A_749, %parallel_loop3A_750, %parallel_loop3A_751] {strides = array<i32>} : memref<2x400x128xf32, #tpu.memory_space<vmem>>, vector<16xf32>,
      tpu.vector_store %arg7[%parallel_loop3A_749, %parallel_loop3A_750, %parallel_loop3A_751], %parallel_loop3A_747 {strides = array<i32>} : memref<2x400x128xf32, #tpu.memory_space<vmem>>, vector<16xf32>,
      %parallel_loop3A_753 = arith.index_cast %parallel_loop3A_720 : i32 to index
      %parallel_loop3A_754 = arith.constant 64 : index
      %parallel_loop3A_755 = tpu.vector_load %arg6[%parallel_loop3A_753, %parallel_loop3A_754] {strides = array<i32>} : memref<5x128xf32, #tpu.memory_space<vmem>>, vector<16xf32>,
      %parallel_loop3A_756 = arith.constant 1 : i32
      %parallel_loop3A_757 = arith.index_cast %parallel_loop3A_756 : i32 to index
      %parallel_loop3A_758 = arith.index_cast %parallel_loop3A_716 : i32 to index
      %parallel_loop3A_759 = arith.constant 64 : index
      %parallel_loop3A_760 = tpu.vector_load %arg7[%parallel_loop3A_757, %parallel_loop3A_758, %parallel_loop3A_759] {strides = array<i32>} : memref<2x400x128xf32, #tpu.memory_space<vmem>>, vector<16xf32>,
      tpu.vector_store %arg7[%parallel_loop3A_757, %parallel_loop3A_758, %parallel_loop3A_759], %parallel_loop3A_755 {strides = array<i32>} : memref<2x400x128xf32, #tpu.memory_space<vmem>>, vector<16xf32>,
      %parallel_loop3A_761 = arith.index_cast %parallel_loop3A_720 : i32 to index
      %parallel_loop3A_762 = arith.constant 80 : index
      %parallel_loop3A_763 = tpu.vector_load %arg6[%parallel_loop3A_761, %parallel_loop3A_762] {strides = array<i32>} : memref<5x128xf32, #tpu.memory_space<vmem>>, vector<16xf32>,
      %parallel_loop3A_764 = arith.constant 1 : i32
      %parallel_loop3A_765 = arith.index_cast %parallel_loop3A_764 : i32 to index
      %parallel_loop3A_766 = arith.index_cast %parallel_loop3A_716 : i32 to index
      %parallel_loop3A_767 = arith.constant 80 : index
      %parallel_loop3A_768 = tpu.vector_load %arg7[%parallel_loop3A_765, %parallel_loop3A_766, %parallel_loop3A_767] {strides = array<i32>} : memref<2x400x128xf32, #tpu.memory_space<vmem>>, vector<16xf32>,
      tpu.vector_store %arg7[%parallel_loop3A_765, %parallel_loop3A_766, %parallel_loop3A_767], %parallel_loop3A_763 {strides = array<i32>} : memref<2x400x128xf32, #tpu.memory_space<vmem>>, vector<16xf32>,
      %parallel_loop3A_769 = arith.index_cast %parallel_loop3A_720 : i32 to index
      %parallel_loop3A_770 = arith.constant 96 : index
      %parallel_loop3A_771 = tpu.vector_load %arg6[%parallel_loop3A_769, %parallel_loop3A_770] {strides = array<i32>} : memref<5x128xf32, #tpu.memory_space<vmem>>, vector<16xf32>,
      %parallel_loop3A_772 = arith.constant 1 : i32
      %parallel_loop3A_773 = arith.index_cast %parallel_loop3A_772 : i32 to index
      %parallel_loop3A_774 = arith.index_cast %parallel_loop3A_716 : i32 to index
      %parallel_loop3A_775 = arith.constant 96 : index
      %parallel_loop3A_776 = tpu.vector_load %arg7[%parallel_loop3A_773, %parallel_loop3A_774, %parallel_loop3A_775] {strides = array<i32>} : memref<2x400x128xf32, #tpu.memory_space<vmem>>, vector<16xf32>,
      tpu.vector_store %arg7[%parallel_loop3A_773, %parallel_loop3A_774, %parallel_loop3A_775], %parallel_loop3A_771 {strides = array<i32>} : memref<2x400x128xf32, #tpu.memory_space<vmem>>, vector<16xf32>,
      %parallel_loop3A_777 = arith.index_cast %parallel_loop3A_720 : i32 to index
      %parallel_loop3A_778 = arith.constant 112 : index
      %parallel_loop3A_779 = tpu.vector_load %arg6[%parallel_loop3A_777, %parallel_loop3A_778] {strides = array<i32>} : memref<5x128xf32, #tpu.memory_space<vmem>>, vector<16xf32>,
      %parallel_loop3A_780 = arith.constant 1 : i32
      %parallel_loop3A_781 = arith.index_cast %parallel_loop3A_780 : i32 to index
      %parallel_loop3A_782 = arith.index_cast %parallel_loop3A_716 : i32 to index
      %parallel_loop3A_783 = arith.constant 112 : index
      %parallel_loop3A_784 = tpu.vector_load %arg7[%parallel_loop3A_781, %parallel_loop3A_782, %parallel_loop3A_783] {strides = array<i32>} : memref<2x400x128xf32, #tpu.memory_space<vmem>>, vector<16xf32>,
      tpu.vector_store %arg7[%parallel_loop3A_781, %parallel_loop3A_782, %parallel_loop3A_783], %parallel_loop3A_779 {strides = array<i32>} : memref<2x400x128xf32, #tpu.memory_space<vmem>>, vector<16xf32>,
    } {sc.loop_unroll_factor = 8 : i64, sc.parallel_access}
    %add3A_502 = arith.constant 4400 : i32
    %add3A_503 = arith.addi %mul3A_12, %add3A_502 : i32
    %dma_start3A_504 = arith.constant 1 : i32
    %dma_start3A_505 = arith.constant 0 : i32
    %dma_start3A_506 = arith.constant 0 : i32
    %dma_start3A_507 = tpu.memref_slice %arg7[%dma_start3A_504, %dma_start3A_505, %dma_start3A_506] : memref<2x400x128xf32, #tpu.memory_space<vmem>> -> memref<1x400x128xf32, #tpu.memory_space<vmem>>
    %dma_start3A_508 = tpu.memref_squeeze %dma_start3A_507 : memref<1x400x128xf32, #tpu.memory_space<vmem>> -> memref<400x128xf32, #tpu.memory_space<vmem>>
    %dma_start3A_509 = arith.constant 0 : i32
    %dma_start3A_510 = tpu.memref_slice %arg4[%add3A_503, %dma_start3A_509] : memref<204800x128xf32, #tpu.memory_space<hbm>> -> memref<400x128xf32, #tpu.memory_space<hbm>>
    %dma_start3A_511 = arith.constant 0 : i32
    %dma_start3A_512 = tpu.memref_slice %arg4[%add3A_503, %dma_start3A_511] : memref<204800x128xf32, #tpu.memory_space<hbm>> -> memref<400x128xf32, #tpu.memory_space<hbm>>
    %dma_start3A_513 = arith.constant 0 : i32
    %dma_start3A_514 = arith.constant 0 : i32
    %dma_start3A_515 = tpu.memref_slice %arg7[%dma_start3A_504, %dma_start3A_513, %dma_start3A_514] : memref<2x400x128xf32, #tpu.memory_space<vmem>> -> memref<1x400x128xf32, #tpu.memory_space<vmem>>
    %dma_start3A_516 = tpu.memref_squeeze %dma_start3A_515 : memref<1x400x128xf32, #tpu.memory_space<vmem>> -> memref<400x128xf32, #tpu.memory_space<vmem>>
    tpu.enqueue_dma source(%dma_start3A_516 : memref<400x128xf32, #tpu.memory_space<vmem>>) target(%dma_start3A_512 : memref<400x128xf32, #tpu.memory_space<hbm>>) target_semaphore(%arg13 : memref<!tpu.dma_semaphore, #tpu.memory_space<semaphore_mem>>)
    %dma_wait3A_517 = arith.constant 0 : i32
    %dma_wait3A_518 = tpu.memref_slice %arg8[%dma_wait3A_517] : memref<800xi32, #tpu.memory_space<smem>> -> memref<400xi32, #tpu.memory_space<smem>>
    %dma_wait3A_519 = arith.constant 0 : i32
    %dma_wait3A_520 = tpu.memref_slice %arg5[%dma_wait3A_519] : memref<102400xi32, #tpu.memory_space<vmem_shared>> -> memref<400xi32, #tpu.memory_space<vmem_shared>>
    tpu.wait_dma2 semaphore(%arg10 : memref<!tpu.dma_semaphore, #tpu.memory_space<semaphore_mem>>) src(%dma_wait3A_520 : memref<400xi32, #tpu.memory_space<vmem_shared>>) dst(%dma_wait3A_518 : memref<400xi32, #tpu.memory_space<smem>>)
    %mul3A_521 = arith.constant 6400 : i32
    %mul3A_522 = arith.muli %arg1, %mul3A_521 : i32
    %add3A_523 = arith.constant 5200 : i32
    %add3A_524 = arith.addi %mul3A_522, %add3A_523 : i32
    %dma_start3A_525 = arith.constant 400 : i32
    %dma_start3A_526 = tpu.memref_slice %arg8[%dma_start3A_525] : memref<800xi32, #tpu.memory_space<smem>> -> memref<400xi32, #tpu.memory_space<smem>>
    %dma_start3A_527 = tpu.memref_slice %arg5[%add3A_524] : memref<102400xi32, #tpu.memory_space<vmem_shared>> -> memref<400xi32, #tpu.memory_space<vmem_shared>>
    tpu.enqueue_dma source(%dma_start3A_527 : memref<400xi32, #tpu.memory_space<vmem_shared>>) target(%dma_start3A_526 : memref<400xi32, #tpu.memory_space<smem>>) target_semaphore(%arg11 : memref<!tpu.dma_semaphore, #tpu.memory_space<semaphore_mem>>)
    %dma_wait3A_528 = arith.constant 0 : i32
    %dma_wait3A_529 = arith.constant 0 : i32
    %dma_wait3A_530 = arith.constant 0 : i32
    %dma_wait3A_531 = tpu.memref_slice %arg7[%dma_wait3A_528, %dma_wait3A_529, %dma_wait3A_530] : memref<2x400x128xf32, #tpu.memory_space<vmem>> -> memref<1x400x128xf32, #tpu.memory_space<vmem>>
    %dma_wait3A_532 = tpu.memref_squeeze %dma_wait3A_531 : memref<1x400x128xf32, #tpu.memory_space<vmem>> -> memref<400x128xf32, #tpu.memory_space<vmem>>
    %dma_wait3A_533 = arith.constant 0 : i32
    %dma_wait3A_534 = arith.constant 0 : i32
    %dma_wait3A_535 = tpu.memref_slice %arg4[%dma_wait3A_533, %dma_wait3A_534] : memref<204800x128xf32, #tpu.memory_space<hbm>> -> memref<400x128xf32, #tpu.memory_space<hbm>>
    %dma_wait3A_536 = arith.constant 0 : i32
    %dma_wait3A_537 = arith.constant 0 : i32
    %dma_wait3A_538 = tpu.memref_slice %arg4[%dma_wait3A_536, %dma_wait3A_537] : memref<204800x128xf32, #tpu.memory_space<hbm>> -> memref<400x128xf32, #tpu.memory_space<hbm>>
    %dma_wait3A_539 = arith.constant 0 : i32
    %dma_wait3A_540 = arith.constant 0 : i32
    %dma_wait3A_541 = tpu.memref_slice %arg7[%dma_wait3A_528, %dma_wait3A_539, %dma_wait3A_540] : memref<2x400x128xf32, #tpu.memory_space<vmem>> -> memref<1x400x128xf32, #tpu.memory_space<vmem>>
    %dma_wait3A_542 = tpu.memref_squeeze %dma_wait3A_541 : memref<1x400x128xf32, #tpu.memory_space<vmem>> -> memref<400x128xf32, #tpu.memory_space<vmem>>
    tpu.wait_dma2 semaphore(%arg12 : memref<!tpu.dma_semaphore, #tpu.memory_space<semaphore_mem>>) src(%dma_wait3A_542 : memref<400x128xf32, #tpu.memory_space<vmem>>) dst(%dma_wait3A_538 : memref<400x128xf32, #tpu.memory_space<hbm>>)
    %parallel_loop3A_543 = arith.constant 0 : i32
    %parallel_loop3A_544 = arith.constant 400 : i32
    %parallel_loop3A_545 = arith.constant 1 : i32
    scf.for %parallel_loop3A_716 = %parallel_loop3A_543 to %parallel_loop3A_544 step %parallel_loop3A_545  : i32 {
      %parallel_loop3A_717 = arith.constant 0 : i32
      %parallel_loop3A_718 = arith.addi %parallel_loop3A_717, %parallel_loop3A_716 : i32
      %parallel_loop3A_719 = arith.index_cast %parallel_loop3A_718 : i32 to index
      %parallel_loop3A_720 = memref.load %arg8[%parallel_loop3A_719] : memref<800xi32, #tpu.memory_space<smem>>
      %parallel_loop3A_721 = arith.index_cast %parallel_loop3A_720 : i32 to index
      %parallel_loop3A_722 = arith.constant 0 : index
      %parallel_loop3A_723 = tpu.vector_load %arg6[%parallel_loop3A_721, %parallel_loop3A_722] {strides = array<i32>} : memref<5x128xf32, #tpu.memory_space<vmem>>, vector<16xf32>,
      %parallel_loop3A_724 = arith.constant 0 : i32
      %parallel_loop3A_725 = arith.index_cast %parallel_loop3A_724 : i32 to index
      %parallel_loop3A_726 = arith.index_cast %parallel_loop3A_716 : i32 to index
      %parallel_loop3A_727 = arith.constant 0 : index
      %parallel_loop3A_728 = tpu.vector_load %arg7[%parallel_loop3A_725, %parallel_loop3A_726, %parallel_loop3A_727] {strides = array<i32>} : memref<2x400x128xf32, #tpu.memory_space<vmem>>, vector<16xf32>,
      tpu.vector_store %arg7[%parallel_loop3A_725, %parallel_loop3A_726, %parallel_loop3A_727], %parallel_loop3A_723 {strides = array<i32>} : memref<2x400x128xf32, #tpu.memory_space<vmem>>, vector<16xf32>,
      %parallel_loop3A_729 = arith.index_cast %parallel_loop3A_720 : i32 to index
      %parallel_loop3A_730 = arith.constant 16 : index
      %parallel_loop3A_731 = tpu.vector_load %arg6[%parallel_loop3A_729, %parallel_loop3A_730] {strides = array<i32>} : memref<5x128xf32, #tpu.memory_space<vmem>>, vector<16xf32>,
      %parallel_loop3A_732 = arith.constant 0 : i32
      %parallel_loop3A_733 = arith.index_cast %parallel_loop3A_732 : i32 to index
      %parallel_loop3A_734 = arith.index_cast %parallel_loop3A_716 : i32 to index
      %parallel_loop3A_735 = arith.constant 16 : index
      %parallel_loop3A_736 = tpu.vector_load %arg7[%parallel_loop3A_733, %parallel_loop3A_734, %parallel_loop3A_735] {strides = array<i32>} : memref<2x400x128xf32, #tpu.memory_space<vmem>>, vector<16xf32>,
      tpu.vector_store %arg7[%parallel_loop3A_733, %parallel_loop3A_734, %parallel_loop3A_735], %parallel_loop3A_731 {strides = array<i32>} : memref<2x400x128xf32, #tpu.memory_space<vmem>>, vector<16xf32>,
      %parallel_loop3A_737 = arith.index_cast %parallel_loop3A_720 : i32 to index
      %parallel_loop3A_738 = arith.constant 32 : index
      %parallel_loop3A_739 = tpu.vector_load %arg6[%parallel_loop3A_737, %parallel_loop3A_738] {strides = array<i32>} : memref<5x128xf32, #tpu.memory_space<vmem>>, vector<16xf32>,
      %parallel_loop3A_740 = arith.constant 0 : i32
      %parallel_loop3A_741 = arith.index_cast %parallel_loop3A_740 : i32 to index
      %parallel_loop3A_742 = arith.index_cast %parallel_loop3A_716 : i32 to index
      %parallel_loop3A_743 = arith.constant 32 : index
      %parallel_loop3A_744 = tpu.vector_load %arg7[%parallel_loop3A_741, %parallel_loop3A_742, %parallel_loop3A_743] {strides = array<i32>} : memref<2x400x128xf32, #tpu.memory_space<vmem>>, vector<16xf32>,
      tpu.vector_store %arg7[%parallel_loop3A_741, %parallel_loop3A_742, %parallel_loop3A_743], %parallel_loop3A_739 {strides = array<i32>} : memref<2x400x128xf32, #tpu.memory_space<vmem>>, vector<16xf32>,
      %parallel_loop3A_745 = arith.index_cast %parallel_loop3A_720 : i32 to index
      %parallel_loop3A_746 = arith.constant 48 : index
      %parallel_loop3A_747 = tpu.vector_load %arg6[%parallel_loop3A_745, %parallel_loop3A_746] {strides = array<i32>} : memref<5x128xf32, #tpu.memory_space<vmem>>, vector<16xf32>,
      %parallel_loop3A_748 = arith.constant 0 : i32
      %parallel_loop3A_749 = arith.index_cast %parallel_loop3A_748 : i32 to index
      %parallel_loop3A_750 = arith.index_cast %parallel_loop3A_716 : i32 to index
      %parallel_loop3A_751 = arith.constant 48 : index
      %parallel_loop3A_752 = tpu.vector_load %arg7[%parallel_loop3A_749, %parallel_loop3A_750, %parallel_loop3A_751] {strides = array<i32>} : memref<2x400x128xf32, #tpu.memory_space<vmem>>, vector<16xf32>,
      tpu.vector_store %arg7[%parallel_loop3A_749, %parallel_loop3A_750, %parallel_loop3A_751], %parallel_loop3A_747 {strides = array<i32>} : memref<2x400x128xf32, #tpu.memory_space<vmem>>, vector<16xf32>,
      %parallel_loop3A_753 = arith.index_cast %parallel_loop3A_720 : i32 to index
      %parallel_loop3A_754 = arith.constant 64 : index
      %parallel_loop3A_755 = tpu.vector_load %arg6[%parallel_loop3A_753, %parallel_loop3A_754] {strides = array<i32>} : memref<5x128xf32, #tpu.memory_space<vmem>>, vector<16xf32>,
      %parallel_loop3A_756 = arith.constant 0 : i32
      %parallel_loop3A_757 = arith.index_cast %parallel_loop3A_756 : i32 to index
      %parallel_loop3A_758 = arith.index_cast %parallel_loop3A_716 : i32 to index
      %parallel_loop3A_759 = arith.constant 64 : index
      %parallel_loop3A_760 = tpu.vector_load %arg7[%parallel_loop3A_757, %parallel_loop3A_758, %parallel_loop3A_759] {strides = array<i32>} : memref<2x400x128xf32, #tpu.memory_space<vmem>>, vector<16xf32>,
      tpu.vector_store %arg7[%parallel_loop3A_757, %parallel_loop3A_758, %parallel_loop3A_759], %parallel_loop3A_755 {strides = array<i32>} : memref<2x400x128xf32, #tpu.memory_space<vmem>>, vector<16xf32>,
      %parallel_loop3A_761 = arith.index_cast %parallel_loop3A_720 : i32 to index
      %parallel_loop3A_762 = arith.constant 80 : index
      %parallel_loop3A_763 = tpu.vector_load %arg6[%parallel_loop3A_761, %parallel_loop3A_762] {strides = array<i32>} : memref<5x128xf32, #tpu.memory_space<vmem>>, vector<16xf32>,
      %parallel_loop3A_764 = arith.constant 0 : i32
      %parallel_loop3A_765 = arith.index_cast %parallel_loop3A_764 : i32 to index
      %parallel_loop3A_766 = arith.index_cast %parallel_loop3A_716 : i32 to index
      %parallel_loop3A_767 = arith.constant 80 : index
      %parallel_loop3A_768 = tpu.vector_load %arg7[%parallel_loop3A_765, %parallel_loop3A_766, %parallel_loop3A_767] {strides = array<i32>} : memref<2x400x128xf32, #tpu.memory_space<vmem>>, vector<16xf32>,
      tpu.vector_store %arg7[%parallel_loop3A_765, %parallel_loop3A_766, %parallel_loop3A_767], %parallel_loop3A_763 {strides = array<i32>} : memref<2x400x128xf32, #tpu.memory_space<vmem>>, vector<16xf32>,
      %parallel_loop3A_769 = arith.index_cast %parallel_loop3A_720 : i32 to index
      %parallel_loop3A_770 = arith.constant 96 : index
      %parallel_loop3A_771 = tpu.vector_load %arg6[%parallel_loop3A_769, %parallel_loop3A_770] {strides = array<i32>} : memref<5x128xf32, #tpu.memory_space<vmem>>, vector<16xf32>,
      %parallel_loop3A_772 = arith.constant 0 : i32
      %parallel_loop3A_773 = arith.index_cast %parallel_loop3A_772 : i32 to index
      %parallel_loop3A_774 = arith.index_cast %parallel_loop3A_716 : i32 to index
      %parallel_loop3A_775 = arith.constant 96 : index
      %parallel_loop3A_776 = tpu.vector_load %arg7[%parallel_loop3A_773, %parallel_loop3A_774, %parallel_loop3A_775] {strides = array<i32>} : memref<2x400x128xf32, #tpu.memory_space<vmem>>, vector<16xf32>,
      tpu.vector_store %arg7[%parallel_loop3A_773, %parallel_loop3A_774, %parallel_loop3A_775], %parallel_loop3A_771 {strides = array<i32>} : memref<2x400x128xf32, #tpu.memory_space<vmem>>, vector<16xf32>,
      %parallel_loop3A_777 = arith.index_cast %parallel_loop3A_720 : i32 to index
      %parallel_loop3A_778 = arith.constant 112 : index
      %parallel_loop3A_779 = tpu.vector_load %arg6[%parallel_loop3A_777, %parallel_loop3A_778] {strides = array<i32>} : memref<5x128xf32, #tpu.memory_space<vmem>>, vector<16xf32>,
      %parallel_loop3A_780 = arith.constant 0 : i32
      %parallel_loop3A_781 = arith.index_cast %parallel_loop3A_780 : i32 to index
      %parallel_loop3A_782 = arith.index_cast %parallel_loop3A_716 : i32 to index
      %parallel_loop3A_783 = arith.constant 112 : index
      %parallel_loop3A_784 = tpu.vector_load %arg7[%parallel_loop3A_781, %parallel_loop3A_782, %parallel_loop3A_783] {strides = array<i32>} : memref<2x400x128xf32, #tpu.memory_space<vmem>>, vector<16xf32>,
      tpu.vector_store %arg7[%parallel_loop3A_781, %parallel_loop3A_782, %parallel_loop3A_783], %parallel_loop3A_779 {strides = array<i32>} : memref<2x400x128xf32, #tpu.memory_space<vmem>>, vector<16xf32>,
    } {sc.loop_unroll_factor = 8 : i64, sc.parallel_access}
    %add3A_546 = arith.constant 4800 : i32
    %add3A_547 = arith.addi %mul3A_12, %add3A_546 : i32
    %dma_start3A_548 = arith.constant 0 : i32
    %dma_start3A_549 = arith.constant 0 : i32
    %dma_start3A_550 = arith.constant 0 : i32
    %dma_start3A_551 = tpu.memref_slice %arg7[%dma_start3A_548, %dma_start3A_549, %dma_start3A_550] : memref<2x400x128xf32, #tpu.memory_space<vmem>> -> memref<1x400x128xf32, #tpu.memory_space<vmem>>
    %dma_start3A_552 = tpu.memref_squeeze %dma_start3A_551 : memref<1x400x128xf32, #tpu.memory_space<vmem>> -> memref<400x128xf32, #tpu.memory_space<vmem>>
    %dma_start3A_553 = arith.constant 0 : i32
    %dma_start3A_554 = tpu.memref_slice %arg4[%add3A_547, %dma_start3A_553] : memref<204800x128xf32, #tpu.memory_space<hbm>> -> memref<400x128xf32, #tpu.memory_space<hbm>>
    %dma_start3A_555 = arith.constant 0 : i32
    %dma_start3A_556 = tpu.memref_slice %arg4[%add3A_547, %dma_start3A_555] : memref<204800x128xf32, #tpu.memory_space<hbm>> -> memref<400x128xf32, #tpu.memory_space<hbm>>
    %dma_start3A_557 = arith.constant 0 : i32
    %dma_start3A_558 = arith.constant 0 : i32
    %dma_start3A_559 = tpu.memref_slice %arg7[%dma_start3A_548, %dma_start3A_557, %dma_start3A_558] : memref<2x400x128xf32, #tpu.memory_space<vmem>> -> memref<1x400x128xf32, #tpu.memory_space<vmem>>
    %dma_start3A_560 = tpu.memref_squeeze %dma_start3A_559 : memref<1x400x128xf32, #tpu.memory_space<vmem>> -> memref<400x128xf32, #tpu.memory_space<vmem>>
    tpu.enqueue_dma source(%dma_start3A_560 : memref<400x128xf32, #tpu.memory_space<vmem>>) target(%dma_start3A_556 : memref<400x128xf32, #tpu.memory_space<hbm>>) target_semaphore(%arg12 : memref<!tpu.dma_semaphore, #tpu.memory_space<semaphore_mem>>)
    %dma_wait3A_561 = arith.constant 400 : i32
    %dma_wait3A_562 = tpu.memref_slice %arg8[%dma_wait3A_561] : memref<800xi32, #tpu.memory_space<smem>> -> memref<400xi32, #tpu.memory_space<smem>>
    %dma_wait3A_563 = arith.constant 0 : i32
    %dma_wait3A_564 = tpu.memref_slice %arg5[%dma_wait3A_563] : memref<102400xi32, #tpu.memory_space<vmem_shared>> -> memref<400xi32, #tpu.memory_space<vmem_shared>>
    tpu.wait_dma2 semaphore(%arg11 : memref<!tpu.dma_semaphore, #tpu.memory_space<semaphore_mem>>) src(%dma_wait3A_564 : memref<400xi32, #tpu.memory_space<vmem_shared>>) dst(%dma_wait3A_562 : memref<400xi32, #tpu.memory_space<smem>>)
    %mul3A_565 = arith.constant 6400 : i32
    %mul3A_566 = arith.muli %arg1, %mul3A_565 : i32
    %add3A_567 = arith.constant 5600 : i32
    %add3A_568 = arith.addi %mul3A_566, %add3A_567 : i32
    %dma_start3A_569 = arith.constant 0 : i32
    %dma_start3A_570 = tpu.memref_slice %arg8[%dma_start3A_569] : memref<800xi32, #tpu.memory_space<smem>> -> memref<400xi32, #tpu.memory_space<smem>>
    %dma_start3A_571 = tpu.memref_slice %arg5[%add3A_568] : memref<102400xi32, #tpu.memory_space<vmem_shared>> -> memref<400xi32, #tpu.memory_space<vmem_shared>>
    tpu.enqueue_dma source(%dma_start3A_571 : memref<400xi32, #tpu.memory_space<vmem_shared>>) target(%dma_start3A_570 : memref<400xi32, #tpu.memory_space<smem>>) target_semaphore(%arg10 : memref<!tpu.dma_semaphore, #tpu.memory_space<semaphore_mem>>)
    %dma_wait3A_572 = arith.constant 1 : i32
    %dma_wait3A_573 = arith.constant 0 : i32
    %dma_wait3A_574 = arith.constant 0 : i32
    %dma_wait3A_575 = tpu.memref_slice %arg7[%dma_wait3A_572, %dma_wait3A_573, %dma_wait3A_574] : memref<2x400x128xf32, #tpu.memory_space<vmem>> -> memref<1x400x128xf32, #tpu.memory_space<vmem>>
    %dma_wait3A_576 = tpu.memref_squeeze %dma_wait3A_575 : memref<1x400x128xf32, #tpu.memory_space<vmem>> -> memref<400x128xf32, #tpu.memory_space<vmem>>
    %dma_wait3A_577 = arith.constant 0 : i32
    %dma_wait3A_578 = arith.constant 0 : i32
    %dma_wait3A_579 = tpu.memref_slice %arg4[%dma_wait3A_577, %dma_wait3A_578] : memref<204800x128xf32, #tpu.memory_space<hbm>> -> memref<400x128xf32, #tpu.memory_space<hbm>>
    %dma_wait3A_580 = arith.constant 0 : i32
    %dma_wait3A_581 = arith.constant 0 : i32
    %dma_wait3A_582 = tpu.memref_slice %arg4[%dma_wait3A_580, %dma_wait3A_581] : memref<204800x128xf32, #tpu.memory_space<hbm>> -> memref<400x128xf32, #tpu.memory_space<hbm>>
    %dma_wait3A_583 = arith.constant 0 : i32
    %dma_wait3A_584 = arith.constant 0 : i32
    %dma_wait3A_585 = tpu.memref_slice %arg7[%dma_wait3A_572, %dma_wait3A_583, %dma_wait3A_584] : memref<2x400x128xf32, #tpu.memory_space<vmem>> -> memref<1x400x128xf32, #tpu.memory_space<vmem>>
    %dma_wait3A_586 = tpu.memref_squeeze %dma_wait3A_585 : memref<1x400x128xf32, #tpu.memory_space<vmem>> -> memref<400x128xf32, #tpu.memory_space<vmem>>
    tpu.wait_dma2 semaphore(%arg13 : memref<!tpu.dma_semaphore, #tpu.memory_space<semaphore_mem>>) src(%dma_wait3A_586 : memref<400x128xf32, #tpu.memory_space<vmem>>) dst(%dma_wait3A_582 : memref<400x128xf32, #tpu.memory_space<hbm>>)
    %parallel_loop3A_587 = arith.constant 0 : i32
    %parallel_loop3A_588 = arith.constant 400 : i32
    %parallel_loop3A_589 = arith.constant 1 : i32
    scf.for %parallel_loop3A_716 = %parallel_loop3A_587 to %parallel_loop3A_588 step %parallel_loop3A_589  : i32 {
      %parallel_loop3A_717 = arith.constant 400 : i32
      %parallel_loop3A_718 = arith.addi %parallel_loop3A_717, %parallel_loop3A_716 : i32
      %parallel_loop3A_719 = arith.index_cast %parallel_loop3A_718 : i32 to index
      %parallel_loop3A_720 = memref.load %arg8[%parallel_loop3A_719] : memref<800xi32, #tpu.memory_space<smem>>
      %parallel_loop3A_721 = arith.index_cast %parallel_loop3A_720 : i32 to index
      %parallel_loop3A_722 = arith.constant 0 : index
      %parallel_loop3A_723 = tpu.vector_load %arg6[%parallel_loop3A_721, %parallel_loop3A_722] {strides = array<i32>} : memref<5x128xf32, #tpu.memory_space<vmem>>, vector<16xf32>,
      %parallel_loop3A_724 = arith.constant 1 : i32
      %parallel_loop3A_725 = arith.index_cast %parallel_loop3A_724 : i32 to index
      %parallel_loop3A_726 = arith.index_cast %parallel_loop3A_716 : i32 to index
      %parallel_loop3A_727 = arith.constant 0 : index
      %parallel_loop3A_728 = tpu.vector_load %arg7[%parallel_loop3A_725, %parallel_loop3A_726, %parallel_loop3A_727] {strides = array<i32>} : memref<2x400x128xf32, #tpu.memory_space<vmem>>, vector<16xf32>,
      tpu.vector_store %arg7[%parallel_loop3A_725, %parallel_loop3A_726, %parallel_loop3A_727], %parallel_loop3A_723 {strides = array<i32>} : memref<2x400x128xf32, #tpu.memory_space<vmem>>, vector<16xf32>,
      %parallel_loop3A_729 = arith.index_cast %parallel_loop3A_720 : i32 to index
      %parallel_loop3A_730 = arith.constant 16 : index
      %parallel_loop3A_731 = tpu.vector_load %arg6[%parallel_loop3A_729, %parallel_loop3A_730] {strides = array<i32>} : memref<5x128xf32, #tpu.memory_space<vmem>>, vector<16xf32>,
      %parallel_loop3A_732 = arith.constant 1 : i32
      %parallel_loop3A_733 = arith.index_cast %parallel_loop3A_732 : i32 to index
      %parallel_loop3A_734 = arith.index_cast %parallel_loop3A_716 : i32 to index
      %parallel_loop3A_735 = arith.constant 16 : index
      %parallel_loop3A_736 = tpu.vector_load %arg7[%parallel_loop3A_733, %parallel_loop3A_734, %parallel_loop3A_735] {strides = array<i32>} : memref<2x400x128xf32, #tpu.memory_space<vmem>>, vector<16xf32>,
      tpu.vector_store %arg7[%parallel_loop3A_733, %parallel_loop3A_734, %parallel_loop3A_735], %parallel_loop3A_731 {strides = array<i32>} : memref<2x400x128xf32, #tpu.memory_space<vmem>>, vector<16xf32>,
      %parallel_loop3A_737 = arith.index_cast %parallel_loop3A_720 : i32 to index
      %parallel_loop3A_738 = arith.constant 32 : index
      %parallel_loop3A_739 = tpu.vector_load %arg6[%parallel_loop3A_737, %parallel_loop3A_738] {strides = array<i32>} : memref<5x128xf32, #tpu.memory_space<vmem>>, vector<16xf32>,
      %parallel_loop3A_740 = arith.constant 1 : i32
      %parallel_loop3A_741 = arith.index_cast %parallel_loop3A_740 : i32 to index
      %parallel_loop3A_742 = arith.index_cast %parallel_loop3A_716 : i32 to index
      %parallel_loop3A_743 = arith.constant 32 : index
      %parallel_loop3A_744 = tpu.vector_load %arg7[%parallel_loop3A_741, %parallel_loop3A_742, %parallel_loop3A_743] {strides = array<i32>} : memref<2x400x128xf32, #tpu.memory_space<vmem>>, vector<16xf32>,
      tpu.vector_store %arg7[%parallel_loop3A_741, %parallel_loop3A_742, %parallel_loop3A_743], %parallel_loop3A_739 {strides = array<i32>} : memref<2x400x128xf32, #tpu.memory_space<vmem>>, vector<16xf32>,
      %parallel_loop3A_745 = arith.index_cast %parallel_loop3A_720 : i32 to index
      %parallel_loop3A_746 = arith.constant 48 : index
      %parallel_loop3A_747 = tpu.vector_load %arg6[%parallel_loop3A_745, %parallel_loop3A_746] {strides = array<i32>} : memref<5x128xf32, #tpu.memory_space<vmem>>, vector<16xf32>,
      %parallel_loop3A_748 = arith.constant 1 : i32
      %parallel_loop3A_749 = arith.index_cast %parallel_loop3A_748 : i32 to index
      %parallel_loop3A_750 = arith.index_cast %parallel_loop3A_716 : i32 to index
      %parallel_loop3A_751 = arith.constant 48 : index
      %parallel_loop3A_752 = tpu.vector_load %arg7[%parallel_loop3A_749, %parallel_loop3A_750, %parallel_loop3A_751] {strides = array<i32>} : memref<2x400x128xf32, #tpu.memory_space<vmem>>, vector<16xf32>,
      tpu.vector_store %arg7[%parallel_loop3A_749, %parallel_loop3A_750, %parallel_loop3A_751], %parallel_loop3A_747 {strides = array<i32>} : memref<2x400x128xf32, #tpu.memory_space<vmem>>, vector<16xf32>,
      %parallel_loop3A_753 = arith.index_cast %parallel_loop3A_720 : i32 to index
      %parallel_loop3A_754 = arith.constant 64 : index
      %parallel_loop3A_755 = tpu.vector_load %arg6[%parallel_loop3A_753, %parallel_loop3A_754] {strides = array<i32>} : memref<5x128xf32, #tpu.memory_space<vmem>>, vector<16xf32>,
      %parallel_loop3A_756 = arith.constant 1 : i32
      %parallel_loop3A_757 = arith.index_cast %parallel_loop3A_756 : i32 to index
      %parallel_loop3A_758 = arith.index_cast %parallel_loop3A_716 : i32 to index
      %parallel_loop3A_759 = arith.constant 64 : index
      %parallel_loop3A_760 = tpu.vector_load %arg7[%parallel_loop3A_757, %parallel_loop3A_758, %parallel_loop3A_759] {strides = array<i32>} : memref<2x400x128xf32, #tpu.memory_space<vmem>>, vector<16xf32>,
      tpu.vector_store %arg7[%parallel_loop3A_757, %parallel_loop3A_758, %parallel_loop3A_759], %parallel_loop3A_755 {strides = array<i32>} : memref<2x400x128xf32, #tpu.memory_space<vmem>>, vector<16xf32>,
      %parallel_loop3A_761 = arith.index_cast %parallel_loop3A_720 : i32 to index
      %parallel_loop3A_762 = arith.constant 80 : index
      %parallel_loop3A_763 = tpu.vector_load %arg6[%parallel_loop3A_761, %parallel_loop3A_762] {strides = array<i32>} : memref<5x128xf32, #tpu.memory_space<vmem>>, vector<16xf32>,
      %parallel_loop3A_764 = arith.constant 1 : i32
      %parallel_loop3A_765 = arith.index_cast %parallel_loop3A_764 : i32 to index
      %parallel_loop3A_766 = arith.index_cast %parallel_loop3A_716 : i32 to index
      %parallel_loop3A_767 = arith.constant 80 : index
      %parallel_loop3A_768 = tpu.vector_load %arg7[%parallel_loop3A_765, %parallel_loop3A_766, %parallel_loop3A_767] {strides = array<i32>} : memref<2x400x128xf32, #tpu.memory_space<vmem>>, vector<16xf32>,
      tpu.vector_store %arg7[%parallel_loop3A_765, %parallel_loop3A_766, %parallel_loop3A_767], %parallel_loop3A_763 {strides = array<i32>} : memref<2x400x128xf32, #tpu.memory_space<vmem>>, vector<16xf32>,
      %parallel_loop3A_769 = arith.index_cast %parallel_loop3A_720 : i32 to index
      %parallel_loop3A_770 = arith.constant 96 : index
      %parallel_loop3A_771 = tpu.vector_load %arg6[%parallel_loop3A_769, %parallel_loop3A_770] {strides = array<i32>} : memref<5x128xf32, #tpu.memory_space<vmem>>, vector<16xf32>,
      %parallel_loop3A_772 = arith.constant 1 : i32
      %parallel_loop3A_773 = arith.index_cast %parallel_loop3A_772 : i32 to index
      %parallel_loop3A_774 = arith.index_cast %parallel_loop3A_716 : i32 to index
      %parallel_loop3A_775 = arith.constant 96 : index
      %parallel_loop3A_776 = tpu.vector_load %arg7[%parallel_loop3A_773, %parallel_loop3A_774, %parallel_loop3A_775] {strides = array<i32>} : memref<2x400x128xf32, #tpu.memory_space<vmem>>, vector<16xf32>,
      tpu.vector_store %arg7[%parallel_loop3A_773, %parallel_loop3A_774, %parallel_loop3A_775], %parallel_loop3A_771 {strides = array<i32>} : memref<2x400x128xf32, #tpu.memory_space<vmem>>, vector<16xf32>,
      %parallel_loop3A_777 = arith.index_cast %parallel_loop3A_720 : i32 to index
      %parallel_loop3A_778 = arith.constant 112 : index
      %parallel_loop3A_779 = tpu.vector_load %arg6[%parallel_loop3A_777, %parallel_loop3A_778] {strides = array<i32>} : memref<5x128xf32, #tpu.memory_space<vmem>>, vector<16xf32>,
      %parallel_loop3A_780 = arith.constant 1 : i32
      %parallel_loop3A_781 = arith.index_cast %parallel_loop3A_780 : i32 to index
      %parallel_loop3A_782 = arith.index_cast %parallel_loop3A_716 : i32 to index
      %parallel_loop3A_783 = arith.constant 112 : index
      %parallel_loop3A_784 = tpu.vector_load %arg7[%parallel_loop3A_781, %parallel_loop3A_782, %parallel_loop3A_783] {strides = array<i32>} : memref<2x400x128xf32, #tpu.memory_space<vmem>>, vector<16xf32>,
      tpu.vector_store %arg7[%parallel_loop3A_781, %parallel_loop3A_782, %parallel_loop3A_783], %parallel_loop3A_779 {strides = array<i32>} : memref<2x400x128xf32, #tpu.memory_space<vmem>>, vector<16xf32>,
    } {sc.loop_unroll_factor = 8 : i64, sc.parallel_access}
    %add3A_590 = arith.constant 5200 : i32
    %add3A_591 = arith.addi %mul3A_12, %add3A_590 : i32
    %dma_start3A_592 = arith.constant 1 : i32
    %dma_start3A_593 = arith.constant 0 : i32
    %dma_start3A_594 = arith.constant 0 : i32
    %dma_start3A_595 = tpu.memref_slice %arg7[%dma_start3A_592, %dma_start3A_593, %dma_start3A_594] : memref<2x400x128xf32, #tpu.memory_space<vmem>> -> memref<1x400x128xf32, #tpu.memory_space<vmem>>
    %dma_start3A_596 = tpu.memref_squeeze %dma_start3A_595 : memref<1x400x128xf32, #tpu.memory_space<vmem>> -> memref<400x128xf32, #tpu.memory_space<vmem>>
    %dma_start3A_597 = arith.constant 0 : i32
    %dma_start3A_598 = tpu.memref_slice %arg4[%add3A_591, %dma_start3A_597] : memref<204800x128xf32, #tpu.memory_space<hbm>> -> memref<400x128xf32, #tpu.memory_space<hbm>>
    %dma_start3A_599 = arith.constant 0 : i32
    %dma_start3A_600 = tpu.memref_slice %arg4[%add3A_591, %dma_start3A_599] : memref<204800x128xf32, #tpu.memory_space<hbm>> -> memref<400x128xf32, #tpu.memory_space<hbm>>
    %dma_start3A_601 = arith.constant 0 : i32
    %dma_start3A_602 = arith.constant 0 : i32
    %dma_start3A_603 = tpu.memref_slice %arg7[%dma_start3A_592, %dma_start3A_601, %dma_start3A_602] : memref<2x400x128xf32, #tpu.memory_space<vmem>> -> memref<1x400x128xf32, #tpu.memory_space<vmem>>
    %dma_start3A_604 = tpu.memref_squeeze %dma_start3A_603 : memref<1x400x128xf32, #tpu.memory_space<vmem>> -> memref<400x128xf32, #tpu.memory_space<vmem>>
    tpu.enqueue_dma source(%dma_start3A_604 : memref<400x128xf32, #tpu.memory_space<vmem>>) target(%dma_start3A_600 : memref<400x128xf32, #tpu.memory_space<hbm>>) target_semaphore(%arg13 : memref<!tpu.dma_semaphore, #tpu.memory_space<semaphore_mem>>)
    %dma_wait3A_605 = arith.constant 0 : i32
    %dma_wait3A_606 = tpu.memref_slice %arg8[%dma_wait3A_605] : memref<800xi32, #tpu.memory_space<smem>> -> memref<400xi32, #tpu.memory_space<smem>>
    %dma_wait3A_607 = arith.constant 0 : i32
    %dma_wait3A_608 = tpu.memref_slice %arg5[%dma_wait3A_607] : memref<102400xi32, #tpu.memory_space<vmem_shared>> -> memref<400xi32, #tpu.memory_space<vmem_shared>>
    tpu.wait_dma2 semaphore(%arg10 : memref<!tpu.dma_semaphore, #tpu.memory_space<semaphore_mem>>) src(%dma_wait3A_608 : memref<400xi32, #tpu.memory_space<vmem_shared>>) dst(%dma_wait3A_606 : memref<400xi32, #tpu.memory_space<smem>>)
    %mul3A_609 = arith.constant 6400 : i32
    %mul3A_610 = arith.muli %arg1, %mul3A_609 : i32
    %add3A_611 = arith.constant 6000 : i32
    %add3A_612 = arith.addi %mul3A_610, %add3A_611 : i32
    %dma_start3A_613 = arith.constant 400 : i32
    %dma_start3A_614 = tpu.memref_slice %arg8[%dma_start3A_613] : memref<800xi32, #tpu.memory_space<smem>> -> memref<400xi32, #tpu.memory_space<smem>>
    %dma_start3A_615 = tpu.memref_slice %arg5[%add3A_612] : memref<102400xi32, #tpu.memory_space<vmem_shared>> -> memref<400xi32, #tpu.memory_space<vmem_shared>>
    tpu.enqueue_dma source(%dma_start3A_615 : memref<400xi32, #tpu.memory_space<vmem_shared>>) target(%dma_start3A_614 : memref<400xi32, #tpu.memory_space<smem>>) target_semaphore(%arg11 : memref<!tpu.dma_semaphore, #tpu.memory_space<semaphore_mem>>)
    %dma_wait3A_616 = arith.constant 0 : i32
    %dma_wait3A_617 = arith.constant 0 : i32
    %dma_wait3A_618 = arith.constant 0 : i32
    %dma_wait3A_619 = tpu.memref_slice %arg7[%dma_wait3A_616, %dma_wait3A_617, %dma_wait3A_618] : memref<2x400x128xf32, #tpu.memory_space<vmem>> -> memref<1x400x128xf32, #tpu.memory_space<vmem>>
    %dma_wait3A_620 = tpu.memref_squeeze %dma_wait3A_619 : memref<1x400x128xf32, #tpu.memory_space<vmem>> -> memref<400x128xf32, #tpu.memory_space<vmem>>
    %dma_wait3A_621 = arith.constant 0 : i32
    %dma_wait3A_622 = arith.constant 0 : i32
    %dma_wait3A_623 = tpu.memref_slice %arg4[%dma_wait3A_621, %dma_wait3A_622] : memref<204800x128xf32, #tpu.memory_space<hbm>> -> memref<400x128xf32, #tpu.memory_space<hbm>>
    %dma_wait3A_624 = arith.constant 0 : i32
    %dma_wait3A_625 = arith.constant 0 : i32
    %dma_wait3A_626 = tpu.memref_slice %arg4[%dma_wait3A_624, %dma_wait3A_625] : memref<204800x128xf32, #tpu.memory_space<hbm>> -> memref<400x128xf32, #tpu.memory_space<hbm>>
    %dma_wait3A_627 = arith.constant 0 : i32
    %dma_wait3A_628 = arith.constant 0 : i32
    %dma_wait3A_629 = tpu.memref_slice %arg7[%dma_wait3A_616, %dma_wait3A_627, %dma_wait3A_628] : memref<2x400x128xf32, #tpu.memory_space<vmem>> -> memref<1x400x128xf32, #tpu.memory_space<vmem>>
    %dma_wait3A_630 = tpu.memref_squeeze %dma_wait3A_629 : memref<1x400x128xf32, #tpu.memory_space<vmem>> -> memref<400x128xf32, #tpu.memory_space<vmem>>
    tpu.wait_dma2 semaphore(%arg12 : memref<!tpu.dma_semaphore, #tpu.memory_space<semaphore_mem>>) src(%dma_wait3A_630 : memref<400x128xf32, #tpu.memory_space<vmem>>) dst(%dma_wait3A_626 : memref<400x128xf32, #tpu.memory_space<hbm>>)
    %parallel_loop3A_631 = arith.constant 0 : i32
    %parallel_loop3A_632 = arith.constant 400 : i32
    %parallel_loop3A_633 = arith.constant 1 : i32
    scf.for %parallel_loop3A_716 = %parallel_loop3A_631 to %parallel_loop3A_632 step %parallel_loop3A_633  : i32 {
      %parallel_loop3A_717 = arith.constant 0 : i32
      %parallel_loop3A_718 = arith.addi %parallel_loop3A_717, %parallel_loop3A_716 : i32
      %parallel_loop3A_719 = arith.index_cast %parallel_loop3A_718 : i32 to index
      %parallel_loop3A_720 = memref.load %arg8[%parallel_loop3A_719] : memref<800xi32, #tpu.memory_space<smem>>
      %parallel_loop3A_721 = arith.index_cast %parallel_loop3A_720 : i32 to index
      %parallel_loop3A_722 = arith.constant 0 : index
      %parallel_loop3A_723 = tpu.vector_load %arg6[%parallel_loop3A_721, %parallel_loop3A_722] {strides = array<i32>} : memref<5x128xf32, #tpu.memory_space<vmem>>, vector<16xf32>,
      %parallel_loop3A_724 = arith.constant 0 : i32
      %parallel_loop3A_725 = arith.index_cast %parallel_loop3A_724 : i32 to index
      %parallel_loop3A_726 = arith.index_cast %parallel_loop3A_716 : i32 to index
      %parallel_loop3A_727 = arith.constant 0 : index
      %parallel_loop3A_728 = tpu.vector_load %arg7[%parallel_loop3A_725, %parallel_loop3A_726, %parallel_loop3A_727] {strides = array<i32>} : memref<2x400x128xf32, #tpu.memory_space<vmem>>, vector<16xf32>,
      tpu.vector_store %arg7[%parallel_loop3A_725, %parallel_loop3A_726, %parallel_loop3A_727], %parallel_loop3A_723 {strides = array<i32>} : memref<2x400x128xf32, #tpu.memory_space<vmem>>, vector<16xf32>,
      %parallel_loop3A_729 = arith.index_cast %parallel_loop3A_720 : i32 to index
      %parallel_loop3A_730 = arith.constant 16 : index
      %parallel_loop3A_731 = tpu.vector_load %arg6[%parallel_loop3A_729, %parallel_loop3A_730] {strides = array<i32>} : memref<5x128xf32, #tpu.memory_space<vmem>>, vector<16xf32>,
      %parallel_loop3A_732 = arith.constant 0 : i32
      %parallel_loop3A_733 = arith.index_cast %parallel_loop3A_732 : i32 to index
      %parallel_loop3A_734 = arith.index_cast %parallel_loop3A_716 : i32 to index
      %parallel_loop3A_735 = arith.constant 16 : index
      %parallel_loop3A_736 = tpu.vector_load %arg7[%parallel_loop3A_733, %parallel_loop3A_734, %parallel_loop3A_735] {strides = array<i32>} : memref<2x400x128xf32, #tpu.memory_space<vmem>>, vector<16xf32>,
      tpu.vector_store %arg7[%parallel_loop3A_733, %parallel_loop3A_734, %parallel_loop3A_735], %parallel_loop3A_731 {strides = array<i32>} : memref<2x400x128xf32, #tpu.memory_space<vmem>>, vector<16xf32>,
      %parallel_loop3A_737 = arith.index_cast %parallel_loop3A_720 : i32 to index
      %parallel_loop3A_738 = arith.constant 32 : index
      %parallel_loop3A_739 = tpu.vector_load %arg6[%parallel_loop3A_737, %parallel_loop3A_738] {strides = array<i32>} : memref<5x128xf32, #tpu.memory_space<vmem>>, vector<16xf32>,
      %parallel_loop3A_740 = arith.constant 0 : i32
      %parallel_loop3A_741 = arith.index_cast %parallel_loop3A_740 : i32 to index
      %parallel_loop3A_742 = arith.index_cast %parallel_loop3A_716 : i32 to index
      %parallel_loop3A_743 = arith.constant 32 : index
      %parallel_loop3A_744 = tpu.vector_load %arg7[%parallel_loop3A_741, %parallel_loop3A_742, %parallel_loop3A_743] {strides = array<i32>} : memref<2x400x128xf32, #tpu.memory_space<vmem>>, vector<16xf32>,
      tpu.vector_store %arg7[%parallel_loop3A_741, %parallel_loop3A_742, %parallel_loop3A_743], %parallel_loop3A_739 {strides = array<i32>} : memref<2x400x128xf32, #tpu.memory_space<vmem>>, vector<16xf32>,
      %parallel_loop3A_745 = arith.index_cast %parallel_loop3A_720 : i32 to index
      %parallel_loop3A_746 = arith.constant 48 : index
      %parallel_loop3A_747 = tpu.vector_load %arg6[%parallel_loop3A_745, %parallel_loop3A_746] {strides = array<i32>} : memref<5x128xf32, #tpu.memory_space<vmem>>, vector<16xf32>,
      %parallel_loop3A_748 = arith.constant 0 : i32
      %parallel_loop3A_749 = arith.index_cast %parallel_loop3A_748 : i32 to index
      %parallel_loop3A_750 = arith.index_cast %parallel_loop3A_716 : i32 to index
      %parallel_loop3A_751 = arith.constant 48 : index
      %parallel_loop3A_752 = tpu.vector_load %arg7[%parallel_loop3A_749, %parallel_loop3A_750, %parallel_loop3A_751] {strides = array<i32>} : memref<2x400x128xf32, #tpu.memory_space<vmem>>, vector<16xf32>,
      tpu.vector_store %arg7[%parallel_loop3A_749, %parallel_loop3A_750, %parallel_loop3A_751], %parallel_loop3A_747 {strides = array<i32>} : memref<2x400x128xf32, #tpu.memory_space<vmem>>, vector<16xf32>,
      %parallel_loop3A_753 = arith.index_cast %parallel_loop3A_720 : i32 to index
      %parallel_loop3A_754 = arith.constant 64 : index
      %parallel_loop3A_755 = tpu.vector_load %arg6[%parallel_loop3A_753, %parallel_loop3A_754] {strides = array<i32>} : memref<5x128xf32, #tpu.memory_space<vmem>>, vector<16xf32>,
      %parallel_loop3A_756 = arith.constant 0 : i32
      %parallel_loop3A_757 = arith.index_cast %parallel_loop3A_756 : i32 to index
      %parallel_loop3A_758 = arith.index_cast %parallel_loop3A_716 : i32 to index
      %parallel_loop3A_759 = arith.constant 64 : index
      %parallel_loop3A_760 = tpu.vector_load %arg7[%parallel_loop3A_757, %parallel_loop3A_758, %parallel_loop3A_759] {strides = array<i32>} : memref<2x400x128xf32, #tpu.memory_space<vmem>>, vector<16xf32>,
      tpu.vector_store %arg7[%parallel_loop3A_757, %parallel_loop3A_758, %parallel_loop3A_759], %parallel_loop3A_755 {strides = array<i32>} : memref<2x400x128xf32, #tpu.memory_space<vmem>>, vector<16xf32>,
      %parallel_loop3A_761 = arith.index_cast %parallel_loop3A_720 : i32 to index
      %parallel_loop3A_762 = arith.constant 80 : index
      %parallel_loop3A_763 = tpu.vector_load %arg6[%parallel_loop3A_761, %parallel_loop3A_762] {strides = array<i32>} : memref<5x128xf32, #tpu.memory_space<vmem>>, vector<16xf32>,
      %parallel_loop3A_764 = arith.constant 0 : i32
      %parallel_loop3A_765 = arith.index_cast %parallel_loop3A_764 : i32 to index
      %parallel_loop3A_766 = arith.index_cast %parallel_loop3A_716 : i32 to index
      %parallel_loop3A_767 = arith.constant 80 : index
      %parallel_loop3A_768 = tpu.vector_load %arg7[%parallel_loop3A_765, %parallel_loop3A_766, %parallel_loop3A_767] {strides = array<i32>} : memref<2x400x128xf32, #tpu.memory_space<vmem>>, vector<16xf32>,
      tpu.vector_store %arg7[%parallel_loop3A_765, %parallel_loop3A_766, %parallel_loop3A_767], %parallel_loop3A_763 {strides = array<i32>} : memref<2x400x128xf32, #tpu.memory_space<vmem>>, vector<16xf32>,
      %parallel_loop3A_769 = arith.index_cast %parallel_loop3A_720 : i32 to index
      %parallel_loop3A_770 = arith.constant 96 : index
      %parallel_loop3A_771 = tpu.vector_load %arg6[%parallel_loop3A_769, %parallel_loop3A_770] {strides = array<i32>} : memref<5x128xf32, #tpu.memory_space<vmem>>, vector<16xf32>,
      %parallel_loop3A_772 = arith.constant 0 : i32
      %parallel_loop3A_773 = arith.index_cast %parallel_loop3A_772 : i32 to index
      %parallel_loop3A_774 = arith.index_cast %parallel_loop3A_716 : i32 to index
      %parallel_loop3A_775 = arith.constant 96 : index
      %parallel_loop3A_776 = tpu.vector_load %arg7[%parallel_loop3A_773, %parallel_loop3A_774, %parallel_loop3A_775] {strides = array<i32>} : memref<2x400x128xf32, #tpu.memory_space<vmem>>, vector<16xf32>,
      tpu.vector_store %arg7[%parallel_loop3A_773, %parallel_loop3A_774, %parallel_loop3A_775], %parallel_loop3A_771 {strides = array<i32>} : memref<2x400x128xf32, #tpu.memory_space<vmem>>, vector<16xf32>,
      %parallel_loop3A_777 = arith.index_cast %parallel_loop3A_720 : i32 to index
      %parallel_loop3A_778 = arith.constant 112 : index
      %parallel_loop3A_779 = tpu.vector_load %arg6[%parallel_loop3A_777, %parallel_loop3A_778] {strides = array<i32>} : memref<5x128xf32, #tpu.memory_space<vmem>>, vector<16xf32>,
      %parallel_loop3A_780 = arith.constant 0 : i32
      %parallel_loop3A_781 = arith.index_cast %parallel_loop3A_780 : i32 to index
      %parallel_loop3A_782 = arith.index_cast %parallel_loop3A_716 : i32 to index
      %parallel_loop3A_783 = arith.constant 112 : index
      %parallel_loop3A_784 = tpu.vector_load %arg7[%parallel_loop3A_781, %parallel_loop3A_782, %parallel_loop3A_783] {strides = array<i32>} : memref<2x400x128xf32, #tpu.memory_space<vmem>>, vector<16xf32>,
      tpu.vector_store %arg7[%parallel_loop3A_781, %parallel_loop3A_782, %parallel_loop3A_783], %parallel_loop3A_779 {strides = array<i32>} : memref<2x400x128xf32, #tpu.memory_space<vmem>>, vector<16xf32>,
    } {sc.loop_unroll_factor = 8 : i64, sc.parallel_access}
    %add3A_634 = arith.constant 5600 : i32
    %add3A_635 = arith.addi %mul3A_12, %add3A_634 : i32
    %dma_start3A_636 = arith.constant 0 : i32
    %dma_start3A_637 = arith.constant 0 : i32
    %dma_start3A_638 = arith.constant 0 : i32
    %dma_start3A_639 = tpu.memref_slice %arg7[%dma_start3A_636, %dma_start3A_637, %dma_start3A_638] : memref<2x400x128xf32, #tpu.memory_space<vmem>> -> memref<1x400x128xf32, #tpu.memory_space<vmem>>
    %dma_start3A_640 = tpu.memref_squeeze %dma_start3A_639 : memref<1x400x128xf32, #tpu.memory_space<vmem>> -> memref<400x128xf32, #tpu.memory_space<vmem>>
    %dma_start3A_641 = arith.constant 0 : i32
    %dma_start3A_642 = tpu.memref_slice %arg4[%add3A_635, %dma_start3A_641] : memref<204800x128xf32, #tpu.memory_space<hbm>> -> memref<400x128xf32, #tpu.memory_space<hbm>>
    %dma_start3A_643 = arith.constant 0 : i32
    %dma_start3A_644 = tpu.memref_slice %arg4[%add3A_635, %dma_start3A_643] : memref<204800x128xf32, #tpu.memory_space<hbm>> -> memref<400x128xf32, #tpu.memory_space<hbm>>
    %dma_start3A_645 = arith.constant 0 : i32
    %dma_start3A_646 = arith.constant 0 : i32
    %dma_start3A_647 = tpu.memref_slice %arg7[%dma_start3A_636, %dma_start3A_645, %dma_start3A_646] : memref<2x400x128xf32, #tpu.memory_space<vmem>> -> memref<1x400x128xf32, #tpu.memory_space<vmem>>
    %dma_start3A_648 = tpu.memref_squeeze %dma_start3A_647 : memref<1x400x128xf32, #tpu.memory_space<vmem>> -> memref<400x128xf32, #tpu.memory_space<vmem>>
    tpu.enqueue_dma source(%dma_start3A_648 : memref<400x128xf32, #tpu.memory_space<vmem>>) target(%dma_start3A_644 : memref<400x128xf32, #tpu.memory_space<hbm>>) target_semaphore(%arg12 : memref<!tpu.dma_semaphore, #tpu.memory_space<semaphore_mem>>)
    %dma_wait3A_649 = arith.constant 400 : i32
    %dma_wait3A_650 = tpu.memref_slice %arg8[%dma_wait3A_649] : memref<800xi32, #tpu.memory_space<smem>> -> memref<400xi32, #tpu.memory_space<smem>>
    %dma_wait3A_651 = arith.constant 0 : i32
    %dma_wait3A_652 = tpu.memref_slice %arg5[%dma_wait3A_651] : memref<102400xi32, #tpu.memory_space<vmem_shared>> -> memref<400xi32, #tpu.memory_space<vmem_shared>>
    tpu.wait_dma2 semaphore(%arg11 : memref<!tpu.dma_semaphore, #tpu.memory_space<semaphore_mem>>) src(%dma_wait3A_652 : memref<400xi32, #tpu.memory_space<vmem_shared>>) dst(%dma_wait3A_650 : memref<400xi32, #tpu.memory_space<smem>>)
    %dma_wait3A_653 = arith.constant 1 : i32
    %dma_wait3A_654 = arith.constant 0 : i32
    %dma_wait3A_655 = arith.constant 0 : i32
    %dma_wait3A_656 = tpu.memref_slice %arg7[%dma_wait3A_653, %dma_wait3A_654, %dma_wait3A_655] : memref<2x400x128xf32, #tpu.memory_space<vmem>> -> memref<1x400x128xf32, #tpu.memory_space<vmem>>
    %dma_wait3A_657 = tpu.memref_squeeze %dma_wait3A_656 : memref<1x400x128xf32, #tpu.memory_space<vmem>> -> memref<400x128xf32, #tpu.memory_space<vmem>>
    %dma_wait3A_658 = arith.constant 0 : i32
    %dma_wait3A_659 = arith.constant 0 : i32
    %dma_wait3A_660 = tpu.memref_slice %arg4[%dma_wait3A_658, %dma_wait3A_659] : memref<204800x128xf32, #tpu.memory_space<hbm>> -> memref<400x128xf32, #tpu.memory_space<hbm>>
    %dma_wait3A_661 = arith.constant 0 : i32
    %dma_wait3A_662 = arith.constant 0 : i32
    %dma_wait3A_663 = tpu.memref_slice %arg4[%dma_wait3A_661, %dma_wait3A_662] : memref<204800x128xf32, #tpu.memory_space<hbm>> -> memref<400x128xf32, #tpu.memory_space<hbm>>
    %dma_wait3A_664 = arith.constant 0 : i32
    %dma_wait3A_665 = arith.constant 0 : i32
    %dma_wait3A_666 = tpu.memref_slice %arg7[%dma_wait3A_653, %dma_wait3A_664, %dma_wait3A_665] : memref<2x400x128xf32, #tpu.memory_space<vmem>> -> memref<1x400x128xf32, #tpu.memory_space<vmem>>
    %dma_wait3A_667 = tpu.memref_squeeze %dma_wait3A_666 : memref<1x400x128xf32, #tpu.memory_space<vmem>> -> memref<400x128xf32, #tpu.memory_space<vmem>>
    tpu.wait_dma2 semaphore(%arg13 : memref<!tpu.dma_semaphore, #tpu.memory_space<semaphore_mem>>) src(%dma_wait3A_667 : memref<400x128xf32, #tpu.memory_space<vmem>>) dst(%dma_wait3A_663 : memref<400x128xf32, #tpu.memory_space<hbm>>)
    %parallel_loop3A_668 = arith.constant 0 : i32
    %parallel_loop3A_669 = arith.constant 400 : i32
    %parallel_loop3A_670 = arith.constant 1 : i32
    scf.for %parallel_loop3A_716 = %parallel_loop3A_668 to %parallel_loop3A_669 step %parallel_loop3A_670  : i32 {
      %parallel_loop3A_717 = arith.constant 400 : i32
      %parallel_loop3A_718 = arith.addi %parallel_loop3A_717, %parallel_loop3A_716 : i32
      %parallel_loop3A_719 = arith.index_cast %parallel_loop3A_718 : i32 to index
      %parallel_loop3A_720 = memref.load %arg8[%parallel_loop3A_719] : memref<800xi32, #tpu.memory_space<smem>>
      %parallel_loop3A_721 = arith.index_cast %parallel_loop3A_720 : i32 to index
      %parallel_loop3A_722 = arith.constant 0 : index
      %parallel_loop3A_723 = tpu.vector_load %arg6[%parallel_loop3A_721, %parallel_loop3A_722] {strides = array<i32>} : memref<5x128xf32, #tpu.memory_space<vmem>>, vector<16xf32>,
      %parallel_loop3A_724 = arith.constant 1 : i32
      %parallel_loop3A_725 = arith.index_cast %parallel_loop3A_724 : i32 to index
      %parallel_loop3A_726 = arith.index_cast %parallel_loop3A_716 : i32 to index
      %parallel_loop3A_727 = arith.constant 0 : index
      %parallel_loop3A_728 = tpu.vector_load %arg7[%parallel_loop3A_725, %parallel_loop3A_726, %parallel_loop3A_727] {strides = array<i32>} : memref<2x400x128xf32, #tpu.memory_space<vmem>>, vector<16xf32>,
      tpu.vector_store %arg7[%parallel_loop3A_725, %parallel_loop3A_726, %parallel_loop3A_727], %parallel_loop3A_723 {strides = array<i32>} : memref<2x400x128xf32, #tpu.memory_space<vmem>>, vector<16xf32>,
      %parallel_loop3A_729 = arith.index_cast %parallel_loop3A_720 : i32 to index
      %parallel_loop3A_730 = arith.constant 16 : index
      %parallel_loop3A_731 = tpu.vector_load %arg6[%parallel_loop3A_729, %parallel_loop3A_730] {strides = array<i32>} : memref<5x128xf32, #tpu.memory_space<vmem>>, vector<16xf32>,
      %parallel_loop3A_732 = arith.constant 1 : i32
      %parallel_loop3A_733 = arith.index_cast %parallel_loop3A_732 : i32 to index
      %parallel_loop3A_734 = arith.index_cast %parallel_loop3A_716 : i32 to index
      %parallel_loop3A_735 = arith.constant 16 : index
      %parallel_loop3A_736 = tpu.vector_load %arg7[%parallel_loop3A_733, %parallel_loop3A_734, %parallel_loop3A_735] {strides = array<i32>} : memref<2x400x128xf32, #tpu.memory_space<vmem>>, vector<16xf32>,
      tpu.vector_store %arg7[%parallel_loop3A_733, %parallel_loop3A_734, %parallel_loop3A_735], %parallel_loop3A_731 {strides = array<i32>} : memref<2x400x128xf32, #tpu.memory_space<vmem>>, vector<16xf32>,
      %parallel_loop3A_737 = arith.index_cast %parallel_loop3A_720 : i32 to index
      %parallel_loop3A_738 = arith.constant 32 : index
      %parallel_loop3A_739 = tpu.vector_load %arg6[%parallel_loop3A_737, %parallel_loop3A_738] {strides = array<i32>} : memref<5x128xf32, #tpu.memory_space<vmem>>, vector<16xf32>,
      %parallel_loop3A_740 = arith.constant 1 : i32
      %parallel_loop3A_741 = arith.index_cast %parallel_loop3A_740 : i32 to index
      %parallel_loop3A_742 = arith.index_cast %parallel_loop3A_716 : i32 to index
      %parallel_loop3A_743 = arith.constant 32 : index
      %parallel_loop3A_744 = tpu.vector_load %arg7[%parallel_loop3A_741, %parallel_loop3A_742, %parallel_loop3A_743] {strides = array<i32>} : memref<2x400x128xf32, #tpu.memory_space<vmem>>, vector<16xf32>,
      tpu.vector_store %arg7[%parallel_loop3A_741, %parallel_loop3A_742, %parallel_loop3A_743], %parallel_loop3A_739 {strides = array<i32>} : memref<2x400x128xf32, #tpu.memory_space<vmem>>, vector<16xf32>,
      %parallel_loop3A_745 = arith.index_cast %parallel_loop3A_720 : i32 to index
      %parallel_loop3A_746 = arith.constant 48 : index
      %parallel_loop3A_747 = tpu.vector_load %arg6[%parallel_loop3A_745, %parallel_loop3A_746] {strides = array<i32>} : memref<5x128xf32, #tpu.memory_space<vmem>>, vector<16xf32>,
      %parallel_loop3A_748 = arith.constant 1 : i32
      %parallel_loop3A_749 = arith.index_cast %parallel_loop3A_748 : i32 to index
      %parallel_loop3A_750 = arith.index_cast %parallel_loop3A_716 : i32 to index
      %parallel_loop3A_751 = arith.constant 48 : index
      %parallel_loop3A_752 = tpu.vector_load %arg7[%parallel_loop3A_749, %parallel_loop3A_750, %parallel_loop3A_751] {strides = array<i32>} : memref<2x400x128xf32, #tpu.memory_space<vmem>>, vector<16xf32>,
      tpu.vector_store %arg7[%parallel_loop3A_749, %parallel_loop3A_750, %parallel_loop3A_751], %parallel_loop3A_747 {strides = array<i32>} : memref<2x400x128xf32, #tpu.memory_space<vmem>>, vector<16xf32>,
      %parallel_loop3A_753 = arith.index_cast %parallel_loop3A_720 : i32 to index
      %parallel_loop3A_754 = arith.constant 64 : index
      %parallel_loop3A_755 = tpu.vector_load %arg6[%parallel_loop3A_753, %parallel_loop3A_754] {strides = array<i32>} : memref<5x128xf32, #tpu.memory_space<vmem>>, vector<16xf32>,
      %parallel_loop3A_756 = arith.constant 1 : i32
      %parallel_loop3A_757 = arith.index_cast %parallel_loop3A_756 : i32 to index
      %parallel_loop3A_758 = arith.index_cast %parallel_loop3A_716 : i32 to index
      %parallel_loop3A_759 = arith.constant 64 : index
      %parallel_loop3A_760 = tpu.vector_load %arg7[%parallel_loop3A_757, %parallel_loop3A_758, %parallel_loop3A_759] {strides = array<i32>} : memref<2x400x128xf32, #tpu.memory_space<vmem>>, vector<16xf32>,
      tpu.vector_store %arg7[%parallel_loop3A_757, %parallel_loop3A_758, %parallel_loop3A_759], %parallel_loop3A_755 {strides = array<i32>} : memref<2x400x128xf32, #tpu.memory_space<vmem>>, vector<16xf32>,
      %parallel_loop3A_761 = arith.index_cast %parallel_loop3A_720 : i32 to index
      %parallel_loop3A_762 = arith.constant 80 : index
      %parallel_loop3A_763 = tpu.vector_load %arg6[%parallel_loop3A_761, %parallel_loop3A_762] {strides = array<i32>} : memref<5x128xf32, #tpu.memory_space<vmem>>, vector<16xf32>,
      %parallel_loop3A_764 = arith.constant 1 : i32
      %parallel_loop3A_765 = arith.index_cast %parallel_loop3A_764 : i32 to index
      %parallel_loop3A_766 = arith.index_cast %parallel_loop3A_716 : i32 to index
      %parallel_loop3A_767 = arith.constant 80 : index
      %parallel_loop3A_768 = tpu.vector_load %arg7[%parallel_loop3A_765, %parallel_loop3A_766, %parallel_loop3A_767] {strides = array<i32>} : memref<2x400x128xf32, #tpu.memory_space<vmem>>, vector<16xf32>,
      tpu.vector_store %arg7[%parallel_loop3A_765, %parallel_loop3A_766, %parallel_loop3A_767], %parallel_loop3A_763 {strides = array<i32>} : memref<2x400x128xf32, #tpu.memory_space<vmem>>, vector<16xf32>,
      %parallel_loop3A_769 = arith.index_cast %parallel_loop3A_720 : i32 to index
      %parallel_loop3A_770 = arith.constant 96 : index
      %parallel_loop3A_771 = tpu.vector_load %arg6[%parallel_loop3A_769, %parallel_loop3A_770] {strides = array<i32>} : memref<5x128xf32, #tpu.memory_space<vmem>>, vector<16xf32>,
      %parallel_loop3A_772 = arith.constant 1 : i32
      %parallel_loop3A_773 = arith.index_cast %parallel_loop3A_772 : i32 to index
      %parallel_loop3A_774 = arith.index_cast %parallel_loop3A_716 : i32 to index
      %parallel_loop3A_775 = arith.constant 96 : index
      %parallel_loop3A_776 = tpu.vector_load %arg7[%parallel_loop3A_773, %parallel_loop3A_774, %parallel_loop3A_775] {strides = array<i32>} : memref<2x400x128xf32, #tpu.memory_space<vmem>>, vector<16xf32>,
      tpu.vector_store %arg7[%parallel_loop3A_773, %parallel_loop3A_774, %parallel_loop3A_775], %parallel_loop3A_771 {strides = array<i32>} : memref<2x400x128xf32, #tpu.memory_space<vmem>>, vector<16xf32>,
      %parallel_loop3A_777 = arith.index_cast %parallel_loop3A_720 : i32 to index
      %parallel_loop3A_778 = arith.constant 112 : index
      %parallel_loop3A_779 = tpu.vector_load %arg6[%parallel_loop3A_777, %parallel_loop3A_778] {strides = array<i32>} : memref<5x128xf32, #tpu.memory_space<vmem>>, vector<16xf32>,
      %parallel_loop3A_780 = arith.constant 1 : i32
      %parallel_loop3A_781 = arith.index_cast %parallel_loop3A_780 : i32 to index
      %parallel_loop3A_782 = arith.index_cast %parallel_loop3A_716 : i32 to index
      %parallel_loop3A_783 = arith.constant 112 : index
      %parallel_loop3A_784 = tpu.vector_load %arg7[%parallel_loop3A_781, %parallel_loop3A_782, %parallel_loop3A_783] {strides = array<i32>} : memref<2x400x128xf32, #tpu.memory_space<vmem>>, vector<16xf32>,
      tpu.vector_store %arg7[%parallel_loop3A_781, %parallel_loop3A_782, %parallel_loop3A_783], %parallel_loop3A_779 {strides = array<i32>} : memref<2x400x128xf32, #tpu.memory_space<vmem>>, vector<16xf32>,
    } {sc.loop_unroll_factor = 8 : i64, sc.parallel_access}
    %add3A_671 = arith.constant 6000 : i32
    %add3A_672 = arith.addi %mul3A_12, %add3A_671 : i32
    %dma_start3A_673 = arith.constant 1 : i32
    %dma_start3A_674 = arith.constant 0 : i32
    %dma_start3A_675 = arith.constant 0 : i32
    %dma_start3A_676 = tpu.memref_slice %arg7[%dma_start3A_673, %dma_start3A_674, %dma_start3A_675] : memref<2x400x128xf32, #tpu.memory_space<vmem>> -> memref<1x400x128xf32, #tpu.memory_space<vmem>>
    %dma_start3A_677 = tpu.memref_squeeze %dma_start3A_676 : memref<1x400x128xf32, #tpu.memory_space<vmem>> -> memref<400x128xf32, #tpu.memory_space<vmem>>
    %dma_start3A_678 = arith.constant 0 : i32
    %dma_start3A_679 = tpu.memref_slice %arg4[%add3A_672, %dma_start3A_678] : memref<204800x128xf32, #tpu.memory_space<hbm>> -> memref<400x128xf32, #tpu.memory_space<hbm>>
    %dma_start3A_680 = arith.constant 0 : i32
    %dma_start3A_681 = tpu.memref_slice %arg4[%add3A_672, %dma_start3A_680] : memref<204800x128xf32, #tpu.memory_space<hbm>> -> memref<400x128xf32, #tpu.memory_space<hbm>>
    %dma_start3A_682 = arith.constant 0 : i32
    %dma_start3A_683 = arith.constant 0 : i32
    %dma_start3A_684 = tpu.memref_slice %arg7[%dma_start3A_673, %dma_start3A_682, %dma_start3A_683] : memref<2x400x128xf32, #tpu.memory_space<vmem>> -> memref<1x400x128xf32, #tpu.memory_space<vmem>>
    %dma_start3A_685 = tpu.memref_squeeze %dma_start3A_684 : memref<1x400x128xf32, #tpu.memory_space<vmem>> -> memref<400x128xf32, #tpu.memory_space<vmem>>
    tpu.enqueue_dma source(%dma_start3A_685 : memref<400x128xf32, #tpu.memory_space<vmem>>) target(%dma_start3A_681 : memref<400x128xf32, #tpu.memory_space<hbm>>) target_semaphore(%arg13 : memref<!tpu.dma_semaphore, #tpu.memory_space<semaphore_mem>>)
    %dma_wait3A_686 = arith.constant 0 : i32
    %dma_wait3A_687 = arith.constant 0 : i32
    %dma_wait3A_688 = arith.constant 0 : i32
    %dma_wait3A_689 = tpu.memref_slice %arg7[%dma_wait3A_686, %dma_wait3A_687, %dma_wait3A_688] : memref<2x400x128xf32, #tpu.memory_space<vmem>> -> memref<1x400x128xf32, #tpu.memory_space<vmem>>
    %dma_wait3A_690 = tpu.memref_squeeze %dma_wait3A_689 : memref<1x400x128xf32, #tpu.memory_space<vmem>> -> memref<400x128xf32, #tpu.memory_space<vmem>>
    %dma_wait3A_691 = arith.constant 0 : i32
    %dma_wait3A_692 = arith.constant 0 : i32
    %dma_wait3A_693 = tpu.memref_slice %arg4[%dma_wait3A_691, %dma_wait3A_692] : memref<204800x128xf32, #tpu.memory_space<hbm>> -> memref<400x128xf32, #tpu.memory_space<hbm>>
    %dma_wait3A_694 = arith.constant 0 : i32
    %dma_wait3A_695 = arith.constant 0 : i32
    %dma_wait3A_696 = tpu.memref_slice %arg4[%dma_wait3A_694, %dma_wait3A_695] : memref<204800x128xf32, #tpu.memory_space<hbm>> -> memref<400x128xf32, #tpu.memory_space<hbm>>
    %dma_wait3A_697 = arith.constant 0 : i32
    %dma_wait3A_698 = arith.constant 0 : i32
    %dma_wait3A_699 = tpu.memref_slice %arg7[%dma_wait3A_686, %dma_wait3A_697, %dma_wait3A_698] : memref<2x400x128xf32, #tpu.memory_space<vmem>> -> memref<1x400x128xf32, #tpu.memory_space<vmem>>
    %dma_wait3A_700 = tpu.memref_squeeze %dma_wait3A_699 : memref<1x400x128xf32, #tpu.memory_space<vmem>> -> memref<400x128xf32, #tpu.memory_space<vmem>>
    tpu.wait_dma2 semaphore(%arg12 : memref<!tpu.dma_semaphore, #tpu.memory_space<semaphore_mem>>) src(%dma_wait3A_700 : memref<400x128xf32, #tpu.memory_space<vmem>>) dst(%dma_wait3A_696 : memref<400x128xf32, #tpu.memory_space<hbm>>)
    %dma_wait3A_701 = arith.constant 1 : i32
    %dma_wait3A_702 = arith.constant 0 : i32
    %dma_wait3A_703 = arith.constant 0 : i32
    %dma_wait3A_704 = tpu.memref_slice %arg7[%dma_wait3A_701, %dma_wait3A_702, %dma_wait3A_703] : memref<2x400x128xf32, #tpu.memory_space<vmem>> -> memref<1x400x128xf32, #tpu.memory_space<vmem>>
    %dma_wait3A_705 = tpu.memref_squeeze %dma_wait3A_704 : memref<1x400x128xf32, #tpu.memory_space<vmem>> -> memref<400x128xf32, #tpu.memory_space<vmem>>
    %dma_wait3A_706 = arith.constant 0 : i32
    %dma_wait3A_707 = arith.constant 0 : i32
    %dma_wait3A_708 = tpu.memref_slice %arg4[%dma_wait3A_706, %dma_wait3A_707] : memref<204800x128xf32, #tpu.memory_space<hbm>> -> memref<400x128xf32, #tpu.memory_space<hbm>>
    %dma_wait3A_709 = arith.constant 0 : i32
    %dma_wait3A_710 = arith.constant 0 : i32
    %dma_wait3A_711 = tpu.memref_slice %arg4[%dma_wait3A_709, %dma_wait3A_710] : memref<204800x128xf32, #tpu.memory_space<hbm>> -> memref<400x128xf32, #tpu.memory_space<hbm>>
    %dma_wait3A_712 = arith.constant 0 : i32
    %dma_wait3A_713 = arith.constant 0 : i32
    %dma_wait3A_714 = tpu.memref_slice %arg7[%dma_wait3A_701, %dma_wait3A_712, %dma_wait3A_713] : memref<2x400x128xf32, #tpu.memory_space<vmem>> -> memref<1x400x128xf32, #tpu.memory_space<vmem>>
    %dma_wait3A_715 = tpu.memref_squeeze %dma_wait3A_714 : memref<1x400x128xf32, #tpu.memory_space<vmem>> -> memref<400x128xf32, #tpu.memory_space<vmem>>
    tpu.wait_dma2 semaphore(%arg13 : memref<!tpu.dma_semaphore, #tpu.memory_space<semaphore_mem>>) src(%dma_wait3A_715 : memref<400x128xf32, #tpu.memory_space<vmem>>) dst(%dma_wait3A_711 : memref<400x128xf32, #tpu.memory_space<hbm>>)
    return
  }
}

module attributes {stable_mosaic.version = 14 : i64} {
  func.func @_norm_table_body(%arg0: memref<5x128xf32, #tpu.memory_space<vmem>>, %arg1: memref<1x128xf32, #tpu.memory_space<vmem>>, %arg2: memref<1x128xf32, #tpu.memory_space<vmem>>, %arg3: memref<5x128xf32, #tpu.memory_space<vmem>>) attributes {dimension_semantics = [], scalar_prefetch = 0 : i64, scratch_operands = 0 : i64, tpu.core_type = #tpu.core_type<tc>} {
    %get3A = arith.constant 0 : index
    %get3A_0 = arith.constant 0 : index
    %get3A_1 = vector.load %arg0[%get3A, %get3A_0] : memref<5x128xf32, #tpu.memory_space<vmem>>, vector<5x128xf32>
    %reduce_sum3A = arith.constant dense<0.000000e+00> : vector<5xf32>
    %reduce_sum3A_2 = vector.multi_reduction <add>, %get3A_1, %reduce_sum3A [1] : vector<5x128xf32> to vector<5xf32>
    %broadcast_in_dim3A = vector.shape_cast %reduce_sum3A_2 : vector<5xf32> to vector<5x1xf32>
    %div3A = arith.constant 1.280000e+02 : f32
    %div3A_3 = vector.broadcast %div3A : f32 to vector<5x1xf32>
    %div3A_4 = arith.divf %broadcast_in_dim3A, %div3A_3 : vector<5x1xf32>
    %sub3A = vector.broadcast %div3A_4 : vector<5x1xf32> to vector<5x128xf32>
    %sub3A_5 = arith.subf %get3A_1, %sub3A : vector<5x128xf32>
    %sub3A_6 = vector.broadcast %div3A_4 : vector<5x1xf32> to vector<5x128xf32>
    %sub3A_7 = arith.subf %get3A_1, %sub3A_6 : vector<5x128xf32>
    %mul3A = arith.mulf %sub3A_5, %sub3A_7 : vector<5x128xf32>
    %reduce_sum3A_8 = arith.constant dense<0.000000e+00> : vector<5xf32>
    %reduce_sum3A_9 = vector.multi_reduction <add>, %mul3A, %reduce_sum3A_8 [1] : vector<5x128xf32> to vector<5xf32>
    %broadcast_in_dim3A_10 = vector.shape_cast %reduce_sum3A_9 : vector<5xf32> to vector<5x1xf32>
    %div3A_11 = arith.constant 1.280000e+02 : f32
    %div3A_12 = vector.broadcast %div3A_11 : f32 to vector<5x1xf32>
    %div3A_13 = arith.divf %broadcast_in_dim3A_10, %div3A_12 : vector<5x1xf32>
    %add3A = arith.constant 9.99999996E-13 : f32
    %add3A_14 = vector.broadcast %add3A : f32 to vector<5x1xf32>
    %add3A_15 = arith.addf %div3A_13, %add3A_14 : vector<5x1xf32>
    %rsqrt3A = math.rsqrt %add3A_15 : vector<5x1xf32>
    %sub3A_16 = vector.broadcast %div3A_4 : vector<5x1xf32> to vector<5x128xf32>
    %sub3A_17 = arith.subf %get3A_1, %sub3A_16 : vector<5x128xf32>
    %mul3A_18 = vector.broadcast %rsqrt3A : vector<5x1xf32> to vector<5x128xf32>
    %mul3A_19 = arith.mulf %sub3A_17, %mul3A_18 : vector<5x128xf32>
    %get3A_20 = arith.constant 0 : index
    %get3A_21 = arith.constant 0 : index
    %get3A_22 = vector.load %arg1[%get3A_20, %get3A_21] : memref<1x128xf32, #tpu.memory_space<vmem>>, vector<1x128xf32>
    %mul3A_23 = vector.broadcast %get3A_22 : vector<1x128xf32> to vector<5x128xf32>
    %mul3A_24 = arith.mulf %mul3A_19, %mul3A_23 : vector<5x128xf32>
    %get3A_25 = arith.constant 0 : index
    %get3A_26 = arith.constant 0 : index
    %get3A_27 = vector.load %arg2[%get3A_25, %get3A_26] : memref<1x128xf32, #tpu.memory_space<vmem>>, vector<1x128xf32>
    %add3A_28 = vector.broadcast %get3A_27 : vector<1x128xf32> to vector<5x128xf32>
    %add3A_29 = arith.addf %mul3A_24, %add3A_28 : vector<5x128xf32>
    %swap3A = arith.constant 0 : index
    %swap3A_30 = arith.constant 0 : index
    %swap3A_31 = vector.load %arg3[%swap3A, %swap3A_30] : memref<5x128xf32, #tpu.memory_space<vmem>>, vector<5x128xf32>
    tpu.vector_store %arg3[%swap3A, %swap3A_30], %add3A_29 {strides = array<i32>} : memref<5x128xf32, #tpu.memory_space<vmem>>, vector<5x128xf32>,
    return
  }
}

</mosaic_0001>

<sc_bundles>
// kernel: kernel.4.cloned.1.call-start
scs
__scs_entry_jumppad:
0x0: {  	(pc) =	sbr.rel $0x88, $3  }
0x1: {  	(tag) =	ssettag $0x0;
	lr =	simm.s32 $0x1  }
0x2: {  	[smem:$0x3F9C] =	sst lr;
	_ =	strace $0xD0000000  }
0x3: {  	_ = 	snop  }
0x4: {  	_ = 	snop  }
0x5: {  	_ = 	snop  }
0x6: {  	_ = 	snop  }
0x7: {  	_ = 	snop  }
__scs_overlays_trampoline_lowered:
0x8: {  	[smem:$0x3FAB] =	sst s0  }
0x9: {  	[smem:$0x3FAC] =	sst s1  }
0xa: {  	[smem:$0x3FAD] =	sst s2  }
0xb: {  	[smem:$0x3FAE] =	sst s3  }
0xc: {  	[smem:$0x3FAF] =	sst s4  }
0xd: {  	[smem:$0x3FB0] =	sst s5  }
0xe: {  	[smem:$0x3FB1] =	sst s6  }
0xf: {  	[smem:$0x3FB2] =	sst s7  }
0x10: {  	[smem:$0x3FB3] =	sst s8  }
0x11: {  	[smem:$0x3FB4] =	sst s9;
	s0 =	simm.s32 @!p0 $0x0  }
0x12: {  	s1 =	sld [smem:$0x3F9A];
	s0 =	simm.s32 @p0 $0x1  }
0x13: {  	[smem:$0x3FB5] =	sst s0;
	s0 =	simm.s32 @!p1 $0x0  }
0x14: {  	s2 =	sld [smem:$0x3F99];
	s0 =	simm.s32 @p1 $0x1  }
0x15: {  	[smem:$0x3FB6] =	sst s0;
	s0 =	simm.s32 @!p2 $0x0  }
0x16: {  	s3 =	sld [smem:$0x3FDB];
	s0 =	simm.s32 @p2 $0x1  }
0x17: {  	s4 =	simm.s32 $0x1BF5;
	[smem:$0x3FB8] =	sst s0  }
0x18: {  	s0 =	sld [smem:$0x3F9B];
	_ =	swait.ge [sflag:s4], $0x0  }
0x19: {  	s7 =	sld [smem:$0x3F9C]  }
0x1a: {  	s8 =	sadd.s32 $0xFFFFE003, lr  }
0x1b: {  	s9 =	sadd.s32 $0xFFFFFEF7, lr;
	s5 =	simm.s32 $0xFFFFFFFF;
	p2 =	slt.u32 s8, $0xFFFFF086  }
0x1c: {  	p1 =	slt.u32 s9, $0xF7A;
	s5 =	simm.s32 @!p2 $0x0  }
0x1d: {  	s5 =	simm.s32 @p1 $0x1;
	p0 =	seq.s32 s7, s2  }
0x1e: {  	s7 =	smul.u32 @!p0 $0xF7A, s2;
	p2 =	seq.s32 @!p0 s5, $0x0  }
0x1f: {  	s9 =	smul.u32 $0xF7A, s1;
	s8 =	simm.s32 @!p0 $0x1BF5;
	p2 =	por !p2, p0  }
0x20: {  	[sflag:s8] =	ssyncset.s32 @!p0 $0xFFFFF086;
	s6 =	sadd.s32 @!p0 s3, s7;
	s7 =	simm.s32 @!p0 $0x108  }
0x21: {  	s3 =	sadd.s32 s3, s9;
	s6 =	sadd.s32 @!p0 $0x88, s6;
	s7 =	simm.s32 @p2 $0x1082  }
0x22: {  	[simem:s7], [sflag:s8] =	dma.local @!p0 [hbm:s6], $0xF7A  }
0x23: {  	s9 =	sor.u32 $0xD0000000, s2;
	s6 =	simm.s32 $0x108;
	_ =	swait.ge @!p0 [sflag:s8], $0x0  }
0x24: {  	s3 =	sadd.s32 $0x88, s3;
	s6 =	simm.s32 @!p1 $0x1082;
	[sflag:s4] =	ssyncset.s32 $0xFFFFF086  }
0x25: {  	[simem:s6], [sflag:s4] =	dma.local [hbm:s3], $0xF7A  }
0x26: {  	[smem:$0x3F9C] =	sst s1;
	(tag) =	ssettag s2;
	_ =	strace s9  }
0x27: {  	s1 =	sld [smem:$0x3FAC]  }
0x28: {  	s2 =	sld [smem:$0x3FAD]  }
0x29: {  	s4 =	sld [smem:$0x3FAF]  }
0x2a: {  	p0 =	seq.s32 s5, $0x0;
	s5 =	sld [smem:$0x3FB0]  }
0x2b: {  	s6 =	sld [smem:$0x3FB1]  }
0x2c: {  	s7 =	sld [smem:$0x3FB2]  }
0x2d: {  	s3 =	simm.s32 $0x108;
	s8 =	sld [smem:$0x3FB3]  }
0x2e: {  	s3 =	simm.s32 @!p0 $0x1082;
	s9 =	sld [smem:$0x3FB4]  }
0x2f: {  	lr =	sadd.s32 s0, s3;
	s0 =	sld [smem:$0x3FAB]  }
0x30: {  	s3 =	sld [smem:$0x3FAE]  }
0x31: {  	[smem:$0x3FB7] =	sst s10  }
0x32: {  	s10 =	sld [smem:$0x3FB5];
	_ =	sdelay $0x3  }
0x33: {  	p0 =	seq.s32 s10, $0x1;
	s10 =	sld [smem:$0x3FB7];
	_ =	sdelay $0x3  }
0x34: {  	[smem:$0x3FB7] =	sst s10  }
0x35: {  	s10 =	sld [smem:$0x3FB6];
	_ =	sdelay $0x3  }
0x36: {  	p1 =	seq.s32 s10, $0x1;
	s10 =	sld [smem:$0x3FB7];
	_ =	sdelay $0x3  }
0x37: {  	[smem:$0x3FB7] =	sst s10  }
0x38: {  	s10 =	sld [smem:$0x3FB8]  }
0x39: {  	_ = 	snop;
	(pc) =	sbr.ind lr, $3  }
0x3a: {  	_ = 	snop  }
0x3b: {  	_ = 	snop  }
0x3c: {  	p2 =	seq.s32 s10, $0x1;
	s10 =	sld [smem:$0x3FB7]  }
0x3d: {  	_ =	shalt  }
0x3e: {  	_ =	shalt  }
0x3f: {  	_ =	shalt  }
0x40: {  	_ =	shalt  }
0x41: {  	_ =	shalt  }
0x42: {  	_ =	shalt  }
0x43: {  	_ =	shalt  }
0x44: {  	_ =	shalt  }
0x45: {  	_ =	shalt  }
0x46: {  	_ =	shalt  }
0x47: {  	_ =	shalt  }
0x48: {  	_ =	shalt  }
0x49: {  	_ =	shalt  }
0x4a: {  	_ =	shalt  }
0x4b: {  	_ =	shalt  }
0x4c: {  	_ =	shalt  }
0x4d: {  	_ =	shalt  }
0x4e: {  	_ =	shalt  }
0x4f: {  	_ =	shalt  }
0x50: {  	_ =	shalt  }
0x51: {  	_ =	shalt  }
0x52: {  	_ =	shalt  }
0x53: {  	_ =	shalt  }
0x54: {  	_ =	shalt  }
0x55: {  	_ =	shalt  }
0x56: {  	_ =	shalt  }
0x57: {  	_ =	shalt  }
0x58: {  	_ =	shalt  }
0x59: {  	_ =	shalt  }
0x5a: {  	_ =	shalt  }
0x5b: {  	_ =	shalt  }
0x5c: {  	_ =	shalt  }
0x5d: {  	_ =	shalt  }
0x5e: {  	_ =	shalt  }
0x5f: {  	_ =	shalt  }
0x60: {  	_ =	shalt  }
0x61: {  	_ =	shalt  }
0x62: {  	_ =	shalt  }
0x63: {  	_ =	shalt  }
0x64: {  	_ =	shalt  }
0x65: {  	_ =	shalt  }
0x66: {  	_ =	shalt  }
0x67: {  	_ =	shalt  }
0x68: {  	_ =	shalt  }
0x69: {  	_ =	shalt  }
0x6a: {  	_ =	shalt  }
0x6b: {  	_ =	shalt  }
0x6c: {  	_ =	shalt  }
0x6d: {  	_ =	shalt  }
0x6e: {  	_ =	shalt  }
0x6f: {  	_ =	shalt  }
0x70: {  	_ =	shalt  }
0x71: {  	_ =	shalt  }
0x72: {  	_ =	shalt  }
0x73: {  	_ =	shalt  }
0x74: {  	_ =	shalt  }
0x75: {  	_ =	shalt  }
0x76: {  	_ =	shalt  }
0x77: {  	_ =	shalt  }
0x78: {  	_ =	shalt  }
0x79: {  	_ =	shalt  }
0x7a: {  	_ =	shalt  }
0x7b: {  	_ =	shalt  }
0x7c: {  	_ =	shalt  }
0x7d: {  	_ =	shalt  }
0x7e: {  	_ =	shalt  }
0x7f: {  	_ =	shalt  }
0x80: {  	_ =	shalt  }
0x81: {  	_ =	shalt  }
0x82: {  	_ =	shalt  }
0x83: {  	_ =	shalt  }
0x84: {  	_ =	shalt  }
0x85: {  	_ =	shalt  }
0x86: {  	_ =	shalt  }
0x87: {  	_ =	shalt  }
.Lfunc_end0:
.L_simem_size_0:
called_computation_lowered:
.L_overlay_start_0:
0x88: {  	s2 =	sld [smem:$0x3FD9]  }
0x89: {  	s3 =	sld [smem:$0x3FFE];
	_ =	sdelay $0x1  }
0x8a: {  	s1 =	srdreg.scid  }
0x8b: {  	s0 =	sand.u32 $0x1, s1  }
0x8c: {  	s14 =	sshll.u32 s0, $0xA;
	s2 =	sadd.s32 s3, s2  }
0x8d: {  	s2 =	sadd.s32 s2, s14  }
0x8e: {  	[smem:$0x3FC3] =	sst s2  }
0x8f: {  	_ = 	snop  }
0x90: {  	s2 =	sld [smem:$0x3FD0];
	_ =	sdelay $0x2  }
0x91: {  	s15 =	simm.s32 $0xA;
	s4 =	simm.s32 $0x10  }
0x92: {  	[smem:s4], [sflag:s15] =	dma.local [hbm:s2], $0x1  }
0x93: {  	_ =	swait.eq [sflag:s15], $0x1  }
0x94: {  	[sflag:s15] =	ssyncset.done $0x0  }
0x95: {  	s16 =	sld [smem:$0x10];
	[sflag:s15] =	ssyncadd.s32 $0xFFFFFFFF  }
0x96: {  	s17 =	sld [smem:$0x11];
	(tm) =	ssettm $0x1  }
0x97: {  	s18 =	sld [smem:$0x3FFB];
	_ =	sdelay $0x3  }
0x98: {  	_ =	strace s18  }
0x99: {  	s4 =	sld [smem:$0x3FFC];
	_ =	sdelay $0x3  }
0x9a: {  	_ =	strace s4  }
0x9b: {  	s4 =	sld [smem:$0x3FFD];
	_ =	sdelay $0x3  }
0x9c: {  	_ =	strace s4  }
0x9d: {  	_ =	strace $0x8FFFFFFF  }
0x9e: {  	s19 =	sld [smem:$0x3FDB];
	_ =	sdelay $0x1  }
0x9f: {  	s5 =	simm.s32 $_scs_section_size  }
0xa0: {  	s6 =	simm.s32 $_size__tile_overlayer_lowered;
	s7 =	simm.s32 $_tile_overlayer_lowered  }
0xa1: {  	s22 =	simm.s32 $0x1BFF;
	s21 =	sshll.u32 s7, $0x1;
	s4 =	sadd.s32 s5, s19  }
0xa2: {  	s8 =	simm.s32 $0x0;
	s20 =	sshll.u32 s6, $0x1;
	s6 =	sadd.s32 s21, s4  }
0xa3: {  	[timem:s8], [sflag:s22] =	dma.local [hbm:s6], s20  }
0xa4: {  	_ =	swait.ge [sflag:s22], s20  }
0xa5: {  	s5 =	ssub.s32 $0x0, s20;
	[sflag:s22] =	ssyncset.done $0x0  }
0xa6: {  	[sflag:s22] =	ssyncadd.s32 s5;
	_ =	sdelay $0x1  }
0xa7: {  	s23 =	simm.s32 $0x1B8B  }
0xa8: {  	_ =	swait.ge [sflag:s23], $0x1  }
0xa9: {  	[sflag:s23] =	ssyncset.done $0x0  }
0xaa: {  	s25 =	simm.s32 $0x1B8E;
	s24 =	sld [smem:$0x3FFE];
	[sflag:s23] =	ssyncadd.s32 $0xFFFFFFFF  }
0xab: {  	s26 =	simm.s32 $execute0_lowered;
	[smem:$0x3FD2] =	sst s25  }
0xac: {  	s6 =	sshll.u32 s26, $0x1;
	_ =	strace $0x80000046;
	[dreg:$0x1] =	wrdreg $0xFFFFFFFF  }
0xad: {  	s28 =	simm.s32 $_size_execute0_lowered;
	s4 =	sadd.s32 s4, s6;
	[dreg:$0x0] =	wrdreg $0x0  }
0xae: {  	s6 =	sshll.u32 s28, $0x1;
	[dreg:$0x2] =	wrdreg s4  }
0xaf: {  	[dreg:$0x3] =	wrdreg s6  }
0xb0: {  	[dreg:$0x4] =	wrdreg $0xC0  }
0xb1: {  	_ =	task [dreg:s8], $0x5FFFF  }
0xb2: {  	[dreg:$0x1] =	wrdreg $0xFFFFFFFF  }
0xb3: {  	[dreg:$0x0] =	wrdreg $0x60  }
0xb4: {  	[dreg:$0x2] =	wrdreg s24  }
0xb5: {  	[dreg:$0x3] =	wrdreg s17  }
0xb6: {  	[dreg:$0x4] =	wrdreg s16  }
0xb7: {  	[dreg:$0x5] =	wrdreg $0x0  }
0xb8: {  	[dreg:$0x6] =	wrdreg $0x9  }
0xb9: {  	_ =	task.clear_ibuf [dreg:s8], $0x7FFFF;
	_ =	strace $0x90000046  }
0xba: {  	s29 =	simm.s32 $0x9;
	_ =	strace $0x80000048  }
0xbb: {  	_ =	swait.ge [sflag:s29], $0x1  }
0xbc: {  	[sflag:s29] =	ssyncadd.s32 $0xFFFFFFFF  }
0xbd: {  	_ =	strace $0x90000048  }
0xbe: {  	_ =	sfence  }
0xbf: {  	s30 =	sld [smem:$0x0];
	_ =	sdelay $0x2  }
0xc0: {  	s31 =	sshll.u32 s1, $0xD;
	s1 =	sshrl.u32 s1, $0x2  }
0xc1: {  	s3 =	sand.u32 $0x4000, s31;
	s1 =	sadd.s32 s1, s30  }
0xc2: {  	s0 =	sor.u32 s3, s0;
	s1 =	sshll.u32 s1, $0x11  }
0xc3: {  	s0 =	sor.u32 s1, s0  }
0xc4: {  	s0 =	sadd.s32 $0x8F2B, s0  }
0xc5: {  	[sflag:s0] =	ssyncadd.remote.s32 $0x1  }
0xc6: {  	_ =	sfence.sel $0xFFFF  }
0xc7: {  	[dreg:$0x0] =	wrdreg $0xFFFFFFFF;
	(pc) =	sbr.abs _section_cstart, $3  }
0xc8: {  	[dreg:$0x1] =	wrdreg $0xFFFFFFFF  }
0xc9: {  	_ =	task.clear_ibuf [dreg:s8], $0x2FFFF;
	_ =	strace $0x9FFFFFFF  }
0xca: {  	(tm) =	ssettm $0x7FFFFFFF  }
0xcb: {  	_ =	shalt  }
tec
execute0_lowered:
.L_overlay_start_1:
0x0: {  	(tag) =	ssettag $0x1  }
0x1: {  	s0 =	rddreg [dreg:$0x0]  }
0x2: {  	s1 =	srdreg.scid;
	s5 =	rddreg [dreg:$0x2]  }
0x3: {  	s8 =	stileid.u32;
	s4 =	rddreg [dreg:$0x3];
	s1 =	sand.u32 $0x1, s1  }
0x4: {  	s2 =	sshll.u32 s8, $0x1;
	s3 =	sshrl.u32 s8, $0x2;
	s26 =	smul.u32 $0x6400, s8  }
0x5: {  	s2 =	sor.u32 s1, s2;
	s6 =	smul.u32 $0xC800, s3;
	s3 =	simm.s32 $0x0  }
0x6: {  	s1 =	ssub.s32 $0x2, s1;
	s7 =	sshll.u32 s2, $0x7;
	s29 =	smul.u32 $0xC8000, s2  }
0x7: {  	[smem:$0x7FF] =	sst s3;
	s28 =	sshrl.u32 s1, $0x1;
	s2 =	smul.u32 $0x19000, s2  }
0x8: {  	s7 =	sand.u32 $0x380, s7;
	_ =	strace $0x80000047;
	s1 =	ssub.s32 s1, s28  }
0x9: {  	s6 =	sor.u32 s6, s7;
	s7 =	sshrl.u32 s26, $0x2;
	s2 =	sadd.s32 s5, s2  }
0xa: {  	s23 =	smax.u32 s1, $0x1;
	s4 =	sadd.s32 s7, s4;
	[dreg:$0x8] =	wrdreg s2  }
0xb: {  	[dreg:$0x19] =	wrdreg s23;
	s31 =	sadd.s32 $0x190, s4  }
0xc: {  	s30 =	sshll.u32 s8, $0x6;
	s8 =	sadd.s32 $0x320, s4;
	[dreg:$0x7] =	wrdreg s31  }
0xd: {  	s24 =	sadd.s32 $0x4B0, s4;
	[dreg:$0x9] =	wrdreg s8  }
0xe: {  	s25 =	sadd.s32 $0x640, s4;
	[dreg:$0x1a] =	wrdreg s24  }
0xf: {  	s6 =	sshrl.u32 s6, $0x3;
	s26 =	sadd.s32 $0x7D0, s4;
	[dreg:$0x1b] =	wrdreg s25  }
0x10: {  	s7 =	sshrl.u32 s29, $0x3;
	s28 =	sadd.s32 $0x960, s4;
	[dreg:$0x1c] =	wrdreg s26  }
0x11: {  	s0 =	sadd.s32 s6, s0;
	s29 =	sadd.s32 $0xAF0, s4;
	[dreg:$0x1d] =	wrdreg s28  }
0x12: {  	s0 =	sadd.s32 $0xE00, s0;
	[dreg:$0x1e] =	wrdreg s29  }
0x13: {  	s31 =	sadd.s32 $0xE10, s4;
	[dreg:$0x5] =	wrdreg s0  }
0x14: {  	s0 =	sor.u32 $0x1C01, s30;
	[smem:$0x7FD] =	sst s31  }
0x15: {  	s30 =	sadd.s32 $0xC80, s4;
	[dreg:$0x6] =	wrdreg s0;
	s0 =	sadd.s32 s5, s7  }
0x16: {  	[dreg:$0x1f] =	wrdreg s30;
	s9 =	sadd.s32 $0x1900, s0  }
0x17: {  	s10 =	sadd.s32 $0x3200, s0;
	[dreg:$0xa] =	wrdreg s9  }
0x18: {  	s11 =	sadd.s32 $0x4B00, s0;
	[dreg:$0xb] =	wrdreg s10  }
0x19: {  	s12 =	sadd.s32 $0x6400, s0;
	[dreg:$0xc] =	wrdreg s11  }
0x1a: {  	s13 =	sadd.s32 $0x7D00, s0;
	[dreg:$0xd] =	wrdreg s12  }
0x1b: {  	s14 =	sadd.s32 $0x9600, s0;
	[dreg:$0xe] =	wrdreg s13  }
0x1c: {  	s15 =	sadd.s32 $0xAF00, s0;
	[dreg:$0xf] =	wrdreg s14  }
0x1d: {  	s16 =	sadd.s32 $0xC800, s0;
	[dreg:$0x10] =	wrdreg s15  }
0x1e: {  	s17 =	sadd.s32 $0xE100, s0;
	[dreg:$0x11] =	wrdreg s16  }
0x1f: {  	s18 =	sadd.s32 $0xFA00, s0;
	[dreg:$0x12] =	wrdreg s17  }
0x20: {  	s1 =	sadd.s32 $0xFA0, s4;
	s19 =	sadd.s32 $0x11300, s0;
	[dreg:$0x13] =	wrdreg s18  }
0x21: {  	s6 =	sadd.s32 $0x12C0, s4;
	s20 =	sadd.s32 $0x12C00, s0;
	[dreg:$0x14] =	wrdreg s19  }
0x22: {  	s8 =	sadd.s32 $0x15E0, s4;
	s21 =	sadd.s32 $0x14500, s0;
	[dreg:$0x15] =	wrdreg s20  }
0x23: {  	s5 =	sadd.s32 $0x1130, s4;
	s22 =	sadd.s32 $0x15E00, s0;
	[dreg:$0x16] =	wrdreg s21  }
0x24: {  	s7 =	sadd.s32 $0x1450, s4;
	s0 =	sadd.s32 $0x17700, s0;
	[dreg:$0x17] =	wrdreg s22  }
0x25: {  	[dreg:$0x18] =	wrdreg s0;
	s9 =	sadd.s32 $0x1770, s4;
	s10 =	simm.s32 $0x1  }
0x26: {  	s11 =	simm.s32 $0x6;
	s12 =	simm.s32 $0x2;
	s13 =	simm.s32 $0x190  }
0x27: {  	s14 =	simm.s32 $0x1D00;
	s15 =	simm.s32 $0x3;
	s16 =	simm.s32 $0xE500  }
0x28: {  	s17 =	simm.s32 $0x5;
	s18 =	simm.s32 $0x4;
	s19 =	simm.s32 $0x0  }
.LBB2_1:
0x29: {  	s20 =	sshrl.u32 s4, $0x3;
	s0 =	rddreg [dreg:$0x5]  }
0x2a: {  	s2 =	rddreg [dreg:$0x6];
	s21 =	simm.s32 $0x10;
	s22 =	simm.s32 $0x80  }
0x2b: {  	[spmem:s20@s21], [sflag:s2] =	dma.strided [hbm:s0@s22], $0x320, s10, $0x10   }
0x2c: {  	s26 =	simm.s32 $0x1900;
	s0 =	rddreg [dreg:$0x1]  }
0x2d: {  	[tilespmem:s26], [sflag:$0x6] =	stream.linear.gather [hbm4b:s0+s3], $0x280, $0x38;
	[tilespmem:$0x1AD00] =	vst v63  }
0x2e: {  	_ =	swait.ge [sflag:s11], $0x280  }
0x2f: {  	[sflag:s11] =	ssyncset.done $0x0  }
0x30: {  	[sflag:s11] =	ssyncadd.s32 $0xFFFFFD80  }
0x31: {  	_ =	swait.ge [sflag:s10], $0x320  }
0x32: {  	[sflag:s10] =	ssyncset.done $0x0  }
0x33: {  	[sflag:s10] =	ssyncadd.s32 $0xFFFFFCE0  }
0x34: {  	[smem:s3], [sflag:$0x2] =	stream.linear.gather [spmem:s4], $0x190, $0x38;
	[tilespmem:$0x1AD00] =	vst v63  }
0x35: {  	_ =	swait.ge [sflag:s12], $0x190  }
0x36: {  	[sflag:s12] =	ssyncset.done $0x0  }
0x37: {  	s29 =	rddreg [dreg:$0x7];
	[sflag:s12] =	ssyncadd.s32 $0xFFFFFE70  }
0x38: {  	[smem:s13], [sflag:$0x3] =	stream.linear.gather [spmem:s29], $0x190, $0x38;
	[tilespmem:$0x1AD00] =	vst v63  }
0x39: {  	s30 =	sld [smem:$0x7]  }
0x3a: {  	s31 =	sld [smem:$0x1]  }
0x3b: {  	s0 =	sld [smem:$0x2]  }
0x3c: {  	s23 =	sld [smem:$0x3];
	s20 =	sshll.u32 s30, $0x9  }
0x3d: {  	s24 =	sld [smem:$0x4];
	s21 =	sshll.u32 s31, $0x9;
	s29 =	sshra.s32 s20, $0x2  }
0x3e: {  	s2 =	sld [smem:$0x5];
	s28 =	sshra.s32 s21, $0x2;
	v0 =	vld [tilespmem:s29+$0x1900];
	s22 =	sshll.u32 s0, $0x9  }
0x3f: {  	v1 =	vld [tilespmem:s28+$0x1900];
	s25 =	sld [smem:$0x6];
	s21 =	sshra.s32 s22, $0x2;
	s23 =	sshll.u32 s23, $0x9  }
0x40: {  	s26 =	sld [smem:$0x0];
	v2 =	vld [tilespmem:s21+$0x1900];
	s22 =	sshra.s32 s23, $0x2;
	s30 =	sshll.u32 s24, $0x9  }
0x41: {  	v3 =	vld [tilespmem:s22+$0x1900];
	s23 =	sshra.s32 s30, $0x2;
	s31 =	sshll.u32 s2, $0x9  }
0x42: {  	s20 =	simm.s32 $0x1F00;
	v4 =	vld [tilespmem:s23+$0x1900];
	s24 =	sshra.s32 s31, $0x2  }
0x43: {  	s26 =	sshll.u32 s26, $0x9;
	v5 =	vld [tilespmem:s24+$0x1900];
	[tilespmem:s20+$0x180] =	vst v0  }
0x44: {  	s25 =	sshll.u32 s25, $0x9;
	s26 =	sshra.s32 s26, $0x2;
	[tilespmem:s20+$0xFFFFFE80] =	vst v1;
	v0 =	vld [tilespmem:s29+$0x1910]  }
0x45: {  	s25 =	sshra.s32 s25, $0x2;
	v1 =	vld [tilespmem:s26+$0x1900];
	[tilespmem:s20+$0xFFFFFF00] =	vst v2  }
0x46: {  	v2 =	vld [tilespmem:s25+$0x1900];
	[tilespmem:s20+$0xFFFFFF80] =	vst v3  }
0x47: {  	v3 =	vld [tilespmem:s28+$0x1910];
	[tilespmem:s20+$0x0] =	vst v4  }
0x48: {  	v4 =	vld [tilespmem:s21+$0x1910];
	[tilespmem:s20+$0x80] =	vst v5  }
0x49: {  	v5 =	vld [tilespmem:s22+$0x1910];
	[tilespmem:s20+$0x190] =	vst v0  }
0x4a: {  	[tilespmem:s20+$0xFFFFFE00] =	vst v1;
	v0 =	vld [tilespmem:s29+$0x1920]  }
0x4b: {  	[tilespmem:s20+$0x100] =	vst v2;
	v2 =	vld [tilespmem:s23+$0x1910]  }
0x4c: {  	v1 =	vld [tilespmem:s26+$0x1910];
	[tilespmem:s20+$0xFFFFFE90] =	vst v3  }
0x4d: {  	v3 =	vld [tilespmem:s24+$0x1910];
	[tilespmem:s20+$0xFFFFFF10] =	vst v4  }
0x4e: {  	v4 =	vld [tilespmem:s25+$0x1910];
	[tilespmem:s20+$0xFFFFFF90] =	vst v5  }
0x4f: {  	v5 =	vld [tilespmem:s28+$0x1920];
	[tilespmem:s20+$0x1A0] =	vst v0  }
0x50: {  	[tilespmem:s20+$0x10] =	vst v2;
	v0 =	vld [tilespmem:s29+$0x1930]  }
0x51: {  	v2 =	vld [tilespmem:s21+$0x1920];
	[tilespmem:s20+$0xFFFFFE10] =	vst v1  }
0x52: {  	[tilespmem:s20+$0x90] =	vst v3;
	v1 =	vld [tilespmem:s26+$0x1920]  }
0x53: {  	v3 =	vld [tilespmem:s22+$0x1920];
	[tilespmem:s20+$0x110] =	vst v4  }
0x54: {  	v4 =	vld [tilespmem:s23+$0x1920];
	[tilespmem:s20+$0xFFFFFEA0] =	vst v5  }
0x55: {  	v5 =	vld [tilespmem:s24+$0x1920];
	[tilespmem:s20+$0x1B0] =	vst v0  }
0x56: {  	[tilespmem:s20+$0xFFFFFF20] =	vst v2;
	v0 =	vld [tilespmem:s29+$0x1940]  }
0x57: {  	[tilespmem:s20+$0xFFFFFE20] =	vst v1;
	v1 =	vld [tilespmem:s25+$0x1920]  }
0x58: {  	[tilespmem:s20+$0xFFFFFFA0] =	vst v3;
	v3 =	vld [tilespmem:s28+$0x1930]  }
0x59: {  	[tilespmem:s20+$0x20] =	vst v4;
	v2 =	vld [tilespmem:s26+$0x1930]  }
0x5a: {  	v4 =	vld [tilespmem:s21+$0x1930];
	[tilespmem:s20+$0xA0] =	vst v5  }
0x5b: {  	v5 =	vld [tilespmem:s22+$0x1930];
	[tilespmem:s20+$0x1C0] =	vst v0  }
0x5c: {  	[tilespmem:s20+$0x120] =	vst v1;
	v1 =	vld [tilespmem:s23+$0x1930]  }
0x5d: {  	[tilespmem:s20+$0xFFFFFEB0] =	vst v3;
	v0 =	vld [tilespmem:s29+$0x1950]  }
0x5e: {  	[tilespmem:s20+$0xFFFFFE30] =	vst v2;
	v2 =	vld [tilespmem:s24+$0x1930]  }
0x5f: {  	[tilespmem:s20+$0xFFFFFF30] =	vst v4;
	v3 =	vld [tilespmem:s25+$0x1930]  }
0x60: {  	[tilespmem:s20+$0xFFFFFFB0] =	vst v5;
	v5 =	vld [tilespmem:s28+$0x1940]  }
0x61: {  	v4 =	vld [tilespmem:s26+$0x1940];
	[tilespmem:s20+$0x30] =	vst v1  }
0x62: {  	v1 =	vld [tilespmem:s21+$0x1940];
	[tilespmem:s20+$0x1D0] =	vst v0  }
0x63: {  	[tilespmem:s20+$0xB0] =	vst v2;
	v2 =	vld [tilespmem:s22+$0x1940]  }
0x64: {  	[tilespmem:s20+$0x130] =	vst v3;
	v0 =	vld [tilespmem:s29+$0x1960]  }
0x65: {  	v3 =	vld [tilespmem:s23+$0x1940];
	[tilespmem:s20+$0xFFFFFEC0] =	vst v5  }
0x66: {  	[tilespmem:s20+$0xFFFFFE40] =	vst v4;
	v4 =	vld [tilespmem:s24+$0x1940]  }
0x67: {  	v5 =	vld [tilespmem:s25+$0x1940];
	[tilespmem:s20+$0xFFFFFF40] =	vst v1  }
0x68: {  	v1 =	vld [tilespmem:s26+$0x1950];
	[tilespmem:s20+$0xFFFFFFC0] =	vst v2  }
0x69: {  	v2 =	vld [tilespmem:s28+$0x1950];
	[tilespmem:s20+$0x1E0] =	vst v0  }
0x6a: {  	[tilespmem:s20+$0x40] =	vst v3;
	v0 =	vld [tilespmem:s29+$0x1970]  }
0x6b: {  	v3 =	vld [tilespmem:s21+$0x1950];
	[tilespmem:s20+$0xC0] =	vst v4  }
0x6c: {  	v4 =	vld [tilespmem:s22+$0x1950];
	[tilespmem:s20+$0x140] =	vst v5  }
0x6d: {  	v5 =	vld [tilespmem:s23+$0x1950];
	[tilespmem:s20+$0xFFFFFE50] =	vst v1  }
0x6e: {  	v1 =	vld [tilespmem:s25+$0x1950];
	[tilespmem:s20+$0xFFFFFED0] =	vst v2  }
0x6f: {  	[tilespmem:s20+$0x1F0] =	vst v0;
	v0 =	vld [tilespmem:s24+$0x1950]  }
0x70: {  	v2 =	vld [tilespmem:s26+$0x1960];
	[tilespmem:s20+$0xFFFFFF50] =	vst v3  }
0x71: {  	v6 =	vld [tilespmem:s28+$0x1960];
	[tilespmem:s20+$0xFFFFFFD0] =	vst v4  }
0x72: {  	v7 =	vld [tilespmem:s21+$0x1960];
	[tilespmem:s20+$0x50] =	vst v5  }
0x73: {  	v5 =	vld [tilespmem:s22+$0x1960];
	[tilespmem:s20+$0x150] =	vst v1  }
0x74: {  	v3 =	vld [tilespmem:s23+$0x1960];
	[tilespmem:s20+$0xD0] =	vst v0  }
0x75: {  	[tilespmem:s20+$0xFFFFFE60] =	vst v2;
	v4 =	vld [tilespmem:s24+$0x1960]  }
0x76: {  	v2 =	vld [tilespmem:s25+$0x1960];
	[tilespmem:s20+$0xFFFFFEE0] =	vst v6  }
0x77: {  	v1 =	vld [tilespmem:s26+$0x1970];
	[tilespmem:s20+$0xFFFFFF60] =	vst v7  }
0x78: {  	s26 =	simm.s32 $0x0;
	v0 =	vld [tilespmem:s28+$0x1970];
	[tilespmem:s20+$0xFFFFFFE0] =	vst v5;
	s28 =	simm.s32 $0xC  }
.LBB2_2:
0x79: {  	s29 =	sld [smem:s28+$0x3];
	s26 =	sadd.s32 $0x8, s26;
	v5 =	vld [tilespmem:s21+$0x1970];
	[tilespmem:s20+$0x60] =	vst v3  }
0x7a: {  	s21 =	sld [smem:s28+$0xFFFFFFFD];
	p0 =	slt.u32 s26, $0x188;
	v3 =	vld [tilespmem:s22+$0x1970];
	[tilespmem:s20+$0xE0] =	vst v4  }
0x7b: {  	s22 =	sld [smem:s28+$0xFFFFFFFE];
	v4 =	vld [tilespmem:s23+$0x1970];
	[tilespmem:s20+$0x160] =	vst v2  }
0x7c: {  	s23 =	sld [smem:s28+$0xFFFFFFFF];
	s29 =	sshll.u32 s29, $0x9;
	[tilespmem:s20+$0xFFFFFE70] =	vst v1;
	v1 =	vld [tilespmem:s24+$0x1970]  }
0x7d: {  	s21 =	sshll.u32 s21, $0x9;
	s24 =	sld [smem:s28+$0x0];
	s31 =	sshra.s32 s29, $0x2;
	[tilespmem:s20+$0xFFFFFEF0] =	vst v0;
	v0 =	vld [tilespmem:s25+$0x1970]  }
0x7e: {  	s29 =	sshra.s32 s21, $0x2;
	s21 =	sshll.u32 s22, $0x9;
	s25 =	sld [smem:s28+$0x1];
	v2 =	vld [tilespmem:s31+$0x1900];
	[tilespmem:s20+$0xFFFFFF70] =	vst v5  }
0x7f: {  	v5 =	vld [tilespmem:s29+$0x1900];
	s21 =	sshra.s32 s21, $0x2;
	s22 =	sshll.u32 s23, $0x9;
	s30 =	sld [smem:s28+$0x2];
	[tilespmem:s20+$0xFFFFFFF0] =	vst v3  }
0x80: {  	s2 =	sld [smem:s28+$0xFFFFFFFC];
	v3 =	vld [tilespmem:s21+$0x1900];
	s22 =	sshra.s32 s22, $0x2;
	s23 =	sshll.u32 s24, $0x9;
	[tilespmem:s20+$0x70] =	vst v4  }
0x81: {  	v4 =	vld [tilespmem:s22+$0x1900];
	s23 =	sshra.s32 s23, $0x2;
	s24 =	sshll.u32 s25, $0x9;
	[tilespmem:s20+$0xF0] =	vst v1  }
0x82: {  	v1 =	vld [tilespmem:s23+$0x1900];
	s24 =	sshra.s32 s24, $0x2;
	s25 =	sshll.u32 s30, $0x9;
	[tilespmem:s20+$0x170] =	vst v0;
	s20 =	sadd.s32 $0x400, s20  }
0x83: {  	s2 =	sshll.u32 s2, $0x9;
	v0 =	vld [tilespmem:s24+$0x1900];
	s25 =	sshra.s32 s25, $0x2;
	[tilespmem:s20+$0x180] =	vst v2  }
0x84: {  	s30 =	sshra.s32 s2, $0x2;
	[tilespmem:s20+$0xFFFFFE80] =	vst v5;
	v2 =	vld [tilespmem:s31+$0x1910]  }
0x85: {  	v5 =	vld [tilespmem:s30+$0x1900];
	[tilespmem:s20+$0xFFFFFF00] =	vst v3  }
0x86: {  	[tilespmem:s20+$0xFFFFFF80] =	vst v4;
	v3 =	vld [tilespmem:s25+$0x1900]  }
0x87: {  	v4 =	vld [tilespmem:s29+$0x1910];
	[tilespmem:s20+$0x0] =	vst v1  }
0x88: {  	v1 =	vld [tilespmem:s21+$0x1910];
	[tilespmem:s20+$0x80] =	vst v0  }
0x89: {  	v0 =	vld [tilespmem:s22+$0x1910];
	[tilespmem:s20+$0x190] =	vst v2  }
0x8a: {  	[tilespmem:s20+$0xFFFFFE00] =	vst v5;
	v2 =	vld [tilespmem:s31+$0x1920]  }
0x8b: {  	v5 =	vld [tilespmem:s30+$0x1910];
	[tilespmem:s20+$0x100] =	vst v3  }
0x8c: {  	[tilespmem:s20+$0xFFFFFE90] =	vst v4;
	v3 =	vld [tilespmem:s23+$0x1910]  }
0x8d: {  	[tilespmem:s20+$0xFFFFFF10] =	vst v1;
	v1 =	vld [tilespmem:s24+$0x1910]  }
0x8e: {  	[tilespmem:s20+$0xFFFFFF90] =	vst v0;
	v0 =	vld [tilespmem:s25+$0x1910]  }
0x8f: {  	v4 =	vld [tilespmem:s29+$0x1920];
	[tilespmem:s20+$0x1A0] =	vst v2  }
0x90: {  	[tilespmem:s20+$0xFFFFFE10] =	vst v5;
	v2 =	vld [tilespmem:s31+$0x1930]  }
0x91: {  	v5 =	vld [tilespmem:s30+$0x1920];
	[tilespmem:s20+$0x10] =	vst v3  }
0x92: {  	v3 =	vld [tilespmem:s21+$0x1920];
	[tilespmem:s20+$0x90] =	vst v1  }
0x93: {  	v1 =	vld [tilespmem:s22+$0x1920];
	[tilespmem:s20+$0x110] =	vst v0  }
0x94: {  	[tilespmem:s20+$0xFFFFFEA0] =	vst v4;
	v0 =	vld [tilespmem:s23+$0x1920]  }
0x95: {  	v4 =	vld [tilespmem:s24+$0x1920];
	[tilespmem:s20+$0x1B0] =	vst v2  }
0x96: {  	[tilespmem:s20+$0xFFFFFE20] =	vst v5;
	v2 =	vld [tilespmem:s31+$0x1940]  }
0x97: {  	[tilespmem:s20+$0xFFFFFF20] =	vst v3;
	v3 =	vld [tilespmem:s25+$0x1920]  }
0x98: {  	v5 =	vld [tilespmem:s30+$0x1930];
	[tilespmem:s20+$0xFFFFFFA0] =	vst v1  }
0x99: {  	v1 =	vld [tilespmem:s29+$0x1930];
	[tilespmem:s20+$0x20] =	vst v0  }
0x9a: {  	v0 =	vld [tilespmem:s21+$0x1930];
	[tilespmem:s20+$0xA0] =	vst v4  }
0x9b: {  	v4 =	vld [tilespmem:s22+$0x1930];
	[tilespmem:s20+$0x1C0] =	vst v2  }
0x9c: {  	[tilespmem:s20+$0x120] =	vst v3;
	v2 =	vld [tilespmem:s31+$0x1950]  }
0x9d: {  	[tilespmem:s20+$0xFFFFFE30] =	vst v5;
	v3 =	vld [tilespmem:s23+$0x1930]  }
0x9e: {  	[tilespmem:s20+$0xFFFFFEB0] =	vst v1;
	v1 =	vld [tilespmem:s24+$0x1930]  }
0x9f: {  	[tilespmem:s20+$0xFFFFFF30] =	vst v0;
	v0 =	vld [tilespmem:s25+$0x1930]  }
0xa0: {  	v5 =	vld [tilespmem:s30+$0x1940];
	[tilespmem:s20+$0xFFFFFFB0] =	vst v4  }
0xa1: {  	v4 =	vld [tilespmem:s29+$0x1940];
	[tilespmem:s20+$0x1D0] =	vst v2  }
0xa2: {  	[tilespmem:s20+$0x30] =	vst v3;
	v2 =	vld [tilespmem:s31+$0x1960]  }
0xa3: {  	v3 =	vld [tilespmem:s21+$0x1940];
	[tilespmem:s20+$0xB0] =	vst v1  }
0xa4: {  	v1 =	vld [tilespmem:s22+$0x1940];
	[tilespmem:s20+$0x130] =	vst v0  }
0xa5: {  	[tilespmem:s20+$0xFFFFFE40] =	vst v5;
	v0 =	vld [tilespmem:s23+$0x1940]  }
0xa6: {  	[tilespmem:s20+$0xFFFFFEC0] =	vst v4;
	v4 =	vld [tilespmem:s24+$0x1940]  }
0xa7: {  	v5 =	vld [tilespmem:s25+$0x1940];
	[tilespmem:s20+$0x1E0] =	vst v2  }
0xa8: {  	[tilespmem:s20+$0xFFFFFF40] =	vst v3;
	v2 =	vld [tilespmem:s31+$0x1970]  }
0xa9: {  	v3 =	vld [tilespmem:s30+$0x1950];
	[tilespmem:s20+$0xFFFFFFC0] =	vst v1  }
0xaa: {  	v1 =	vld [tilespmem:s29+$0x1950];
	[tilespmem:s20+$0x40] =	vst v0  }
0xab: {  	v0 =	vld [tilespmem:s21+$0x1950];
	[tilespmem:s20+$0xC0] =	vst v4  }
0xac: {  	v4 =	vld [tilespmem:s22+$0x1950];
	[tilespmem:s20+$0x140] =	vst v5  }
0xad: {  	v5 =	vld [tilespmem:s23+$0x1950];
	[tilespmem:s20+$0x1F0] =	vst v2  }
0xae: {  	[tilespmem:s20+$0xFFFFFE50] =	vst v3;
	v2 =	vld [tilespmem:s24+$0x1950]  }
0xaf: {  	[tilespmem:s20+$0xFFFFFED0] =	vst v1;
	v1 =	vld [tilespmem:s25+$0x1950]  }
0xb0: {  	v6 =	vld [tilespmem:s30+$0x1960];
	[tilespmem:s20+$0xFFFFFF50] =	vst v0  }
0xb1: {  	v0 =	vld [tilespmem:s29+$0x1960];
	[tilespmem:s20+$0xFFFFFFD0] =	vst v4  }
0xb2: {  	v7 =	vld [tilespmem:s21+$0x1960];
	[tilespmem:s20+$0x50] =	vst v5  }
0xb3: {  	v5 =	vld [tilespmem:s22+$0x1960];
	[tilespmem:s20+$0xD0] =	vst v2  }
.Ltmp0:
0xb4: {  	v3 =	vld [tilespmem:s23+$0x1960];
	[tilespmem:s20+$0x150] =	vst v1;
	(pc) =	sbr.rel @p0 .LBB2_2-.Ltmp0, $4  }
0xb5: {  	[tilespmem:s20+$0xFFFFFE60] =	vst v6;
	v4 =	vld [tilespmem:s24+$0x1960]  }
0xb6: {  	[tilespmem:s20+$0xFFFFFEE0] =	vst v0;
	v2 =	vld [tilespmem:s25+$0x1960]  }
0xb7: {  	v1 =	vld [tilespmem:s30+$0x1970];
	[tilespmem:s20+$0xFFFFFF60] =	vst v7  }
0xb8: {  	s28 =	sadd.s32 $0x8, s28;
	v0 =	vld [tilespmem:s29+$0x1970];
	[tilespmem:s20+$0xFFFFFFE0] =	vst v5  }
0xb9: {  	v5 =	vld [tilespmem:s21+$0x1970];
	[tilespmem:s20+$0x60] =	vst v3  }
0xba: {  	v3 =	vld [tilespmem:s22+$0x1970];
	[tilespmem:s20+$0xE0] =	vst v4  }
0xbb: {  	v4 =	vld [tilespmem:s23+$0x1970];
	[tilespmem:s20+$0x160] =	vst v2  }
0xbc: {  	[tilespmem:s20+$0xFFFFFE70] =	vst v1;
	v1 =	vld [tilespmem:s24+$0x1970]  }
0xbd: {  	[tilespmem:s20+$0xFFFFFEF0] =	vst v0;
	v0 =	vld [tilespmem:s25+$0x1970]  }
0xbe: {  	[tilespmem:s20+$0xFFFFFF70] =	vst v5  }
0xbf: {  	[tilespmem:s20+$0xFFFFFFF0] =	vst v3  }
0xc0: {  	[tilespmem:s20+$0x70] =	vst v4  }
0xc1: {  	[tilespmem:s20+$0xF0] =	vst v1  }
0xc2: {  	[tilespmem:s20+$0x170] =	vst v0  }
0xc3: {  	s0 =	rddreg [dreg:$0x8]  }
0xc4: {  	[hbm4b:s0+s3] =	stream.linear.scatter [tilespmem:s14], [sflag:$0x4], $0xC800, $0x38;
	[tilespmem:$0x1AD00] =	vst v63  }
0xc5: {  	_ =	swait.ge [sflag:s15], $0x190  }
0xc6: {  	[sflag:s15] =	ssyncset.done $0x0  }
0xc7: {  	s22 =	rddreg [dreg:$0x9];
	[sflag:s15] =	ssyncadd.s32 $0xFFFFFE70  }
0xc8: {  	[smem:s3], [sflag:$0x2] =	stream.linear.gather [spmem:s22], $0x190, $0x38;
	[tilespmem:$0x1AD00] =	vst v63  }
0xc9: {  	s2 =	sld [smem:$0x197]  }
0xca: {  	s23 =	sld [smem:$0x191]  }
0xcb: {  	s24 =	sld [smem:$0x192]  }
0xcc: {  	s26 =	sld [smem:$0x193];
	s2 =	sshll.u32 s2, $0x9  }
0xcd: {  	s30 =	sld [smem:$0x194];
	s20 =	sshll.u32 s23, $0x9;
	s29 =	sshra.s32 s2, $0x2  }
0xce: {  	s25 =	sld [smem:$0x195];
	s28 =	sshra.s32 s20, $0x2;
	v0 =	vld [tilespmem:s29+$0x1900];
	s31 =	sshll.u32 s24, $0x9  }
0xcf: {  	v1 =	vld [tilespmem:s28+$0x1900];
	s0 =	sld [smem:$0x196];
	s21 =	sshra.s32 s31, $0x2;
	s24 =	sshll.u32 s26, $0x9  }
0xd0: {  	s26 =	sld [smem:$0x190];
	v2 =	vld [tilespmem:s21+$0x1900];
	s22 =	sshra.s32 s24, $0x2;
	s30 =	sshll.u32 s30, $0x9  }
0xd1: {  	v3 =	vld [tilespmem:s22+$0x1900];
	s23 =	sshra.s32 s30, $0x2;
	s2 =	sshll.u32 s25, $0x9  }
0xd2: {  	s20 =	simm.s32 $0xE500;
	v4 =	vld [tilespmem:s23+$0x1900];
	s24 =	sshra.s32 s2, $0x2  }
0xd3: {  	s31 =	sshll.u32 s26, $0x9;
	v5 =	vld [tilespmem:s24+$0x1900];
	[tilespmem:s20+$0x380] =	vst v0  }
0xd4: {  	s25 =	sshll.u32 s0, $0x9;
	s26 =	sshra.s32 s31, $0x2;
	[tilespmem:s20+$0x80] =	vst v1;
	v0 =	vld [tilespmem:s29+$0x1910]  }
0xd5: {  	s25 =	sshra.s32 s25, $0x2;
	v1 =	vld [tilespmem:s26+$0x1900];
	[tilespmem:s20+$0x100] =	vst v2  }
0xd6: {  	v2 =	vld [tilespmem:s25+$0x1900];
	[tilespmem:s20+$0x180] =	vst v3  }
0xd7: {  	v3 =	vld [tilespmem:s28+$0x1910];
	[tilespmem:s20+$0x200] =	vst v4  }
0xd8: {  	v4 =	vld [tilespmem:s21+$0x1910];
	[tilespmem:s20+$0x280] =	vst v5  }
0xd9: {  	v5 =	vld [tilespmem:s22+$0x1910];
	[tilespmem:s20+$0x390] =	vst v0  }
0xda: {  	[tilespmem:s20+$0x0] =	vst v1;
	v0 =	vld [tilespmem:s29+$0x1920]  }
0xdb: {  	[tilespmem:s20+$0x300] =	vst v2;
	v2 =	vld [tilespmem:s23+$0x1910]  }
0xdc: {  	v1 =	vld [tilespmem:s26+$0x1910];
	[tilespmem:s20+$0x90] =	vst v3  }
0xdd: {  	v3 =	vld [tilespmem:s24+$0x1910];
	[tilespmem:s20+$0x110] =	vst v4  }
0xde: {  	v4 =	vld [tilespmem:s25+$0x1910];
	[tilespmem:s20+$0x190] =	vst v5  }
0xdf: {  	v5 =	vld [tilespmem:s28+$0x1920];
	[tilespmem:s20+$0x3A0] =	vst v0  }
0xe0: {  	[tilespmem:s20+$0x210] =	vst v2;
	v0 =	vld [tilespmem:s29+$0x1930]  }
0xe1: {  	v2 =	vld [tilespmem:s21+$0x1920];
	[tilespmem:s20+$0x10] =	vst v1  }
0xe2: {  	[tilespmem:s20+$0x290] =	vst v3;
	v1 =	vld [tilespmem:s26+$0x1920]  }
0xe3: {  	v3 =	vld [tilespmem:s22+$0x1920];
	[tilespmem:s20+$0x310] =	vst v4  }
0xe4: {  	v4 =	vld [tilespmem:s23+$0x1920];
	[tilespmem:s20+$0xA0] =	vst v5  }
0xe5: {  	v5 =	vld [tilespmem:s24+$0x1920];
	[tilespmem:s20+$0x3B0] =	vst v0  }
0xe6: {  	[tilespmem:s20+$0x120] =	vst v2;
	v0 =	vld [tilespmem:s29+$0x1940]  }
0xe7: {  	[tilespmem:s20+$0x20] =	vst v1;
	v1 =	vld [tilespmem:s25+$0x1920]  }
0xe8: {  	[tilespmem:s20+$0x1A0] =	vst v3;
	v3 =	vld [tilespmem:s28+$0x1930]  }
0xe9: {  	[tilespmem:s20+$0x220] =	vst v4;
	v2 =	vld [tilespmem:s26+$0x1930]  }
0xea: {  	v4 =	vld [tilespmem:s21+$0x1930];
	[tilespmem:s20+$0x2A0] =	vst v5  }
0xeb: {  	v5 =	vld [tilespmem:s22+$0x1930];
	[tilespmem:s20+$0x3C0] =	vst v0  }
0xec: {  	[tilespmem:s20+$0x320] =	vst v1;
	v1 =	vld [tilespmem:s23+$0x1930]  }
0xed: {  	[tilespmem:s20+$0xB0] =	vst v3;
	v0 =	vld [tilespmem:s29+$0x1950]  }
0xee: {  	[tilespmem:s20+$0x30] =	vst v2;
	v2 =	vld [tilespmem:s24+$0x1930]  }
0xef: {  	[tilespmem:s20+$0x130] =	vst v4;
	v3 =	vld [tilespmem:s25+$0x1930]  }
0xf0: {  	[tilespmem:s20+$0x1B0] =	vst v5;
	v5 =	vld [tilespmem:s28+$0x1940]  }
0xf1: {  	v4 =	vld [tilespmem:s26+$0x1940];
	[tilespmem:s20+$0x230] =	vst v1  }
0xf2: {  	v1 =	vld [tilespmem:s21+$0x1940];
	[tilespmem:s20+$0x3D0] =	vst v0  }
0xf3: {  	[tilespmem:s20+$0x2B0] =	vst v2;
	v2 =	vld [tilespmem:s22+$0x1940]  }
0xf4: {  	[tilespmem:s20+$0x330] =	vst v3;
	v0 =	vld [tilespmem:s29+$0x1960]  }
0xf5: {  	v3 =	vld [tilespmem:s23+$0x1940];
	[tilespmem:s20+$0xC0] =	vst v5  }
0xf6: {  	[tilespmem:s20+$0x40] =	vst v4;
	v4 =	vld [tilespmem:s24+$0x1940]  }
0xf7: {  	v5 =	vld [tilespmem:s25+$0x1940];
	[tilespmem:s20+$0x140] =	vst v1  }
0xf8: {  	v1 =	vld [tilespmem:s26+$0x1950];
	[tilespmem:s20+$0x1C0] =	vst v2  }
0xf9: {  	v2 =	vld [tilespmem:s28+$0x1950];
	[tilespmem:s20+$0x3E0] =	vst v0  }
0xfa: {  	[tilespmem:s20+$0x240] =	vst v3;
	v0 =	vld [tilespmem:s29+$0x1970]  }
0xfb: {  	v3 =	vld [tilespmem:s21+$0x1950];
	[tilespmem:s20+$0x2C0] =	vst v4  }
0xfc: {  	v4 =	vld [tilespmem:s22+$0x1950];
	[tilespmem:s20+$0x340] =	vst v5  }
0xfd: {  	v5 =	vld [tilespmem:s23+$0x1950];
	[tilespmem:s20+$0x50] =	vst v1  }
0xfe: {  	v1 =	vld [tilespmem:s25+$0x1950];
	[tilespmem:s20+$0xD0] =	vst v2  }
0xff: {  	[tilespmem:s20+$0x3F0] =	vst v0;
	v0 =	vld [tilespmem:s24+$0x1950]  }
0x100: {  	v2 =	vld [tilespmem:s26+$0x1960];
	[tilespmem:s20+$0x150] =	vst v3  }
0x101: {  	v6 =	vld [tilespmem:s28+$0x1960];
	[tilespmem:s20+$0x1D0] =	vst v4  }
0x102: {  	v7 =	vld [tilespmem:s21+$0x1960];
	[tilespmem:s20+$0x250] =	vst v5  }
0x103: {  	v5 =	vld [tilespmem:s22+$0x1960];
	[tilespmem:s20+$0x350] =	vst v1  }
0x104: {  	v3 =	vld [tilespmem:s23+$0x1960];
	[tilespmem:s20+$0x2D0] =	vst v0  }
0x105: {  	[tilespmem:s20+$0x60] =	vst v2;
	v4 =	vld [tilespmem:s24+$0x1960]  }
0x106: {  	v2 =	vld [tilespmem:s25+$0x1960];
	[tilespmem:s20+$0xE0] =	vst v6  }
0x107: {  	v1 =	vld [tilespmem:s26+$0x1970];
	[tilespmem:s20+$0x160] =	vst v7  }
0x108: {  	s26 =	simm.s32 $0x0;
	v0 =	vld [tilespmem:s28+$0x1970];
	[tilespmem:s20+$0x1E0] =	vst v5;
	s28 =	simm.s32 $0x19F  }
.LBB2_4:
0x109: {  	s2 =	sld [smem:s28+$0x0];
	s26 =	sadd.s32 $0x8, s26;
	v5 =	vld [tilespmem:s21+$0x1970];
	[tilespmem:s20+$0x260] =	vst v3  }
0x10a: {  	s21 =	sld [smem:s28+$0xFFFFFFFA];
	p0 =	slt.u32 s26, $0x188;
	v3 =	vld [tilespmem:s22+$0x1970];
	[tilespmem:s20+$0x2E0] =	vst v4  }
0x10b: {  	s22 =	sld [smem:s28+$0xFFFFFFFB];
	v4 =	vld [tilespmem:s23+$0x1970];
	[tilespmem:s20+$0x360] =	vst v2  }
0x10c: {  	s23 =	sld [smem:s28+$0xFFFFFFFC];
	s2 =	sshll.u32 s2, $0x9;
	[tilespmem:s20+$0x70] =	vst v1;
	v1 =	vld [tilespmem:s24+$0x1970]  }
0x10d: {  	s21 =	sshll.u32 s21, $0x9;
	s24 =	sld [smem:s28+$0xFFFFFFFD];
	s31 =	sshra.s32 s2, $0x2;
	[tilespmem:s20+$0xF0] =	vst v0;
	v0 =	vld [tilespmem:s25+$0x1970]  }
0x10e: {  	s29 =	sshra.s32 s21, $0x2;
	s2 =	sshll.u32 s22, $0x9;
	s25 =	sld [smem:s28+$0xFFFFFFFE];
	v2 =	vld [tilespmem:s31+$0x1900];
	[tilespmem:s20+$0x170] =	vst v5  }
0x10f: {  	v5 =	vld [tilespmem:s29+$0x1900];
	s21 =	sshra.s32 s2, $0x2;
	s2 =	sshll.u32 s23, $0x9;
	s30 =	sld [smem:s28+$0xFFFFFFFF];
	[tilespmem:s20+$0x1F0] =	vst v3  }
0x110: {  	s0 =	sld [smem:s28+$0xFFFFFFF9];
	v3 =	vld [tilespmem:s21+$0x1900];
	s22 =	sshra.s32 s2, $0x2;
	s2 =	sshll.u32 s24, $0x9;
	[tilespmem:s20+$0x270] =	vst v4  }
0x111: {  	v4 =	vld [tilespmem:s22+$0x1900];
	s23 =	sshra.s32 s2, $0x2;
	s2 =	sshll.u32 s25, $0x9;
	[tilespmem:s20+$0x2F0] =	vst v1  }
0x112: {  	v1 =	vld [tilespmem:s23+$0x1900];
	s24 =	sshra.s32 s2, $0x2;
	s2 =	sshll.u32 s30, $0x9;
	[tilespmem:s20+$0x370] =	vst v0;
	s20 =	sadd.s32 $0x400, s20  }
0x113: {  	s0 =	sshll.u32 s0, $0x9;
	v0 =	vld [tilespmem:s24+$0x1900];
	s25 =	sshra.s32 s2, $0x2;
	[tilespmem:s20+$0x380] =	vst v2  }
0x114: {  	s30 =	sshra.s32 s0, $0x2;
	[tilespmem:s20+$0x80] =	vst v5;
	v2 =	vld [tilespmem:s31+$0x1910]  }
0x115: {  	v5 =	vld [tilespmem:s30+$0x1900];
	[tilespmem:s20+$0x100] =	vst v3  }
0x116: {  	[tilespmem:s20+$0x180] =	vst v4;
	v3 =	vld [tilespmem:s25+$0x1900]  }
0x117: {  	v4 =	vld [tilespmem:s29+$0x1910];
	[tilespmem:s20+$0x200] =	vst v1  }
0x118: {  	v1 =	vld [tilespmem:s21+$0x1910];
	[tilespmem:s20+$0x280] =	vst v0  }
0x119: {  	v0 =	vld [tilespmem:s22+$0x1910];
	[tilespmem:s20+$0x390] =	vst v2  }
0x11a: {  	[tilespmem:s20+$0x0] =	vst v5;
	v2 =	vld [tilespmem:s31+$0x1920]  }
0x11b: {  	v5 =	vld [tilespmem:s30+$0x1910];
	[tilespmem:s20+$0x300] =	vst v3  }
0x11c: {  	[tilespmem:s20+$0x90] =	vst v4;
	v3 =	vld [tilespmem:s23+$0x1910]  }
0x11d: {  	[tilespmem:s20+$0x110] =	vst v1;
	v1 =	vld [tilespmem:s24+$0x1910]  }
0x11e: {  	[tilespmem:s20+$0x190] =	vst v0;
	v0 =	vld [tilespmem:s25+$0x1910]  }
0x11f: {  	v4 =	vld [tilespmem:s29+$0x1920];
	[tilespmem:s20+$0x3A0] =	vst v2  }
0x120: {  	[tilespmem:s20+$0x10] =	vst v5;
	v2 =	vld [tilespmem:s31+$0x1930]  }
0x121: {  	v5 =	vld [tilespmem:s30+$0x1920];
	[tilespmem:s20+$0x210] =	vst v3  }
0x122: {  	v3 =	vld [tilespmem:s21+$0x1920];
	[tilespmem:s20+$0x290] =	vst v1  }
0x123: {  	v1 =	vld [tilespmem:s22+$0x1920];
	[tilespmem:s20+$0x310] =	vst v0  }
0x124: {  	[tilespmem:s20+$0xA0] =	vst v4;
	v0 =	vld [tilespmem:s23+$0x1920]  }
0x125: {  	v4 =	vld [tilespmem:s24+$0x1920];
	[tilespmem:s20+$0x3B0] =	vst v2  }
0x126: {  	[tilespmem:s20+$0x20] =	vst v5;
	v2 =	vld [tilespmem:s31+$0x1940]  }
0x127: {  	[tilespmem:s20+$0x120] =	vst v3;
	v3 =	vld [tilespmem:s25+$0x1920]  }
0x128: {  	v5 =	vld [tilespmem:s30+$0x1930];
	[tilespmem:s20+$0x1A0] =	vst v1  }
0x129: {  	v1 =	vld [tilespmem:s29+$0x1930];
	[tilespmem:s20+$0x220] =	vst v0  }
0x12a: {  	v0 =	vld [tilespmem:s21+$0x1930];
	[tilespmem:s20+$0x2A0] =	vst v4  }
0x12b: {  	v4 =	vld [tilespmem:s22+$0x1930];
	[tilespmem:s20+$0x3C0] =	vst v2  }
0x12c: {  	[tilespmem:s20+$0x320] =	vst v3;
	v2 =	vld [tilespmem:s31+$0x1950]  }
0x12d: {  	[tilespmem:s20+$0x30] =	vst v5;
	v3 =	vld [tilespmem:s23+$0x1930]  }
0x12e: {  	[tilespmem:s20+$0xB0] =	vst v1;
	v1 =	vld [tilespmem:s24+$0x1930]  }
0x12f: {  	[tilespmem:s20+$0x130] =	vst v0;
	v0 =	vld [tilespmem:s25+$0x1930]  }
0x130: {  	v5 =	vld [tilespmem:s30+$0x1940];
	[tilespmem:s20+$0x1B0] =	vst v4  }
0x131: {  	v4 =	vld [tilespmem:s29+$0x1940];
	[tilespmem:s20+$0x3D0] =	vst v2  }
0x132: {  	[tilespmem:s20+$0x230] =	vst v3;
	v2 =	vld [tilespmem:s31+$0x1960]  }
0x133: {  	v3 =	vld [tilespmem:s21+$0x1940];
	[tilespmem:s20+$0x2B0] =	vst v1  }
0x134: {  	v1 =	vld [tilespmem:s22+$0x1940];
	[tilespmem:s20+$0x330] =	vst v0  }
0x135: {  	[tilespmem:s20+$0x40] =	vst v5;
	v0 =	vld [tilespmem:s23+$0x1940]  }
0x136: {  	[tilespmem:s20+$0xC0] =	vst v4;
	v4 =	vld [tilespmem:s24+$0x1940]  }
0x137: {  	v5 =	vld [tilespmem:s25+$0x1940];
	[tilespmem:s20+$0x3E0] =	vst v2  }
0x138: {  	[tilespmem:s20+$0x140] =	vst v3;
	v2 =	vld [tilespmem:s31+$0x1970]  }
0x139: {  	v3 =	vld [tilespmem:s30+$0x1950];
	[tilespmem:s20+$0x1C0] =	vst v1  }
0x13a: {  	v1 =	vld [tilespmem:s29+$0x1950];
	[tilespmem:s20+$0x240] =	vst v0  }
0x13b: {  	v0 =	vld [tilespmem:s21+$0x1950];
	[tilespmem:s20+$0x2C0] =	vst v4  }
0x13c: {  	v4 =	vld [tilespmem:s22+$0x1950];
	[tilespmem:s20+$0x340] =	vst v5  }
0x13d: {  	v5 =	vld [tilespmem:s23+$0x1950];
	[tilespmem:s20+$0x3F0] =	vst v2  }
0x13e: {  	[tilespmem:s20+$0x50] =	vst v3;
	v2 =	vld [tilespmem:s24+$0x1950]  }
0x13f: {  	[tilespmem:s20+$0xD0] =	vst v1;
	v1 =	vld [tilespmem:s25+$0x1950]  }
0x140: {  	v6 =	vld [tilespmem:s30+$0x1960];
	[tilespmem:s20+$0x150] =	vst v0  }
0x141: {  	v0 =	vld [tilespmem:s29+$0x1960];
	[tilespmem:s20+$0x1D0] =	vst v4  }
0x142: {  	v7 =	vld [tilespmem:s21+$0x1960];
	[tilespmem:s20+$0x250] =	vst v5  }
0x143: {  	v5 =	vld [tilespmem:s22+$0x1960];
	[tilespmem:s20+$0x2D0] =	vst v2  }
.Ltmp1:
0x144: {  	v3 =	vld [tilespmem:s23+$0x1960];
	[tilespmem:s20+$0x350] =	vst v1;
	(pc) =	sbr.rel @p0 .LBB2_4-.Ltmp1, $4  }
0x145: {  	[tilespmem:s20+$0x60] =	vst v6;
	v4 =	vld [tilespmem:s24+$0x1960]  }
0x146: {  	[tilespmem:s20+$0xE0] =	vst v0;
	v2 =	vld [tilespmem:s25+$0x1960]  }
0x147: {  	v1 =	vld [tilespmem:s30+$0x1970];
	[tilespmem:s20+$0x160] =	vst v7  }
0x148: {  	s28 =	sadd.s32 $0x8, s28;
	v0 =	vld [tilespmem:s29+$0x1970];
	[tilespmem:s20+$0x1E0] =	vst v5  }
0x149: {  	v5 =	vld [tilespmem:s21+$0x1970];
	[tilespmem:s20+$0x260] =	vst v3  }
0x14a: {  	v3 =	vld [tilespmem:s22+$0x1970];
	[tilespmem:s20+$0x2E0] =	vst v4  }
0x14b: {  	v4 =	vld [tilespmem:s23+$0x1970];
	[tilespmem:s20+$0x360] =	vst v2  }
0x14c: {  	[tilespmem:s20+$0x70] =	vst v1;
	v1 =	vld [tilespmem:s24+$0x1970]  }
0x14d: {  	[tilespmem:s20+$0xF0] =	vst v0;
	v0 =	vld [tilespmem:s25+$0x1970]  }
0x14e: {  	[tilespmem:s20+$0x170] =	vst v5  }
0x14f: {  	[tilespmem:s20+$0x1F0] =	vst v3  }
0x150: {  	[tilespmem:s20+$0x270] =	vst v4  }
0x151: {  	[tilespmem:s20+$0x2F0] =	vst v1  }
0x152: {  	[tilespmem:s20+$0x370] =	vst v0  }
0x153: {  	s0 =	rddreg [dreg:$0xa]  }
0x154: {  	[hbm4b:s0+s3] =	stream.linear.scatter [tilespmem:s16], [sflag:$0x5], $0xC800, $0x38;
	[tilespmem:$0x1AD00] =	vst v63  }
0x155: {  	_ =	swait.ge [sflag:s12], $0x190  }
0x156: {  	[sflag:s12] =	ssyncset.done $0x0  }
0x157: {  	s21 =	simm.s32 $0x4;
	s20 =	rddreg [dreg:$0x1a];
	[sflag:s12] =	ssyncadd.s32 $0xFFFFFE70  }
0x158: {  	[smem:s13], [sflag:$0x3] =	stream.linear.gather [spmem:s20], $0x190, $0x38;
	[tilespmem:$0x1AD00] =	vst v63  }
0x159: {  	_ =	swait.ge [sflag:s21], $0xC800  }
0x15a: {  	[sflag:s21] =	ssyncset.done $0x0  }
0x15b: {  	[sflag:s21] =	ssyncadd.s32 $0xFFFF3800  }
0x15c: {  	s0 =	sld [smem:$0x7]  }
0x15d: {  	s2 =	sld [smem:$0x1]  }
0x15e: {  	s22 =	sld [smem:$0x2]  }
0x15f: {  	s23 =	sld [smem:$0x3];
	s0 =	sshll.u32 s0, $0x9  }
0x160: {  	s24 =	sld [smem:$0x4];
	s2 =	sshll.u32 s2, $0x9;
	s29 =	sshra.s32 s0, $0x2  }
0x161: {  	s25 =	sld [smem:$0x5];
	s28 =	sshra.s32 s2, $0x2;
	v0 =	vld [tilespmem:s29+$0x1900];
	s30 =	sshll.u32 s22, $0x9  }
0x162: {  	v1 =	vld [tilespmem:s28+$0x1900];
	s31 =	sld [smem:$0x6];
	s21 =	sshra.s32 s30, $0x2;
	s22 =	sshll.u32 s23, $0x9  }
0x163: {  	s26 =	sld [smem:$0x0];
	v2 =	vld [tilespmem:s21+$0x1900];
	s22 =	sshra.s32 s22, $0x2;
	s24 =	sshll.u32 s24, $0x9  }
0x164: {  	v3 =	vld [tilespmem:s22+$0x1900];
	s23 =	sshra.s32 s24, $0x2;
	s0 =	sshll.u32 s25, $0x9  }
0x165: {  	s20 =	simm.s32 $0x1F00;
	v4 =	vld [tilespmem:s23+$0x1900];
	s24 =	sshra.s32 s0, $0x2  }
0x166: {  	s30 =	sshll.u32 s26, $0x9;
	v5 =	vld [tilespmem:s24+$0x1900];
	[tilespmem:s20+$0x180] =	vst v0  }
0x167: {  	s31 =	sshll.u32 s31, $0x9;
	s26 =	sshra.s32 s30, $0x2;
	[tilespmem:s20+$0xFFFFFE80] =	vst v1;
	v0 =	vld [tilespmem:s29+$0x1910]  }
0x168: {  	s25 =	sshra.s32 s31, $0x2;
	v1 =	vld [tilespmem:s26+$0x1900];
	[tilespmem:s20+$0xFFFFFF00] =	vst v2  }
0x169: {  	v2 =	vld [tilespmem:s25+$0x1900];
	[tilespmem:s20+$0xFFFFFF80] =	vst v3  }
0x16a: {  	v3 =	vld [tilespmem:s28+$0x1910];
	[tilespmem:s20+$0x0] =	vst v4  }
0x16b: {  	v4 =	vld [tilespmem:s21+$0x1910];
	[tilespmem:s20+$0x80] =	vst v5  }
0x16c: {  	v5 =	vld [tilespmem:s22+$0x1910];
	[tilespmem:s20+$0x190] =	vst v0  }
0x16d: {  	[tilespmem:s20+$0xFFFFFE00] =	vst v1;
	v0 =	vld [tilespmem:s29+$0x1920]  }
0x16e: {  	[tilespmem:s20+$0x100] =	vst v2;
	v2 =	vld [tilespmem:s23+$0x1910]  }
0x16f: {  	v1 =	vld [tilespmem:s26+$0x1910];
	[tilespmem:s20+$0xFFFFFE90] =	vst v3  }
0x170: {  	v3 =	vld [tilespmem:s24+$0x1910];
	[tilespmem:s20+$0xFFFFFF10] =	vst v4  }
0x171: {  	v4 =	vld [tilespmem:s25+$0x1910];
	[tilespmem:s20+$0xFFFFFF90] =	vst v5  }
0x172: {  	v5 =	vld [tilespmem:s28+$0x1920];
	[tilespmem:s20+$0x1A0] =	vst v0  }
0x173: {  	[tilespmem:s20+$0x10] =	vst v2;
	v0 =	vld [tilespmem:s29+$0x1930]  }
0x174: {  	v2 =	vld [tilespmem:s21+$0x1920];
	[tilespmem:s20+$0xFFFFFE10] =	vst v1  }
0x175: {  	[tilespmem:s20+$0x90] =	vst v3;
	v1 =	vld [tilespmem:s26+$0x1920]  }
0x176: {  	v3 =	vld [tilespmem:s22+$0x1920];
	[tilespmem:s20+$0x110] =	vst v4  }
0x177: {  	v4 =	vld [tilespmem:s23+$0x1920];
	[tilespmem:s20+$0xFFFFFEA0] =	vst v5  }
0x178: {  	v5 =	vld [tilespmem:s24+$0x1920];
	[tilespmem:s20+$0x1B0] =	vst v0  }
0x179: {  	[tilespmem:s20+$0xFFFFFF20] =	vst v2;
	v0 =	vld [tilespmem:s29+$0x1940]  }
0x17a: {  	[tilespmem:s20+$0xFFFFFE20] =	vst v1;
	v1 =	vld [tilespmem:s25+$0x1920]  }
0x17b: {  	[tilespmem:s20+$0xFFFFFFA0] =	vst v3;
	v3 =	vld [tilespmem:s28+$0x1930]  }
0x17c: {  	[tilespmem:s20+$0x20] =	vst v4;
	v2 =	vld [tilespmem:s26+$0x1930]  }
0x17d: {  	v4 =	vld [tilespmem:s21+$0x1930];
	[tilespmem:s20+$0xA0] =	vst v5  }
0x17e: {  	v5 =	vld [tilespmem:s22+$0x1930];
	[tilespmem:s20+$0x1C0] =	vst v0  }
0x17f: {  	[tilespmem:s20+$0x120] =	vst v1;
	v1 =	vld [tilespmem:s23+$0x1930]  }
0x180: {  	[tilespmem:s20+$0xFFFFFEB0] =	vst v3;
	v0 =	vld [tilespmem:s29+$0x1950]  }
0x181: {  	[tilespmem:s20+$0xFFFFFE30] =	vst v2;
	v2 =	vld [tilespmem:s24+$0x1930]  }
0x182: {  	[tilespmem:s20+$0xFFFFFF30] =	vst v4;
	v3 =	vld [tilespmem:s25+$0x1930]  }
0x183: {  	[tilespmem:s20+$0xFFFFFFB0] =	vst v5;
	v5 =	vld [tilespmem:s28+$0x1940]  }
0x184: {  	v4 =	vld [tilespmem:s26+$0x1940];
	[tilespmem:s20+$0x30] =	vst v1  }
0x185: {  	v1 =	vld [tilespmem:s21+$0x1940];
	[tilespmem:s20+$0x1D0] =	vst v0  }
0x186: {  	[tilespmem:s20+$0xB0] =	vst v2;
	v2 =	vld [tilespmem:s22+$0x1940]  }
0x187: {  	[tilespmem:s20+$0x130] =	vst v3;
	v0 =	vld [tilespmem:s29+$0x1960]  }
0x188: {  	v3 =	vld [tilespmem:s23+$0x1940];
	[tilespmem:s20+$0xFFFFFEC0] =	vst v5  }
0x189: {  	[tilespmem:s20+$0xFFFFFE40] =	vst v4;
	v4 =	vld [tilespmem:s24+$0x1940]  }
0x18a: {  	v5 =	vld [tilespmem:s25+$0x1940];
	[tilespmem:s20+$0xFFFFFF40] =	vst v1  }
0x18b: {  	v1 =	vld [tilespmem:s26+$0x1950];
	[tilespmem:s20+$0xFFFFFFC0] =	vst v2  }
0x18c: {  	v2 =	vld [tilespmem:s28+$0x1950];
	[tilespmem:s20+$0x1E0] =	vst v0  }
0x18d: {  	[tilespmem:s20+$0x40] =	vst v3;
	v0 =	vld [tilespmem:s29+$0x1970]  }
0x18e: {  	v3 =	vld [tilespmem:s21+$0x1950];
	[tilespmem:s20+$0xC0] =	vst v4  }
0x18f: {  	v4 =	vld [tilespmem:s22+$0x1950];
	[tilespmem:s20+$0x140] =	vst v5  }
0x190: {  	v5 =	vld [tilespmem:s23+$0x1950];
	[tilespmem:s20+$0xFFFFFE50] =	vst v1  }
0x191: {  	v1 =	vld [tilespmem:s25+$0x1950];
	[tilespmem:s20+$0xFFFFFED0] =	vst v2  }
0x192: {  	[tilespmem:s20+$0x1F0] =	vst v0;
	v0 =	vld [tilespmem:s24+$0x1950]  }
0x193: {  	v2 =	vld [tilespmem:s26+$0x1960];
	[tilespmem:s20+$0xFFFFFF50] =	vst v3  }
0x194: {  	v6 =	vld [tilespmem:s28+$0x1960];
	[tilespmem:s20+$0xFFFFFFD0] =	vst v4  }
0x195: {  	v7 =	vld [tilespmem:s21+$0x1960];
	[tilespmem:s20+$0x50] =	vst v5  }
0x196: {  	v5 =	vld [tilespmem:s22+$0x1960];
	[tilespmem:s20+$0x150] =	vst v1  }
0x197: {  	v3 =	vld [tilespmem:s23+$0x1960];
	[tilespmem:s20+$0xD0] =	vst v0  }
0x198: {  	[tilespmem:s20+$0xFFFFFE60] =	vst v2;
	v4 =	vld [tilespmem:s24+$0x1960]  }
0x199: {  	v2 =	vld [tilespmem:s25+$0x1960];
	[tilespmem:s20+$0xFFFFFEE0] =	vst v6  }
0x19a: {  	v1 =	vld [tilespmem:s26+$0x1970];
	[tilespmem:s20+$0xFFFFFF60] =	vst v7  }
0x19b: {  	s26 =	simm.s32 $0x0;
	v0 =	vld [tilespmem:s28+$0x1970];
	[tilespmem:s20+$0xFFFFFFE0] =	vst v5;
	s28 =	simm.s32 $0xC  }
.LBB2_6:
0x19c: {  	s0 =	sld [smem:s28+$0x3];
	s26 =	sadd.s32 $0x8, s26;
	v5 =	vld [tilespmem:s21+$0x1970];
	[tilespmem:s20+$0x60] =	vst v3  }
0x19d: {  	s2 =	sld [smem:s28+$0xFFFFFFFD];
	p0 =	slt.u32 s26, $0x188;
	v3 =	vld [tilespmem:s22+$0x1970];
	[tilespmem:s20+$0xE0] =	vst v4  }
0x19e: {  	s21 =	sld [smem:s28+$0xFFFFFFFE];
	v4 =	vld [tilespmem:s23+$0x1970];
	[tilespmem:s20+$0x160] =	vst v2  }
0x19f: {  	s22 =	sld [smem:s28+$0xFFFFFFFF];
	s0 =	sshll.u32 s0, $0x9;
	[tilespmem:s20+$0xFFFFFE70] =	vst v1;
	v1 =	vld [tilespmem:s24+$0x1970]  }
0x1a0: {  	s2 =	sshll.u32 s2, $0x9;
	s23 =	sld [smem:s28+$0x0];
	s31 =	sshra.s32 s0, $0x2;
	[tilespmem:s20+$0xFFFFFEF0] =	vst v0;
	v0 =	vld [tilespmem:s25+$0x1970]  }
0x1a1: {  	s29 =	sshra.s32 s2, $0x2;
	s0 =	sshll.u32 s21, $0x9;
	s2 =	sld [smem:s28+$0x1];
	v2 =	vld [tilespmem:s31+$0x1900];
	[tilespmem:s20+$0xFFFFFF70] =	vst v5  }
0x1a2: {  	v5 =	vld [tilespmem:s29+$0x1900];
	s21 =	sshra.s32 s0, $0x2;
	s0 =	sshll.u32 s22, $0x9;
	s25 =	sld [smem:s28+$0x2];
	[tilespmem:s20+$0xFFFFFFF0] =	vst v3  }
0x1a3: {  	s30 =	sld [smem:s28+$0xFFFFFFFC];
	v3 =	vld [tilespmem:s21+$0x1900];
	s22 =	sshra.s32 s0, $0x2;
	s0 =	sshll.u32 s23, $0x9;
	[tilespmem:s20+$0x70] =	vst v4  }
0x1a4: {  	v4 =	vld [tilespmem:s22+$0x1900];
	s23 =	sshra.s32 s0, $0x2;
	s0 =	sshll.u32 s2, $0x9;
	[tilespmem:s20+$0xF0] =	vst v1  }
0x1a5: {  	v1 =	vld [tilespmem:s23+$0x1900];
	s24 =	sshra.s32 s0, $0x2;
	s0 =	sshll.u32 s25, $0x9;
	[tilespmem:s20+$0x170] =	vst v0;
	s20 =	sadd.s32 $0x400, s20  }
0x1a6: {  	s2 =	sshll.u32 s30, $0x9;
	v0 =	vld [tilespmem:s24+$0x1900];
	s25 =	sshra.s32 s0, $0x2;
	[tilespmem:s20+$0x180] =	vst v2  }
0x1a7: {  	s30 =	sshra.s32 s2, $0x2;
	[tilespmem:s20+$0xFFFFFE80] =	vst v5;
	v2 =	vld [tilespmem:s31+$0x1910]  }
0x1a8: {  	v5 =	vld [tilespmem:s30+$0x1900];
	[tilespmem:s20+$0xFFFFFF00] =	vst v3  }
0x1a9: {  	[tilespmem:s20+$0xFFFFFF80] =	vst v4;
	v3 =	vld [tilespmem:s25+$0x1900]  }
0x1aa: {  	v4 =	vld [tilespmem:s29+$0x1910];
	[tilespmem:s20+$0x0] =	vst v1  }
0x1ab: {  	v1 =	vld [tilespmem:s21+$0x1910];
	[tilespmem:s20+$0x80] =	vst v0  }
0x1ac: {  	v0 =	vld [tilespmem:s22+$0x1910];
	[tilespmem:s20+$0x190] =	vst v2  }
0x1ad: {  	[tilespmem:s20+$0xFFFFFE00] =	vst v5;
	v2 =	vld [tilespmem:s31+$0x1920]  }
0x1ae: {  	v5 =	vld [tilespmem:s30+$0x1910];
	[tilespmem:s20+$0x100] =	vst v3  }
0x1af: {  	[tilespmem:s20+$0xFFFFFE90] =	vst v4;
	v3 =	vld [tilespmem:s23+$0x1910]  }
0x1b0: {  	[tilespmem:s20+$0xFFFFFF10] =	vst v1;
	v1 =	vld [tilespmem:s24+$0x1910]  }
0x1b1: {  	[tilespmem:s20+$0xFFFFFF90] =	vst v0;
	v0 =	vld [tilespmem:s25+$0x1910]  }
0x1b2: {  	v4 =	vld [tilespmem:s29+$0x1920];
	[tilespmem:s20+$0x1A0] =	vst v2  }
0x1b3: {  	[tilespmem:s20+$0xFFFFFE10] =	vst v5;
	v2 =	vld [tilespmem:s31+$0x1930]  }
0x1b4: {  	v5 =	vld [tilespmem:s30+$0x1920];
	[tilespmem:s20+$0x10] =	vst v3  }
0x1b5: {  	v3 =	vld [tilespmem:s21+$0x1920];
	[tilespmem:s20+$0x90] =	vst v1  }
0x1b6: {  	v1 =	vld [tilespmem:s22+$0x1920];
	[tilespmem:s20+$0x110] =	vst v0  }
0x1b7: {  	[tilespmem:s20+$0xFFFFFEA0] =	vst v4;
	v0 =	vld [tilespmem:s23+$0x1920]  }
0x1b8: {  	v4 =	vld [tilespmem:s24+$0x1920];
	[tilespmem:s20+$0x1B0] =	vst v2  }
0x1b9: {  	[tilespmem:s20+$0xFFFFFE20] =	vst v5;
	v2 =	vld [tilespmem:s31+$0x1940]  }
0x1ba: {  	[tilespmem:s20+$0xFFFFFF20] =	vst v3;
	v3 =	vld [tilespmem:s25+$0x1920]  }
0x1bb: {  	v5 =	vld [tilespmem:s30+$0x1930];
	[tilespmem:s20+$0xFFFFFFA0] =	vst v1  }
0x1bc: {  	v1 =	vld [tilespmem:s29+$0x1930];
	[tilespmem:s20+$0x20] =	vst v0  }
0x1bd: {  	v0 =	vld [tilespmem:s21+$0x1930];
	[tilespmem:s20+$0xA0] =	vst v4  }
0x1be: {  	v4 =	vld [tilespmem:s22+$0x1930];
	[tilespmem:s20+$0x1C0] =	vst v2  }
0x1bf: {  	[tilespmem:s20+$0x120] =	vst v3;
	v2 =	vld [tilespmem:s31+$0x1950]  }
0x1c0: {  	[tilespmem:s20+$0xFFFFFE30] =	vst v5;
	v3 =	vld [tilespmem:s23+$0x1930]  }
0x1c1: {  	[tilespmem:s20+$0xFFFFFEB0] =	vst v1;
	v1 =	vld [tilespmem:s24+$0x1930]  }
0x1c2: {  	[tilespmem:s20+$0xFFFFFF30] =	vst v0;
	v0 =	vld [tilespmem:s25+$0x1930]  }
0x1c3: {  	v5 =	vld [tilespmem:s30+$0x1940];
	[tilespmem:s20+$0xFFFFFFB0] =	vst v4  }
0x1c4: {  	v4 =	vld [tilespmem:s29+$0x1940];
	[tilespmem:s20+$0x1D0] =	vst v2  }
0x1c5: {  	[tilespmem:s20+$0x30] =	vst v3;
	v2 =	vld [tilespmem:s31+$0x1960]  }
0x1c6: {  	v3 =	vld [tilespmem:s21+$0x1940];
	[tilespmem:s20+$0xB0] =	vst v1  }
0x1c7: {  	v1 =	vld [tilespmem:s22+$0x1940];
	[tilespmem:s20+$0x130] =	vst v0  }
0x1c8: {  	[tilespmem:s20+$0xFFFFFE40] =	vst v5;
	v0 =	vld [tilespmem:s23+$0x1940]  }
0x1c9: {  	[tilespmem:s20+$0xFFFFFEC0] =	vst v4;
	v4 =	vld [tilespmem:s24+$0x1940]  }
0x1ca: {  	v5 =	vld [tilespmem:s25+$0x1940];
	[tilespmem:s20+$0x1E0] =	vst v2  }
0x1cb: {  	[tilespmem:s20+$0xFFFFFF40] =	vst v3;
	v2 =	vld [tilespmem:s31+$0x1970]  }
0x1cc: {  	v3 =	vld [tilespmem:s30+$0x1950];
	[tilespmem:s20+$0xFFFFFFC0] =	vst v1  }
0x1cd: {  	v1 =	vld [tilespmem:s29+$0x1950];
	[tilespmem:s20+$0x40] =	vst v0  }
0x1ce: {  	v0 =	vld [tilespmem:s21+$0x1950];
	[tilespmem:s20+$0xC0] =	vst v4  }
0x1cf: {  	v4 =	vld [tilespmem:s22+$0x1950];
	[tilespmem:s20+$0x140] =	vst v5  }
0x1d0: {  	v5 =	vld [tilespmem:s23+$0x1950];
	[tilespmem:s20+$0x1F0] =	vst v2  }
0x1d1: {  	[tilespmem:s20+$0xFFFFFE50] =	vst v3;
	v2 =	vld [tilespmem:s24+$0x1950]  }
0x1d2: {  	[tilespmem:s20+$0xFFFFFED0] =	vst v1;
	v1 =	vld [tilespmem:s25+$0x1950]  }
0x1d3: {  	v6 =	vld [tilespmem:s30+$0x1960];
	[tilespmem:s20+$0xFFFFFF50] =	vst v0  }
0x1d4: {  	v0 =	vld [tilespmem:s29+$0x1960];
	[tilespmem:s20+$0xFFFFFFD0] =	vst v4  }
0x1d5: {  	v7 =	vld [tilespmem:s21+$0x1960];
	[tilespmem:s20+$0x50] =	vst v5  }
0x1d6: {  	v5 =	vld [tilespmem:s22+$0x1960];
	[tilespmem:s20+$0xD0] =	vst v2  }
.Ltmp2:
0x1d7: {  	v3 =	vld [tilespmem:s23+$0x1960];
	[tilespmem:s20+$0x150] =	vst v1;
	(pc) =	sbr.rel @p0 .LBB2_6-.Ltmp2, $4  }
0x1d8: {  	[tilespmem:s20+$0xFFFFFE60] =	vst v6;
	v4 =	vld [tilespmem:s24+$0x1960]  }
0x1d9: {  	[tilespmem:s20+$0xFFFFFEE0] =	vst v0;
	v2 =	vld [tilespmem:s25+$0x1960]  }
0x1da: {  	v1 =	vld [tilespmem:s30+$0x1970];
	[tilespmem:s20+$0xFFFFFF60] =	vst v7  }
0x1db: {  	s28 =	sadd.s32 $0x8, s28;
	v0 =	vld [tilespmem:s29+$0x1970];
	[tilespmem:s20+$0xFFFFFFE0] =	vst v5  }
0x1dc: {  	v5 =	vld [tilespmem:s21+$0x1970];
	[tilespmem:s20+$0x60] =	vst v3  }
0x1dd: {  	v3 =	vld [tilespmem:s22+$0x1970];
	[tilespmem:s20+$0xE0] =	vst v4  }
0x1de: {  	v4 =	vld [tilespmem:s23+$0x1970];
	[tilespmem:s20+$0x160] =	vst v2  }
0x1df: {  	[tilespmem:s20+$0xFFFFFE70] =	vst v1;
	v1 =	vld [tilespmem:s24+$0x1970]  }
0x1e0: {  	[tilespmem:s20+$0xFFFFFEF0] =	vst v0;
	v0 =	vld [tilespmem:s25+$0x1970]  }
0x1e1: {  	[tilespmem:s20+$0xFFFFFF70] =	vst v5  }
0x1e2: {  	[tilespmem:s20+$0xFFFFFFF0] =	vst v3  }
0x1e3: {  	[tilespmem:s20+$0x70] =	vst v4  }
0x1e4: {  	[tilespmem:s20+$0xF0] =	vst v1  }
0x1e5: {  	[tilespmem:s20+$0x170] =	vst v0  }
0x1e6: {  	s0 =	rddreg [dreg:$0xb]  }
0x1e7: {  	[hbm4b:s0+s3] =	stream.linear.scatter [tilespmem:s14], [sflag:$0x4], $0xC800, $0x38;
	[tilespmem:$0x1AD00] =	vst v63  }
0x1e8: {  	_ =	swait.ge [sflag:s15], $0x190  }
0x1e9: {  	[sflag:s15] =	ssyncset.done $0x0  }
0x1ea: {  	s20 =	rddreg [dreg:$0x1b];
	[sflag:s15] =	ssyncadd.s32 $0xFFFFFE70  }
0x1eb: {  	[smem:s3], [sflag:$0x2] =	stream.linear.gather [spmem:s20], $0x190, $0x38;
	[tilespmem:$0x1AD00] =	vst v63  }
0x1ec: {  	_ =	swait.ge [sflag:s17], $0xC800  }
0x1ed: {  	[sflag:s17] =	ssyncset.done $0x0  }
0x1ee: {  	[sflag:s17] =	ssyncadd.s32 $0xFFFF3800  }
0x1ef: {  	s21 =	sld [smem:$0x197]  }
0x1f0: {  	s2 =	sld [smem:$0x191]  }
0x1f1: {  	s22 =	sld [smem:$0x192]  }
0x1f2: {  	s23 =	sld [smem:$0x193];
	s0 =	sshll.u32 s21, $0x9  }
0x1f3: {  	s24 =	sld [smem:$0x194];
	s2 =	sshll.u32 s2, $0x9;
	s29 =	sshra.s32 s0, $0x2  }
0x1f4: {  	s25 =	sld [smem:$0x195];
	s28 =	sshra.s32 s2, $0x2;
	v0 =	vld [tilespmem:s29+$0x1900];
	s30 =	sshll.u32 s22, $0x9  }
0x1f5: {  	v1 =	vld [tilespmem:s28+$0x1900];
	s31 =	sld [smem:$0x196];
	s21 =	sshra.s32 s30, $0x2;
	s22 =	sshll.u32 s23, $0x9  }
0x1f6: {  	s26 =	sld [smem:$0x190];
	v2 =	vld [tilespmem:s21+$0x1900];
	s22 =	sshra.s32 s22, $0x2;
	s24 =	sshll.u32 s24, $0x9  }
0x1f7: {  	v3 =	vld [tilespmem:s22+$0x1900];
	s23 =	sshra.s32 s24, $0x2;
	s0 =	sshll.u32 s25, $0x9  }
0x1f8: {  	s20 =	simm.s32 $0xE500;
	v4 =	vld [tilespmem:s23+$0x1900];
	s24 =	sshra.s32 s0, $0x2  }
0x1f9: {  	s30 =	sshll.u32 s26, $0x9;
	v5 =	vld [tilespmem:s24+$0x1900];
	[tilespmem:s20+$0x380] =	vst v0  }
0x1fa: {  	s31 =	sshll.u32 s31, $0x9;
	s26 =	sshra.s32 s30, $0x2;
	[tilespmem:s20+$0x80] =	vst v1;
	v0 =	vld [tilespmem:s29+$0x1910]  }
0x1fb: {  	s25 =	sshra.s32 s31, $0x2;
	v1 =	vld [tilespmem:s26+$0x1900];
	[tilespmem:s20+$0x100] =	vst v2  }
0x1fc: {  	v2 =	vld [tilespmem:s25+$0x1900];
	[tilespmem:s20+$0x180] =	vst v3  }
0x1fd: {  	v3 =	vld [tilespmem:s28+$0x1910];
	[tilespmem:s20+$0x200] =	vst v4  }
0x1fe: {  	v4 =	vld [tilespmem:s21+$0x1910];
	[tilespmem:s20+$0x280] =	vst v5  }
0x1ff: {  	v5 =	vld [tilespmem:s22+$0x1910];
	[tilespmem:s20+$0x390] =	vst v0  }
0x200: {  	[tilespmem:s20+$0x0] =	vst v1;
	v0 =	vld [tilespmem:s29+$0x1920]  }
0x201: {  	[tilespmem:s20+$0x300] =	vst v2;
	v2 =	vld [tilespmem:s23+$0x1910]  }
0x202: {  	v1 =	vld [tilespmem:s26+$0x1910];
	[tilespmem:s20+$0x90] =	vst v3  }
0x203: {  	v3 =	vld [tilespmem:s24+$0x1910];
	[tilespmem:s20+$0x110] =	vst v4  }
0x204: {  	v4 =	vld [tilespmem:s25+$0x1910];
	[tilespmem:s20+$0x190] =	vst v5  }
0x205: {  	v5 =	vld [tilespmem:s28+$0x1920];
	[tilespmem:s20+$0x3A0] =	vst v0  }
0x206: {  	[tilespmem:s20+$0x210] =	vst v2;
	v0 =	vld [tilespmem:s29+$0x1930]  }
0x207: {  	v2 =	vld [tilespmem:s21+$0x1920];
	[tilespmem:s20+$0x10] =	vst v1  }
0x208: {  	[tilespmem:s20+$0x290] =	vst v3;
	v1 =	vld [tilespmem:s26+$0x1920]  }
0x209: {  	v3 =	vld [tilespmem:s22+$0x1920];
	[tilespmem:s20+$0x310] =	vst v4  }
0x20a: {  	v4 =	vld [tilespmem:s23+$0x1920];
	[tilespmem:s20+$0xA0] =	vst v5  }
0x20b: {  	v5 =	vld [tilespmem:s24+$0x1920];
	[tilespmem:s20+$0x3B0] =	vst v0  }
0x20c: {  	[tilespmem:s20+$0x120] =	vst v2;
	v0 =	vld [tilespmem:s29+$0x1940]  }
0x20d: {  	[tilespmem:s20+$0x20] =	vst v1;
	v1 =	vld [tilespmem:s25+$0x1920]  }
0x20e: {  	[tilespmem:s20+$0x1A0] =	vst v3;
	v3 =	vld [tilespmem:s28+$0x1930]  }
0x20f: {  	[tilespmem:s20+$0x220] =	vst v4;
	v2 =	vld [tilespmem:s26+$0x1930]  }
0x210: {  	v4 =	vld [tilespmem:s21+$0x1930];
	[tilespmem:s20+$0x2A0] =	vst v5  }
0x211: {  	v5 =	vld [tilespmem:s22+$0x1930];
	[tilespmem:s20+$0x3C0] =	vst v0  }
0x212: {  	[tilespmem:s20+$0x320] =	vst v1;
	v1 =	vld [tilespmem:s23+$0x1930]  }
0x213: {  	[tilespmem:s20+$0xB0] =	vst v3;
	v0 =	vld [tilespmem:s29+$0x1950]  }
0x214: {  	[tilespmem:s20+$0x30] =	vst v2;
	v2 =	vld [tilespmem:s24+$0x1930]  }
0x215: {  	[tilespmem:s20+$0x130] =	vst v4;
	v3 =	vld [tilespmem:s25+$0x1930]  }
0x216: {  	[tilespmem:s20+$0x1B0] =	vst v5;
	v5 =	vld [tilespmem:s28+$0x1940]  }
0x217: {  	v4 =	vld [tilespmem:s26+$0x1940];
	[tilespmem:s20+$0x230] =	vst v1  }
0x218: {  	v1 =	vld [tilespmem:s21+$0x1940];
	[tilespmem:s20+$0x3D0] =	vst v0  }
0x219: {  	[tilespmem:s20+$0x2B0] =	vst v2;
	v2 =	vld [tilespmem:s22+$0x1940]  }
0x21a: {  	[tilespmem:s20+$0x330] =	vst v3;
	v0 =	vld [tilespmem:s29+$0x1960]  }
0x21b: {  	v3 =	vld [tilespmem:s23+$0x1940];
	[tilespmem:s20+$0xC0] =	vst v5  }
0x21c: {  	[tilespmem:s20+$0x40] =	vst v4;
	v4 =	vld [tilespmem:s24+$0x1940]  }
0x21d: {  	v5 =	vld [tilespmem:s25+$0x1940];
	[tilespmem:s20+$0x140] =	vst v1  }
0x21e: {  	v1 =	vld [tilespmem:s26+$0x1950];
	[tilespmem:s20+$0x1C0] =	vst v2  }
0x21f: {  	v2 =	vld [tilespmem:s28+$0x1950];
	[tilespmem:s20+$0x3E0] =	vst v0  }
0x220: {  	[tilespmem:s20+$0x240] =	vst v3;
	v0 =	vld [tilespmem:s29+$0x1970]  }
0x221: {  	v3 =	vld [tilespmem:s21+$0x1950];
	[tilespmem:s20+$0x2C0] =	vst v4  }
0x222: {  	v4 =	vld [tilespmem:s22+$0x1950];
	[tilespmem:s20+$0x340] =	vst v5  }
0x223: {  	v5 =	vld [tilespmem:s23+$0x1950];
	[tilespmem:s20+$0x50] =	vst v1  }
0x224: {  	v1 =	vld [tilespmem:s25+$0x1950];
	[tilespmem:s20+$0xD0] =	vst v2  }
0x225: {  	[tilespmem:s20+$0x3F0] =	vst v0;
	v0 =	vld [tilespmem:s24+$0x1950]  }
0x226: {  	v2 =	vld [tilespmem:s26+$0x1960];
	[tilespmem:s20+$0x150] =	vst v3  }
0x227: {  	v6 =	vld [tilespmem:s28+$0x1960];
	[tilespmem:s20+$0x1D0] =	vst v4  }
0x228: {  	v7 =	vld [tilespmem:s21+$0x1960];
	[tilespmem:s20+$0x250] =	vst v5  }
0x229: {  	v5 =	vld [tilespmem:s22+$0x1960];
	[tilespmem:s20+$0x350] =	vst v1  }
0x22a: {  	v3 =	vld [tilespmem:s23+$0x1960];
	[tilespmem:s20+$0x2D0] =	vst v0  }
0x22b: {  	[tilespmem:s20+$0x60] =	vst v2;
	v4 =	vld [tilespmem:s24+$0x1960]  }
0x22c: {  	v2 =	vld [tilespmem:s25+$0x1960];
	[tilespmem:s20+$0xE0] =	vst v6  }
0x22d: {  	v1 =	vld [tilespmem:s26+$0x1970];
	[tilespmem:s20+$0x160] =	vst v7  }
0x22e: {  	s26 =	simm.s32 $0x0;
	v0 =	vld [tilespmem:s28+$0x1970];
	[tilespmem:s20+$0x1E0] =	vst v5;
	s28 =	simm.s32 $0x19F  }
.LBB2_8:
0x22f: {  	s0 =	sld [smem:s28+$0x0];
	s26 =	sadd.s32 $0x8, s26;
	v5 =	vld [tilespmem:s21+$0x1970];
	[tilespmem:s20+$0x260] =	vst v3  }
0x230: {  	s2 =	sld [smem:s28+$0xFFFFFFFA];
	p0 =	slt.u32 s26, $0x188;
	v3 =	vld [tilespmem:s22+$0x1970];
	[tilespmem:s20+$0x2E0] =	vst v4  }
0x231: {  	s21 =	sld [smem:s28+$0xFFFFFFFB];
	v4 =	vld [tilespmem:s23+$0x1970];
	[tilespmem:s20+$0x360] =	vst v2  }
0x232: {  	s22 =	sld [smem:s28+$0xFFFFFFFC];
	s0 =	sshll.u32 s0, $0x9;
	[tilespmem:s20+$0x70] =	vst v1;
	v1 =	vld [tilespmem:s24+$0x1970]  }
0x233: {  	s2 =	sshll.u32 s2, $0x9;
	s23 =	sld [smem:s28+$0xFFFFFFFD];
	s31 =	sshra.s32 s0, $0x2;
	[tilespmem:s20+$0xF0] =	vst v0;
	v0 =	vld [tilespmem:s25+$0x1970]  }
0x234: {  	s29 =	sshra.s32 s2, $0x2;
	s0 =	sshll.u32 s21, $0x9;
	s2 =	sld [smem:s28+$0xFFFFFFFE];
	v2 =	vld [tilespmem:s31+$0x1900];
	[tilespmem:s20+$0x170] =	vst v5  }
0x235: {  	v5 =	vld [tilespmem:s29+$0x1900];
	s21 =	sshra.s32 s0, $0x2;
	s0 =	sshll.u32 s22, $0x9;
	s25 =	sld [smem:s28+$0xFFFFFFFF];
	[tilespmem:s20+$0x1F0] =	vst v3  }
0x236: {  	s30 =	sld [smem:s28+$0xFFFFFFF9];
	v3 =	vld [tilespmem:s21+$0x1900];
	s22 =	sshra.s32 s0, $0x2;
	s0 =	sshll.u32 s23, $0x9;
	[tilespmem:s20+$0x270] =	vst v4  }
0x237: {  	v4 =	vld [tilespmem:s22+$0x1900];
	s23 =	sshra.s32 s0, $0x2;
	s0 =	sshll.u32 s2, $0x9;
	[tilespmem:s20+$0x2F0] =	vst v1  }
0x238: {  	v1 =	vld [tilespmem:s23+$0x1900];
	s24 =	sshra.s32 s0, $0x2;
	s0 =	sshll.u32 s25, $0x9;
	[tilespmem:s20+$0x370] =	vst v0;
	s20 =	sadd.s32 $0x400, s20  }
0x239: {  	s2 =	sshll.u32 s30, $0x9;
	v0 =	vld [tilespmem:s24+$0x1900];
	s25 =	sshra.s32 s0, $0x2;
	[tilespmem:s20+$0x380] =	vst v2  }
0x23a: {  	s30 =	sshra.s32 s2, $0x2;
	[tilespmem:s20+$0x80] =	vst v5;
	v2 =	vld [tilespmem:s31+$0x1910]  }
0x23b: {  	v5 =	vld [tilespmem:s30+$0x1900];
	[tilespmem:s20+$0x100] =	vst v3  }
0x23c: {  	[tilespmem:s20+$0x180] =	vst v4;
	v3 =	vld [tilespmem:s25+$0x1900]  }
0x23d: {  	v4 =	vld [tilespmem:s29+$0x1910];
	[tilespmem:s20+$0x200] =	vst v1  }
0x23e: {  	v1 =	vld [tilespmem:s21+$0x1910];
	[tilespmem:s20+$0x280] =	vst v0  }
0x23f: {  	v0 =	vld [tilespmem:s22+$0x1910];
	[tilespmem:s20+$0x390] =	vst v2  }
0x240: {  	[tilespmem:s20+$0x0] =	vst v5;
	v2 =	vld [tilespmem:s31+$0x1920]  }
0x241: {  	v5 =	vld [tilespmem:s30+$0x1910];
	[tilespmem:s20+$0x300] =	vst v3  }
0x242: {  	[tilespmem:s20+$0x90] =	vst v4;
	v3 =	vld [tilespmem:s23+$0x1910]  }
0x243: {  	[tilespmem:s20+$0x110] =	vst v1;
	v1 =	vld [tilespmem:s24+$0x1910]  }
0x244: {  	[tilespmem:s20+$0x190] =	vst v0;
	v0 =	vld [tilespmem:s25+$0x1910]  }
0x245: {  	v4 =	vld [tilespmem:s29+$0x1920];
	[tilespmem:s20+$0x3A0] =	vst v2  }
0x246: {  	[tilespmem:s20+$0x10] =	vst v5;
	v2 =	vld [tilespmem:s31+$0x1930]  }
0x247: {  	v5 =	vld [tilespmem:s30+$0x1920];
	[tilespmem:s20+$0x210] =	vst v3  }
0x248: {  	v3 =	vld [tilespmem:s21+$0x1920];
	[tilespmem:s20+$0x290] =	vst v1  }
0x249: {  	v1 =	vld [tilespmem:s22+$0x1920];
	[tilespmem:s20+$0x310] =	vst v0  }
0x24a: {  	[tilespmem:s20+$0xA0] =	vst v4;
	v0 =	vld [tilespmem:s23+$0x1920]  }
0x24b: {  	v4 =	vld [tilespmem:s24+$0x1920];
	[tilespmem:s20+$0x3B0] =	vst v2  }
0x24c: {  	[tilespmem:s20+$0x20] =	vst v5;
	v2 =	vld [tilespmem:s31+$0x1940]  }
0x24d: {  	[tilespmem:s20+$0x120] =	vst v3;
	v3 =	vld [tilespmem:s25+$0x1920]  }
0x24e: {  	v5 =	vld [tilespmem:s30+$0x1930];
	[tilespmem:s20+$0x1A0] =	vst v1  }
0x24f: {  	v1 =	vld [tilespmem:s29+$0x1930];
	[tilespmem:s20+$0x220] =	vst v0  }
0x250: {  	v0 =	vld [tilespmem:s21+$0x1930];
	[tilespmem:s20+$0x2A0] =	vst v4  }
0x251: {  	v4 =	vld [tilespmem:s22+$0x1930];
	[tilespmem:s20+$0x3C0] =	vst v2  }
0x252: {  	[tilespmem:s20+$0x320] =	vst v3;
	v2 =	vld [tilespmem:s31+$0x1950]  }
0x253: {  	[tilespmem:s20+$0x30] =	vst v5;
	v3 =	vld [tilespmem:s23+$0x1930]  }
0x254: {  	[tilespmem:s20+$0xB0] =	vst v1;
	v1 =	vld [tilespmem:s24+$0x1930]  }
0x255: {  	[tilespmem:s20+$0x130] =	vst v0;
	v0 =	vld [tilespmem:s25+$0x1930]  }
0x256: {  	v5 =	vld [tilespmem:s30+$0x1940];
	[tilespmem:s20+$0x1B0] =	vst v4  }
0x257: {  	v4 =	vld [tilespmem:s29+$0x1940];
	[tilespmem:s20+$0x3D0] =	vst v2  }
0x258: {  	[tilespmem:s20+$0x230] =	vst v3;
	v2 =	vld [tilespmem:s31+$0x1960]  }
0x259: {  	v3 =	vld [tilespmem:s21+$0x1940];
	[tilespmem:s20+$0x2B0] =	vst v1  }
0x25a: {  	v1 =	vld [tilespmem:s22+$0x1940];
	[tilespmem:s20+$0x330] =	vst v0  }
0x25b: {  	[tilespmem:s20+$0x40] =	vst v5;
	v0 =	vld [tilespmem:s23+$0x1940]  }
0x25c: {  	[tilespmem:s20+$0xC0] =	vst v4;
	v4 =	vld [tilespmem:s24+$0x1940]  }
0x25d: {  	v5 =	vld [tilespmem:s25+$0x1940];
	[tilespmem:s20+$0x3E0] =	vst v2  }
0x25e: {  	[tilespmem:s20+$0x140] =	vst v3;
	v2 =	vld [tilespmem:s31+$0x1970]  }
0x25f: {  	v3 =	vld [tilespmem:s30+$0x1950];
	[tilespmem:s20+$0x1C0] =	vst v1  }
0x260: {  	v1 =	vld [tilespmem:s29+$0x1950];
	[tilespmem:s20+$0x240] =	vst v0  }
0x261: {  	v0 =	vld [tilespmem:s21+$0x1950];
	[tilespmem:s20+$0x2C0] =	vst v4  }
0x262: {  	v4 =	vld [tilespmem:s22+$0x1950];
	[tilespmem:s20+$0x340] =	vst v5  }
0x263: {  	v5 =	vld [tilespmem:s23+$0x1950];
	[tilespmem:s20+$0x3F0] =	vst v2  }
0x264: {  	[tilespmem:s20+$0x50] =	vst v3;
	v2 =	vld [tilespmem:s24+$0x1950]  }
0x265: {  	[tilespmem:s20+$0xD0] =	vst v1;
	v1 =	vld [tilespmem:s25+$0x1950]  }
0x266: {  	v6 =	vld [tilespmem:s30+$0x1960];
	[tilespmem:s20+$0x150] =	vst v0  }
0x267: {  	v0 =	vld [tilespmem:s29+$0x1960];
	[tilespmem:s20+$0x1D0] =	vst v4  }
0x268: {  	v7 =	vld [tilespmem:s21+$0x1960];
	[tilespmem:s20+$0x250] =	vst v5  }
0x269: {  	v5 =	vld [tilespmem:s22+$0x1960];
	[tilespmem:s20+$0x2D0] =	vst v2  }
.Ltmp3:
0x26a: {  	v3 =	vld [tilespmem:s23+$0x1960];
	[tilespmem:s20+$0x350] =	vst v1;
	(pc) =	sbr.rel @p0 .LBB2_8-.Ltmp3, $4  }
0x26b: {  	[tilespmem:s20+$0x60] =	vst v6;
	v4 =	vld [tilespmem:s24+$0x1960]  }
0x26c: {  	[tilespmem:s20+$0xE0] =	vst v0;
	v2 =	vld [tilespmem:s25+$0x1960]  }
0x26d: {  	v1 =	vld [tilespmem:s30+$0x1970];
	[tilespmem:s20+$0x160] =	vst v7  }
0x26e: {  	s28 =	sadd.s32 $0x8, s28;
	v0 =	vld [tilespmem:s29+$0x1970];
	[tilespmem:s20+$0x1E0] =	vst v5  }
0x26f: {  	v5 =	vld [tilespmem:s21+$0x1970];
	[tilespmem:s20+$0x260] =	vst v3  }
0x270: {  	v3 =	vld [tilespmem:s22+$0x1970];
	[tilespmem:s20+$0x2E0] =	vst v4  }
0x271: {  	v4 =	vld [tilespmem:s23+$0x1970];
	[tilespmem:s20+$0x360] =	vst v2  }
0x272: {  	[tilespmem:s20+$0x70] =	vst v1;
	v1 =	vld [tilespmem:s24+$0x1970]  }
0x273: {  	[tilespmem:s20+$0xF0] =	vst v0;
	v0 =	vld [tilespmem:s25+$0x1970]  }
0x274: {  	[tilespmem:s20+$0x170] =	vst v5  }
0x275: {  	[tilespmem:s20+$0x1F0] =	vst v3  }
0x276: {  	[tilespmem:s20+$0x270] =	vst v4  }
0x277: {  	[tilespmem:s20+$0x2F0] =	vst v1  }
0x278: {  	[tilespmem:s20+$0x370] =	vst v0  }
0x279: {  	s0 =	rddreg [dreg:$0xc]  }
0x27a: {  	[hbm4b:s0+s3] =	stream.linear.scatter [tilespmem:s16], [sflag:$0x5], $0xC800, $0x38;
	[tilespmem:$0x1AD00] =	vst v63  }
0x27b: {  	_ =	swait.ge [sflag:s12], $0x190  }
0x27c: {  	[sflag:s12] =	ssyncset.done $0x0  }
0x27d: {  	s21 =	simm.s32 $0x4;
	s20 =	rddreg [dreg:$0x1c];
	[sflag:s12] =	ssyncadd.s32 $0xFFFFFE70  }
0x27e: {  	[smem:s13], [sflag:$0x3] =	stream.linear.gather [spmem:s20], $0x190, $0x38;
	[tilespmem:$0x1AD00] =	vst v63  }
0x27f: {  	_ =	swait.ge [sflag:s21], $0xC800  }
0x280: {  	[sflag:s21] =	ssyncset.done $0x0  }
0x281: {  	[sflag:s21] =	ssyncadd.s32 $0xFFFF3800  }
0x282: {  	s0 =	sld [smem:$0x7]  }
0x283: {  	s2 =	sld [smem:$0x1]  }
0x284: {  	s22 =	sld [smem:$0x2]  }
0x285: {  	s23 =	sld [smem:$0x3];
	s0 =	sshll.u32 s0, $0x9  }
0x286: {  	s24 =	sld [smem:$0x4];
	s2 =	sshll.u32 s2, $0x9;
	s29 =	sshra.s32 s0, $0x2  }
0x287: {  	s25 =	sld [smem:$0x5];
	s28 =	sshra.s32 s2, $0x2;
	v0 =	vld [tilespmem:s29+$0x1900];
	s30 =	sshll.u32 s22, $0x9  }
0x288: {  	v1 =	vld [tilespmem:s28+$0x1900];
	s31 =	sld [smem:$0x6];
	s21 =	sshra.s32 s30, $0x2;
	s22 =	sshll.u32 s23, $0x9  }
0x289: {  	s26 =	sld [smem:$0x0];
	v2 =	vld [tilespmem:s21+$0x1900];
	s22 =	sshra.s32 s22, $0x2;
	s24 =	sshll.u32 s24, $0x9  }
0x28a: {  	v3 =	vld [tilespmem:s22+$0x1900];
	s23 =	sshra.s32 s24, $0x2;
	s0 =	sshll.u32 s25, $0x9  }
0x28b: {  	s20 =	simm.s32 $0x1F00;
	v4 =	vld [tilespmem:s23+$0x1900];
	s24 =	sshra.s32 s0, $0x2  }
0x28c: {  	s30 =	sshll.u32 s26, $0x9;
	v5 =	vld [tilespmem:s24+$0x1900];
	[tilespmem:s20+$0x180] =	vst v0  }
0x28d: {  	s31 =	sshll.u32 s31, $0x9;
	s26 =	sshra.s32 s30, $0x2;
	[tilespmem:s20+$0xFFFFFE80] =	vst v1;
	v0 =	vld [tilespmem:s29+$0x1910]  }
0x28e: {  	s25 =	sshra.s32 s31, $0x2;
	v1 =	vld [tilespmem:s26+$0x1900];
	[tilespmem:s20+$0xFFFFFF00] =	vst v2  }
0x28f: {  	v2 =	vld [tilespmem:s25+$0x1900];
	[tilespmem:s20+$0xFFFFFF80] =	vst v3  }
0x290: {  	v3 =	vld [tilespmem:s28+$0x1910];
	[tilespmem:s20+$0x0] =	vst v4  }
0x291: {  	v4 =	vld [tilespmem:s21+$0x1910];
	[tilespmem:s20+$0x80] =	vst v5  }
0x292: {  	v5 =	vld [tilespmem:s22+$0x1910];
	[tilespmem:s20+$0x190] =	vst v0  }
0x293: {  	[tilespmem:s20+$0xFFFFFE00] =	vst v1;
	v0 =	vld [tilespmem:s29+$0x1920]  }
0x294: {  	[tilespmem:s20+$0x100] =	vst v2;
	v2 =	vld [tilespmem:s23+$0x1910]  }
0x295: {  	v1 =	vld [tilespmem:s26+$0x1910];
	[tilespmem:s20+$0xFFFFFE90] =	vst v3  }
0x296: {  	v3 =	vld [tilespmem:s24+$0x1910];
	[tilespmem:s20+$0xFFFFFF10] =	vst v4  }
0x297: {  	v4 =	vld [tilespmem:s25+$0x1910];
	[tilespmem:s20+$0xFFFFFF90] =	vst v5  }
0x298: {  	v5 =	vld [tilespmem:s28+$0x1920];
	[tilespmem:s20+$0x1A0] =	vst v0  }
0x299: {  	[tilespmem:s20+$0x10] =	vst v2;
	v0 =	vld [tilespmem:s29+$0x1930]  }
0x29a: {  	v2 =	vld [tilespmem:s21+$0x1920];
	[tilespmem:s20+$0xFFFFFE10] =	vst v1  }
0x29b: {  	[tilespmem:s20+$0x90] =	vst v3;
	v1 =	vld [tilespmem:s26+$0x1920]  }
0x29c: {  	v3 =	vld [tilespmem:s22+$0x1920];
	[tilespmem:s20+$0x110] =	vst v4  }
0x29d: {  	v4 =	vld [tilespmem:s23+$0x1920];
	[tilespmem:s20+$0xFFFFFEA0] =	vst v5  }
0x29e: {  	v5 =	vld [tilespmem:s24+$0x1920];
	[tilespmem:s20+$0x1B0] =	vst v0  }
0x29f: {  	[tilespmem:s20+$0xFFFFFF20] =	vst v2;
	v0 =	vld [tilespmem:s29+$0x1940]  }
0x2a0: {  	[tilespmem:s20+$0xFFFFFE20] =	vst v1;
	v1 =	vld [tilespmem:s25+$0x1920]  }
0x2a1: {  	[tilespmem:s20+$0xFFFFFFA0] =	vst v3;
	v3 =	vld [tilespmem:s28+$0x1930]  }
0x2a2: {  	[tilespmem:s20+$0x20] =	vst v4;
	v2 =	vld [tilespmem:s26+$0x1930]  }
0x2a3: {  	v4 =	vld [tilespmem:s21+$0x1930];
	[tilespmem:s20+$0xA0] =	vst v5  }
0x2a4: {  	v5 =	vld [tilespmem:s22+$0x1930];
	[tilespmem:s20+$0x1C0] =	vst v0  }
0x2a5: {  	[tilespmem:s20+$0x120] =	vst v1;
	v1 =	vld [tilespmem:s23+$0x1930]  }
0x2a6: {  	[tilespmem:s20+$0xFFFFFEB0] =	vst v3;
	v0 =	vld [tilespmem:s29+$0x1950]  }
0x2a7: {  	[tilespmem:s20+$0xFFFFFE30] =	vst v2;
	v2 =	vld [tilespmem:s24+$0x1930]  }
0x2a8: {  	[tilespmem:s20+$0xFFFFFF30] =	vst v4;
	v3 =	vld [tilespmem:s25+$0x1930]  }
0x2a9: {  	[tilespmem:s20+$0xFFFFFFB0] =	vst v5;
	v5 =	vld [tilespmem:s28+$0x1940]  }
0x2aa: {  	v4 =	vld [tilespmem:s26+$0x1940];
	[tilespmem:s20+$0x30] =	vst v1  }
0x2ab: {  	v1 =	vld [tilespmem:s21+$0x1940];
	[tilespmem:s20+$0x1D0] =	vst v0  }
0x2ac: {  	[tilespmem:s20+$0xB0] =	vst v2;
	v2 =	vld [tilespmem:s22+$0x1940]  }
0x2ad: {  	[tilespmem:s20+$0x130] =	vst v3;
	v0 =	vld [tilespmem:s29+$0x1960]  }
0x2ae: {  	v3 =	vld [tilespmem:s23+$0x1940];
	[tilespmem:s20+$0xFFFFFEC0] =	vst v5  }
0x2af: {  	[tilespmem:s20+$0xFFFFFE40] =	vst v4;
	v4 =	vld [tilespmem:s24+$0x1940]  }
0x2b0: {  	v5 =	vld [tilespmem:s25+$0x1940];
	[tilespmem:s20+$0xFFFFFF40] =	vst v1  }
0x2b1: {  	v1 =	vld [tilespmem:s26+$0x1950];
	[tilespmem:s20+$0xFFFFFFC0] =	vst v2  }
0x2b2: {  	v2 =	vld [tilespmem:s28+$0x1950];
	[tilespmem:s20+$0x1E0] =	vst v0  }
0x2b3: {  	[tilespmem:s20+$0x40] =	vst v3;
	v0 =	vld [tilespmem:s29+$0x1970]  }
0x2b4: {  	v3 =	vld [tilespmem:s21+$0x1950];
	[tilespmem:s20+$0xC0] =	vst v4  }
0x2b5: {  	v4 =	vld [tilespmem:s22+$0x1950];
	[tilespmem:s20+$0x140] =	vst v5  }
0x2b6: {  	v5 =	vld [tilespmem:s23+$0x1950];
	[tilespmem:s20+$0xFFFFFE50] =	vst v1  }
0x2b7: {  	v1 =	vld [tilespmem:s25+$0x1950];
	[tilespmem:s20+$0xFFFFFED0] =	vst v2  }
0x2b8: {  	[tilespmem:s20+$0x1F0] =	vst v0;
	v0 =	vld [tilespmem:s24+$0x1950]  }
0x2b9: {  	v2 =	vld [tilespmem:s26+$0x1960];
	[tilespmem:s20+$0xFFFFFF50] =	vst v3  }
0x2ba: {  	v6 =	vld [tilespmem:s28+$0x1960];
	[tilespmem:s20+$0xFFFFFFD0] =	vst v4  }
0x2bb: {  	v7 =	vld [tilespmem:s21+$0x1960];
	[tilespmem:s20+$0x50] =	vst v5  }
0x2bc: {  	v5 =	vld [tilespmem:s22+$0x1960];
	[tilespmem:s20+$0x150] =	vst v1  }
0x2bd: {  	v3 =	vld [tilespmem:s23+$0x1960];
	[tilespmem:s20+$0xD0] =	vst v0  }
0x2be: {  	[tilespmem:s20+$0xFFFFFE60] =	vst v2;
	v4 =	vld [tilespmem:s24+$0x1960]  }
0x2bf: {  	v2 =	vld [tilespmem:s25+$0x1960];
	[tilespmem:s20+$0xFFFFFEE0] =	vst v6  }
0x2c0: {  	v1 =	vld [tilespmem:s26+$0x1970];
	[tilespmem:s20+$0xFFFFFF60] =	vst v7  }
0x2c1: {  	s26 =	simm.s32 $0x0;
	v0 =	vld [tilespmem:s28+$0x1970];
	[tilespmem:s20+$0xFFFFFFE0] =	vst v5;
	s28 =	simm.s32 $0xC  }
.LBB2_10:
0x2c2: {  	s0 =	sld [smem:s28+$0x3];
	s26 =	sadd.s32 $0x8, s26;
	v5 =	vld [tilespmem:s21+$0x1970];
	[tilespmem:s20+$0x60] =	vst v3  }
0x2c3: {  	s2 =	sld [smem:s28+$0xFFFFFFFD];
	p0 =	slt.u32 s26, $0x188;
	v3 =	vld [tilespmem:s22+$0x1970];
	[tilespmem:s20+$0xE0] =	vst v4  }
0x2c4: {  	s21 =	sld [smem:s28+$0xFFFFFFFE];
	v4 =	vld [tilespmem:s23+$0x1970];
	[tilespmem:s20+$0x160] =	vst v2  }
0x2c5: {  	s22 =	sld [smem:s28+$0xFFFFFFFF];
	s0 =	sshll.u32 s0, $0x9;
	[tilespmem:s20+$0xFFFFFE70] =	vst v1;
	v1 =	vld [tilespmem:s24+$0x1970]  }
0x2c6: {  	s2 =	sshll.u32 s2, $0x9;
	s23 =	sld [smem:s28+$0x0];
	s31 =	sshra.s32 s0, $0x2;
	[tilespmem:s20+$0xFFFFFEF0] =	vst v0;
	v0 =	vld [tilespmem:s25+$0x1970]  }
0x2c7: {  	s29 =	sshra.s32 s2, $0x2;
	s0 =	sshll.u32 s21, $0x9;
	s2 =	sld [smem:s28+$0x1];
	v2 =	vld [tilespmem:s31+$0x1900];
	[tilespmem:s20+$0xFFFFFF70] =	vst v5  }
0x2c8: {  	v5 =	vld [tilespmem:s29+$0x1900];
	s21 =	sshra.s32 s0, $0x2;
	s0 =	sshll.u32 s22, $0x9;
	s25 =	sld [smem:s28+$0x2];
	[tilespmem:s20+$0xFFFFFFF0] =	vst v3  }
0x2c9: {  	s30 =	sld [smem:s28+$0xFFFFFFFC];
	v3 =	vld [tilespmem:s21+$0x1900];
	s22 =	sshra.s32 s0, $0x2;
	s0 =	sshll.u32 s23, $0x9;
	[tilespmem:s20+$0x70] =	vst v4  }
0x2ca: {  	v4 =	vld [tilespmem:s22+$0x1900];
	s23 =	sshra.s32 s0, $0x2;
	s0 =	sshll.u32 s2, $0x9;
	[tilespmem:s20+$0xF0] =	vst v1  }
0x2cb: {  	v1 =	vld [tilespmem:s23+$0x1900];
	s24 =	sshra.s32 s0, $0x2;
	s0 =	sshll.u32 s25, $0x9;
	[tilespmem:s20+$0x170] =	vst v0;
	s20 =	sadd.s32 $0x400, s20  }
0x2cc: {  	s2 =	sshll.u32 s30, $0x9;
	v0 =	vld [tilespmem:s24+$0x1900];
	s25 =	sshra.s32 s0, $0x2;
	[tilespmem:s20+$0x180] =	vst v2  }
0x2cd: {  	s30 =	sshra.s32 s2, $0x2;
	[tilespmem:s20+$0xFFFFFE80] =	vst v5;
	v2 =	vld [tilespmem:s31+$0x1910]  }
0x2ce: {  	v5 =	vld [tilespmem:s30+$0x1900];
	[tilespmem:s20+$0xFFFFFF00] =	vst v3  }
0x2cf: {  	[tilespmem:s20+$0xFFFFFF80] =	vst v4;
	v3 =	vld [tilespmem:s25+$0x1900]  }
0x2d0: {  	v4 =	vld [tilespmem:s29+$0x1910];
	[tilespmem:s20+$0x0] =	vst v1  }
0x2d1: {  	v1 =	vld [tilespmem:s21+$0x1910];
	[tilespmem:s20+$0x80] =	vst v0  }
0x2d2: {  	v0 =	vld [tilespmem:s22+$0x1910];
	[tilespmem:s20+$0x190] =	vst v2  }
0x2d3: {  	[tilespmem:s20+$0xFFFFFE00] =	vst v5;
	v2 =	vld [tilespmem:s31+$0x1920]  }
0x2d4: {  	v5 =	vld [tilespmem:s30+$0x1910];
	[tilespmem:s20+$0x100] =	vst v3  }
0x2d5: {  	[tilespmem:s20+$0xFFFFFE90] =	vst v4;
	v3 =	vld [tilespmem:s23+$0x1910]  }
0x2d6: {  	[tilespmem:s20+$0xFFFFFF10] =	vst v1;
	v1 =	vld [tilespmem:s24+$0x1910]  }
0x2d7: {  	[tilespmem:s20+$0xFFFFFF90] =	vst v0;
	v0 =	vld [tilespmem:s25+$0x1910]  }
0x2d8: {  	v4 =	vld [tilespmem:s29+$0x1920];
	[tilespmem:s20+$0x1A0] =	vst v2  }
0x2d9: {  	[tilespmem:s20+$0xFFFFFE10] =	vst v5;
	v2 =	vld [tilespmem:s31+$0x1930]  }
0x2da: {  	v5 =	vld [tilespmem:s30+$0x1920];
	[tilespmem:s20+$0x10] =	vst v3  }
0x2db: {  	v3 =	vld [tilespmem:s21+$0x1920];
	[tilespmem:s20+$0x90] =	vst v1  }
0x2dc: {  	v1 =	vld [tilespmem:s22+$0x1920];
	[tilespmem:s20+$0x110] =	vst v0  }
0x2dd: {  	[tilespmem:s20+$0xFFFFFEA0] =	vst v4;
	v0 =	vld [tilespmem:s23+$0x1920]  }
0x2de: {  	v4 =	vld [tilespmem:s24+$0x1920];
	[tilespmem:s20+$0x1B0] =	vst v2  }
0x2df: {  	[tilespmem:s20+$0xFFFFFE20] =	vst v5;
	v2 =	vld [tilespmem:s31+$0x1940]  }
0x2e0: {  	[tilespmem:s20+$0xFFFFFF20] =	vst v3;
	v3 =	vld [tilespmem:s25+$0x1920]  }
0x2e1: {  	v5 =	vld [tilespmem:s30+$0x1930];
	[tilespmem:s20+$0xFFFFFFA0] =	vst v1  }
0x2e2: {  	v1 =	vld [tilespmem:s29+$0x1930];
	[tilespmem:s20+$0x20] =	vst v0  }
0x2e3: {  	v0 =	vld [tilespmem:s21+$0x1930];
	[tilespmem:s20+$0xA0] =	vst v4  }
0x2e4: {  	v4 =	vld [tilespmem:s22+$0x1930];
	[tilespmem:s20+$0x1C0] =	vst v2  }
0x2e5: {  	[tilespmem:s20+$0x120] =	vst v3;
	v2 =	vld [tilespmem:s31+$0x1950]  }
0x2e6: {  	[tilespmem:s20+$0xFFFFFE30] =	vst v5;
	v3 =	vld [tilespmem:s23+$0x1930]  }
0x2e7: {  	[tilespmem:s20+$0xFFFFFEB0] =	vst v1;
	v1 =	vld [tilespmem:s24+$0x1930]  }
0x2e8: {  	[tilespmem:s20+$0xFFFFFF30] =	vst v0;
	v0 =	vld [tilespmem:s25+$0x1930]  }
0x2e9: {  	v5 =	vld [tilespmem:s30+$0x1940];
	[tilespmem:s20+$0xFFFFFFB0] =	vst v4  }
0x2ea: {  	v4 =	vld [tilespmem:s29+$0x1940];
	[tilespmem:s20+$0x1D0] =	vst v2  }
0x2eb: {  	[tilespmem:s20+$0x30] =	vst v3;
	v2 =	vld [tilespmem:s31+$0x1960]  }
0x2ec: {  	v3 =	vld [tilespmem:s21+$0x1940];
	[tilespmem:s20+$0xB0] =	vst v1  }
0x2ed: {  	v1 =	vld [tilespmem:s22+$0x1940];
	[tilespmem:s20+$0x130] =	vst v0  }
0x2ee: {  	[tilespmem:s20+$0xFFFFFE40] =	vst v5;
	v0 =	vld [tilespmem:s23+$0x1940]  }
0x2ef: {  	[tilespmem:s20+$0xFFFFFEC0] =	vst v4;
	v4 =	vld [tilespmem:s24+$0x1940]  }
0x2f0: {  	v5 =	vld [tilespmem:s25+$0x1940];
	[tilespmem:s20+$0x1E0] =	vst v2  }
0x2f1: {  	[tilespmem:s20+$0xFFFFFF40] =	vst v3;
	v2 =	vld [tilespmem:s31+$0x1970]  }
0x2f2: {  	v3 =	vld [tilespmem:s30+$0x1950];
	[tilespmem:s20+$0xFFFFFFC0] =	vst v1  }
0x2f3: {  	v1 =	vld [tilespmem:s29+$0x1950];
	[tilespmem:s20+$0x40] =	vst v0  }
0x2f4: {  	v0 =	vld [tilespmem:s21+$0x1950];
	[tilespmem:s20+$0xC0] =	vst v4  }
0x2f5: {  	v4 =	vld [tilespmem:s22+$0x1950];
	[tilespmem:s20+$0x140] =	vst v5  }
0x2f6: {  	v5 =	vld [tilespmem:s23+$0x1950];
	[tilespmem:s20+$0x1F0] =	vst v2  }
0x2f7: {  	[tilespmem:s20+$0xFFFFFE50] =	vst v3;
	v2 =	vld [tilespmem:s24+$0x1950]  }
0x2f8: {  	[tilespmem:s20+$0xFFFFFED0] =	vst v1;
	v1 =	vld [tilespmem:s25+$0x1950]  }
0x2f9: {  	v6 =	vld [tilespmem:s30+$0x1960];
	[tilespmem:s20+$0xFFFFFF50] =	vst v0  }
0x2fa: {  	v0 =	vld [tilespmem:s29+$0x1960];
	[tilespmem:s20+$0xFFFFFFD0] =	vst v4  }
0x2fb: {  	v7 =	vld [tilespmem:s21+$0x1960];
	[tilespmem:s20+$0x50] =	vst v5  }
0x2fc: {  	v5 =	vld [tilespmem:s22+$0x1960];
	[tilespmem:s20+$0xD0] =	vst v2  }
.Ltmp4:
0x2fd: {  	v3 =	vld [tilespmem:s23+$0x1960];
	[tilespmem:s20+$0x150] =	vst v1;
	(pc) =	sbr.rel @p0 .LBB2_10-.Ltmp4, $4  }
0x2fe: {  	[tilespmem:s20+$0xFFFFFE60] =	vst v6;
	v4 =	vld [tilespmem:s24+$0x1960]  }
0x2ff: {  	[tilespmem:s20+$0xFFFFFEE0] =	vst v0;
	v2 =	vld [tilespmem:s25+$0x1960]  }
0x300: {  	v1 =	vld [tilespmem:s30+$0x1970];
	[tilespmem:s20+$0xFFFFFF60] =	vst v7  }
0x301: {  	s28 =	sadd.s32 $0x8, s28;
	v0 =	vld [tilespmem:s29+$0x1970];
	[tilespmem:s20+$0xFFFFFFE0] =	vst v5  }
0x302: {  	v5 =	vld [tilespmem:s21+$0x1970];
	[tilespmem:s20+$0x60] =	vst v3  }
0x303: {  	v3 =	vld [tilespmem:s22+$0x1970];
	[tilespmem:s20+$0xE0] =	vst v4  }
0x304: {  	v4 =	vld [tilespmem:s23+$0x1970];
	[tilespmem:s20+$0x160] =	vst v2  }
0x305: {  	[tilespmem:s20+$0xFFFFFE70] =	vst v1;
	v1 =	vld [tilespmem:s24+$0x1970]  }
0x306: {  	[tilespmem:s20+$0xFFFFFEF0] =	vst v0;
	v0 =	vld [tilespmem:s25+$0x1970]  }
0x307: {  	[tilespmem:s20+$0xFFFFFF70] =	vst v5  }
0x308: {  	[tilespmem:s20+$0xFFFFFFF0] =	vst v3  }
0x309: {  	[tilespmem:s20+$0x70] =	vst v4  }
0x30a: {  	[tilespmem:s20+$0xF0] =	vst v1  }
0x30b: {  	[tilespmem:s20+$0x170] =	vst v0  }
0x30c: {  	s0 =	rddreg [dreg:$0xd]  }
0x30d: {  	[hbm4b:s0+s3] =	stream.linear.scatter [tilespmem:s14], [sflag:$0x4], $0xC800, $0x38;
	[tilespmem:$0x1AD00] =	vst v63  }
0x30e: {  	_ =	swait.ge [sflag:s15], $0x190  }
0x30f: {  	[sflag:s15] =	ssyncset.done $0x0  }
0x310: {  	s20 =	rddreg [dreg:$0x1d];
	[sflag:s15] =	ssyncadd.s32 $0xFFFFFE70  }
0x311: {  	[smem:s3], [sflag:$0x2] =	stream.linear.gather [spmem:s20], $0x190, $0x38;
	[tilespmem:$0x1AD00] =	vst v63  }
0x312: {  	_ =	swait.ge [sflag:s17], $0xC800  }
0x313: {  	[sflag:s17] =	ssyncset.done $0x0  }
0x314: {  	[sflag:s17] =	ssyncadd.s32 $0xFFFF3800  }
0x315: {  	s21 =	sld [smem:$0x197]  }
0x316: {  	s2 =	sld [smem:$0x191]  }
0x317: {  	s22 =	sld [smem:$0x192]  }
0x318: {  	s23 =	sld [smem:$0x193];
	s0 =	sshll.u32 s21, $0x9  }
0x319: {  	s24 =	sld [smem:$0x194];
	s2 =	sshll.u32 s2, $0x9;
	s29 =	sshra.s32 s0, $0x2  }
0x31a: {  	s25 =	sld [smem:$0x195];
	s28 =	sshra.s32 s2, $0x2;
	v0 =	vld [tilespmem:s29+$0x1900];
	s30 =	sshll.u32 s22, $0x9  }
0x31b: {  	v1 =	vld [tilespmem:s28+$0x1900];
	s31 =	sld [smem:$0x196];
	s21 =	sshra.s32 s30, $0x2;
	s22 =	sshll.u32 s23, $0x9  }
0x31c: {  	s26 =	sld [smem:$0x190];
	v2 =	vld [tilespmem:s21+$0x1900];
	s22 =	sshra.s32 s22, $0x2;
	s24 =	sshll.u32 s24, $0x9  }
0x31d: {  	v3 =	vld [tilespmem:s22+$0x1900];
	s23 =	sshra.s32 s24, $0x2;
	s0 =	sshll.u32 s25, $0x9  }
0x31e: {  	s20 =	simm.s32 $0xE500;
	v4 =	vld [tilespmem:s23+$0x1900];
	s24 =	sshra.s32 s0, $0x2  }
0x31f: {  	s30 =	sshll.u32 s26, $0x9;
	v5 =	vld [tilespmem:s24+$0x1900];
	[tilespmem:s20+$0x380] =	vst v0  }
0x320: {  	s31 =	sshll.u32 s31, $0x9;
	s26 =	sshra.s32 s30, $0x2;
	[tilespmem:s20+$0x80] =	vst v1;
	v0 =	vld [tilespmem:s29+$0x1910]  }
0x321: {  	s25 =	sshra.s32 s31, $0x2;
	v1 =	vld [tilespmem:s26+$0x1900];
	[tilespmem:s20+$0x100] =	vst v2  }
0x322: {  	v2 =	vld [tilespmem:s25+$0x1900];
	[tilespmem:s20+$0x180] =	vst v3  }
0x323: {  	v3 =	vld [tilespmem:s28+$0x1910];
	[tilespmem:s20+$0x200] =	vst v4  }
0x324: {  	v4 =	vld [tilespmem:s21+$0x1910];
	[tilespmem:s20+$0x280] =	vst v5  }
0x325: {  	v5 =	vld [tilespmem:s22+$0x1910];
	[tilespmem:s20+$0x390] =	vst v0  }
0x326: {  	[tilespmem:s20+$0x0] =	vst v1;
	v0 =	vld [tilespmem:s29+$0x1920]  }
0x327: {  	[tilespmem:s20+$0x300] =	vst v2;
	v2 =	vld [tilespmem:s23+$0x1910]  }
0x328: {  	v1 =	vld [tilespmem:s26+$0x1910];
	[tilespmem:s20+$0x90] =	vst v3  }
0x329: {  	v3 =	vld [tilespmem:s24+$0x1910];
	[tilespmem:s20+$0x110] =	vst v4  }
0x32a: {  	v4 =	vld [tilespmem:s25+$0x1910];
	[tilespmem:s20+$0x190] =	vst v5  }
0x32b: {  	v5 =	vld [tilespmem:s28+$0x1920];
	[tilespmem:s20+$0x3A0] =	vst v0  }
0x32c: {  	[tilespmem:s20+$0x210] =	vst v2;
	v0 =	vld [tilespmem:s29+$0x1930]  }
0x32d: {  	v2 =	vld [tilespmem:s21+$0x1920];
	[tilespmem:s20+$0x10] =	vst v1  }
0x32e: {  	[tilespmem:s20+$0x290] =	vst v3;
	v1 =	vld [tilespmem:s26+$0x1920]  }
0x32f: {  	v3 =	vld [tilespmem:s22+$0x1920];
	[tilespmem:s20+$0x310] =	vst v4  }
0x330: {  	v4 =	vld [tilespmem:s23+$0x1920];
	[tilespmem:s20+$0xA0] =	vst v5  }
0x331: {  	v5 =	vld [tilespmem:s24+$0x1920];
	[tilespmem:s20+$0x3B0] =	vst v0  }
0x332: {  	[tilespmem:s20+$0x120] =	vst v2;
	v0 =	vld [tilespmem:s29+$0x1940]  }
0x333: {  	[tilespmem:s20+$0x20] =	vst v1;
	v1 =	vld [tilespmem:s25+$0x1920]  }
0x334: {  	[tilespmem:s20+$0x1A0] =	vst v3;
	v3 =	vld [tilespmem:s28+$0x1930]  }
0x335: {  	[tilespmem:s20+$0x220] =	vst v4;
	v2 =	vld [tilespmem:s26+$0x1930]  }
0x336: {  	v4 =	vld [tilespmem:s21+$0x1930];
	[tilespmem:s20+$0x2A0] =	vst v5  }
0x337: {  	v5 =	vld [tilespmem:s22+$0x1930];
	[tilespmem:s20+$0x3C0] =	vst v0  }
0x338: {  	[tilespmem:s20+$0x320] =	vst v1;
	v1 =	vld [tilespmem:s23+$0x1930]  }
0x339: {  	[tilespmem:s20+$0xB0] =	vst v3;
	v0 =	vld [tilespmem:s29+$0x1950]  }
0x33a: {  	[tilespmem:s20+$0x30] =	vst v2;
	v2 =	vld [tilespmem:s24+$0x1930]  }
0x33b: {  	[tilespmem:s20+$0x130] =	vst v4;
	v3 =	vld [tilespmem:s25+$0x1930]  }
0x33c: {  	[tilespmem:s20+$0x1B0] =	vst v5;
	v5 =	vld [tilespmem:s28+$0x1940]  }
0x33d: {  	v4 =	vld [tilespmem:s26+$0x1940];
	[tilespmem:s20+$0x230] =	vst v1  }
0x33e: {  	v1 =	vld [tilespmem:s21+$0x1940];
	[tilespmem:s20+$0x3D0] =	vst v0  }
0x33f: {  	[tilespmem:s20+$0x2B0] =	vst v2;
	v2 =	vld [tilespmem:s22+$0x1940]  }
0x340: {  	[tilespmem:s20+$0x330] =	vst v3;
	v0 =	vld [tilespmem:s29+$0x1960]  }
0x341: {  	v3 =	vld [tilespmem:s23+$0x1940];
	[tilespmem:s20+$0xC0] =	vst v5  }
0x342: {  	[tilespmem:s20+$0x40] =	vst v4;
	v4 =	vld [tilespmem:s24+$0x1940]  }
0x343: {  	v5 =	vld [tilespmem:s25+$0x1940];
	[tilespmem:s20+$0x140] =	vst v1  }
0x344: {  	v1 =	vld [tilespmem:s26+$0x1950];
	[tilespmem:s20+$0x1C0] =	vst v2  }
0x345: {  	v2 =	vld [tilespmem:s28+$0x1950];
	[tilespmem:s20+$0x3E0] =	vst v0  }
0x346: {  	[tilespmem:s20+$0x240] =	vst v3;
	v0 =	vld [tilespmem:s29+$0x1970]  }
0x347: {  	v3 =	vld [tilespmem:s21+$0x1950];
	[tilespmem:s20+$0x2C0] =	vst v4  }
0x348: {  	v4 =	vld [tilespmem:s22+$0x1950];
	[tilespmem:s20+$0x340] =	vst v5  }
0x349: {  	v5 =	vld [tilespmem:s23+$0x1950];
	[tilespmem:s20+$0x50] =	vst v1  }
0x34a: {  	v1 =	vld [tilespmem:s25+$0x1950];
	[tilespmem:s20+$0xD0] =	vst v2  }
0x34b: {  	[tilespmem:s20+$0x3F0] =	vst v0;
	v0 =	vld [tilespmem:s24+$0x1950]  }
0x34c: {  	v2 =	vld [tilespmem:s26+$0x1960];
	[tilespmem:s20+$0x150] =	vst v3  }
0x34d: {  	v6 =	vld [tilespmem:s28+$0x1960];
	[tilespmem:s20+$0x1D0] =	vst v4  }
0x34e: {  	v7 =	vld [tilespmem:s21+$0x1960];
	[tilespmem:s20+$0x250] =	vst v5  }
0x34f: {  	v5 =	vld [tilespmem:s22+$0x1960];
	[tilespmem:s20+$0x350] =	vst v1  }
0x350: {  	v3 =	vld [tilespmem:s23+$0x1960];
	[tilespmem:s20+$0x2D0] =	vst v0  }
0x351: {  	[tilespmem:s20+$0x60] =	vst v2;
	v4 =	vld [tilespmem:s24+$0x1960]  }
0x352: {  	v2 =	vld [tilespmem:s25+$0x1960];
	[tilespmem:s20+$0xE0] =	vst v6  }
0x353: {  	v1 =	vld [tilespmem:s26+$0x1970];
	[tilespmem:s20+$0x160] =	vst v7  }
0x354: {  	s26 =	simm.s32 $0x0;
	v0 =	vld [tilespmem:s28+$0x1970];
	[tilespmem:s20+$0x1E0] =	vst v5;
	s28 =	simm.s32 $0x19F  }
.LBB2_12:
0x355: {  	s0 =	sld [smem:s28+$0x0];
	s26 =	sadd.s32 $0x8, s26;
	v5 =	vld [tilespmem:s21+$0x1970];
	[tilespmem:s20+$0x260] =	vst v3  }
0x356: {  	s2 =	sld [smem:s28+$0xFFFFFFFA];
	p0 =	slt.u32 s26, $0x188;
	v3 =	vld [tilespmem:s22+$0x1970];
	[tilespmem:s20+$0x2E0] =	vst v4  }
0x357: {  	s21 =	sld [smem:s28+$0xFFFFFFFB];
	v4 =	vld [tilespmem:s23+$0x1970];
	[tilespmem:s20+$0x360] =	vst v2  }
0x358: {  	s22 =	sld [smem:s28+$0xFFFFFFFC];
	s0 =	sshll.u32 s0, $0x9;
	[tilespmem:s20+$0x70] =	vst v1;
	v1 =	vld [tilespmem:s24+$0x1970]  }
0x359: {  	s2 =	sshll.u32 s2, $0x9;
	s23 =	sld [smem:s28+$0xFFFFFFFD];
	s31 =	sshra.s32 s0, $0x2;
	[tilespmem:s20+$0xF0] =	vst v0;
	v0 =	vld [tilespmem:s25+$0x1970]  }
0x35a: {  	s29 =	sshra.s32 s2, $0x2;
	s0 =	sshll.u32 s21, $0x9;
	s2 =	sld [smem:s28+$0xFFFFFFFE];
	v2 =	vld [tilespmem:s31+$0x1900];
	[tilespmem:s20+$0x170] =	vst v5  }
0x35b: {  	v5 =	vld [tilespmem:s29+$0x1900];
	s21 =	sshra.s32 s0, $0x2;
	s0 =	sshll.u32 s22, $0x9;
	s25 =	sld [smem:s28+$0xFFFFFFFF];
	[tilespmem:s20+$0x1F0] =	vst v3  }
0x35c: {  	s30 =	sld [smem:s28+$0xFFFFFFF9];
	v3 =	vld [tilespmem:s21+$0x1900];
	s22 =	sshra.s32 s0, $0x2;
	s0 =	sshll.u32 s23, $0x9;
	[tilespmem:s20+$0x270] =	vst v4  }
0x35d: {  	v4 =	vld [tilespmem:s22+$0x1900];
	s23 =	sshra.s32 s0, $0x2;
	s0 =	sshll.u32 s2, $0x9;
	[tilespmem:s20+$0x2F0] =	vst v1  }
0x35e: {  	v1 =	vld [tilespmem:s23+$0x1900];
	s24 =	sshra.s32 s0, $0x2;
	s0 =	sshll.u32 s25, $0x9;
	[tilespmem:s20+$0x370] =	vst v0;
	s20 =	sadd.s32 $0x400, s20  }
0x35f: {  	s2 =	sshll.u32 s30, $0x9;
	v0 =	vld [tilespmem:s24+$0x1900];
	s25 =	sshra.s32 s0, $0x2;
	[tilespmem:s20+$0x380] =	vst v2  }
0x360: {  	s30 =	sshra.s32 s2, $0x2;
	[tilespmem:s20+$0x80] =	vst v5;
	v2 =	vld [tilespmem:s31+$0x1910]  }
0x361: {  	v5 =	vld [tilespmem:s30+$0x1900];
	[tilespmem:s20+$0x100] =	vst v3  }
0x362: {  	[tilespmem:s20+$0x180] =	vst v4;
	v3 =	vld [tilespmem:s25+$0x1900]  }
0x363: {  	v4 =	vld [tilespmem:s29+$0x1910];
	[tilespmem:s20+$0x200] =	vst v1  }
0x364: {  	v1 =	vld [tilespmem:s21+$0x1910];
	[tilespmem:s20+$0x280] =	vst v0  }
0x365: {  	v0 =	vld [tilespmem:s22+$0x1910];
	[tilespmem:s20+$0x390] =	vst v2  }
0x366: {  	[tilespmem:s20+$0x0] =	vst v5;
	v2 =	vld [tilespmem:s31+$0x1920]  }
0x367: {  	v5 =	vld [tilespmem:s30+$0x1910];
	[tilespmem:s20+$0x300] =	vst v3  }
0x368: {  	[tilespmem:s20+$0x90] =	vst v4;
	v3 =	vld [tilespmem:s23+$0x1910]  }
0x369: {  	[tilespmem:s20+$0x110] =	vst v1;
	v1 =	vld [tilespmem:s24+$0x1910]  }
0x36a: {  	[tilespmem:s20+$0x190] =	vst v0;
	v0 =	vld [tilespmem:s25+$0x1910]  }
0x36b: {  	v4 =	vld [tilespmem:s29+$0x1920];
	[tilespmem:s20+$0x3A0] =	vst v2  }
0x36c: {  	[tilespmem:s20+$0x10] =	vst v5;
	v2 =	vld [tilespmem:s31+$0x1930]  }
0x36d: {  	v5 =	vld [tilespmem:s30+$0x1920];
	[tilespmem:s20+$0x210] =	vst v3  }
0x36e: {  	v3 =	vld [tilespmem:s21+$0x1920];
	[tilespmem:s20+$0x290] =	vst v1  }
0x36f: {  	v1 =	vld [tilespmem:s22+$0x1920];
	[tilespmem:s20+$0x310] =	vst v0  }
0x370: {  	[tilespmem:s20+$0xA0] =	vst v4;
	v0 =	vld [tilespmem:s23+$0x1920]  }
0x371: {  	v4 =	vld [tilespmem:s24+$0x1920];
	[tilespmem:s20+$0x3B0] =	vst v2  }
0x372: {  	[tilespmem:s20+$0x20] =	vst v5;
	v2 =	vld [tilespmem:s31+$0x1940]  }
0x373: {  	[tilespmem:s20+$0x120] =	vst v3;
	v3 =	vld [tilespmem:s25+$0x1920]  }
0x374: {  	v5 =	vld [tilespmem:s30+$0x1930];
	[tilespmem:s20+$0x1A0] =	vst v1  }
0x375: {  	v1 =	vld [tilespmem:s29+$0x1930];
	[tilespmem:s20+$0x220] =	vst v0  }
0x376: {  	v0 =	vld [tilespmem:s21+$0x1930];
	[tilespmem:s20+$0x2A0] =	vst v4  }
0x377: {  	v4 =	vld [tilespmem:s22+$0x1930];
	[tilespmem:s20+$0x3C0] =	vst v2  }
0x378: {  	[tilespmem:s20+$0x320] =	vst v3;
	v2 =	vld [tilespmem:s31+$0x1950]  }
0x379: {  	[tilespmem:s20+$0x30] =	vst v5;
	v3 =	vld [tilespmem:s23+$0x1930]  }
0x37a: {  	[tilespmem:s20+$0xB0] =	vst v1;
	v1 =	vld [tilespmem:s24+$0x1930]  }
0x37b: {  	[tilespmem:s20+$0x130] =	vst v0;
	v0 =	vld [tilespmem:s25+$0x1930]  }
0x37c: {  	v5 =	vld [tilespmem:s30+$0x1940];
	[tilespmem:s20+$0x1B0] =	vst v4  }
0x37d: {  	v4 =	vld [tilespmem:s29+$0x1940];
	[tilespmem:s20+$0x3D0] =	vst v2  }
0x37e: {  	[tilespmem:s20+$0x230] =	vst v3;
	v2 =	vld [tilespmem:s31+$0x1960]  }
0x37f: {  	v3 =	vld [tilespmem:s21+$0x1940];
	[tilespmem:s20+$0x2B0] =	vst v1  }
0x380: {  	v1 =	vld [tilespmem:s22+$0x1940];
	[tilespmem:s20+$0x330] =	vst v0  }
0x381: {  	[tilespmem:s20+$0x40] =	vst v5;
	v0 =	vld [tilespmem:s23+$0x1940]  }
0x382: {  	[tilespmem:s20+$0xC0] =	vst v4;
	v4 =	vld [tilespmem:s24+$0x1940]  }
0x383: {  	v5 =	vld [tilespmem:s25+$0x1940];
	[tilespmem:s20+$0x3E0] =	vst v2  }
0x384: {  	[tilespmem:s20+$0x140] =	vst v3;
	v2 =	vld [tilespmem:s31+$0x1970]  }
0x385: {  	v3 =	vld [tilespmem:s30+$0x1950];
	[tilespmem:s20+$0x1C0] =	vst v1  }
0x386: {  	v1 =	vld [tilespmem:s29+$0x1950];
	[tilespmem:s20+$0x240] =	vst v0  }
0x387: {  	v0 =	vld [tilespmem:s21+$0x1950];
	[tilespmem:s20+$0x2C0] =	vst v4  }
0x388: {  	v4 =	vld [tilespmem:s22+$0x1950];
	[tilespmem:s20+$0x340] =	vst v5  }
0x389: {  	v5 =	vld [tilespmem:s23+$0x1950];
	[tilespmem:s20+$0x3F0] =	vst v2  }
0x38a: {  	[tilespmem:s20+$0x50] =	vst v3;
	v2 =	vld [tilespmem:s24+$0x1950]  }
0x38b: {  	[tilespmem:s20+$0xD0] =	vst v1;
	v1 =	vld [tilespmem:s25+$0x1950]  }
0x38c: {  	v6 =	vld [tilespmem:s30+$0x1960];
	[tilespmem:s20+$0x150] =	vst v0  }
0x38d: {  	v0 =	vld [tilespmem:s29+$0x1960];
	[tilespmem:s20+$0x1D0] =	vst v4  }
0x38e: {  	v7 =	vld [tilespmem:s21+$0x1960];
	[tilespmem:s20+$0x250] =	vst v5  }
0x38f: {  	v5 =	vld [tilespmem:s22+$0x1960];
	[tilespmem:s20+$0x2D0] =	vst v2  }
.Ltmp5:
0x390: {  	v3 =	vld [tilespmem:s23+$0x1960];
	[tilespmem:s20+$0x350] =	vst v1;
	(pc) =	sbr.rel @p0 .LBB2_12-.Ltmp5, $4  }
0x391: {  	[tilespmem:s20+$0x60] =	vst v6;
	v4 =	vld [tilespmem:s24+$0x1960]  }
0x392: {  	[tilespmem:s20+$0xE0] =	vst v0;
	v2 =	vld [tilespmem:s25+$0x1960]  }
0x393: {  	v1 =	vld [tilespmem:s30+$0x1970];
	[tilespmem:s20+$0x160] =	vst v7  }
0x394: {  	s28 =	sadd.s32 $0x8, s28;
	v0 =	vld [tilespmem:s29+$0x1970];
	[tilespmem:s20+$0x1E0] =	vst v5  }
0x395: {  	v5 =	vld [tilespmem:s21+$0x1970];
	[tilespmem:s20+$0x260] =	vst v3  }
0x396: {  	v3 =	vld [tilespmem:s22+$0x1970];
	[tilespmem:s20+$0x2E0] =	vst v4  }
0x397: {  	v4 =	vld [tilespmem:s23+$0x1970];
	[tilespmem:s20+$0x360] =	vst v2  }
0x398: {  	[tilespmem:s20+$0x70] =	vst v1;
	v1 =	vld [tilespmem:s24+$0x1970]  }
0x399: {  	[tilespmem:s20+$0xF0] =	vst v0;
	v0 =	vld [tilespmem:s25+$0x1970]  }
0x39a: {  	[tilespmem:s20+$0x170] =	vst v5  }
0x39b: {  	[tilespmem:s20+$0x1F0] =	vst v3  }
0x39c: {  	[tilespmem:s20+$0x270] =	vst v4  }
0x39d: {  	[tilespmem:s20+$0x2F0] =	vst v1  }
0x39e: {  	[tilespmem:s20+$0x370] =	vst v0  }
0x39f: {  	s0 =	rddreg [dreg:$0xe]  }
0x3a0: {  	[hbm4b:s0+s3] =	stream.linear.scatter [tilespmem:s16], [sflag:$0x5], $0xC800, $0x38;
	[tilespmem:$0x1AD00] =	vst v63  }
0x3a1: {  	_ =	swait.ge [sflag:s12], $0x190  }
0x3a2: {  	[sflag:s12] =	ssyncset.done $0x0  }
0x3a3: {  	s21 =	simm.s32 $0x4;
	s20 =	rddreg [dreg:$0x1e];
	[sflag:s12] =	ssyncadd.s32 $0xFFFFFE70  }
0x3a4: {  	[smem:s13], [sflag:$0x3] =	stream.linear.gather [spmem:s20], $0x190, $0x38;
	[tilespmem:$0x1AD00] =	vst v63  }
0x3a5: {  	_ =	swait.ge [sflag:s21], $0xC800  }
0x3a6: {  	[sflag:s21] =	ssyncset.done $0x0  }
0x3a7: {  	[sflag:s21] =	ssyncadd.s32 $0xFFFF3800  }
0x3a8: {  	s0 =	sld [smem:$0x7]  }
0x3a9: {  	s2 =	sld [smem:$0x1]  }
0x3aa: {  	s22 =	sld [smem:$0x2]  }
0x3ab: {  	s23 =	sld [smem:$0x3];
	s0 =	sshll.u32 s0, $0x9  }
0x3ac: {  	s24 =	sld [smem:$0x4];
	s2 =	sshll.u32 s2, $0x9;
	s29 =	sshra.s32 s0, $0x2  }
0x3ad: {  	s25 =	sld [smem:$0x5];
	s28 =	sshra.s32 s2, $0x2;
	v0 =	vld [tilespmem:s29+$0x1900];
	s30 =	sshll.u32 s22, $0x9  }
0x3ae: {  	v1 =	vld [tilespmem:s28+$0x1900];
	s31 =	sld [smem:$0x6];
	s21 =	sshra.s32 s30, $0x2;
	s22 =	sshll.u32 s23, $0x9  }
0x3af: {  	s26 =	sld [smem:$0x0];
	v2 =	vld [tilespmem:s21+$0x1900];
	s22 =	sshra.s32 s22, $0x2;
	s24 =	sshll.u32 s24, $0x9  }
0x3b0: {  	v3 =	vld [tilespmem:s22+$0x1900];
	s23 =	sshra.s32 s24, $0x2;
	s0 =	sshll.u32 s25, $0x9  }
0x3b1: {  	s20 =	simm.s32 $0x1F00;
	v4 =	vld [tilespmem:s23+$0x1900];
	s24 =	sshra.s32 s0, $0x2  }
0x3b2: {  	s30 =	sshll.u32 s26, $0x9;
	v5 =	vld [tilespmem:s24+$0x1900];
	[tilespmem:s20+$0x180] =	vst v0  }
0x3b3: {  	s31 =	sshll.u32 s31, $0x9;
	s26 =	sshra.s32 s30, $0x2;
	[tilespmem:s20+$0xFFFFFE80] =	vst v1;
	v0 =	vld [tilespmem:s29+$0x1910]  }
0x3b4: {  	s25 =	sshra.s32 s31, $0x2;
	v1 =	vld [tilespmem:s26+$0x1900];
	[tilespmem:s20+$0xFFFFFF00] =	vst v2  }
0x3b5: {  	v2 =	vld [tilespmem:s25+$0x1900];
	[tilespmem:s20+$0xFFFFFF80] =	vst v3  }
0x3b6: {  	v3 =	vld [tilespmem:s28+$0x1910];
	[tilespmem:s20+$0x0] =	vst v4  }
0x3b7: {  	v4 =	vld [tilespmem:s21+$0x1910];
	[tilespmem:s20+$0x80] =	vst v5  }
0x3b8: {  	v5 =	vld [tilespmem:s22+$0x1910];
	[tilespmem:s20+$0x190] =	vst v0  }
0x3b9: {  	[tilespmem:s20+$0xFFFFFE00] =	vst v1;
	v0 =	vld [tilespmem:s29+$0x1920]  }
0x3ba: {  	[tilespmem:s20+$0x100] =	vst v2;
	v2 =	vld [tilespmem:s23+$0x1910]  }
0x3bb: {  	v1 =	vld [tilespmem:s26+$0x1910];
	[tilespmem:s20+$0xFFFFFE90] =	vst v3  }
0x3bc: {  	v3 =	vld [tilespmem:s24+$0x1910];
	[tilespmem:s20+$0xFFFFFF10] =	vst v4  }
0x3bd: {  	v4 =	vld [tilespmem:s25+$0x1910];
	[tilespmem:s20+$0xFFFFFF90] =	vst v5  }
0x3be: {  	v5 =	vld [tilespmem:s28+$0x1920];
	[tilespmem:s20+$0x1A0] =	vst v0  }
0x3bf: {  	[tilespmem:s20+$0x10] =	vst v2;
	v0 =	vld [tilespmem:s29+$0x1930]  }
0x3c0: {  	v2 =	vld [tilespmem:s21+$0x1920];
	[tilespmem:s20+$0xFFFFFE10] =	vst v1  }
0x3c1: {  	[tilespmem:s20+$0x90] =	vst v3;
	v1 =	vld [tilespmem:s26+$0x1920]  }
0x3c2: {  	v3 =	vld [tilespmem:s22+$0x1920];
	[tilespmem:s20+$0x110] =	vst v4  }
0x3c3: {  	v4 =	vld [tilespmem:s23+$0x1920];
	[tilespmem:s20+$0xFFFFFEA0] =	vst v5  }
0x3c4: {  	v5 =	vld [tilespmem:s24+$0x1920];
	[tilespmem:s20+$0x1B0] =	vst v0  }
0x3c5: {  	[tilespmem:s20+$0xFFFFFF20] =	vst v2;
	v0 =	vld [tilespmem:s29+$0x1940]  }
0x3c6: {  	[tilespmem:s20+$0xFFFFFE20] =	vst v1;
	v1 =	vld [tilespmem:s25+$0x1920]  }
0x3c7: {  	[tilespmem:s20+$0xFFFFFFA0] =	vst v3;
	v3 =	vld [tilespmem:s28+$0x1930]  }
0x3c8: {  	[tilespmem:s20+$0x20] =	vst v4;
	v2 =	vld [tilespmem:s26+$0x1930]  }
0x3c9: {  	v4 =	vld [tilespmem:s21+$0x1930];
	[tilespmem:s20+$0xA0] =	vst v5  }
0x3ca: {  	v5 =	vld [tilespmem:s22+$0x1930];
	[tilespmem:s20+$0x1C0] =	vst v0  }
0x3cb: {  	[tilespmem:s20+$0x120] =	vst v1;
	v1 =	vld [tilespmem:s23+$0x1930]  }
0x3cc: {  	[tilespmem:s20+$0xFFFFFEB0] =	vst v3;
	v0 =	vld [tilespmem:s29+$0x1950]  }
0x3cd: {  	[tilespmem:s20+$0xFFFFFE30] =	vst v2;
	v2 =	vld [tilespmem:s24+$0x1930]  }
0x3ce: {  	[tilespmem:s20+$0xFFFFFF30] =	vst v4;
	v3 =	vld [tilespmem:s25+$0x1930]  }
0x3cf: {  	[tilespmem:s20+$0xFFFFFFB0] =	vst v5;
	v5 =	vld [tilespmem:s28+$0x1940]  }
0x3d0: {  	v4 =	vld [tilespmem:s26+$0x1940];
	[tilespmem:s20+$0x30] =	vst v1  }
0x3d1: {  	v1 =	vld [tilespmem:s21+$0x1940];
	[tilespmem:s20+$0x1D0] =	vst v0  }
0x3d2: {  	[tilespmem:s20+$0xB0] =	vst v2;
	v2 =	vld [tilespmem:s22+$0x1940]  }
0x3d3: {  	[tilespmem:s20+$0x130] =	vst v3;
	v0 =	vld [tilespmem:s29+$0x1960]  }
0x3d4: {  	v3 =	vld [tilespmem:s23+$0x1940];
	[tilespmem:s20+$0xFFFFFEC0] =	vst v5  }
0x3d5: {  	[tilespmem:s20+$0xFFFFFE40] =	vst v4;
	v4 =	vld [tilespmem:s24+$0x1940]  }
0x3d6: {  	v5 =	vld [tilespmem:s25+$0x1940];
	[tilespmem:s20+$0xFFFFFF40] =	vst v1  }
0x3d7: {  	v1 =	vld [tilespmem:s26+$0x1950];
	[tilespmem:s20+$0xFFFFFFC0] =	vst v2  }
0x3d8: {  	v2 =	vld [tilespmem:s28+$0x1950];
	[tilespmem:s20+$0x1E0] =	vst v0  }
0x3d9: {  	[tilespmem:s20+$0x40] =	vst v3;
	v0 =	vld [tilespmem:s29+$0x1970]  }
0x3da: {  	v3 =	vld [tilespmem:s21+$0x1950];
	[tilespmem:s20+$0xC0] =	vst v4  }
0x3db: {  	v4 =	vld [tilespmem:s22+$0x1950];
	[tilespmem:s20+$0x140] =	vst v5  }
0x3dc: {  	v5 =	vld [tilespmem:s23+$0x1950];
	[tilespmem:s20+$0xFFFFFE50] =	vst v1  }
0x3dd: {  	v1 =	vld [tilespmem:s25+$0x1950];
	[tilespmem:s20+$0xFFFFFED0] =	vst v2  }
0x3de: {  	[tilespmem:s20+$0x1F0] =	vst v0;
	v0 =	vld [tilespmem:s24+$0x1950]  }
0x3df: {  	v2 =	vld [tilespmem:s26+$0x1960];
	[tilespmem:s20+$0xFFFFFF50] =	vst v3  }
0x3e0: {  	v6 =	vld [tilespmem:s28+$0x1960];
	[tilespmem:s20+$0xFFFFFFD0] =	vst v4  }
0x3e1: {  	v7 =	vld [tilespmem:s21+$0x1960];
	[tilespmem:s20+$0x50] =	vst v5  }
0x3e2: {  	v5 =	vld [tilespmem:s22+$0x1960];
	[tilespmem:s20+$0x150] =	vst v1  }
0x3e3: {  	v3 =	vld [tilespmem:s23+$0x1960];
	[tilespmem:s20+$0xD0] =	vst v0  }
0x3e4: {  	[tilespmem:s20+$0xFFFFFE60] =	vst v2;
	v4 =	vld [tilespmem:s24+$0x1960]  }
0x3e5: {  	v2 =	vld [tilespmem:s25+$0x1960];
	[tilespmem:s20+$0xFFFFFEE0] =	vst v6  }
0x3e6: {  	v1 =	vld [tilespmem:s26+$0x1970];
	[tilespmem:s20+$0xFFFFFF60] =	vst v7  }
0x3e7: {  	s26 =	simm.s32 $0x0;
	v0 =	vld [tilespmem:s28+$0x1970];
	[tilespmem:s20+$0xFFFFFFE0] =	vst v5;
	s28 =	simm.s32 $0xC  }
.LBB2_14:
0x3e8: {  	s0 =	sld [smem:s28+$0x3];
	s26 =	sadd.s32 $0x8, s26;
	v5 =	vld [tilespmem:s21+$0x1970];
	[tilespmem:s20+$0x60] =	vst v3  }
0x3e9: {  	s2 =	sld [smem:s28+$0xFFFFFFFD];
	p0 =	slt.u32 s26, $0x188;
	v3 =	vld [tilespmem:s22+$0x1970];
	[tilespmem:s20+$0xE0] =	vst v4  }
0x3ea: {  	s21 =	sld [smem:s28+$0xFFFFFFFE];
	v4 =	vld [tilespmem:s23+$0x1970];
	[tilespmem:s20+$0x160] =	vst v2  }
0x3eb: {  	s22 =	sld [smem:s28+$0xFFFFFFFF];
	s0 =	sshll.u32 s0, $0x9;
	[tilespmem:s20+$0xFFFFFE70] =	vst v1;
	v1 =	vld [tilespmem:s24+$0x1970]  }
0x3ec: {  	s2 =	sshll.u32 s2, $0x9;
	s23 =	sld [smem:s28+$0x0];
	s31 =	sshra.s32 s0, $0x2;
	[tilespmem:s20+$0xFFFFFEF0] =	vst v0;
	v0 =	vld [tilespmem:s25+$0x1970]  }
0x3ed: {  	s29 =	sshra.s32 s2, $0x2;
	s0 =	sshll.u32 s21, $0x9;
	s2 =	sld [smem:s28+$0x1];
	v2 =	vld [tilespmem:s31+$0x1900];
	[tilespmem:s20+$0xFFFFFF70] =	vst v5  }
0x3ee: {  	v5 =	vld [tilespmem:s29+$0x1900];
	s21 =	sshra.s32 s0, $0x2;
	s0 =	sshll.u32 s22, $0x9;
	s25 =	sld [smem:s28+$0x2];
	[tilespmem:s20+$0xFFFFFFF0] =	vst v3  }
0x3ef: {  	s30 =	sld [smem:s28+$0xFFFFFFFC];
	v3 =	vld [tilespmem:s21+$0x1900];
	s22 =	sshra.s32 s0, $0x2;
	s0 =	sshll.u32 s23, $0x9;
	[tilespmem:s20+$0x70] =	vst v4  }
0x3f0: {  	v4 =	vld [tilespmem:s22+$0x1900];
	s23 =	sshra.s32 s0, $0x2;
	s0 =	sshll.u32 s2, $0x9;
	[tilespmem:s20+$0xF0] =	vst v1  }
0x3f1: {  	v1 =	vld [tilespmem:s23+$0x1900];
	s24 =	sshra.s32 s0, $0x2;
	s0 =	sshll.u32 s25, $0x9;
	[tilespmem:s20+$0x170] =	vst v0;
	s20 =	sadd.s32 $0x400, s20  }
0x3f2: {  	s2 =	sshll.u32 s30, $0x9;
	v0 =	vld [tilespmem:s24+$0x1900];
	s25 =	sshra.s32 s0, $0x2;
	[tilespmem:s20+$0x180] =	vst v2  }
0x3f3: {  	s30 =	sshra.s32 s2, $0x2;
	[tilespmem:s20+$0xFFFFFE80] =	vst v5;
	v2 =	vld [tilespmem:s31+$0x1910]  }
0x3f4: {  	v5 =	vld [tilespmem:s30+$0x1900];
	[tilespmem:s20+$0xFFFFFF00] =	vst v3  }
0x3f5: {  	[tilespmem:s20+$0xFFFFFF80] =	vst v4;
	v3 =	vld [tilespmem:s25+$0x1900]  }
0x3f6: {  	v4 =	vld [tilespmem:s29+$0x1910];
	[tilespmem:s20+$0x0] =	vst v1  }
0x3f7: {  	v1 =	vld [tilespmem:s21+$0x1910];
	[tilespmem:s20+$0x80] =	vst v0  }
0x3f8: {  	v0 =	vld [tilespmem:s22+$0x1910];
	[tilespmem:s20+$0x190] =	vst v2  }
0x3f9: {  	[tilespmem:s20+$0xFFFFFE00] =	vst v5;
	v2 =	vld [tilespmem:s31+$0x1920]  }
0x3fa: {  	v5 =	vld [tilespmem:s30+$0x1910];
	[tilespmem:s20+$0x100] =	vst v3  }
0x3fb: {  	[tilespmem:s20+$0xFFFFFE90] =	vst v4;
	v3 =	vld [tilespmem:s23+$0x1910]  }
0x3fc: {  	[tilespmem:s20+$0xFFFFFF10] =	vst v1;
	v1 =	vld [tilespmem:s24+$0x1910]  }
0x3fd: {  	[tilespmem:s20+$0xFFFFFF90] =	vst v0;
	v0 =	vld [tilespmem:s25+$0x1910]  }
0x3fe: {  	v4 =	vld [tilespmem:s29+$0x1920];
	[tilespmem:s20+$0x1A0] =	vst v2  }
0x3ff: {  	[tilespmem:s20+$0xFFFFFE10] =	vst v5;
	v2 =	vld [tilespmem:s31+$0x1930]  }
0x400: {  	v5 =	vld [tilespmem:s30+$0x1920];
	[tilespmem:s20+$0x10] =	vst v3  }
0x401: {  	v3 =	vld [tilespmem:s21+$0x1920];
	[tilespmem:s20+$0x90] =	vst v1  }
0x402: {  	v1 =	vld [tilespmem:s22+$0x1920];
	[tilespmem:s20+$0x110] =	vst v0  }
0x403: {  	[tilespmem:s20+$0xFFFFFEA0] =	vst v4;
	v0 =	vld [tilespmem:s23+$0x1920]  }
0x404: {  	v4 =	vld [tilespmem:s24+$0x1920];
	[tilespmem:s20+$0x1B0] =	vst v2  }
0x405: {  	[tilespmem:s20+$0xFFFFFE20] =	vst v5;
	v2 =	vld [tilespmem:s31+$0x1940]  }
0x406: {  	[tilespmem:s20+$0xFFFFFF20] =	vst v3;
	v3 =	vld [tilespmem:s25+$0x1920]  }
0x407: {  	v5 =	vld [tilespmem:s30+$0x1930];
	[tilespmem:s20+$0xFFFFFFA0] =	vst v1  }
0x408: {  	v1 =	vld [tilespmem:s29+$0x1930];
	[tilespmem:s20+$0x20] =	vst v0  }
0x409: {  	v0 =	vld [tilespmem:s21+$0x1930];
	[tilespmem:s20+$0xA0] =	vst v4  }
0x40a: {  	v4 =	vld [tilespmem:s22+$0x1930];
	[tilespmem:s20+$0x1C0] =	vst v2  }
0x40b: {  	[tilespmem:s20+$0x120] =	vst v3;
	v2 =	vld [tilespmem:s31+$0x1950]  }
0x40c: {  	[tilespmem:s20+$0xFFFFFE30] =	vst v5;
	v3 =	vld [tilespmem:s23+$0x1930]  }
0x40d: {  	[tilespmem:s20+$0xFFFFFEB0] =	vst v1;
	v1 =	vld [tilespmem:s24+$0x1930]  }
0x40e: {  	[tilespmem:s20+$0xFFFFFF30] =	vst v0;
	v0 =	vld [tilespmem:s25+$0x1930]  }
0x40f: {  	v5 =	vld [tilespmem:s30+$0x1940];
	[tilespmem:s20+$0xFFFFFFB0] =	vst v4  }
0x410: {  	v4 =	vld [tilespmem:s29+$0x1940];
	[tilespmem:s20+$0x1D0] =	vst v2  }
0x411: {  	[tilespmem:s20+$0x30] =	vst v3;
	v2 =	vld [tilespmem:s31+$0x1960]  }
0x412: {  	v3 =	vld [tilespmem:s21+$0x1940];
	[tilespmem:s20+$0xB0] =	vst v1  }
0x413: {  	v1 =	vld [tilespmem:s22+$0x1940];
	[tilespmem:s20+$0x130] =	vst v0  }
0x414: {  	[tilespmem:s20+$0xFFFFFE40] =	vst v5;
	v0 =	vld [tilespmem:s23+$0x1940]  }
0x415: {  	[tilespmem:s20+$0xFFFFFEC0] =	vst v4;
	v4 =	vld [tilespmem:s24+$0x1940]  }
0x416: {  	v5 =	vld [tilespmem:s25+$0x1940];
	[tilespmem:s20+$0x1E0] =	vst v2  }
0x417: {  	[tilespmem:s20+$0xFFFFFF40] =	vst v3;
	v2 =	vld [tilespmem:s31+$0x1970]  }
0x418: {  	v3 =	vld [tilespmem:s30+$0x1950];
	[tilespmem:s20+$0xFFFFFFC0] =	vst v1  }
0x419: {  	v1 =	vld [tilespmem:s29+$0x1950];
	[tilespmem:s20+$0x40] =	vst v0  }
0x41a: {  	v0 =	vld [tilespmem:s21+$0x1950];
	[tilespmem:s20+$0xC0] =	vst v4  }
0x41b: {  	v4 =	vld [tilespmem:s22+$0x1950];
	[tilespmem:s20+$0x140] =	vst v5  }
0x41c: {  	v5 =	vld [tilespmem:s23+$0x1950];
	[tilespmem:s20+$0x1F0] =	vst v2  }
0x41d: {  	[tilespmem:s20+$0xFFFFFE50] =	vst v3;
	v2 =	vld [tilespmem:s24+$0x1950]  }
0x41e: {  	[tilespmem:s20+$0xFFFFFED0] =	vst v1;
	v1 =	vld [tilespmem:s25+$0x1950]  }
0x41f: {  	v6 =	vld [tilespmem:s30+$0x1960];
	[tilespmem:s20+$0xFFFFFF50] =	vst v0  }
0x420: {  	v0 =	vld [tilespmem:s29+$0x1960];
	[tilespmem:s20+$0xFFFFFFD0] =	vst v4  }
0x421: {  	v7 =	vld [tilespmem:s21+$0x1960];
	[tilespmem:s20+$0x50] =	vst v5  }
0x422: {  	v5 =	vld [tilespmem:s22+$0x1960];
	[tilespmem:s20+$0xD0] =	vst v2  }
.Ltmp6:
0x423: {  	v3 =	vld [tilespmem:s23+$0x1960];
	[tilespmem:s20+$0x150] =	vst v1;
	(pc) =	sbr.rel @p0 .LBB2_14-.Ltmp6, $4  }
0x424: {  	[tilespmem:s20+$0xFFFFFE60] =	vst v6;
	v4 =	vld [tilespmem:s24+$0x1960]  }
0x425: {  	[tilespmem:s20+$0xFFFFFEE0] =	vst v0;
	v2 =	vld [tilespmem:s25+$0x1960]  }
0x426: {  	v1 =	vld [tilespmem:s30+$0x1970];
	[tilespmem:s20+$0xFFFFFF60] =	vst v7  }
0x427: {  	s28 =	sadd.s32 $0x8, s28;
	v0 =	vld [tilespmem:s29+$0x1970];
	[tilespmem:s20+$0xFFFFFFE0] =	vst v5  }
0x428: {  	v5 =	vld [tilespmem:s21+$0x1970];
	[tilespmem:s20+$0x60] =	vst v3  }
0x429: {  	v3 =	vld [tilespmem:s22+$0x1970];
	[tilespmem:s20+$0xE0] =	vst v4  }
0x42a: {  	v4 =	vld [tilespmem:s23+$0x1970];
	[tilespmem:s20+$0x160] =	vst v2  }
0x42b: {  	[tilespmem:s20+$0xFFFFFE70] =	vst v1;
	v1 =	vld [tilespmem:s24+$0x1970]  }
0x42c: {  	[tilespmem:s20+$0xFFFFFEF0] =	vst v0;
	v0 =	vld [tilespmem:s25+$0x1970]  }
0x42d: {  	[tilespmem:s20+$0xFFFFFF70] =	vst v5  }
0x42e: {  	[tilespmem:s20+$0xFFFFFFF0] =	vst v3  }
0x42f: {  	[tilespmem:s20+$0x70] =	vst v4  }
0x430: {  	[tilespmem:s20+$0xF0] =	vst v1  }
0x431: {  	[tilespmem:s20+$0x170] =	vst v0  }
0x432: {  	s0 =	rddreg [dreg:$0xf]  }
0x433: {  	[hbm4b:s0+s3] =	stream.linear.scatter [tilespmem:s14], [sflag:$0x4], $0xC800, $0x38;
	[tilespmem:$0x1AD00] =	vst v63  }
0x434: {  	_ =	swait.ge [sflag:s15], $0x190  }
0x435: {  	[sflag:s15] =	ssyncset.done $0x0  }
0x436: {  	s20 =	rddreg [dreg:$0x1f];
	[sflag:s15] =	ssyncadd.s32 $0xFFFFFE70  }
0x437: {  	[smem:s3], [sflag:$0x2] =	stream.linear.gather [spmem:s20], $0x190, $0x38;
	[tilespmem:$0x1AD00] =	vst v63  }
0x438: {  	_ =	swait.ge [sflag:s17], $0xC800  }
0x439: {  	[sflag:s17] =	ssyncset.done $0x0  }
0x43a: {  	[sflag:s17] =	ssyncadd.s32 $0xFFFF3800  }
0x43b: {  	s21 =	sld [smem:$0x197]  }
0x43c: {  	s2 =	sld [smem:$0x191]  }
0x43d: {  	s22 =	sld [smem:$0x192]  }
0x43e: {  	s23 =	sld [smem:$0x193];
	s0 =	sshll.u32 s21, $0x9  }
0x43f: {  	s24 =	sld [smem:$0x194];
	s2 =	sshll.u32 s2, $0x9;
	s29 =	sshra.s32 s0, $0x2  }
0x440: {  	s25 =	sld [smem:$0x195];
	s28 =	sshra.s32 s2, $0x2;
	v0 =	vld [tilespmem:s29+$0x1900];
	s30 =	sshll.u32 s22, $0x9  }
0x441: {  	v1 =	vld [tilespmem:s28+$0x1900];
	s31 =	sld [smem:$0x196];
	s21 =	sshra.s32 s30, $0x2;
	s22 =	sshll.u32 s23, $0x9  }
0x442: {  	s26 =	sld [smem:$0x190];
	v2 =	vld [tilespmem:s21+$0x1900];
	s22 =	sshra.s32 s22, $0x2;
	s24 =	sshll.u32 s24, $0x9  }
0x443: {  	v3 =	vld [tilespmem:s22+$0x1900];
	s23 =	sshra.s32 s24, $0x2;
	s0 =	sshll.u32 s25, $0x9  }
0x444: {  	s20 =	simm.s32 $0xE500;
	v4 =	vld [tilespmem:s23+$0x1900];
	s24 =	sshra.s32 s0, $0x2  }
0x445: {  	s30 =	sshll.u32 s26, $0x9;
	v5 =	vld [tilespmem:s24+$0x1900];
	[tilespmem:s20+$0x380] =	vst v0  }
0x446: {  	s31 =	sshll.u32 s31, $0x9;
	s26 =	sshra.s32 s30, $0x2;
	[tilespmem:s20+$0x80] =	vst v1;
	v0 =	vld [tilespmem:s29+$0x1910]  }
0x447: {  	s25 =	sshra.s32 s31, $0x2;
	v1 =	vld [tilespmem:s26+$0x1900];
	[tilespmem:s20+$0x100] =	vst v2  }
0x448: {  	v2 =	vld [tilespmem:s25+$0x1900];
	[tilespmem:s20+$0x180] =	vst v3  }
0x449: {  	v3 =	vld [tilespmem:s28+$0x1910];
	[tilespmem:s20+$0x200] =	vst v4  }
0x44a: {  	v4 =	vld [tilespmem:s21+$0x1910];
	[tilespmem:s20+$0x280] =	vst v5  }
0x44b: {  	v5 =	vld [tilespmem:s22+$0x1910];
	[tilespmem:s20+$0x390] =	vst v0  }
0x44c: {  	[tilespmem:s20+$0x0] =	vst v1;
	v0 =	vld [tilespmem:s29+$0x1920]  }
0x44d: {  	[tilespmem:s20+$0x300] =	vst v2;
	v2 =	vld [tilespmem:s23+$0x1910]  }
0x44e: {  	v1 =	vld [tilespmem:s26+$0x1910];
	[tilespmem:s20+$0x90] =	vst v3  }
0x44f: {  	v3 =	vld [tilespmem:s24+$0x1910];
	[tilespmem:s20+$0x110] =	vst v4  }
0x450: {  	v4 =	vld [tilespmem:s25+$0x1910];
	[tilespmem:s20+$0x190] =	vst v5  }
0x451: {  	v5 =	vld [tilespmem:s28+$0x1920];
	[tilespmem:s20+$0x3A0] =	vst v0  }
0x452: {  	[tilespmem:s20+$0x210] =	vst v2;
	v0 =	vld [tilespmem:s29+$0x1930]  }
0x453: {  	v2 =	vld [tilespmem:s21+$0x1920];
	[tilespmem:s20+$0x10] =	vst v1  }
0x454: {  	[tilespmem:s20+$0x290] =	vst v3;
	v1 =	vld [tilespmem:s26+$0x1920]  }
0x455: {  	v3 =	vld [tilespmem:s22+$0x1920];
	[tilespmem:s20+$0x310] =	vst v4  }
0x456: {  	v4 =	vld [tilespmem:s23+$0x1920];
	[tilespmem:s20+$0xA0] =	vst v5  }
0x457: {  	v5 =	vld [tilespmem:s24+$0x1920];
	[tilespmem:s20+$0x3B0] =	vst v0  }
0x458: {  	[tilespmem:s20+$0x120] =	vst v2;
	v0 =	vld [tilespmem:s29+$0x1940]  }
0x459: {  	[tilespmem:s20+$0x20] =	vst v1;
	v1 =	vld [tilespmem:s25+$0x1920]  }
0x45a: {  	[tilespmem:s20+$0x1A0] =	vst v3;
	v3 =	vld [tilespmem:s28+$0x1930]  }
0x45b: {  	[tilespmem:s20+$0x220] =	vst v4;
	v2 =	vld [tilespmem:s26+$0x1930]  }
0x45c: {  	v4 =	vld [tilespmem:s21+$0x1930];
	[tilespmem:s20+$0x2A0] =	vst v5  }
0x45d: {  	v5 =	vld [tilespmem:s22+$0x1930];
	[tilespmem:s20+$0x3C0] =	vst v0  }
0x45e: {  	[tilespmem:s20+$0x320] =	vst v1;
	v1 =	vld [tilespmem:s23+$0x1930]  }
0x45f: {  	[tilespmem:s20+$0xB0] =	vst v3;
	v0 =	vld [tilespmem:s29+$0x1950]  }
0x460: {  	[tilespmem:s20+$0x30] =	vst v2;
	v2 =	vld [tilespmem:s24+$0x1930]  }
0x461: {  	[tilespmem:s20+$0x130] =	vst v4;
	v3 =	vld [tilespmem:s25+$0x1930]  }
0x462: {  	[tilespmem:s20+$0x1B0] =	vst v5;
	v5 =	vld [tilespmem:s28+$0x1940]  }
0x463: {  	v4 =	vld [tilespmem:s26+$0x1940];
	[tilespmem:s20+$0x230] =	vst v1  }
0x464: {  	v1 =	vld [tilespmem:s21+$0x1940];
	[tilespmem:s20+$0x3D0] =	vst v0  }
0x465: {  	[tilespmem:s20+$0x2B0] =	vst v2;
	v2 =	vld [tilespmem:s22+$0x1940]  }
0x466: {  	[tilespmem:s20+$0x330] =	vst v3;
	v0 =	vld [tilespmem:s29+$0x1960]  }
0x467: {  	v3 =	vld [tilespmem:s23+$0x1940];
	[tilespmem:s20+$0xC0] =	vst v5  }
0x468: {  	[tilespmem:s20+$0x40] =	vst v4;
	v4 =	vld [tilespmem:s24+$0x1940]  }
0x469: {  	v5 =	vld [tilespmem:s25+$0x1940];
	[tilespmem:s20+$0x140] =	vst v1  }
0x46a: {  	v1 =	vld [tilespmem:s26+$0x1950];
	[tilespmem:s20+$0x1C0] =	vst v2  }
0x46b: {  	v2 =	vld [tilespmem:s28+$0x1950];
	[tilespmem:s20+$0x3E0] =	vst v0  }
0x46c: {  	[tilespmem:s20+$0x240] =	vst v3;
	v0 =	vld [tilespmem:s29+$0x1970]  }
0x46d: {  	v3 =	vld [tilespmem:s21+$0x1950];
	[tilespmem:s20+$0x2C0] =	vst v4  }
0x46e: {  	v4 =	vld [tilespmem:s22+$0x1950];
	[tilespmem:s20+$0x340] =	vst v5  }
0x46f: {  	v5 =	vld [tilespmem:s23+$0x1950];
	[tilespmem:s20+$0x50] =	vst v1  }
0x470: {  	v1 =	vld [tilespmem:s25+$0x1950];
	[tilespmem:s20+$0xD0] =	vst v2  }
0x471: {  	[tilespmem:s20+$0x3F0] =	vst v0;
	v0 =	vld [tilespmem:s24+$0x1950]  }
0x472: {  	v2 =	vld [tilespmem:s26+$0x1960];
	[tilespmem:s20+$0x150] =	vst v3  }
0x473: {  	v6 =	vld [tilespmem:s28+$0x1960];
	[tilespmem:s20+$0x1D0] =	vst v4  }
0x474: {  	v7 =	vld [tilespmem:s21+$0x1960];
	[tilespmem:s20+$0x250] =	vst v5  }
0x475: {  	v5 =	vld [tilespmem:s22+$0x1960];
	[tilespmem:s20+$0x350] =	vst v1  }
0x476: {  	v3 =	vld [tilespmem:s23+$0x1960];
	[tilespmem:s20+$0x2D0] =	vst v0  }
0x477: {  	[tilespmem:s20+$0x60] =	vst v2;
	v4 =	vld [tilespmem:s24+$0x1960]  }
0x478: {  	v2 =	vld [tilespmem:s25+$0x1960];
	[tilespmem:s20+$0xE0] =	vst v6  }
0x479: {  	v1 =	vld [tilespmem:s26+$0x1970];
	[tilespmem:s20+$0x160] =	vst v7  }
0x47a: {  	s26 =	simm.s32 $0x0;
	v0 =	vld [tilespmem:s28+$0x1970];
	[tilespmem:s20+$0x1E0] =	vst v5;
	s28 =	simm.s32 $0x19F  }
.LBB2_16:
0x47b: {  	s0 =	sld [smem:s28+$0x0];
	s26 =	sadd.s32 $0x8, s26;
	v5 =	vld [tilespmem:s21+$0x1970];
	[tilespmem:s20+$0x260] =	vst v3  }
0x47c: {  	s2 =	sld [smem:s28+$0xFFFFFFFA];
	p0 =	slt.u32 s26, $0x188;
	v3 =	vld [tilespmem:s22+$0x1970];
	[tilespmem:s20+$0x2E0] =	vst v4  }
0x47d: {  	s21 =	sld [smem:s28+$0xFFFFFFFB];
	v4 =	vld [tilespmem:s23+$0x1970];
	[tilespmem:s20+$0x360] =	vst v2  }
0x47e: {  	s22 =	sld [smem:s28+$0xFFFFFFFC];
	s0 =	sshll.u32 s0, $0x9;
	[tilespmem:s20+$0x70] =	vst v1;
	v1 =	vld [tilespmem:s24+$0x1970]  }
0x47f: {  	s2 =	sshll.u32 s2, $0x9;
	s23 =	sld [smem:s28+$0xFFFFFFFD];
	s31 =	sshra.s32 s0, $0x2;
	[tilespmem:s20+$0xF0] =	vst v0;
	v0 =	vld [tilespmem:s25+$0x1970]  }
0x480: {  	s29 =	sshra.s32 s2, $0x2;
	s0 =	sshll.u32 s21, $0x9;
	s2 =	sld [smem:s28+$0xFFFFFFFE];
	v2 =	vld [tilespmem:s31+$0x1900];
	[tilespmem:s20+$0x170] =	vst v5  }
0x481: {  	v5 =	vld [tilespmem:s29+$0x1900];
	s21 =	sshra.s32 s0, $0x2;
	s0 =	sshll.u32 s22, $0x9;
	s25 =	sld [smem:s28+$0xFFFFFFFF];
	[tilespmem:s20+$0x1F0] =	vst v3  }
0x482: {  	s30 =	sld [smem:s28+$0xFFFFFFF9];
	v3 =	vld [tilespmem:s21+$0x1900];
	s22 =	sshra.s32 s0, $0x2;
	s0 =	sshll.u32 s23, $0x9;
	[tilespmem:s20+$0x270] =	vst v4  }
0x483: {  	v4 =	vld [tilespmem:s22+$0x1900];
	s23 =	sshra.s32 s0, $0x2;
	s0 =	sshll.u32 s2, $0x9;
	[tilespmem:s20+$0x2F0] =	vst v1  }
0x484: {  	v1 =	vld [tilespmem:s23+$0x1900];
	s24 =	sshra.s32 s0, $0x2;
	s0 =	sshll.u32 s25, $0x9;
	[tilespmem:s20+$0x370] =	vst v0;
	s20 =	sadd.s32 $0x400, s20  }
0x485: {  	s2 =	sshll.u32 s30, $0x9;
	v0 =	vld [tilespmem:s24+$0x1900];
	s25 =	sshra.s32 s0, $0x2;
	[tilespmem:s20+$0x380] =	vst v2  }
0x486: {  	s30 =	sshra.s32 s2, $0x2;
	[tilespmem:s20+$0x80] =	vst v5;
	v2 =	vld [tilespmem:s31+$0x1910]  }
0x487: {  	v5 =	vld [tilespmem:s30+$0x1900];
	[tilespmem:s20+$0x100] =	vst v3  }
0x488: {  	[tilespmem:s20+$0x180] =	vst v4;
	v3 =	vld [tilespmem:s25+$0x1900]  }
0x489: {  	v4 =	vld [tilespmem:s29+$0x1910];
	[tilespmem:s20+$0x200] =	vst v1  }
0x48a: {  	v1 =	vld [tilespmem:s21+$0x1910];
	[tilespmem:s20+$0x280] =	vst v0  }
0x48b: {  	v0 =	vld [tilespmem:s22+$0x1910];
	[tilespmem:s20+$0x390] =	vst v2  }
0x48c: {  	[tilespmem:s20+$0x0] =	vst v5;
	v2 =	vld [tilespmem:s31+$0x1920]  }
0x48d: {  	v5 =	vld [tilespmem:s30+$0x1910];
	[tilespmem:s20+$0x300] =	vst v3  }
0x48e: {  	[tilespmem:s20+$0x90] =	vst v4;
	v3 =	vld [tilespmem:s23+$0x1910]  }
0x48f: {  	[tilespmem:s20+$0x110] =	vst v1;
	v1 =	vld [tilespmem:s24+$0x1910]  }
0x490: {  	[tilespmem:s20+$0x190] =	vst v0;
	v0 =	vld [tilespmem:s25+$0x1910]  }
0x491: {  	v4 =	vld [tilespmem:s29+$0x1920];
	[tilespmem:s20+$0x3A0] =	vst v2  }
0x492: {  	[tilespmem:s20+$0x10] =	vst v5;
	v2 =	vld [tilespmem:s31+$0x1930]  }
0x493: {  	v5 =	vld [tilespmem:s30+$0x1920];
	[tilespmem:s20+$0x210] =	vst v3  }
0x494: {  	v3 =	vld [tilespmem:s21+$0x1920];
	[tilespmem:s20+$0x290] =	vst v1  }
0x495: {  	v1 =	vld [tilespmem:s22+$0x1920];
	[tilespmem:s20+$0x310] =	vst v0  }
0x496: {  	[tilespmem:s20+$0xA0] =	vst v4;
	v0 =	vld [tilespmem:s23+$0x1920]  }
0x497: {  	v4 =	vld [tilespmem:s24+$0x1920];
	[tilespmem:s20+$0x3B0] =	vst v2  }
0x498: {  	[tilespmem:s20+$0x20] =	vst v5;
	v2 =	vld [tilespmem:s31+$0x1940]  }
0x499: {  	[tilespmem:s20+$0x120] =	vst v3;
	v3 =	vld [tilespmem:s25+$0x1920]  }
0x49a: {  	v5 =	vld [tilespmem:s30+$0x1930];
	[tilespmem:s20+$0x1A0] =	vst v1  }
0x49b: {  	v1 =	vld [tilespmem:s29+$0x1930];
	[tilespmem:s20+$0x220] =	vst v0  }
0x49c: {  	v0 =	vld [tilespmem:s21+$0x1930];
	[tilespmem:s20+$0x2A0] =	vst v4  }
0x49d: {  	v4 =	vld [tilespmem:s22+$0x1930];
	[tilespmem:s20+$0x3C0] =	vst v2  }
0x49e: {  	[tilespmem:s20+$0x320] =	vst v3;
	v2 =	vld [tilespmem:s31+$0x1950]  }
0x49f: {  	[tilespmem:s20+$0x30] =	vst v5;
	v3 =	vld [tilespmem:s23+$0x1930]  }
0x4a0: {  	[tilespmem:s20+$0xB0] =	vst v1;
	v1 =	vld [tilespmem:s24+$0x1930]  }
0x4a1: {  	[tilespmem:s20+$0x130] =	vst v0;
	v0 =	vld [tilespmem:s25+$0x1930]  }
0x4a2: {  	v5 =	vld [tilespmem:s30+$0x1940];
	[tilespmem:s20+$0x1B0] =	vst v4  }
0x4a3: {  	v4 =	vld [tilespmem:s29+$0x1940];
	[tilespmem:s20+$0x3D0] =	vst v2  }
0x4a4: {  	[tilespmem:s20+$0x230] =	vst v3;
	v2 =	vld [tilespmem:s31+$0x1960]  }
0x4a5: {  	v3 =	vld [tilespmem:s21+$0x1940];
	[tilespmem:s20+$0x2B0] =	vst v1  }
0x4a6: {  	v1 =	vld [tilespmem:s22+$0x1940];
	[tilespmem:s20+$0x330] =	vst v0  }
0x4a7: {  	[tilespmem:s20+$0x40] =	vst v5;
	v0 =	vld [tilespmem:s23+$0x1940]  }
0x4a8: {  	[tilespmem:s20+$0xC0] =	vst v4;
	v4 =	vld [tilespmem:s24+$0x1940]  }
0x4a9: {  	v5 =	vld [tilespmem:s25+$0x1940];
	[tilespmem:s20+$0x3E0] =	vst v2  }
0x4aa: {  	[tilespmem:s20+$0x140] =	vst v3;
	v2 =	vld [tilespmem:s31+$0x1970]  }
0x4ab: {  	v3 =	vld [tilespmem:s30+$0x1950];
	[tilespmem:s20+$0x1C0] =	vst v1  }
0x4ac: {  	v1 =	vld [tilespmem:s29+$0x1950];
	[tilespmem:s20+$0x240] =	vst v0  }
0x4ad: {  	v0 =	vld [tilespmem:s21+$0x1950];
	[tilespmem:s20+$0x2C0] =	vst v4  }
0x4ae: {  	v4 =	vld [tilespmem:s22+$0x1950];
	[tilespmem:s20+$0x340] =	vst v5  }
0x4af: {  	v5 =	vld [tilespmem:s23+$0x1950];
	[tilespmem:s20+$0x3F0] =	vst v2  }
0x4b0: {  	[tilespmem:s20+$0x50] =	vst v3;
	v2 =	vld [tilespmem:s24+$0x1950]  }
0x4b1: {  	[tilespmem:s20+$0xD0] =	vst v1;
	v1 =	vld [tilespmem:s25+$0x1950]  }
0x4b2: {  	v6 =	vld [tilespmem:s30+$0x1960];
	[tilespmem:s20+$0x150] =	vst v0  }
0x4b3: {  	v0 =	vld [tilespmem:s29+$0x1960];
	[tilespmem:s20+$0x1D0] =	vst v4  }
0x4b4: {  	v7 =	vld [tilespmem:s21+$0x1960];
	[tilespmem:s20+$0x250] =	vst v5  }
0x4b5: {  	v5 =	vld [tilespmem:s22+$0x1960];
	[tilespmem:s20+$0x2D0] =	vst v2  }
.Ltmp7:
0x4b6: {  	v3 =	vld [tilespmem:s23+$0x1960];
	[tilespmem:s20+$0x350] =	vst v1;
	(pc) =	sbr.rel @p0 .LBB2_16-.Ltmp7, $4  }
0x4b7: {  	[tilespmem:s20+$0x60] =	vst v6;
	v4 =	vld [tilespmem:s24+$0x1960]  }
0x4b8: {  	[tilespmem:s20+$0xE0] =	vst v0;
	v2 =	vld [tilespmem:s25+$0x1960]  }
0x4b9: {  	v1 =	vld [tilespmem:s30+$0x1970];
	[tilespmem:s20+$0x160] =	vst v7  }
0x4ba: {  	s28 =	sadd.s32 $0x8, s28;
	v0 =	vld [tilespmem:s29+$0x1970];
	[tilespmem:s20+$0x1E0] =	vst v5  }
0x4bb: {  	v5 =	vld [tilespmem:s21+$0x1970];
	[tilespmem:s20+$0x260] =	vst v3  }
0x4bc: {  	v3 =	vld [tilespmem:s22+$0x1970];
	[tilespmem:s20+$0x2E0] =	vst v4  }
0x4bd: {  	v4 =	vld [tilespmem:s23+$0x1970];
	[tilespmem:s20+$0x360] =	vst v2  }
0x4be: {  	[tilespmem:s20+$0x70] =	vst v1;
	v1 =	vld [tilespmem:s24+$0x1970]  }
0x4bf: {  	[tilespmem:s20+$0xF0] =	vst v0;
	v0 =	vld [tilespmem:s25+$0x1970]  }
0x4c0: {  	[tilespmem:s20+$0x170] =	vst v5  }
0x4c1: {  	[tilespmem:s20+$0x1F0] =	vst v3  }
0x4c2: {  	[tilespmem:s20+$0x270] =	vst v4  }
0x4c3: {  	[tilespmem:s20+$0x2F0] =	vst v1  }
0x4c4: {  	[tilespmem:s20+$0x370] =	vst v0  }
0x4c5: {  	s0 =	rddreg [dreg:$0x10]  }
0x4c6: {  	[hbm4b:s0+s3] =	stream.linear.scatter [tilespmem:s16], [sflag:$0x5], $0xC800, $0x38;
	[tilespmem:$0x1AD00] =	vst v63  }
0x4c7: {  	_ =	swait.ge [sflag:s12], $0x190  }
0x4c8: {  	s20 =	sld [smem:$0x7FD]  }
0x4c9: {  	[sflag:s12] =	ssyncset.done $0x0  }
0x4ca: {  	s21 =	simm.s32 $0x4;
	[sflag:s12] =	ssyncadd.s32 $0xFFFFFE70  }
0x4cb: {  	[smem:s13], [sflag:$0x3] =	stream.linear.gather [spmem:s20], $0x190, $0x38;
	[tilespmem:$0x1AD00] =	vst v63  }
0x4cc: {  	_ =	swait.ge [sflag:s21], $0xC800  }
0x4cd: {  	[sflag:s21] =	ssyncset.done $0x0  }
0x4ce: {  	[sflag:s21] =	ssyncadd.s32 $0xFFFF3800  }
0x4cf: {  	s0 =	sld [smem:$0x7]  }
0x4d0: {  	s2 =	sld [smem:$0x1]  }
0x4d1: {  	s22 =	sld [smem:$0x2]  }
0x4d2: {  	s23 =	sld [smem:$0x3];
	s0 =	sshll.u32 s0, $0x9  }
0x4d3: {  	s24 =	sld [smem:$0x4];
	s2 =	sshll.u32 s2, $0x9;
	s29 =	sshra.s32 s0, $0x2  }
0x4d4: {  	s25 =	sld [smem:$0x5];
	s28 =	sshra.s32 s2, $0x2;
	v0 =	vld [tilespmem:s29+$0x1900];
	s30 =	sshll.u32 s22, $0x9  }
0x4d5: {  	v1 =	vld [tilespmem:s28+$0x1900];
	s31 =	sld [smem:$0x6];
	s21 =	sshra.s32 s30, $0x2;
	s22 =	sshll.u32 s23, $0x9  }
0x4d6: {  	s26 =	sld [smem:$0x0];
	v2 =	vld [tilespmem:s21+$0x1900];
	s22 =	sshra.s32 s22, $0x2;
	s24 =	sshll.u32 s24, $0x9  }
0x4d7: {  	v3 =	vld [tilespmem:s22+$0x1900];
	s23 =	sshra.s32 s24, $0x2;
	s0 =	sshll.u32 s25, $0x9  }
0x4d8: {  	s20 =	simm.s32 $0x1F00;
	v4 =	vld [tilespmem:s23+$0x1900];
	s24 =	sshra.s32 s0, $0x2  }
0x4d9: {  	s30 =	sshll.u32 s26, $0x9;
	v5 =	vld [tilespmem:s24+$0x1900];
	[tilespmem:s20+$0x180] =	vst v0  }
0x4da: {  	s31 =	sshll.u32 s31, $0x9;
	s26 =	sshra.s32 s30, $0x2;
	[tilespmem:s20+$0xFFFFFE80] =	vst v1;
	v0 =	vld [tilespmem:s29+$0x1910]  }
0x4db: {  	s25 =	sshra.s32 s31, $0x2;
	v1 =	vld [tilespmem:s26+$0x1900];
	[tilespmem:s20+$0xFFFFFF00] =	vst v2  }
0x4dc: {  	v2 =	vld [tilespmem:s25+$0x1900];
	[tilespmem:s20+$0xFFFFFF80] =	vst v3  }
0x4dd: {  	v3 =	vld [tilespmem:s28+$0x1910];
	[tilespmem:s20+$0x0] =	vst v4  }
0x4de: {  	v4 =	vld [tilespmem:s21+$0x1910];
	[tilespmem:s20+$0x80] =	vst v5  }
0x4df: {  	v5 =	vld [tilespmem:s22+$0x1910];
	[tilespmem:s20+$0x190] =	vst v0  }
0x4e0: {  	[tilespmem:s20+$0xFFFFFE00] =	vst v1;
	v0 =	vld [tilespmem:s29+$0x1920]  }
0x4e1: {  	[tilespmem:s20+$0x100] =	vst v2;
	v2 =	vld [tilespmem:s23+$0x1910]  }
0x4e2: {  	v1 =	vld [tilespmem:s26+$0x1910];
	[tilespmem:s20+$0xFFFFFE90] =	vst v3  }
0x4e3: {  	v3 =	vld [tilespmem:s24+$0x1910];
	[tilespmem:s20+$0xFFFFFF10] =	vst v4  }
0x4e4: {  	v4 =	vld [tilespmem:s25+$0x1910];
	[tilespmem:s20+$0xFFFFFF90] =	vst v5  }
0x4e5: {  	v5 =	vld [tilespmem:s28+$0x1920];
	[tilespmem:s20+$0x1A0] =	vst v0  }
0x4e6: {  	[tilespmem:s20+$0x10] =	vst v2;
	v0 =	vld [tilespmem:s29+$0x1930]  }
0x4e7: {  	v2 =	vld [tilespmem:s21+$0x1920];
	[tilespmem:s20+$0xFFFFFE10] =	vst v1  }
0x4e8: {  	[tilespmem:s20+$0x90] =	vst v3;
	v1 =	vld [tilespmem:s26+$0x1920]  }
0x4e9: {  	v3 =	vld [tilespmem:s22+$0x1920];
	[tilespmem:s20+$0x110] =	vst v4  }
0x4ea: {  	v4 =	vld [tilespmem:s23+$0x1920];
	[tilespmem:s20+$0xFFFFFEA0] =	vst v5  }
0x4eb: {  	v5 =	vld [tilespmem:s24+$0x1920];
	[tilespmem:s20+$0x1B0] =	vst v0  }
0x4ec: {  	[tilespmem:s20+$0xFFFFFF20] =	vst v2;
	v0 =	vld [tilespmem:s29+$0x1940]  }
0x4ed: {  	[tilespmem:s20+$0xFFFFFE20] =	vst v1;
	v1 =	vld [tilespmem:s25+$0x1920]  }
0x4ee: {  	[tilespmem:s20+$0xFFFFFFA0] =	vst v3;
	v3 =	vld [tilespmem:s28+$0x1930]  }
0x4ef: {  	[tilespmem:s20+$0x20] =	vst v4;
	v2 =	vld [tilespmem:s26+$0x1930]  }
0x4f0: {  	v4 =	vld [tilespmem:s21+$0x1930];
	[tilespmem:s20+$0xA0] =	vst v5  }
0x4f1: {  	v5 =	vld [tilespmem:s22+$0x1930];
	[tilespmem:s20+$0x1C0] =	vst v0  }
0x4f2: {  	[tilespmem:s20+$0x120] =	vst v1;
	v1 =	vld [tilespmem:s23+$0x1930]  }
0x4f3: {  	[tilespmem:s20+$0xFFFFFEB0] =	vst v3;
	v0 =	vld [tilespmem:s29+$0x1950]  }
0x4f4: {  	[tilespmem:s20+$0xFFFFFE30] =	vst v2;
	v2 =	vld [tilespmem:s24+$0x1930]  }
0x4f5: {  	[tilespmem:s20+$0xFFFFFF30] =	vst v4;
	v3 =	vld [tilespmem:s25+$0x1930]  }
0x4f6: {  	[tilespmem:s20+$0xFFFFFFB0] =	vst v5;
	v5 =	vld [tilespmem:s28+$0x1940]  }
0x4f7: {  	v4 =	vld [tilespmem:s26+$0x1940];
	[tilespmem:s20+$0x30] =	vst v1  }
0x4f8: {  	v1 =	vld [tilespmem:s21+$0x1940];
	[tilespmem:s20+$0x1D0] =	vst v0  }
0x4f9: {  	[tilespmem:s20+$0xB0] =	vst v2;
	v2 =	vld [tilespmem:s22+$0x1940]  }
0x4fa: {  	[tilespmem:s20+$0x130] =	vst v3;
	v0 =	vld [tilespmem:s29+$0x1960]  }
0x4fb: {  	v3 =	vld [tilespmem:s23+$0x1940];
	[tilespmem:s20+$0xFFFFFEC0] =	vst v5  }
0x4fc: {  	[tilespmem:s20+$0xFFFFFE40] =	vst v4;
	v4 =	vld [tilespmem:s24+$0x1940]  }
0x4fd: {  	v5 =	vld [tilespmem:s25+$0x1940];
	[tilespmem:s20+$0xFFFFFF40] =	vst v1  }
0x4fe: {  	v1 =	vld [tilespmem:s26+$0x1950];
	[tilespmem:s20+$0xFFFFFFC0] =	vst v2  }
0x4ff: {  	v2 =	vld [tilespmem:s28+$0x1950];
	[tilespmem:s20+$0x1E0] =	vst v0  }
0x500: {  	[tilespmem:s20+$0x40] =	vst v3;
	v0 =	vld [tilespmem:s29+$0x1970]  }
0x501: {  	v3 =	vld [tilespmem:s21+$0x1950];
	[tilespmem:s20+$0xC0] =	vst v4  }
0x502: {  	v4 =	vld [tilespmem:s22+$0x1950];
	[tilespmem:s20+$0x140] =	vst v5  }
0x503: {  	v5 =	vld [tilespmem:s23+$0x1950];
	[tilespmem:s20+$0xFFFFFE50] =	vst v1  }
0x504: {  	v1 =	vld [tilespmem:s25+$0x1950];
	[tilespmem:s20+$0xFFFFFED0] =	vst v2  }
0x505: {  	[tilespmem:s20+$0x1F0] =	vst v0;
	v0 =	vld [tilespmem:s24+$0x1950]  }
0x506: {  	v2 =	vld [tilespmem:s26+$0x1960];
	[tilespmem:s20+$0xFFFFFF50] =	vst v3  }
0x507: {  	v6 =	vld [tilespmem:s28+$0x1960];
	[tilespmem:s20+$0xFFFFFFD0] =	vst v4  }
0x508: {  	v7 =	vld [tilespmem:s21+$0x1960];
	[tilespmem:s20+$0x50] =	vst v5  }
0x509: {  	v5 =	vld [tilespmem:s22+$0x1960];
	[tilespmem:s20+$0x150] =	vst v1  }
0x50a: {  	v3 =	vld [tilespmem:s23+$0x1960];
	[tilespmem:s20+$0xD0] =	vst v0  }
0x50b: {  	[tilespmem:s20+$0xFFFFFE60] =	vst v2;
	v4 =	vld [tilespmem:s24+$0x1960]  }
0x50c: {  	v2 =	vld [tilespmem:s25+$0x1960];
	[tilespmem:s20+$0xFFFFFEE0] =	vst v6  }
0x50d: {  	v1 =	vld [tilespmem:s26+$0x1970];
	[tilespmem:s20+$0xFFFFFF60] =	vst v7  }
0x50e: {  	s26 =	simm.s32 $0x0;
	v0 =	vld [tilespmem:s28+$0x1970];
	[tilespmem:s20+$0xFFFFFFE0] =	vst v5;
	s28 =	simm.s32 $0xC  }
.LBB2_18:
0x50f: {  	s0 =	sld [smem:s28+$0x3];
	s26 =	sadd.s32 $0x8, s26;
	v5 =	vld [tilespmem:s21+$0x1970];
	[tilespmem:s20+$0x60] =	vst v3  }
0x510: {  	s2 =	sld [smem:s28+$0xFFFFFFFD];
	p0 =	slt.u32 s26, $0x188;
	v3 =	vld [tilespmem:s22+$0x1970];
	[tilespmem:s20+$0xE0] =	vst v4  }
0x511: {  	s21 =	sld [smem:s28+$0xFFFFFFFE];
	v4 =	vld [tilespmem:s23+$0x1970];
	[tilespmem:s20+$0x160] =	vst v2  }
0x512: {  	s22 =	sld [smem:s28+$0xFFFFFFFF];
	s0 =	sshll.u32 s0, $0x9;
	[tilespmem:s20+$0xFFFFFE70] =	vst v1;
	v1 =	vld [tilespmem:s24+$0x1970]  }
0x513: {  	s2 =	sshll.u32 s2, $0x9;
	s23 =	sld [smem:s28+$0x0];
	s31 =	sshra.s32 s0, $0x2;
	[tilespmem:s20+$0xFFFFFEF0] =	vst v0;
	v0 =	vld [tilespmem:s25+$0x1970]  }
0x514: {  	s29 =	sshra.s32 s2, $0x2;
	s0 =	sshll.u32 s21, $0x9;
	s2 =	sld [smem:s28+$0x1];
	v2 =	vld [tilespmem:s31+$0x1900];
	[tilespmem:s20+$0xFFFFFF70] =	vst v5  }
0x515: {  	v5 =	vld [tilespmem:s29+$0x1900];
	s21 =	sshra.s32 s0, $0x2;
	s0 =	sshll.u32 s22, $0x9;
	s25 =	sld [smem:s28+$0x2];
	[tilespmem:s20+$0xFFFFFFF0] =	vst v3  }
0x516: {  	s30 =	sld [smem:s28+$0xFFFFFFFC];
	v3 =	vld [tilespmem:s21+$0x1900];
	s22 =	sshra.s32 s0, $0x2;
	s0 =	sshll.u32 s23, $0x9;
	[tilespmem:s20+$0x70] =	vst v4  }
0x517: {  	v4 =	vld [tilespmem:s22+$0x1900];
	s23 =	sshra.s32 s0, $0x2;
	s0 =	sshll.u32 s2, $0x9;
	[tilespmem:s20+$0xF0] =	vst v1  }
0x518: {  	v1 =	vld [tilespmem:s23+$0x1900];
	s24 =	sshra.s32 s0, $0x2;
	s0 =	sshll.u32 s25, $0x9;
	[tilespmem:s20+$0x170] =	vst v0;
	s20 =	sadd.s32 $0x400, s20  }
0x519: {  	s2 =	sshll.u32 s30, $0x9;
	v0 =	vld [tilespmem:s24+$0x1900];
	s25 =	sshra.s32 s0, $0x2;
	[tilespmem:s20+$0x180] =	vst v2  }
0x51a: {  	s30 =	sshra.s32 s2, $0x2;
	[tilespmem:s20+$0xFFFFFE80] =	vst v5;
	v2 =	vld [tilespmem:s31+$0x1910]  }
0x51b: {  	v5 =	vld [tilespmem:s30+$0x1900];
	[tilespmem:s20+$0xFFFFFF00] =	vst v3  }
0x51c: {  	[tilespmem:s20+$0xFFFFFF80] =	vst v4;
	v3 =	vld [tilespmem:s25+$0x1900]  }
0x51d: {  	v4 =	vld [tilespmem:s29+$0x1910];
	[tilespmem:s20+$0x0] =	vst v1  }
0x51e: {  	v1 =	vld [tilespmem:s21+$0x1910];
	[tilespmem:s20+$0x80] =	vst v0  }
0x51f: {  	v0 =	vld [tilespmem:s22+$0x1910];
	[tilespmem:s20+$0x190] =	vst v2  }
0x520: {  	[tilespmem:s20+$0xFFFFFE00] =	vst v5;
	v2 =	vld [tilespmem:s31+$0x1920]  }
0x521: {  	v5 =	vld [tilespmem:s30+$0x1910];
	[tilespmem:s20+$0x100] =	vst v3  }
0x522: {  	[tilespmem:s20+$0xFFFFFE90] =	vst v4;
	v3 =	vld [tilespmem:s23+$0x1910]  }
0x523: {  	[tilespmem:s20+$0xFFFFFF10] =	vst v1;
	v1 =	vld [tilespmem:s24+$0x1910]  }
0x524: {  	[tilespmem:s20+$0xFFFFFF90] =	vst v0;
	v0 =	vld [tilespmem:s25+$0x1910]  }
0x525: {  	v4 =	vld [tilespmem:s29+$0x1920];
	[tilespmem:s20+$0x1A0] =	vst v2  }
0x526: {  	[tilespmem:s20+$0xFFFFFE10] =	vst v5;
	v2 =	vld [tilespmem:s31+$0x1930]  }
0x527: {  	v5 =	vld [tilespmem:s30+$0x1920];
	[tilespmem:s20+$0x10] =	vst v3  }
0x528: {  	v3 =	vld [tilespmem:s21+$0x1920];
	[tilespmem:s20+$0x90] =	vst v1  }
0x529: {  	v1 =	vld [tilespmem:s22+$0x1920];
	[tilespmem:s20+$0x110] =	vst v0  }
0x52a: {  	[tilespmem:s20+$0xFFFFFEA0] =	vst v4;
	v0 =	vld [tilespmem:s23+$0x1920]  }
0x52b: {  	v4 =	vld [tilespmem:s24+$0x1920];
	[tilespmem:s20+$0x1B0] =	vst v2  }
0x52c: {  	[tilespmem:s20+$0xFFFFFE20] =	vst v5;
	v2 =	vld [tilespmem:s31+$0x1940]  }
0x52d: {  	[tilespmem:s20+$0xFFFFFF20] =	vst v3;
	v3 =	vld [tilespmem:s25+$0x1920]  }
0x52e: {  	v5 =	vld [tilespmem:s30+$0x1930];
	[tilespmem:s20+$0xFFFFFFA0] =	vst v1  }
0x52f: {  	v1 =	vld [tilespmem:s29+$0x1930];
	[tilespmem:s20+$0x20] =	vst v0  }
0x530: {  	v0 =	vld [tilespmem:s21+$0x1930];
	[tilespmem:s20+$0xA0] =	vst v4  }
0x531: {  	v4 =	vld [tilespmem:s22+$0x1930];
	[tilespmem:s20+$0x1C0] =	vst v2  }
0x532: {  	[tilespmem:s20+$0x120] =	vst v3;
	v2 =	vld [tilespmem:s31+$0x1950]  }
0x533: {  	[tilespmem:s20+$0xFFFFFE30] =	vst v5;
	v3 =	vld [tilespmem:s23+$0x1930]  }
0x534: {  	[tilespmem:s20+$0xFFFFFEB0] =	vst v1;
	v1 =	vld [tilespmem:s24+$0x1930]  }
0x535: {  	[tilespmem:s20+$0xFFFFFF30] =	vst v0;
	v0 =	vld [tilespmem:s25+$0x1930]  }
0x536: {  	v5 =	vld [tilespmem:s30+$0x1940];
	[tilespmem:s20+$0xFFFFFFB0] =	vst v4  }
0x537: {  	v4 =	vld [tilespmem:s29+$0x1940];
	[tilespmem:s20+$0x1D0] =	vst v2  }
0x538: {  	[tilespmem:s20+$0x30] =	vst v3;
	v2 =	vld [tilespmem:s31+$0x1960]  }
0x539: {  	v3 =	vld [tilespmem:s21+$0x1940];
	[tilespmem:s20+$0xB0] =	vst v1  }
0x53a: {  	v1 =	vld [tilespmem:s22+$0x1940];
	[tilespmem:s20+$0x130] =	vst v0  }
0x53b: {  	[tilespmem:s20+$0xFFFFFE40] =	vst v5;
	v0 =	vld [tilespmem:s23+$0x1940]  }
0x53c: {  	[tilespmem:s20+$0xFFFFFEC0] =	vst v4;
	v4 =	vld [tilespmem:s24+$0x1940]  }
0x53d: {  	v5 =	vld [tilespmem:s25+$0x1940];
	[tilespmem:s20+$0x1E0] =	vst v2  }
0x53e: {  	[tilespmem:s20+$0xFFFFFF40] =	vst v3;
	v2 =	vld [tilespmem:s31+$0x1970]  }
0x53f: {  	v3 =	vld [tilespmem:s30+$0x1950];
	[tilespmem:s20+$0xFFFFFFC0] =	vst v1  }
0x540: {  	v1 =	vld [tilespmem:s29+$0x1950];
	[tilespmem:s20+$0x40] =	vst v0  }
0x541: {  	v0 =	vld [tilespmem:s21+$0x1950];
	[tilespmem:s20+$0xC0] =	vst v4  }
0x542: {  	v4 =	vld [tilespmem:s22+$0x1950];
	[tilespmem:s20+$0x140] =	vst v5  }
0x543: {  	v5 =	vld [tilespmem:s23+$0x1950];
	[tilespmem:s20+$0x1F0] =	vst v2  }
0x544: {  	[tilespmem:s20+$0xFFFFFE50] =	vst v3;
	v2 =	vld [tilespmem:s24+$0x1950]  }
0x545: {  	[tilespmem:s20+$0xFFFFFED0] =	vst v1;
	v1 =	vld [tilespmem:s25+$0x1950]  }
0x546: {  	v6 =	vld [tilespmem:s30+$0x1960];
	[tilespmem:s20+$0xFFFFFF50] =	vst v0  }
0x547: {  	v0 =	vld [tilespmem:s29+$0x1960];
	[tilespmem:s20+$0xFFFFFFD0] =	vst v4  }
0x548: {  	v7 =	vld [tilespmem:s21+$0x1960];
	[tilespmem:s20+$0x50] =	vst v5  }
0x549: {  	v5 =	vld [tilespmem:s22+$0x1960];
	[tilespmem:s20+$0xD0] =	vst v2  }
.Ltmp8:
0x54a: {  	v3 =	vld [tilespmem:s23+$0x1960];
	[tilespmem:s20+$0x150] =	vst v1;
	(pc) =	sbr.rel @p0 .LBB2_18-.Ltmp8, $4  }
0x54b: {  	[tilespmem:s20+$0xFFFFFE60] =	vst v6;
	v4 =	vld [tilespmem:s24+$0x1960]  }
0x54c: {  	[tilespmem:s20+$0xFFFFFEE0] =	vst v0;
	v2 =	vld [tilespmem:s25+$0x1960]  }
0x54d: {  	v1 =	vld [tilespmem:s30+$0x1970];
	[tilespmem:s20+$0xFFFFFF60] =	vst v7  }
0x54e: {  	s28 =	sadd.s32 $0x8, s28;
	v0 =	vld [tilespmem:s29+$0x1970];
	[tilespmem:s20+$0xFFFFFFE0] =	vst v5  }
0x54f: {  	v5 =	vld [tilespmem:s21+$0x1970];
	[tilespmem:s20+$0x60] =	vst v3  }
0x550: {  	v3 =	vld [tilespmem:s22+$0x1970];
	[tilespmem:s20+$0xE0] =	vst v4  }
0x551: {  	v4 =	vld [tilespmem:s23+$0x1970];
	[tilespmem:s20+$0x160] =	vst v2  }
0x552: {  	[tilespmem:s20+$0xFFFFFE70] =	vst v1;
	v1 =	vld [tilespmem:s24+$0x1970]  }
0x553: {  	[tilespmem:s20+$0xFFFFFEF0] =	vst v0;
	v0 =	vld [tilespmem:s25+$0x1970]  }
0x554: {  	[tilespmem:s20+$0xFFFFFF70] =	vst v5  }
0x555: {  	[tilespmem:s20+$0xFFFFFFF0] =	vst v3  }
0x556: {  	[tilespmem:s20+$0x70] =	vst v4  }
0x557: {  	[tilespmem:s20+$0xF0] =	vst v1  }
0x558: {  	[tilespmem:s20+$0x170] =	vst v0  }
0x559: {  	s0 =	rddreg [dreg:$0x11]  }
0x55a: {  	[hbm4b:s0+s3] =	stream.linear.scatter [tilespmem:s14], [sflag:$0x4], $0xC800, $0x38;
	[tilespmem:$0x1AD00] =	vst v63  }
0x55b: {  	_ =	swait.ge [sflag:s15], $0x190  }
0x55c: {  	[sflag:s15] =	ssyncset.done $0x0  }
0x55d: {  	[sflag:s15] =	ssyncadd.s32 $0xFFFFFE70  }
0x55e: {  	[smem:s3], [sflag:$0x2] =	stream.linear.gather [spmem:s1], $0x190, $0x38;
	[tilespmem:$0x1AD00] =	vst v63  }
0x55f: {  	_ =	swait.ge [sflag:s17], $0xC800  }
0x560: {  	[sflag:s17] =	ssyncset.done $0x0  }
0x561: {  	[sflag:s17] =	ssyncadd.s32 $0xFFFF3800  }
0x562: {  	s21 =	sld [smem:$0x197]  }
0x563: {  	s2 =	sld [smem:$0x191]  }
0x564: {  	s22 =	sld [smem:$0x192]  }
0x565: {  	s23 =	sld [smem:$0x193];
	s0 =	sshll.u32 s21, $0x9  }
0x566: {  	s24 =	sld [smem:$0x194];
	s2 =	sshll.u32 s2, $0x9;
	s29 =	sshra.s32 s0, $0x2  }
0x567: {  	s25 =	sld [smem:$0x195];
	s28 =	sshra.s32 s2, $0x2;
	v0 =	vld [tilespmem:s29+$0x1900];
	s30 =	sshll.u32 s22, $0x9  }
0x568: {  	v1 =	vld [tilespmem:s28+$0x1900];
	s31 =	sld [smem:$0x196];
	s21 =	sshra.s32 s30, $0x2;
	s22 =	sshll.u32 s23, $0x9  }
0x569: {  	s26 =	sld [smem:$0x190];
	v2 =	vld [tilespmem:s21+$0x1900];
	s22 =	sshra.s32 s22, $0x2;
	s24 =	sshll.u32 s24, $0x9  }
0x56a: {  	v3 =	vld [tilespmem:s22+$0x1900];
	s23 =	sshra.s32 s24, $0x2;
	s0 =	sshll.u32 s25, $0x9  }
0x56b: {  	s20 =	simm.s32 $0xE500;
	v4 =	vld [tilespmem:s23+$0x1900];
	s24 =	sshra.s32 s0, $0x2  }
0x56c: {  	s30 =	sshll.u32 s26, $0x9;
	v5 =	vld [tilespmem:s24+$0x1900];
	[tilespmem:s20+$0x380] =	vst v0  }
0x56d: {  	s31 =	sshll.u32 s31, $0x9;
	s26 =	sshra.s32 s30, $0x2;
	[tilespmem:s20+$0x80] =	vst v1;
	v0 =	vld [tilespmem:s29+$0x1910]  }
0x56e: {  	s25 =	sshra.s32 s31, $0x2;
	v1 =	vld [tilespmem:s26+$0x1900];
	[tilespmem:s20+$0x100] =	vst v2  }
0x56f: {  	v2 =	vld [tilespmem:s25+$0x1900];
	[tilespmem:s20+$0x180] =	vst v3  }
0x570: {  	v3 =	vld [tilespmem:s28+$0x1910];
	[tilespmem:s20+$0x200] =	vst v4  }
0x571: {  	v4 =	vld [tilespmem:s21+$0x1910];
	[tilespmem:s20+$0x280] =	vst v5  }
0x572: {  	v5 =	vld [tilespmem:s22+$0x1910];
	[tilespmem:s20+$0x390] =	vst v0  }
0x573: {  	[tilespmem:s20+$0x0] =	vst v1;
	v0 =	vld [tilespmem:s29+$0x1920]  }
0x574: {  	[tilespmem:s20+$0x300] =	vst v2;
	v2 =	vld [tilespmem:s23+$0x1910]  }
0x575: {  	v1 =	vld [tilespmem:s26+$0x1910];
	[tilespmem:s20+$0x90] =	vst v3  }
0x576: {  	v3 =	vld [tilespmem:s24+$0x1910];
	[tilespmem:s20+$0x110] =	vst v4  }
0x577: {  	v4 =	vld [tilespmem:s25+$0x1910];
	[tilespmem:s20+$0x190] =	vst v5  }
0x578: {  	v5 =	vld [tilespmem:s28+$0x1920];
	[tilespmem:s20+$0x3A0] =	vst v0  }
0x579: {  	[tilespmem:s20+$0x210] =	vst v2;
	v0 =	vld [tilespmem:s29+$0x1930]  }
0x57a: {  	v2 =	vld [tilespmem:s21+$0x1920];
	[tilespmem:s20+$0x10] =	vst v1  }
0x57b: {  	[tilespmem:s20+$0x290] =	vst v3;
	v1 =	vld [tilespmem:s26+$0x1920]  }
0x57c: {  	v3 =	vld [tilespmem:s22+$0x1920];
	[tilespmem:s20+$0x310] =	vst v4  }
0x57d: {  	v4 =	vld [tilespmem:s23+$0x1920];
	[tilespmem:s20+$0xA0] =	vst v5  }
0x57e: {  	v5 =	vld [tilespmem:s24+$0x1920];
	[tilespmem:s20+$0x3B0] =	vst v0  }
0x57f: {  	[tilespmem:s20+$0x120] =	vst v2;
	v0 =	vld [tilespmem:s29+$0x1940]  }
0x580: {  	[tilespmem:s20+$0x20] =	vst v1;
	v1 =	vld [tilespmem:s25+$0x1920]  }
0x581: {  	[tilespmem:s20+$0x1A0] =	vst v3;
	v3 =	vld [tilespmem:s28+$0x1930]  }
0x582: {  	[tilespmem:s20+$0x220] =	vst v4;
	v2 =	vld [tilespmem:s26+$0x1930]  }
0x583: {  	v4 =	vld [tilespmem:s21+$0x1930];
	[tilespmem:s20+$0x2A0] =	vst v5  }
0x584: {  	v5 =	vld [tilespmem:s22+$0x1930];
	[tilespmem:s20+$0x3C0] =	vst v0  }
0x585: {  	[tilespmem:s20+$0x320] =	vst v1;
	v1 =	vld [tilespmem:s23+$0x1930]  }
0x586: {  	[tilespmem:s20+$0xB0] =	vst v3;
	v0 =	vld [tilespmem:s29+$0x1950]  }
0x587: {  	[tilespmem:s20+$0x30] =	vst v2;
	v2 =	vld [tilespmem:s24+$0x1930]  }
0x588: {  	[tilespmem:s20+$0x130] =	vst v4;
	v3 =	vld [tilespmem:s25+$0x1930]  }
0x589: {  	[tilespmem:s20+$0x1B0] =	vst v5;
	v5 =	vld [tilespmem:s28+$0x1940]  }
0x58a: {  	v4 =	vld [tilespmem:s26+$0x1940];
	[tilespmem:s20+$0x230] =	vst v1  }
0x58b: {  	v1 =	vld [tilespmem:s21+$0x1940];
	[tilespmem:s20+$0x3D0] =	vst v0  }
0x58c: {  	[tilespmem:s20+$0x2B0] =	vst v2;
	v2 =	vld [tilespmem:s22+$0x1940]  }
0x58d: {  	[tilespmem:s20+$0x330] =	vst v3;
	v0 =	vld [tilespmem:s29+$0x1960]  }
0x58e: {  	v3 =	vld [tilespmem:s23+$0x1940];
	[tilespmem:s20+$0xC0] =	vst v5  }
0x58f: {  	[tilespmem:s20+$0x40] =	vst v4;
	v4 =	vld [tilespmem:s24+$0x1940]  }
0x590: {  	v5 =	vld [tilespmem:s25+$0x1940];
	[tilespmem:s20+$0x140] =	vst v1  }
0x591: {  	v1 =	vld [tilespmem:s26+$0x1950];
	[tilespmem:s20+$0x1C0] =	vst v2  }
0x592: {  	v2 =	vld [tilespmem:s28+$0x1950];
	[tilespmem:s20+$0x3E0] =	vst v0  }
0x593: {  	[tilespmem:s20+$0x240] =	vst v3;
	v0 =	vld [tilespmem:s29+$0x1970]  }
0x594: {  	v3 =	vld [tilespmem:s21+$0x1950];
	[tilespmem:s20+$0x2C0] =	vst v4  }
0x595: {  	v4 =	vld [tilespmem:s22+$0x1950];
	[tilespmem:s20+$0x340] =	vst v5  }
0x596: {  	v5 =	vld [tilespmem:s23+$0x1950];
	[tilespmem:s20+$0x50] =	vst v1  }
0x597: {  	v1 =	vld [tilespmem:s25+$0x1950];
	[tilespmem:s20+$0xD0] =	vst v2  }
0x598: {  	[tilespmem:s20+$0x3F0] =	vst v0;
	v0 =	vld [tilespmem:s24+$0x1950]  }
0x599: {  	v2 =	vld [tilespmem:s26+$0x1960];
	[tilespmem:s20+$0x150] =	vst v3  }
0x59a: {  	v6 =	vld [tilespmem:s28+$0x1960];
	[tilespmem:s20+$0x1D0] =	vst v4  }
0x59b: {  	v7 =	vld [tilespmem:s21+$0x1960];
	[tilespmem:s20+$0x250] =	vst v5  }
0x59c: {  	v5 =	vld [tilespmem:s22+$0x1960];
	[tilespmem:s20+$0x350] =	vst v1  }
0x59d: {  	v3 =	vld [tilespmem:s23+$0x1960];
	[tilespmem:s20+$0x2D0] =	vst v0  }
0x59e: {  	[tilespmem:s20+$0x60] =	vst v2;
	v4 =	vld [tilespmem:s24+$0x1960]  }
0x59f: {  	v2 =	vld [tilespmem:s25+$0x1960];
	[tilespmem:s20+$0xE0] =	vst v6  }
0x5a0: {  	v1 =	vld [tilespmem:s26+$0x1970];
	[tilespmem:s20+$0x160] =	vst v7  }
0x5a1: {  	s26 =	simm.s32 $0x0;
	v0 =	vld [tilespmem:s28+$0x1970];
	[tilespmem:s20+$0x1E0] =	vst v5;
	s28 =	simm.s32 $0x19F  }
.LBB2_20:
0x5a2: {  	s0 =	sld [smem:s28+$0x0];
	s26 =	sadd.s32 $0x8, s26;
	v5 =	vld [tilespmem:s21+$0x1970];
	[tilespmem:s20+$0x260] =	vst v3  }
0x5a3: {  	s2 =	sld [smem:s28+$0xFFFFFFFA];
	p0 =	slt.u32 s26, $0x188;
	v3 =	vld [tilespmem:s22+$0x1970];
	[tilespmem:s20+$0x2E0] =	vst v4  }
0x5a4: {  	s21 =	sld [smem:s28+$0xFFFFFFFB];
	v4 =	vld [tilespmem:s23+$0x1970];
	[tilespmem:s20+$0x360] =	vst v2  }
0x5a5: {  	s22 =	sld [smem:s28+$0xFFFFFFFC];
	s0 =	sshll.u32 s0, $0x9;
	[tilespmem:s20+$0x70] =	vst v1;
	v1 =	vld [tilespmem:s24+$0x1970]  }
0x5a6: {  	s2 =	sshll.u32 s2, $0x9;
	s23 =	sld [smem:s28+$0xFFFFFFFD];
	s31 =	sshra.s32 s0, $0x2;
	[tilespmem:s20+$0xF0] =	vst v0;
	v0 =	vld [tilespmem:s25+$0x1970]  }
0x5a7: {  	s29 =	sshra.s32 s2, $0x2;
	s0 =	sshll.u32 s21, $0x9;
	s2 =	sld [smem:s28+$0xFFFFFFFE];
	v2 =	vld [tilespmem:s31+$0x1900];
	[tilespmem:s20+$0x170] =	vst v5  }
0x5a8: {  	v5 =	vld [tilespmem:s29+$0x1900];
	s21 =	sshra.s32 s0, $0x2;
	s0 =	sshll.u32 s22, $0x9;
	s25 =	sld [smem:s28+$0xFFFFFFFF];
	[tilespmem:s20+$0x1F0] =	vst v3  }
0x5a9: {  	s30 =	sld [smem:s28+$0xFFFFFFF9];
	v3 =	vld [tilespmem:s21+$0x1900];
	s22 =	sshra.s32 s0, $0x2;
	s0 =	sshll.u32 s23, $0x9;
	[tilespmem:s20+$0x270] =	vst v4  }
0x5aa: {  	v4 =	vld [tilespmem:s22+$0x1900];
	s23 =	sshra.s32 s0, $0x2;
	s0 =	sshll.u32 s2, $0x9;
	[tilespmem:s20+$0x2F0] =	vst v1  }
0x5ab: {  	v1 =	vld [tilespmem:s23+$0x1900];
	s24 =	sshra.s32 s0, $0x2;
	s0 =	sshll.u32 s25, $0x9;
	[tilespmem:s20+$0x370] =	vst v0;
	s20 =	sadd.s32 $0x400, s20  }
0x5ac: {  	s2 =	sshll.u32 s30, $0x9;
	v0 =	vld [tilespmem:s24+$0x1900];
	s25 =	sshra.s32 s0, $0x2;
	[tilespmem:s20+$0x380] =	vst v2  }
0x5ad: {  	s30 =	sshra.s32 s2, $0x2;
	[tilespmem:s20+$0x80] =	vst v5;
	v2 =	vld [tilespmem:s31+$0x1910]  }
0x5ae: {  	v5 =	vld [tilespmem:s30+$0x1900];
	[tilespmem:s20+$0x100] =	vst v3  }
0x5af: {  	[tilespmem:s20+$0x180] =	vst v4;
	v3 =	vld [tilespmem:s25+$0x1900]  }
0x5b0: {  	v4 =	vld [tilespmem:s29+$0x1910];
	[tilespmem:s20+$0x200] =	vst v1  }
0x5b1: {  	v1 =	vld [tilespmem:s21+$0x1910];
	[tilespmem:s20+$0x280] =	vst v0  }
0x5b2: {  	v0 =	vld [tilespmem:s22+$0x1910];
	[tilespmem:s20+$0x390] =	vst v2  }
0x5b3: {  	[tilespmem:s20+$0x0] =	vst v5;
	v2 =	vld [tilespmem:s31+$0x1920]  }
0x5b4: {  	v5 =	vld [tilespmem:s30+$0x1910];
	[tilespmem:s20+$0x300] =	vst v3  }
0x5b5: {  	[tilespmem:s20+$0x90] =	vst v4;
	v3 =	vld [tilespmem:s23+$0x1910]  }
0x5b6: {  	[tilespmem:s20+$0x110] =	vst v1;
	v1 =	vld [tilespmem:s24+$0x1910]  }
0x5b7: {  	[tilespmem:s20+$0x190] =	vst v0;
	v0 =	vld [tilespmem:s25+$0x1910]  }
0x5b8: {  	v4 =	vld [tilespmem:s29+$0x1920];
	[tilespmem:s20+$0x3A0] =	vst v2  }
0x5b9: {  	[tilespmem:s20+$0x10] =	vst v5;
	v2 =	vld [tilespmem:s31+$0x1930]  }
0x5ba: {  	v5 =	vld [tilespmem:s30+$0x1920];
	[tilespmem:s20+$0x210] =	vst v3  }
0x5bb: {  	v3 =	vld [tilespmem:s21+$0x1920];
	[tilespmem:s20+$0x290] =	vst v1  }
0x5bc: {  	v1 =	vld [tilespmem:s22+$0x1920];
	[tilespmem:s20+$0x310] =	vst v0  }
0x5bd: {  	[tilespmem:s20+$0xA0] =	vst v4;
	v0 =	vld [tilespmem:s23+$0x1920]  }
0x5be: {  	v4 =	vld [tilespmem:s24+$0x1920];
	[tilespmem:s20+$0x3B0] =	vst v2  }
0x5bf: {  	[tilespmem:s20+$0x20] =	vst v5;
	v2 =	vld [tilespmem:s31+$0x1940]  }
0x5c0: {  	[tilespmem:s20+$0x120] =	vst v3;
	v3 =	vld [tilespmem:s25+$0x1920]  }
0x5c1: {  	v5 =	vld [tilespmem:s30+$0x1930];
	[tilespmem:s20+$0x1A0] =	vst v1  }
0x5c2: {  	v1 =	vld [tilespmem:s29+$0x1930];
	[tilespmem:s20+$0x220] =	vst v0  }
0x5c3: {  	v0 =	vld [tilespmem:s21+$0x1930];
	[tilespmem:s20+$0x2A0] =	vst v4  }
0x5c4: {  	v4 =	vld [tilespmem:s22+$0x1930];
	[tilespmem:s20+$0x3C0] =	vst v2  }
0x5c5: {  	[tilespmem:s20+$0x320] =	vst v3;
	v2 =	vld [tilespmem:s31+$0x1950]  }
0x5c6: {  	[tilespmem:s20+$0x30] =	vst v5;
	v3 =	vld [tilespmem:s23+$0x1930]  }
0x5c7: {  	[tilespmem:s20+$0xB0] =	vst v1;
	v1 =	vld [tilespmem:s24+$0x1930]  }
0x5c8: {  	[tilespmem:s20+$0x130] =	vst v0;
	v0 =	vld [tilespmem:s25+$0x1930]  }
0x5c9: {  	v5 =	vld [tilespmem:s30+$0x1940];
	[tilespmem:s20+$0x1B0] =	vst v4  }
0x5ca: {  	v4 =	vld [tilespmem:s29+$0x1940];
	[tilespmem:s20+$0x3D0] =	vst v2  }
0x5cb: {  	[tilespmem:s20+$0x230] =	vst v3;
	v2 =	vld [tilespmem:s31+$0x1960]  }
0x5cc: {  	v3 =	vld [tilespmem:s21+$0x1940];
	[tilespmem:s20+$0x2B0] =	vst v1  }
0x5cd: {  	v1 =	vld [tilespmem:s22+$0x1940];
	[tilespmem:s20+$0x330] =	vst v0  }
0x5ce: {  	[tilespmem:s20+$0x40] =	vst v5;
	v0 =	vld [tilespmem:s23+$0x1940]  }
0x5cf: {  	[tilespmem:s20+$0xC0] =	vst v4;
	v4 =	vld [tilespmem:s24+$0x1940]  }
0x5d0: {  	v5 =	vld [tilespmem:s25+$0x1940];
	[tilespmem:s20+$0x3E0] =	vst v2  }
0x5d1: {  	[tilespmem:s20+$0x140] =	vst v3;
	v2 =	vld [tilespmem:s31+$0x1970]  }
0x5d2: {  	v3 =	vld [tilespmem:s30+$0x1950];
	[tilespmem:s20+$0x1C0] =	vst v1  }
0x5d3: {  	v1 =	vld [tilespmem:s29+$0x1950];
	[tilespmem:s20+$0x240] =	vst v0  }
0x5d4: {  	v0 =	vld [tilespmem:s21+$0x1950];
	[tilespmem:s20+$0x2C0] =	vst v4  }
0x5d5: {  	v4 =	vld [tilespmem:s22+$0x1950];
	[tilespmem:s20+$0x340] =	vst v5  }
0x5d6: {  	v5 =	vld [tilespmem:s23+$0x1950];
	[tilespmem:s20+$0x3F0] =	vst v2  }
0x5d7: {  	[tilespmem:s20+$0x50] =	vst v3;
	v2 =	vld [tilespmem:s24+$0x1950]  }
0x5d8: {  	[tilespmem:s20+$0xD0] =	vst v1;
	v1 =	vld [tilespmem:s25+$0x1950]  }
0x5d9: {  	v6 =	vld [tilespmem:s30+$0x1960];
	[tilespmem:s20+$0x150] =	vst v0  }
0x5da: {  	v0 =	vld [tilespmem:s29+$0x1960];
	[tilespmem:s20+$0x1D0] =	vst v4  }
0x5db: {  	v7 =	vld [tilespmem:s21+$0x1960];
	[tilespmem:s20+$0x250] =	vst v5  }
0x5dc: {  	v5 =	vld [tilespmem:s22+$0x1960];
	[tilespmem:s20+$0x2D0] =	vst v2  }
.Ltmp9:
0x5dd: {  	v3 =	vld [tilespmem:s23+$0x1960];
	[tilespmem:s20+$0x350] =	vst v1;
	(pc) =	sbr.rel @p0 .LBB2_20-.Ltmp9, $4  }
0x5de: {  	[tilespmem:s20+$0x60] =	vst v6;
	v4 =	vld [tilespmem:s24+$0x1960]  }
0x5df: {  	[tilespmem:s20+$0xE0] =	vst v0;
	v2 =	vld [tilespmem:s25+$0x1960]  }
0x5e0: {  	v1 =	vld [tilespmem:s30+$0x1970];
	[tilespmem:s20+$0x160] =	vst v7  }
0x5e1: {  	s28 =	sadd.s32 $0x8, s28;
	v0 =	vld [tilespmem:s29+$0x1970];
	[tilespmem:s20+$0x1E0] =	vst v5  }
0x5e2: {  	v5 =	vld [tilespmem:s21+$0x1970];
	[tilespmem:s20+$0x260] =	vst v3  }
0x5e3: {  	v3 =	vld [tilespmem:s22+$0x1970];
	[tilespmem:s20+$0x2E0] =	vst v4  }
0x5e4: {  	v4 =	vld [tilespmem:s23+$0x1970];
	[tilespmem:s20+$0x360] =	vst v2  }
0x5e5: {  	[tilespmem:s20+$0x70] =	vst v1;
	v1 =	vld [tilespmem:s24+$0x1970]  }
0x5e6: {  	[tilespmem:s20+$0xF0] =	vst v0;
	v0 =	vld [tilespmem:s25+$0x1970]  }
0x5e7: {  	[tilespmem:s20+$0x170] =	vst v5  }
0x5e8: {  	[tilespmem:s20+$0x1F0] =	vst v3  }
0x5e9: {  	[tilespmem:s20+$0x270] =	vst v4  }
0x5ea: {  	[tilespmem:s20+$0x2F0] =	vst v1  }
0x5eb: {  	[tilespmem:s20+$0x370] =	vst v0  }
0x5ec: {  	s0 =	rddreg [dreg:$0x12]  }
0x5ed: {  	[hbm4b:s0+s3] =	stream.linear.scatter [tilespmem:s16], [sflag:$0x5], $0xC800, $0x38;
	[tilespmem:$0x1AD00] =	vst v63  }
0x5ee: {  	_ =	swait.ge [sflag:s12], $0x190  }
0x5ef: {  	[sflag:s12] =	ssyncset.done $0x0  }
0x5f0: {  	s21 =	simm.s32 $0x4;
	[sflag:s12] =	ssyncadd.s32 $0xFFFFFE70  }
0x5f1: {  	[smem:s13], [sflag:$0x3] =	stream.linear.gather [spmem:s5], $0x190, $0x38;
	[tilespmem:$0x1AD00] =	vst v63  }
0x5f2: {  	_ =	swait.ge [sflag:s21], $0xC800  }
0x5f3: {  	[sflag:s21] =	ssyncset.done $0x0  }
0x5f4: {  	[sflag:s21] =	ssyncadd.s32 $0xFFFF3800  }
0x5f5: {  	s0 =	sld [smem:$0x7]  }
0x5f6: {  	s2 =	sld [smem:$0x1]  }
0x5f7: {  	s22 =	sld [smem:$0x2]  }
0x5f8: {  	s23 =	sld [smem:$0x3];
	s0 =	sshll.u32 s0, $0x9  }
0x5f9: {  	s24 =	sld [smem:$0x4];
	s2 =	sshll.u32 s2, $0x9;
	s29 =	sshra.s32 s0, $0x2  }
0x5fa: {  	s25 =	sld [smem:$0x5];
	s28 =	sshra.s32 s2, $0x2;
	v0 =	vld [tilespmem:s29+$0x1900];
	s30 =	sshll.u32 s22, $0x9  }
0x5fb: {  	v1 =	vld [tilespmem:s28+$0x1900];
	s31 =	sld [smem:$0x6];
	s21 =	sshra.s32 s30, $0x2;
	s22 =	sshll.u32 s23, $0x9  }
0x5fc: {  	s26 =	sld [smem:$0x0];
	v2 =	vld [tilespmem:s21+$0x1900];
	s22 =	sshra.s32 s22, $0x2;
	s24 =	sshll.u32 s24, $0x9  }
0x5fd: {  	v3 =	vld [tilespmem:s22+$0x1900];
	s23 =	sshra.s32 s24, $0x2;
	s0 =	sshll.u32 s25, $0x9  }
0x5fe: {  	s20 =	simm.s32 $0x1F00;
	v4 =	vld [tilespmem:s23+$0x1900];
	s24 =	sshra.s32 s0, $0x2  }
0x5ff: {  	s30 =	sshll.u32 s26, $0x9;
	v5 =	vld [tilespmem:s24+$0x1900];
	[tilespmem:s20+$0x180] =	vst v0  }
0x600: {  	s31 =	sshll.u32 s31, $0x9;
	s26 =	sshra.s32 s30, $0x2;
	[tilespmem:s20+$0xFFFFFE80] =	vst v1;
	v0 =	vld [tilespmem:s29+$0x1910]  }
0x601: {  	s25 =	sshra.s32 s31, $0x2;
	v1 =	vld [tilespmem:s26+$0x1900];
	[tilespmem:s20+$0xFFFFFF00] =	vst v2  }
0x602: {  	v2 =	vld [tilespmem:s25+$0x1900];
	[tilespmem:s20+$0xFFFFFF80] =	vst v3  }
0x603: {  	v3 =	vld [tilespmem:s28+$0x1910];
	[tilespmem:s20+$0x0] =	vst v4  }
0x604: {  	v4 =	vld [tilespmem:s21+$0x1910];
	[tilespmem:s20+$0x80] =	vst v5  }
0x605: {  	v5 =	vld [tilespmem:s22+$0x1910];
	[tilespmem:s20+$0x190] =	vst v0  }
0x606: {  	[tilespmem:s20+$0xFFFFFE00] =	vst v1;
	v0 =	vld [tilespmem:s29+$0x1920]  }
0x607: {  	[tilespmem:s20+$0x100] =	vst v2;
	v2 =	vld [tilespmem:s23+$0x1910]  }
0x608: {  	v1 =	vld [tilespmem:s26+$0x1910];
	[tilespmem:s20+$0xFFFFFE90] =	vst v3  }
0x609: {  	v3 =	vld [tilespmem:s24+$0x1910];
	[tilespmem:s20+$0xFFFFFF10] =	vst v4  }
0x60a: {  	v4 =	vld [tilespmem:s25+$0x1910];
	[tilespmem:s20+$0xFFFFFF90] =	vst v5  }
0x60b: {  	v5 =	vld [tilespmem:s28+$0x1920];
	[tilespmem:s20+$0x1A0] =	vst v0  }
0x60c: {  	[tilespmem:s20+$0x10] =	vst v2;
	v0 =	vld [tilespmem:s29+$0x1930]  }
0x60d: {  	v2 =	vld [tilespmem:s21+$0x1920];
	[tilespmem:s20+$0xFFFFFE10] =	vst v1  }
0x60e: {  	[tilespmem:s20+$0x90] =	vst v3;
	v1 =	vld [tilespmem:s26+$0x1920]  }
0x60f: {  	v3 =	vld [tilespmem:s22+$0x1920];
	[tilespmem:s20+$0x110] =	vst v4  }
0x610: {  	v4 =	vld [tilespmem:s23+$0x1920];
	[tilespmem:s20+$0xFFFFFEA0] =	vst v5  }
0x611: {  	v5 =	vld [tilespmem:s24+$0x1920];
	[tilespmem:s20+$0x1B0] =	vst v0  }
0x612: {  	[tilespmem:s20+$0xFFFFFF20] =	vst v2;
	v0 =	vld [tilespmem:s29+$0x1940]  }
0x613: {  	[tilespmem:s20+$0xFFFFFE20] =	vst v1;
	v1 =	vld [tilespmem:s25+$0x1920]  }
0x614: {  	[tilespmem:s20+$0xFFFFFFA0] =	vst v3;
	v3 =	vld [tilespmem:s28+$0x1930]  }
0x615: {  	[tilespmem:s20+$0x20] =	vst v4;
	v2 =	vld [tilespmem:s26+$0x1930]  }
0x616: {  	v4 =	vld [tilespmem:s21+$0x1930];
	[tilespmem:s20+$0xA0] =	vst v5  }
0x617: {  	v5 =	vld [tilespmem:s22+$0x1930];
	[tilespmem:s20+$0x1C0] =	vst v0  }
0x618: {  	[tilespmem:s20+$0x120] =	vst v1;
	v1 =	vld [tilespmem:s23+$0x1930]  }
0x619: {  	[tilespmem:s20+$0xFFFFFEB0] =	vst v3;
	v0 =	vld [tilespmem:s29+$0x1950]  }
0x61a: {  	[tilespmem:s20+$0xFFFFFE30] =	vst v2;
	v2 =	vld [tilespmem:s24+$0x1930]  }
0x61b: {  	[tilespmem:s20+$0xFFFFFF30] =	vst v4;
	v3 =	vld [tilespmem:s25+$0x1930]  }
0x61c: {  	[tilespmem:s20+$0xFFFFFFB0] =	vst v5;
	v5 =	vld [tilespmem:s28+$0x1940]  }
0x61d: {  	v4 =	vld [tilespmem:s26+$0x1940];
	[tilespmem:s20+$0x30] =	vst v1  }
0x61e: {  	v1 =	vld [tilespmem:s21+$0x1940];
	[tilespmem:s20+$0x1D0] =	vst v0  }
0x61f: {  	[tilespmem:s20+$0xB0] =	vst v2;
	v2 =	vld [tilespmem:s22+$0x1940]  }
0x620: {  	[tilespmem:s20+$0x130] =	vst v3;
	v0 =	vld [tilespmem:s29+$0x1960]  }
0x621: {  	v3 =	vld [tilespmem:s23+$0x1940];
	[tilespmem:s20+$0xFFFFFEC0] =	vst v5  }
0x622: {  	[tilespmem:s20+$0xFFFFFE40] =	vst v4;
	v4 =	vld [tilespmem:s24+$0x1940]  }
0x623: {  	v5 =	vld [tilespmem:s25+$0x1940];
	[tilespmem:s20+$0xFFFFFF40] =	vst v1  }
0x624: {  	v1 =	vld [tilespmem:s26+$0x1950];
	[tilespmem:s20+$0xFFFFFFC0] =	vst v2  }
0x625: {  	v2 =	vld [tilespmem:s28+$0x1950];
	[tilespmem:s20+$0x1E0] =	vst v0  }
0x626: {  	[tilespmem:s20+$0x40] =	vst v3;
	v0 =	vld [tilespmem:s29+$0x1970]  }
0x627: {  	v3 =	vld [tilespmem:s21+$0x1950];
	[tilespmem:s20+$0xC0] =	vst v4  }
0x628: {  	v4 =	vld [tilespmem:s22+$0x1950];
	[tilespmem:s20+$0x140] =	vst v5  }
0x629: {  	v5 =	vld [tilespmem:s23+$0x1950];
	[tilespmem:s20+$0xFFFFFE50] =	vst v1  }
0x62a: {  	v1 =	vld [tilespmem:s25+$0x1950];
	[tilespmem:s20+$0xFFFFFED0] =	vst v2  }
0x62b: {  	[tilespmem:s20+$0x1F0] =	vst v0;
	v0 =	vld [tilespmem:s24+$0x1950]  }
0x62c: {  	v2 =	vld [tilespmem:s26+$0x1960];
	[tilespmem:s20+$0xFFFFFF50] =	vst v3  }
0x62d: {  	v6 =	vld [tilespmem:s28+$0x1960];
	[tilespmem:s20+$0xFFFFFFD0] =	vst v4  }
0x62e: {  	v7 =	vld [tilespmem:s21+$0x1960];
	[tilespmem:s20+$0x50] =	vst v5  }
0x62f: {  	v5 =	vld [tilespmem:s22+$0x1960];
	[tilespmem:s20+$0x150] =	vst v1  }
0x630: {  	v3 =	vld [tilespmem:s23+$0x1960];
	[tilespmem:s20+$0xD0] =	vst v0  }
0x631: {  	[tilespmem:s20+$0xFFFFFE60] =	vst v2;
	v4 =	vld [tilespmem:s24+$0x1960]  }
0x632: {  	v2 =	vld [tilespmem:s25+$0x1960];
	[tilespmem:s20+$0xFFFFFEE0] =	vst v6  }
0x633: {  	v1 =	vld [tilespmem:s26+$0x1970];
	[tilespmem:s20+$0xFFFFFF60] =	vst v7  }
0x634: {  	s26 =	simm.s32 $0x0;
	v0 =	vld [tilespmem:s28+$0x1970];
	[tilespmem:s20+$0xFFFFFFE0] =	vst v5;
	s28 =	simm.s32 $0xC  }
.LBB2_22:
0x635: {  	s0 =	sld [smem:s28+$0x3];
	s26 =	sadd.s32 $0x8, s26;
	v5 =	vld [tilespmem:s21+$0x1970];
	[tilespmem:s20+$0x60] =	vst v3  }
0x636: {  	s2 =	sld [smem:s28+$0xFFFFFFFD];
	p0 =	slt.u32 s26, $0x188;
	v3 =	vld [tilespmem:s22+$0x1970];
	[tilespmem:s20+$0xE0] =	vst v4  }
0x637: {  	s21 =	sld [smem:s28+$0xFFFFFFFE];
	v4 =	vld [tilespmem:s23+$0x1970];
	[tilespmem:s20+$0x160] =	vst v2  }
0x638: {  	s22 =	sld [smem:s28+$0xFFFFFFFF];
	s0 =	sshll.u32 s0, $0x9;
	[tilespmem:s20+$0xFFFFFE70] =	vst v1;
	v1 =	vld [tilespmem:s24+$0x1970]  }
0x639: {  	s2 =	sshll.u32 s2, $0x9;
	s23 =	sld [smem:s28+$0x0];
	s31 =	sshra.s32 s0, $0x2;
	[tilespmem:s20+$0xFFFFFEF0] =	vst v0;
	v0 =	vld [tilespmem:s25+$0x1970]  }
0x63a: {  	s29 =	sshra.s32 s2, $0x2;
	s0 =	sshll.u32 s21, $0x9;
	s2 =	sld [smem:s28+$0x1];
	v2 =	vld [tilespmem:s31+$0x1900];
	[tilespmem:s20+$0xFFFFFF70] =	vst v5  }
0x63b: {  	v5 =	vld [tilespmem:s29+$0x1900];
	s21 =	sshra.s32 s0, $0x2;
	s0 =	sshll.u32 s22, $0x9;
	s25 =	sld [smem:s28+$0x2];
	[tilespmem:s20+$0xFFFFFFF0] =	vst v3  }
0x63c: {  	s30 =	sld [smem:s28+$0xFFFFFFFC];
	v3 =	vld [tilespmem:s21+$0x1900];
	s22 =	sshra.s32 s0, $0x2;
	s0 =	sshll.u32 s23, $0x9;
	[tilespmem:s20+$0x70] =	vst v4  }
0x63d: {  	v4 =	vld [tilespmem:s22+$0x1900];
	s23 =	sshra.s32 s0, $0x2;
	s0 =	sshll.u32 s2, $0x9;
	[tilespmem:s20+$0xF0] =	vst v1  }
0x63e: {  	v1 =	vld [tilespmem:s23+$0x1900];
	s24 =	sshra.s32 s0, $0x2;
	s0 =	sshll.u32 s25, $0x9;
	[tilespmem:s20+$0x170] =	vst v0;
	s20 =	sadd.s32 $0x400, s20  }
0x63f: {  	s2 =	sshll.u32 s30, $0x9;
	v0 =	vld [tilespmem:s24+$0x1900];
	s25 =	sshra.s32 s0, $0x2;
	[tilespmem:s20+$0x180] =	vst v2  }
0x640: {  	s30 =	sshra.s32 s2, $0x2;
	[tilespmem:s20+$0xFFFFFE80] =	vst v5;
	v2 =	vld [tilespmem:s31+$0x1910]  }
0x641: {  	v5 =	vld [tilespmem:s30+$0x1900];
	[tilespmem:s20+$0xFFFFFF00] =	vst v3  }
0x642: {  	[tilespmem:s20+$0xFFFFFF80] =	vst v4;
	v3 =	vld [tilespmem:s25+$0x1900]  }
0x643: {  	v4 =	vld [tilespmem:s29+$0x1910];
	[tilespmem:s20+$0x0] =	vst v1  }
0x644: {  	v1 =	vld [tilespmem:s21+$0x1910];
	[tilespmem:s20+$0x80] =	vst v0  }
0x645: {  	v0 =	vld [tilespmem:s22+$0x1910];
	[tilespmem:s20+$0x190] =	vst v2  }
0x646: {  	[tilespmem:s20+$0xFFFFFE00] =	vst v5;
	v2 =	vld [tilespmem:s31+$0x1920]  }
0x647: {  	v5 =	vld [tilespmem:s30+$0x1910];
	[tilespmem:s20+$0x100] =	vst v3  }
0x648: {  	[tilespmem:s20+$0xFFFFFE90] =	vst v4;
	v3 =	vld [tilespmem:s23+$0x1910]  }
0x649: {  	[tilespmem:s20+$0xFFFFFF10] =	vst v1;
	v1 =	vld [tilespmem:s24+$0x1910]  }
0x64a: {  	[tilespmem:s20+$0xFFFFFF90] =	vst v0;
	v0 =	vld [tilespmem:s25+$0x1910]  }
0x64b: {  	v4 =	vld [tilespmem:s29+$0x1920];
	[tilespmem:s20+$0x1A0] =	vst v2  }
0x64c: {  	[tilespmem:s20+$0xFFFFFE10] =	vst v5;
	v2 =	vld [tilespmem:s31+$0x1930]  }
0x64d: {  	v5 =	vld [tilespmem:s30+$0x1920];
	[tilespmem:s20+$0x10] =	vst v3  }
0x64e: {  	v3 =	vld [tilespmem:s21+$0x1920];
	[tilespmem:s20+$0x90] =	vst v1  }
0x64f: {  	v1 =	vld [tilespmem:s22+$0x1920];
	[tilespmem:s20+$0x110] =	vst v0  }
0x650: {  	[tilespmem:s20+$0xFFFFFEA0] =	vst v4;
	v0 =	vld [tilespmem:s23+$0x1920]  }
0x651: {  	v4 =	vld [tilespmem:s24+$0x1920];
	[tilespmem:s20+$0x1B0] =	vst v2  }
0x652: {  	[tilespmem:s20+$0xFFFFFE20] =	vst v5;
	v2 =	vld [tilespmem:s31+$0x1940]  }
0x653: {  	[tilespmem:s20+$0xFFFFFF20] =	vst v3;
	v3 =	vld [tilespmem:s25+$0x1920]  }
0x654: {  	v5 =	vld [tilespmem:s30+$0x1930];
	[tilespmem:s20+$0xFFFFFFA0] =	vst v1  }
0x655: {  	v1 =	vld [tilespmem:s29+$0x1930];
	[tilespmem:s20+$0x20] =	vst v0  }
0x656: {  	v0 =	vld [tilespmem:s21+$0x1930];
	[tilespmem:s20+$0xA0] =	vst v4  }
0x657: {  	v4 =	vld [tilespmem:s22+$0x1930];
	[tilespmem:s20+$0x1C0] =	vst v2  }
0x658: {  	[tilespmem:s20+$0x120] =	vst v3;
	v2 =	vld [tilespmem:s31+$0x1950]  }
0x659: {  	[tilespmem:s20+$0xFFFFFE30] =	vst v5;
	v3 =	vld [tilespmem:s23+$0x1930]  }
0x65a: {  	[tilespmem:s20+$0xFFFFFEB0] =	vst v1;
	v1 =	vld [tilespmem:s24+$0x1930]  }
0x65b: {  	[tilespmem:s20+$0xFFFFFF30] =	vst v0;
	v0 =	vld [tilespmem:s25+$0x1930]  }
0x65c: {  	v5 =	vld [tilespmem:s30+$0x1940];
	[tilespmem:s20+$0xFFFFFFB0] =	vst v4  }
0x65d: {  	v4 =	vld [tilespmem:s29+$0x1940];
	[tilespmem:s20+$0x1D0] =	vst v2  }
0x65e: {  	[tilespmem:s20+$0x30] =	vst v3;
	v2 =	vld [tilespmem:s31+$0x1960]  }
0x65f: {  	v3 =	vld [tilespmem:s21+$0x1940];
	[tilespmem:s20+$0xB0] =	vst v1  }
0x660: {  	v1 =	vld [tilespmem:s22+$0x1940];
	[tilespmem:s20+$0x130] =	vst v0  }
0x661: {  	[tilespmem:s20+$0xFFFFFE40] =	vst v5;
	v0 =	vld [tilespmem:s23+$0x1940]  }
0x662: {  	[tilespmem:s20+$0xFFFFFEC0] =	vst v4;
	v4 =	vld [tilespmem:s24+$0x1940]  }
0x663: {  	v5 =	vld [tilespmem:s25+$0x1940];
	[tilespmem:s20+$0x1E0] =	vst v2  }
0x664: {  	[tilespmem:s20+$0xFFFFFF40] =	vst v3;
	v2 =	vld [tilespmem:s31+$0x1970]  }
0x665: {  	v3 =	vld [tilespmem:s30+$0x1950];
	[tilespmem:s20+$0xFFFFFFC0] =	vst v1  }
0x666: {  	v1 =	vld [tilespmem:s29+$0x1950];
	[tilespmem:s20+$0x40] =	vst v0  }
0x667: {  	v0 =	vld [tilespmem:s21+$0x1950];
	[tilespmem:s20+$0xC0] =	vst v4  }
0x668: {  	v4 =	vld [tilespmem:s22+$0x1950];
	[tilespmem:s20+$0x140] =	vst v5  }
0x669: {  	v5 =	vld [tilespmem:s23+$0x1950];
	[tilespmem:s20+$0x1F0] =	vst v2  }
0x66a: {  	[tilespmem:s20+$0xFFFFFE50] =	vst v3;
	v2 =	vld [tilespmem:s24+$0x1950]  }
0x66b: {  	[tilespmem:s20+$0xFFFFFED0] =	vst v1;
	v1 =	vld [tilespmem:s25+$0x1950]  }
0x66c: {  	v6 =	vld [tilespmem:s30+$0x1960];
	[tilespmem:s20+$0xFFFFFF50] =	vst v0  }
0x66d: {  	v0 =	vld [tilespmem:s29+$0x1960];
	[tilespmem:s20+$0xFFFFFFD0] =	vst v4  }
0x66e: {  	v7 =	vld [tilespmem:s21+$0x1960];
	[tilespmem:s20+$0x50] =	vst v5  }
0x66f: {  	v5 =	vld [tilespmem:s22+$0x1960];
	[tilespmem:s20+$0xD0] =	vst v2  }
.Ltmp10:
0x670: {  	v3 =	vld [tilespmem:s23+$0x1960];
	[tilespmem:s20+$0x150] =	vst v1;
	(pc) =	sbr.rel @p0 .LBB2_22-.Ltmp10, $4  }
0x671: {  	[tilespmem:s20+$0xFFFFFE60] =	vst v6;
	v4 =	vld [tilespmem:s24+$0x1960]  }
0x672: {  	[tilespmem:s20+$0xFFFFFEE0] =	vst v0;
	v2 =	vld [tilespmem:s25+$0x1960]  }
0x673: {  	v1 =	vld [tilespmem:s30+$0x1970];
	[tilespmem:s20+$0xFFFFFF60] =	vst v7  }
0x674: {  	s28 =	sadd.s32 $0x8, s28;
	v0 =	vld [tilespmem:s29+$0x1970];
	[tilespmem:s20+$0xFFFFFFE0] =	vst v5  }
0x675: {  	v5 =	vld [tilespmem:s21+$0x1970];
	[tilespmem:s20+$0x60] =	vst v3  }
0x676: {  	v3 =	vld [tilespmem:s22+$0x1970];
	[tilespmem:s20+$0xE0] =	vst v4  }
0x677: {  	v4 =	vld [tilespmem:s23+$0x1970];
	[tilespmem:s20+$0x160] =	vst v2  }
0x678: {  	[tilespmem:s20+$0xFFFFFE70] =	vst v1;
	v1 =	vld [tilespmem:s24+$0x1970]  }
0x679: {  	[tilespmem:s20+$0xFFFFFEF0] =	vst v0;
	v0 =	vld [tilespmem:s25+$0x1970]  }
0x67a: {  	[tilespmem:s20+$0xFFFFFF70] =	vst v5  }
0x67b: {  	[tilespmem:s20+$0xFFFFFFF0] =	vst v3  }
0x67c: {  	[tilespmem:s20+$0x70] =	vst v4  }
0x67d: {  	[tilespmem:s20+$0xF0] =	vst v1  }
0x67e: {  	[tilespmem:s20+$0x170] =	vst v0  }
0x67f: {  	s0 =	rddreg [dreg:$0x13]  }
0x680: {  	[hbm4b:s0+s3] =	stream.linear.scatter [tilespmem:s14], [sflag:$0x4], $0xC800, $0x38;
	[tilespmem:$0x1AD00] =	vst v63  }
0x681: {  	_ =	swait.ge [sflag:s15], $0x190  }
0x682: {  	[sflag:s15] =	ssyncset.done $0x0  }
0x683: {  	[sflag:s15] =	ssyncadd.s32 $0xFFFFFE70  }
0x684: {  	[smem:s3], [sflag:$0x2] =	stream.linear.gather [spmem:s6], $0x190, $0x38;
	[tilespmem:$0x1AD00] =	vst v63  }
0x685: {  	_ =	swait.ge [sflag:s17], $0xC800  }
0x686: {  	[sflag:s17] =	ssyncset.done $0x0  }
0x687: {  	[sflag:s17] =	ssyncadd.s32 $0xFFFF3800  }
0x688: {  	s21 =	sld [smem:$0x197]  }
0x689: {  	s2 =	sld [smem:$0x191]  }
0x68a: {  	s22 =	sld [smem:$0x192]  }
0x68b: {  	s23 =	sld [smem:$0x193];
	s0 =	sshll.u32 s21, $0x9  }
0x68c: {  	s24 =	sld [smem:$0x194];
	s2 =	sshll.u32 s2, $0x9;
	s29 =	sshra.s32 s0, $0x2  }
0x68d: {  	s25 =	sld [smem:$0x195];
	s28 =	sshra.s32 s2, $0x2;
	v0 =	vld [tilespmem:s29+$0x1900];
	s30 =	sshll.u32 s22, $0x9  }
0x68e: {  	v1 =	vld [tilespmem:s28+$0x1900];
	s31 =	sld [smem:$0x196];
	s21 =	sshra.s32 s30, $0x2;
	s22 =	sshll.u32 s23, $0x9  }
0x68f: {  	s26 =	sld [smem:$0x190];
	v2 =	vld [tilespmem:s21+$0x1900];
	s22 =	sshra.s32 s22, $0x2;
	s24 =	sshll.u32 s24, $0x9  }
0x690: {  	v3 =	vld [tilespmem:s22+$0x1900];
	s23 =	sshra.s32 s24, $0x2;
	s0 =	sshll.u32 s25, $0x9  }
0x691: {  	s20 =	simm.s32 $0xE500;
	v4 =	vld [tilespmem:s23+$0x1900];
	s24 =	sshra.s32 s0, $0x2  }
0x692: {  	s30 =	sshll.u32 s26, $0x9;
	v5 =	vld [tilespmem:s24+$0x1900];
	[tilespmem:s20+$0x380] =	vst v0  }
0x693: {  	s31 =	sshll.u32 s31, $0x9;
	s26 =	sshra.s32 s30, $0x2;
	[tilespmem:s20+$0x80] =	vst v1;
	v0 =	vld [tilespmem:s29+$0x1910]  }
0x694: {  	s25 =	sshra.s32 s31, $0x2;
	v1 =	vld [tilespmem:s26+$0x1900];
	[tilespmem:s20+$0x100] =	vst v2  }
0x695: {  	v2 =	vld [tilespmem:s25+$0x1900];
	[tilespmem:s20+$0x180] =	vst v3  }
0x696: {  	v3 =	vld [tilespmem:s28+$0x1910];
	[tilespmem:s20+$0x200] =	vst v4  }
0x697: {  	v4 =	vld [tilespmem:s21+$0x1910];
	[tilespmem:s20+$0x280] =	vst v5  }
0x698: {  	v5 =	vld [tilespmem:s22+$0x1910];
	[tilespmem:s20+$0x390] =	vst v0  }
0x699: {  	[tilespmem:s20+$0x0] =	vst v1;
	v0 =	vld [tilespmem:s29+$0x1920]  }
0x69a: {  	[tilespmem:s20+$0x300] =	vst v2;
	v2 =	vld [tilespmem:s23+$0x1910]  }
0x69b: {  	v1 =	vld [tilespmem:s26+$0x1910];
	[tilespmem:s20+$0x90] =	vst v3  }
0x69c: {  	v3 =	vld [tilespmem:s24+$0x1910];
	[tilespmem:s20+$0x110] =	vst v4  }
0x69d: {  	v4 =	vld [tilespmem:s25+$0x1910];
	[tilespmem:s20+$0x190] =	vst v5  }
0x69e: {  	v5 =	vld [tilespmem:s28+$0x1920];
	[tilespmem:s20+$0x3A0] =	vst v0  }
0x69f: {  	[tilespmem:s20+$0x210] =	vst v2;
	v0 =	vld [tilespmem:s29+$0x1930]  }
0x6a0: {  	v2 =	vld [tilespmem:s21+$0x1920];
	[tilespmem:s20+$0x10] =	vst v1  }
0x6a1: {  	[tilespmem:s20+$0x290] =	vst v3;
	v1 =	vld [tilespmem:s26+$0x1920]  }
0x6a2: {  	v3 =	vld [tilespmem:s22+$0x1920];
	[tilespmem:s20+$0x310] =	vst v4  }
0x6a3: {  	v4 =	vld [tilespmem:s23+$0x1920];
	[tilespmem:s20+$0xA0] =	vst v5  }
0x6a4: {  	v5 =	vld [tilespmem:s24+$0x1920];
	[tilespmem:s20+$0x3B0] =	vst v0  }
0x6a5: {  	[tilespmem:s20+$0x120] =	vst v2;
	v0 =	vld [tilespmem:s29+$0x1940]  }
0x6a6: {  	[tilespmem:s20+$0x20] =	vst v1;
	v1 =	vld [tilespmem:s25+$0x1920]  }
0x6a7: {  	[tilespmem:s20+$0x1A0] =	vst v3;
	v3 =	vld [tilespmem:s28+$0x1930]  }
0x6a8: {  	[tilespmem:s20+$0x220] =	vst v4;
	v2 =	vld [tilespmem:s26+$0x1930]  }
0x6a9: {  	v4 =	vld [tilespmem:s21+$0x1930];
	[tilespmem:s20+$0x2A0] =	vst v5  }
0x6aa: {  	v5 =	vld [tilespmem:s22+$0x1930];
	[tilespmem:s20+$0x3C0] =	vst v0  }
0x6ab: {  	[tilespmem:s20+$0x320] =	vst v1;
	v1 =	vld [tilespmem:s23+$0x1930]  }
0x6ac: {  	[tilespmem:s20+$0xB0] =	vst v3;
	v0 =	vld [tilespmem:s29+$0x1950]  }
0x6ad: {  	[tilespmem:s20+$0x30] =	vst v2;
	v2 =	vld [tilespmem:s24+$0x1930]  }
0x6ae: {  	[tilespmem:s20+$0x130] =	vst v4;
	v3 =	vld [tilespmem:s25+$0x1930]  }
0x6af: {  	[tilespmem:s20+$0x1B0] =	vst v5;
	v5 =	vld [tilespmem:s28+$0x1940]  }
0x6b0: {  	v4 =	vld [tilespmem:s26+$0x1940];
	[tilespmem:s20+$0x230] =	vst v1  }
0x6b1: {  	v1 =	vld [tilespmem:s21+$0x1940];
	[tilespmem:s20+$0x3D0] =	vst v0  }
0x6b2: {  	[tilespmem:s20+$0x2B0] =	vst v2;
	v2 =	vld [tilespmem:s22+$0x1940]  }
0x6b3: {  	[tilespmem:s20+$0x330] =	vst v3;
	v0 =	vld [tilespmem:s29+$0x1960]  }
0x6b4: {  	v3 =	vld [tilespmem:s23+$0x1940];
	[tilespmem:s20+$0xC0] =	vst v5  }
0x6b5: {  	[tilespmem:s20+$0x40] =	vst v4;
	v4 =	vld [tilespmem:s24+$0x1940]  }
0x6b6: {  	v5 =	vld [tilespmem:s25+$0x1940];
	[tilespmem:s20+$0x140] =	vst v1  }
0x6b7: {  	v1 =	vld [tilespmem:s26+$0x1950];
	[tilespmem:s20+$0x1C0] =	vst v2  }
0x6b8: {  	v2 =	vld [tilespmem:s28+$0x1950];
	[tilespmem:s20+$0x3E0] =	vst v0  }
0x6b9: {  	[tilespmem:s20+$0x240] =	vst v3;
	v0 =	vld [tilespmem:s29+$0x1970]  }
0x6ba: {  	v3 =	vld [tilespmem:s21+$0x1950];
	[tilespmem:s20+$0x2C0] =	vst v4  }
0x6bb: {  	v4 =	vld [tilespmem:s22+$0x1950];
	[tilespmem:s20+$0x340] =	vst v5  }
0x6bc: {  	v5 =	vld [tilespmem:s23+$0x1950];
	[tilespmem:s20+$0x50] =	vst v1  }
0x6bd: {  	v1 =	vld [tilespmem:s25+$0x1950];
	[tilespmem:s20+$0xD0] =	vst v2  }
0x6be: {  	[tilespmem:s20+$0x3F0] =	vst v0;
	v0 =	vld [tilespmem:s24+$0x1950]  }
0x6bf: {  	v2 =	vld [tilespmem:s26+$0x1960];
	[tilespmem:s20+$0x150] =	vst v3  }
0x6c0: {  	v6 =	vld [tilespmem:s28+$0x1960];
	[tilespmem:s20+$0x1D0] =	vst v4  }
0x6c1: {  	v7 =	vld [tilespmem:s21+$0x1960];
	[tilespmem:s20+$0x250] =	vst v5  }
0x6c2: {  	v5 =	vld [tilespmem:s22+$0x1960];
	[tilespmem:s20+$0x350] =	vst v1  }
0x6c3: {  	v3 =	vld [tilespmem:s23+$0x1960];
	[tilespmem:s20+$0x2D0] =	vst v0  }
0x6c4: {  	[tilespmem:s20+$0x60] =	vst v2;
	v4 =	vld [tilespmem:s24+$0x1960]  }
0x6c5: {  	v2 =	vld [tilespmem:s25+$0x1960];
	[tilespmem:s20+$0xE0] =	vst v6  }
0x6c6: {  	v1 =	vld [tilespmem:s26+$0x1970];
	[tilespmem:s20+$0x160] =	vst v7  }
0x6c7: {  	s26 =	simm.s32 $0x0;
	v0 =	vld [tilespmem:s28+$0x1970];
	[tilespmem:s20+$0x1E0] =	vst v5;
	s28 =	simm.s32 $0x19F  }
.LBB2_24:
0x6c8: {  	s0 =	sld [smem:s28+$0x0];
	s26 =	sadd.s32 $0x8, s26;
	v5 =	vld [tilespmem:s21+$0x1970];
	[tilespmem:s20+$0x260] =	vst v3  }
0x6c9: {  	s2 =	sld [smem:s28+$0xFFFFFFFA];
	p0 =	slt.u32 s26, $0x188;
	v3 =	vld [tilespmem:s22+$0x1970];
	[tilespmem:s20+$0x2E0] =	vst v4  }
0x6ca: {  	s21 =	sld [smem:s28+$0xFFFFFFFB];
	v4 =	vld [tilespmem:s23+$0x1970];
	[tilespmem:s20+$0x360] =	vst v2  }
0x6cb: {  	s22 =	sld [smem:s28+$0xFFFFFFFC];
	s0 =	sshll.u32 s0, $0x9;
	[tilespmem:s20+$0x70] =	vst v1;
	v1 =	vld [tilespmem:s24+$0x1970]  }
0x6cc: {  	s2 =	sshll.u32 s2, $0x9;
	s23 =	sld [smem:s28+$0xFFFFFFFD];
	s31 =	sshra.s32 s0, $0x2;
	[tilespmem:s20+$0xF0] =	vst v0;
	v0 =	vld [tilespmem:s25+$0x1970]  }
0x6cd: {  	s29 =	sshra.s32 s2, $0x2;
	s0 =	sshll.u32 s21, $0x9;
	s2 =	sld [smem:s28+$0xFFFFFFFE];
	v2 =	vld [tilespmem:s31+$0x1900];
	[tilespmem:s20+$0x170] =	vst v5  }
0x6ce: {  	v5 =	vld [tilespmem:s29+$0x1900];
	s21 =	sshra.s32 s0, $0x2;
	s0 =	sshll.u32 s22, $0x9;
	s25 =	sld [smem:s28+$0xFFFFFFFF];
	[tilespmem:s20+$0x1F0] =	vst v3  }
0x6cf: {  	s30 =	sld [smem:s28+$0xFFFFFFF9];
	v3 =	vld [tilespmem:s21+$0x1900];
	s22 =	sshra.s32 s0, $0x2;
	s0 =	sshll.u32 s23, $0x9;
	[tilespmem:s20+$0x270] =	vst v4  }
0x6d0: {  	v4 =	vld [tilespmem:s22+$0x1900];
	s23 =	sshra.s32 s0, $0x2;
	s0 =	sshll.u32 s2, $0x9;
	[tilespmem:s20+$0x2F0] =	vst v1  }
0x6d1: {  	v1 =	vld [tilespmem:s23+$0x1900];
	s24 =	sshra.s32 s0, $0x2;
	s0 =	sshll.u32 s25, $0x9;
	[tilespmem:s20+$0x370] =	vst v0;
	s20 =	sadd.s32 $0x400, s20  }
0x6d2: {  	s2 =	sshll.u32 s30, $0x9;
	v0 =	vld [tilespmem:s24+$0x1900];
	s25 =	sshra.s32 s0, $0x2;
	[tilespmem:s20+$0x380] =	vst v2  }
0x6d3: {  	s30 =	sshra.s32 s2, $0x2;
	[tilespmem:s20+$0x80] =	vst v5;
	v2 =	vld [tilespmem:s31+$0x1910]  }
0x6d4: {  	v5 =	vld [tilespmem:s30+$0x1900];
	[tilespmem:s20+$0x100] =	vst v3  }
0x6d5: {  	[tilespmem:s20+$0x180] =	vst v4;
	v3 =	vld [tilespmem:s25+$0x1900]  }
0x6d6: {  	v4 =	vld [tilespmem:s29+$0x1910];
	[tilespmem:s20+$0x200] =	vst v1  }
0x6d7: {  	v1 =	vld [tilespmem:s21+$0x1910];
	[tilespmem:s20+$0x280] =	vst v0  }
0x6d8: {  	v0 =	vld [tilespmem:s22+$0x1910];
	[tilespmem:s20+$0x390] =	vst v2  }
0x6d9: {  	[tilespmem:s20+$0x0] =	vst v5;
	v2 =	vld [tilespmem:s31+$0x1920]  }
0x6da: {  	v5 =	vld [tilespmem:s30+$0x1910];
	[tilespmem:s20+$0x300] =	vst v3  }
0x6db: {  	[tilespmem:s20+$0x90] =	vst v4;
	v3 =	vld [tilespmem:s23+$0x1910]  }
0x6dc: {  	[tilespmem:s20+$0x110] =	vst v1;
	v1 =	vld [tilespmem:s24+$0x1910]  }
0x6dd: {  	[tilespmem:s20+$0x190] =	vst v0;
	v0 =	vld [tilespmem:s25+$0x1910]  }
0x6de: {  	v4 =	vld [tilespmem:s29+$0x1920];
	[tilespmem:s20+$0x3A0] =	vst v2  }
0x6df: {  	[tilespmem:s20+$0x10] =	vst v5;
	v2 =	vld [tilespmem:s31+$0x1930]  }
0x6e0: {  	v5 =	vld [tilespmem:s30+$0x1920];
	[tilespmem:s20+$0x210] =	vst v3  }
0x6e1: {  	v3 =	vld [tilespmem:s21+$0x1920];
	[tilespmem:s20+$0x290] =	vst v1  }
0x6e2: {  	v1 =	vld [tilespmem:s22+$0x1920];
	[tilespmem:s20+$0x310] =	vst v0  }
0x6e3: {  	[tilespmem:s20+$0xA0] =	vst v4;
	v0 =	vld [tilespmem:s23+$0x1920]  }
0x6e4: {  	v4 =	vld [tilespmem:s24+$0x1920];
	[tilespmem:s20+$0x3B0] =	vst v2  }
0x6e5: {  	[tilespmem:s20+$0x20] =	vst v5;
	v2 =	vld [tilespmem:s31+$0x1940]  }
0x6e6: {  	[tilespmem:s20+$0x120] =	vst v3;
	v3 =	vld [tilespmem:s25+$0x1920]  }
0x6e7: {  	v5 =	vld [tilespmem:s30+$0x1930];
	[tilespmem:s20+$0x1A0] =	vst v1  }
0x6e8: {  	v1 =	vld [tilespmem:s29+$0x1930];
	[tilespmem:s20+$0x220] =	vst v0  }
0x6e9: {  	v0 =	vld [tilespmem:s21+$0x1930];
	[tilespmem:s20+$0x2A0] =	vst v4  }
0x6ea: {  	v4 =	vld [tilespmem:s22+$0x1930];
	[tilespmem:s20+$0x3C0] =	vst v2  }
0x6eb: {  	[tilespmem:s20+$0x320] =	vst v3;
	v2 =	vld [tilespmem:s31+$0x1950]  }
0x6ec: {  	[tilespmem:s20+$0x30] =	vst v5;
	v3 =	vld [tilespmem:s23+$0x1930]  }
0x6ed: {  	[tilespmem:s20+$0xB0] =	vst v1;
	v1 =	vld [tilespmem:s24+$0x1930]  }
0x6ee: {  	[tilespmem:s20+$0x130] =	vst v0;
	v0 =	vld [tilespmem:s25+$0x1930]  }
0x6ef: {  	v5 =	vld [tilespmem:s30+$0x1940];
	[tilespmem:s20+$0x1B0] =	vst v4  }
0x6f0: {  	v4 =	vld [tilespmem:s29+$0x1940];
	[tilespmem:s20+$0x3D0] =	vst v2  }
0x6f1: {  	[tilespmem:s20+$0x230] =	vst v3;
	v2 =	vld [tilespmem:s31+$0x1960]  }
0x6f2: {  	v3 =	vld [tilespmem:s21+$0x1940];
	[tilespmem:s20+$0x2B0] =	vst v1  }
0x6f3: {  	v1 =	vld [tilespmem:s22+$0x1940];
	[tilespmem:s20+$0x330] =	vst v0  }
0x6f4: {  	[tilespmem:s20+$0x40] =	vst v5;
	v0 =	vld [tilespmem:s23+$0x1940]  }
0x6f5: {  	[tilespmem:s20+$0xC0] =	vst v4;
	v4 =	vld [tilespmem:s24+$0x1940]  }
0x6f6: {  	v5 =	vld [tilespmem:s25+$0x1940];
	[tilespmem:s20+$0x3E0] =	vst v2  }
0x6f7: {  	[tilespmem:s20+$0x140] =	vst v3;
	v2 =	vld [tilespmem:s31+$0x1970]  }
0x6f8: {  	v3 =	vld [tilespmem:s30+$0x1950];
	[tilespmem:s20+$0x1C0] =	vst v1  }
0x6f9: {  	v1 =	vld [tilespmem:s29+$0x1950];
	[tilespmem:s20+$0x240] =	vst v0  }
0x6fa: {  	v0 =	vld [tilespmem:s21+$0x1950];
	[tilespmem:s20+$0x2C0] =	vst v4  }
0x6fb: {  	v4 =	vld [tilespmem:s22+$0x1950];
	[tilespmem:s20+$0x340] =	vst v5  }
0x6fc: {  	v5 =	vld [tilespmem:s23+$0x1950];
	[tilespmem:s20+$0x3F0] =	vst v2  }
0x6fd: {  	[tilespmem:s20+$0x50] =	vst v3;
	v2 =	vld [tilespmem:s24+$0x1950]  }
0x6fe: {  	[tilespmem:s20+$0xD0] =	vst v1;
	v1 =	vld [tilespmem:s25+$0x1950]  }
0x6ff: {  	v6 =	vld [tilespmem:s30+$0x1960];
	[tilespmem:s20+$0x150] =	vst v0  }
0x700: {  	v0 =	vld [tilespmem:s29+$0x1960];
	[tilespmem:s20+$0x1D0] =	vst v4  }
0x701: {  	v7 =	vld [tilespmem:s21+$0x1960];
	[tilespmem:s20+$0x250] =	vst v5  }
0x702: {  	v5 =	vld [tilespmem:s22+$0x1960];
	[tilespmem:s20+$0x2D0] =	vst v2  }
.Ltmp11:
0x703: {  	v3 =	vld [tilespmem:s23+$0x1960];
	[tilespmem:s20+$0x350] =	vst v1;
	(pc) =	sbr.rel @p0 .LBB2_24-.Ltmp11, $4  }
0x704: {  	[tilespmem:s20+$0x60] =	vst v6;
	v4 =	vld [tilespmem:s24+$0x1960]  }
0x705: {  	[tilespmem:s20+$0xE0] =	vst v0;
	v2 =	vld [tilespmem:s25+$0x1960]  }
0x706: {  	v1 =	vld [tilespmem:s30+$0x1970];
	[tilespmem:s20+$0x160] =	vst v7  }
0x707: {  	s28 =	sadd.s32 $0x8, s28;
	v0 =	vld [tilespmem:s29+$0x1970];
	[tilespmem:s20+$0x1E0] =	vst v5  }
0x708: {  	v5 =	vld [tilespmem:s21+$0x1970];
	[tilespmem:s20+$0x260] =	vst v3  }
0x709: {  	v3 =	vld [tilespmem:s22+$0x1970];
	[tilespmem:s20+$0x2E0] =	vst v4  }
0x70a: {  	v4 =	vld [tilespmem:s23+$0x1970];
	[tilespmem:s20+$0x360] =	vst v2  }
0x70b: {  	[tilespmem:s20+$0x70] =	vst v1;
	v1 =	vld [tilespmem:s24+$0x1970]  }
0x70c: {  	[tilespmem:s20+$0xF0] =	vst v0;
	v0 =	vld [tilespmem:s25+$0x1970]  }
0x70d: {  	[tilespmem:s20+$0x170] =	vst v5  }
0x70e: {  	[tilespmem:s20+$0x1F0] =	vst v3  }
0x70f: {  	[tilespmem:s20+$0x270] =	vst v4  }
0x710: {  	[tilespmem:s20+$0x2F0] =	vst v1  }
0x711: {  	[tilespmem:s20+$0x370] =	vst v0  }
0x712: {  	s0 =	rddreg [dreg:$0x14]  }
0x713: {  	[hbm4b:s0+s3] =	stream.linear.scatter [tilespmem:s16], [sflag:$0x5], $0xC800, $0x38;
	[tilespmem:$0x1AD00] =	vst v63  }
0x714: {  	_ =	swait.ge [sflag:s12], $0x190  }
0x715: {  	[sflag:s12] =	ssyncset.done $0x0  }
0x716: {  	s21 =	simm.s32 $0x4;
	[sflag:s12] =	ssyncadd.s32 $0xFFFFFE70  }
0x717: {  	[smem:s13], [sflag:$0x3] =	stream.linear.gather [spmem:s7], $0x190, $0x38;
	[tilespmem:$0x1AD00] =	vst v63  }
0x718: {  	_ =	swait.ge [sflag:s21], $0xC800  }
0x719: {  	[sflag:s21] =	ssyncset.done $0x0  }
0x71a: {  	[sflag:s21] =	ssyncadd.s32 $0xFFFF3800  }
0x71b: {  	s0 =	sld [smem:$0x7]  }
0x71c: {  	s2 =	sld [smem:$0x1]  }
0x71d: {  	s22 =	sld [smem:$0x2]  }
0x71e: {  	s23 =	sld [smem:$0x3];
	s0 =	sshll.u32 s0, $0x9  }
0x71f: {  	s24 =	sld [smem:$0x4];
	s2 =	sshll.u32 s2, $0x9;
	s29 =	sshra.s32 s0, $0x2  }
0x720: {  	s25 =	sld [smem:$0x5];
	s28 =	sshra.s32 s2, $0x2;
	v0 =	vld [tilespmem:s29+$0x1900];
	s30 =	sshll.u32 s22, $0x9  }
0x721: {  	v1 =	vld [tilespmem:s28+$0x1900];
	s31 =	sld [smem:$0x6];
	s21 =	sshra.s32 s30, $0x2;
	s22 =	sshll.u32 s23, $0x9  }
0x722: {  	s26 =	sld [smem:$0x0];
	v2 =	vld [tilespmem:s21+$0x1900];
	s22 =	sshra.s32 s22, $0x2;
	s24 =	sshll.u32 s24, $0x9  }
0x723: {  	v3 =	vld [tilespmem:s22+$0x1900];
	s23 =	sshra.s32 s24, $0x2;
	s0 =	sshll.u32 s25, $0x9  }
0x724: {  	s20 =	simm.s32 $0x1F00;
	v4 =	vld [tilespmem:s23+$0x1900];
	s24 =	sshra.s32 s0, $0x2  }
0x725: {  	s30 =	sshll.u32 s26, $0x9;
	v5 =	vld [tilespmem:s24+$0x1900];
	[tilespmem:s20+$0x180] =	vst v0  }
0x726: {  	s31 =	sshll.u32 s31, $0x9;
	s26 =	sshra.s32 s30, $0x2;
	[tilespmem:s20+$0xFFFFFE80] =	vst v1;
	v0 =	vld [tilespmem:s29+$0x1910]  }
0x727: {  	s25 =	sshra.s32 s31, $0x2;
	v1 =	vld [tilespmem:s26+$0x1900];
	[tilespmem:s20+$0xFFFFFF00] =	vst v2  }
0x728: {  	v2 =	vld [tilespmem:s25+$0x1900];
	[tilespmem:s20+$0xFFFFFF80] =	vst v3  }
0x729: {  	v3 =	vld [tilespmem:s28+$0x1910];
	[tilespmem:s20+$0x0] =	vst v4  }
0x72a: {  	v4 =	vld [tilespmem:s21+$0x1910];
	[tilespmem:s20+$0x80] =	vst v5  }
0x72b: {  	v5 =	vld [tilespmem:s22+$0x1910];
	[tilespmem:s20+$0x190] =	vst v0  }
0x72c: {  	[tilespmem:s20+$0xFFFFFE00] =	vst v1;
	v0 =	vld [tilespmem:s29+$0x1920]  }
0x72d: {  	[tilespmem:s20+$0x100] =	vst v2;
	v2 =	vld [tilespmem:s23+$0x1910]  }
0x72e: {  	v1 =	vld [tilespmem:s26+$0x1910];
	[tilespmem:s20+$0xFFFFFE90] =	vst v3  }
0x72f: {  	v3 =	vld [tilespmem:s24+$0x1910];
	[tilespmem:s20+$0xFFFFFF10] =	vst v4  }
0x730: {  	v4 =	vld [tilespmem:s25+$0x1910];
	[tilespmem:s20+$0xFFFFFF90] =	vst v5  }
0x731: {  	v5 =	vld [tilespmem:s28+$0x1920];
	[tilespmem:s20+$0x1A0] =	vst v0  }
0x732: {  	[tilespmem:s20+$0x10] =	vst v2;
	v0 =	vld [tilespmem:s29+$0x1930]  }
0x733: {  	v2 =	vld [tilespmem:s21+$0x1920];
	[tilespmem:s20+$0xFFFFFE10] =	vst v1  }
0x734: {  	[tilespmem:s20+$0x90] =	vst v3;
	v1 =	vld [tilespmem:s26+$0x1920]  }
0x735: {  	v3 =	vld [tilespmem:s22+$0x1920];
	[tilespmem:s20+$0x110] =	vst v4  }
0x736: {  	v4 =	vld [tilespmem:s23+$0x1920];
	[tilespmem:s20+$0xFFFFFEA0] =	vst v5  }
0x737: {  	v5 =	vld [tilespmem:s24+$0x1920];
	[tilespmem:s20+$0x1B0] =	vst v0  }
0x738: {  	[tilespmem:s20+$0xFFFFFF20] =	vst v2;
	v0 =	vld [tilespmem:s29+$0x1940]  }
0x739: {  	[tilespmem:s20+$0xFFFFFE20] =	vst v1;
	v1 =	vld [tilespmem:s25+$0x1920]  }
0x73a: {  	[tilespmem:s20+$0xFFFFFFA0] =	vst v3;
	v3 =	vld [tilespmem:s28+$0x1930]  }
0x73b: {  	[tilespmem:s20+$0x20] =	vst v4;
	v2 =	vld [tilespmem:s26+$0x1930]  }
0x73c: {  	v4 =	vld [tilespmem:s21+$0x1930];
	[tilespmem:s20+$0xA0] =	vst v5  }
0x73d: {  	v5 =	vld [tilespmem:s22+$0x1930];
	[tilespmem:s20+$0x1C0] =	vst v0  }
0x73e: {  	[tilespmem:s20+$0x120] =	vst v1;
	v1 =	vld [tilespmem:s23+$0x1930]  }
0x73f: {  	[tilespmem:s20+$0xFFFFFEB0] =	vst v3;
	v0 =	vld [tilespmem:s29+$0x1950]  }
0x740: {  	[tilespmem:s20+$0xFFFFFE30] =	vst v2;
	v2 =	vld [tilespmem:s24+$0x1930]  }
0x741: {  	[tilespmem:s20+$0xFFFFFF30] =	vst v4;
	v3 =	vld [tilespmem:s25+$0x1930]  }
0x742: {  	[tilespmem:s20+$0xFFFFFFB0] =	vst v5;
	v5 =	vld [tilespmem:s28+$0x1940]  }
0x743: {  	v4 =	vld [tilespmem:s26+$0x1940];
	[tilespmem:s20+$0x30] =	vst v1  }
0x744: {  	v1 =	vld [tilespmem:s21+$0x1940];
	[tilespmem:s20+$0x1D0] =	vst v0  }
0x745: {  	[tilespmem:s20+$0xB0] =	vst v2;
	v2 =	vld [tilespmem:s22+$0x1940]  }
0x746: {  	[tilespmem:s20+$0x130] =	vst v3;
	v0 =	vld [tilespmem:s29+$0x1960]  }
0x747: {  	v3 =	vld [tilespmem:s23+$0x1940];
	[tilespmem:s20+$0xFFFFFEC0] =	vst v5  }
0x748: {  	[tilespmem:s20+$0xFFFFFE40] =	vst v4;
	v4 =	vld [tilespmem:s24+$0x1940]  }
0x749: {  	v5 =	vld [tilespmem:s25+$0x1940];
	[tilespmem:s20+$0xFFFFFF40] =	vst v1  }
0x74a: {  	v1 =	vld [tilespmem:s26+$0x1950];
	[tilespmem:s20+$0xFFFFFFC0] =	vst v2  }
0x74b: {  	v2 =	vld [tilespmem:s28+$0x1950];
	[tilespmem:s20+$0x1E0] =	vst v0  }
0x74c: {  	[tilespmem:s20+$0x40] =	vst v3;
	v0 =	vld [tilespmem:s29+$0x1970]  }
0x74d: {  	v3 =	vld [tilespmem:s21+$0x1950];
	[tilespmem:s20+$0xC0] =	vst v4  }
0x74e: {  	v4 =	vld [tilespmem:s22+$0x1950];
	[tilespmem:s20+$0x140] =	vst v5  }
0x74f: {  	v5 =	vld [tilespmem:s23+$0x1950];
	[tilespmem:s20+$0xFFFFFE50] =	vst v1  }
0x750: {  	v1 =	vld [tilespmem:s25+$0x1950];
	[tilespmem:s20+$0xFFFFFED0] =	vst v2  }
0x751: {  	[tilespmem:s20+$0x1F0] =	vst v0;
	v0 =	vld [tilespmem:s24+$0x1950]  }
0x752: {  	v2 =	vld [tilespmem:s26+$0x1960];
	[tilespmem:s20+$0xFFFFFF50] =	vst v3  }
0x753: {  	v6 =	vld [tilespmem:s28+$0x1960];
	[tilespmem:s20+$0xFFFFFFD0] =	vst v4  }
0x754: {  	v7 =	vld [tilespmem:s21+$0x1960];
	[tilespmem:s20+$0x50] =	vst v5  }
0x755: {  	v5 =	vld [tilespmem:s22+$0x1960];
	[tilespmem:s20+$0x150] =	vst v1  }
0x756: {  	v3 =	vld [tilespmem:s23+$0x1960];
	[tilespmem:s20+$0xD0] =	vst v0  }
0x757: {  	[tilespmem:s20+$0xFFFFFE60] =	vst v2;
	v4 =	vld [tilespmem:s24+$0x1960]  }
0x758: {  	v2 =	vld [tilespmem:s25+$0x1960];
	[tilespmem:s20+$0xFFFFFEE0] =	vst v6  }
0x759: {  	v1 =	vld [tilespmem:s26+$0x1970];
	[tilespmem:s20+$0xFFFFFF60] =	vst v7  }
0x75a: {  	s26 =	simm.s32 $0x0;
	v0 =	vld [tilespmem:s28+$0x1970];
	[tilespmem:s20+$0xFFFFFFE0] =	vst v5;
	s28 =	simm.s32 $0xC  }
.LBB2_26:
0x75b: {  	s0 =	sld [smem:s28+$0x3];
	s26 =	sadd.s32 $0x8, s26;
	v5 =	vld [tilespmem:s21+$0x1970];
	[tilespmem:s20+$0x60] =	vst v3  }
0x75c: {  	s2 =	sld [smem:s28+$0xFFFFFFFD];
	p0 =	slt.u32 s26, $0x188;
	v3 =	vld [tilespmem:s22+$0x1970];
	[tilespmem:s20+$0xE0] =	vst v4  }
0x75d: {  	s21 =	sld [smem:s28+$0xFFFFFFFE];
	v4 =	vld [tilespmem:s23+$0x1970];
	[tilespmem:s20+$0x160] =	vst v2  }
0x75e: {  	s22 =	sld [smem:s28+$0xFFFFFFFF];
	s0 =	sshll.u32 s0, $0x9;
	[tilespmem:s20+$0xFFFFFE70] =	vst v1;
	v1 =	vld [tilespmem:s24+$0x1970]  }
0x75f: {  	s2 =	sshll.u32 s2, $0x9;
	s23 =	sld [smem:s28+$0x0];
	s31 =	sshra.s32 s0, $0x2;
	[tilespmem:s20+$0xFFFFFEF0] =	vst v0;
	v0 =	vld [tilespmem:s25+$0x1970]  }
0x760: {  	s29 =	sshra.s32 s2, $0x2;
	s0 =	sshll.u32 s21, $0x9;
	s2 =	sld [smem:s28+$0x1];
	v2 =	vld [tilespmem:s31+$0x1900];
	[tilespmem:s20+$0xFFFFFF70] =	vst v5  }
0x761: {  	v5 =	vld [tilespmem:s29+$0x1900];
	s21 =	sshra.s32 s0, $0x2;
	s0 =	sshll.u32 s22, $0x9;
	s25 =	sld [smem:s28+$0x2];
	[tilespmem:s20+$0xFFFFFFF0] =	vst v3  }
0x762: {  	s30 =	sld [smem:s28+$0xFFFFFFFC];
	v3 =	vld [tilespmem:s21+$0x1900];
	s22 =	sshra.s32 s0, $0x2;
	s0 =	sshll.u32 s23, $0x9;
	[tilespmem:s20+$0x70] =	vst v4  }
0x763: {  	v4 =	vld [tilespmem:s22+$0x1900];
	s23 =	sshra.s32 s0, $0x2;
	s0 =	sshll.u32 s2, $0x9;
	[tilespmem:s20+$0xF0] =	vst v1  }
0x764: {  	v1 =	vld [tilespmem:s23+$0x1900];
	s24 =	sshra.s32 s0, $0x2;
	s0 =	sshll.u32 s25, $0x9;
	[tilespmem:s20+$0x170] =	vst v0;
	s20 =	sadd.s32 $0x400, s20  }
0x765: {  	s2 =	sshll.u32 s30, $0x9;
	v0 =	vld [tilespmem:s24+$0x1900];
	s25 =	sshra.s32 s0, $0x2;
	[tilespmem:s20+$0x180] =	vst v2  }
0x766: {  	s30 =	sshra.s32 s2, $0x2;
	[tilespmem:s20+$0xFFFFFE80] =	vst v5;
	v2 =	vld [tilespmem:s31+$0x1910]  }
0x767: {  	v5 =	vld [tilespmem:s30+$0x1900];
	[tilespmem:s20+$0xFFFFFF00] =	vst v3  }
0x768: {  	[tilespmem:s20+$0xFFFFFF80] =	vst v4;
	v3 =	vld [tilespmem:s25+$0x1900]  }
0x769: {  	v4 =	vld [tilespmem:s29+$0x1910];
	[tilespmem:s20+$0x0] =	vst v1  }
0x76a: {  	v1 =	vld [tilespmem:s21+$0x1910];
	[tilespmem:s20+$0x80] =	vst v0  }
0x76b: {  	v0 =	vld [tilespmem:s22+$0x1910];
	[tilespmem:s20+$0x190] =	vst v2  }
0x76c: {  	[tilespmem:s20+$0xFFFFFE00] =	vst v5;
	v2 =	vld [tilespmem:s31+$0x1920]  }
0x76d: {  	v5 =	vld [tilespmem:s30+$0x1910];
	[tilespmem:s20+$0x100] =	vst v3  }
0x76e: {  	[tilespmem:s20+$0xFFFFFE90] =	vst v4;
	v3 =	vld [tilespmem:s23+$0x1910]  }
0x76f: {  	[tilespmem:s20+$0xFFFFFF10] =	vst v1;
	v1 =	vld [tilespmem:s24+$0x1910]  }
0x770: {  	[tilespmem:s20+$0xFFFFFF90] =	vst v0;
	v0 =	vld [tilespmem:s25+$0x1910]  }
0x771: {  	v4 =	vld [tilespmem:s29+$0x1920];
	[tilespmem:s20+$0x1A0] =	vst v2  }
0x772: {  	[tilespmem:s20+$0xFFFFFE10] =	vst v5;
	v2 =	vld [tilespmem:s31+$0x1930]  }
0x773: {  	v5 =	vld [tilespmem:s30+$0x1920];
	[tilespmem:s20+$0x10] =	vst v3  }
0x774: {  	v3 =	vld [tilespmem:s21+$0x1920];
	[tilespmem:s20+$0x90] =	vst v1  }
0x775: {  	v1 =	vld [tilespmem:s22+$0x1920];
	[tilespmem:s20+$0x110] =	vst v0  }
0x776: {  	[tilespmem:s20+$0xFFFFFEA0] =	vst v4;
	v0 =	vld [tilespmem:s23+$0x1920]  }
0x777: {  	v4 =	vld [tilespmem:s24+$0x1920];
	[tilespmem:s20+$0x1B0] =	vst v2  }
0x778: {  	[tilespmem:s20+$0xFFFFFE20] =	vst v5;
	v2 =	vld [tilespmem:s31+$0x1940]  }
0x779: {  	[tilespmem:s20+$0xFFFFFF20] =	vst v3;
	v3 =	vld [tilespmem:s25+$0x1920]  }
0x77a: {  	v5 =	vld [tilespmem:s30+$0x1930];
	[tilespmem:s20+$0xFFFFFFA0] =	vst v1  }
0x77b: {  	v1 =	vld [tilespmem:s29+$0x1930];
	[tilespmem:s20+$0x20] =	vst v0  }
0x77c: {  	v0 =	vld [tilespmem:s21+$0x1930];
	[tilespmem:s20+$0xA0] =	vst v4  }
0x77d: {  	v4 =	vld [tilespmem:s22+$0x1930];
	[tilespmem:s20+$0x1C0] =	vst v2  }
0x77e: {  	[tilespmem:s20+$0x120] =	vst v3;
	v2 =	vld [tilespmem:s31+$0x1950]  }
0x77f: {  	[tilespmem:s20+$0xFFFFFE30] =	vst v5;
	v3 =	vld [tilespmem:s23+$0x1930]  }
0x780: {  	[tilespmem:s20+$0xFFFFFEB0] =	vst v1;
	v1 =	vld [tilespmem:s24+$0x1930]  }
0x781: {  	[tilespmem:s20+$0xFFFFFF30] =	vst v0;
	v0 =	vld [tilespmem:s25+$0x1930]  }
0x782: {  	v5 =	vld [tilespmem:s30+$0x1940];
	[tilespmem:s20+$0xFFFFFFB0] =	vst v4  }
0x783: {  	v4 =	vld [tilespmem:s29+$0x1940];
	[tilespmem:s20+$0x1D0] =	vst v2  }
0x784: {  	[tilespmem:s20+$0x30] =	vst v3;
	v2 =	vld [tilespmem:s31+$0x1960]  }
0x785: {  	v3 =	vld [tilespmem:s21+$0x1940];
	[tilespmem:s20+$0xB0] =	vst v1  }
0x786: {  	v1 =	vld [tilespmem:s22+$0x1940];
	[tilespmem:s20+$0x130] =	vst v0  }
0x787: {  	[tilespmem:s20+$0xFFFFFE40] =	vst v5;
	v0 =	vld [tilespmem:s23+$0x1940]  }
0x788: {  	[tilespmem:s20+$0xFFFFFEC0] =	vst v4;
	v4 =	vld [tilespmem:s24+$0x1940]  }
0x789: {  	v5 =	vld [tilespmem:s25+$0x1940];
	[tilespmem:s20+$0x1E0] =	vst v2  }
0x78a: {  	[tilespmem:s20+$0xFFFFFF40] =	vst v3;
	v2 =	vld [tilespmem:s31+$0x1970]  }
0x78b: {  	v3 =	vld [tilespmem:s30+$0x1950];
	[tilespmem:s20+$0xFFFFFFC0] =	vst v1  }
0x78c: {  	v1 =	vld [tilespmem:s29+$0x1950];
	[tilespmem:s20+$0x40] =	vst v0  }
0x78d: {  	v0 =	vld [tilespmem:s21+$0x1950];
	[tilespmem:s20+$0xC0] =	vst v4  }
0x78e: {  	v4 =	vld [tilespmem:s22+$0x1950];
	[tilespmem:s20+$0x140] =	vst v5  }
0x78f: {  	v5 =	vld [tilespmem:s23+$0x1950];
	[tilespmem:s20+$0x1F0] =	vst v2  }
0x790: {  	[tilespmem:s20+$0xFFFFFE50] =	vst v3;
	v2 =	vld [tilespmem:s24+$0x1950]  }
0x791: {  	[tilespmem:s20+$0xFFFFFED0] =	vst v1;
	v1 =	vld [tilespmem:s25+$0x1950]  }
0x792: {  	v6 =	vld [tilespmem:s30+$0x1960];
	[tilespmem:s20+$0xFFFFFF50] =	vst v0  }
0x793: {  	v0 =	vld [tilespmem:s29+$0x1960];
	[tilespmem:s20+$0xFFFFFFD0] =	vst v4  }
0x794: {  	v7 =	vld [tilespmem:s21+$0x1960];
	[tilespmem:s20+$0x50] =	vst v5  }
0x795: {  	v5 =	vld [tilespmem:s22+$0x1960];
	[tilespmem:s20+$0xD0] =	vst v2  }
.Ltmp12:
0x796: {  	v3 =	vld [tilespmem:s23+$0x1960];
	[tilespmem:s20+$0x150] =	vst v1;
	(pc) =	sbr.rel @p0 .LBB2_26-.Ltmp12, $4  }
0x797: {  	[tilespmem:s20+$0xFFFFFE60] =	vst v6;
	v4 =	vld [tilespmem:s24+$0x1960]  }
0x798: {  	[tilespmem:s20+$0xFFFFFEE0] =	vst v0;
	v2 =	vld [tilespmem:s25+$0x1960]  }
0x799: {  	v1 =	vld [tilespmem:s30+$0x1970];
	[tilespmem:s20+$0xFFFFFF60] =	vst v7  }
0x79a: {  	s28 =	sadd.s32 $0x8, s28;
	v0 =	vld [tilespmem:s29+$0x1970];
	[tilespmem:s20+$0xFFFFFFE0] =	vst v5  }
0x79b: {  	v5 =	vld [tilespmem:s21+$0x1970];
	[tilespmem:s20+$0x60] =	vst v3  }
0x79c: {  	v3 =	vld [tilespmem:s22+$0x1970];
	[tilespmem:s20+$0xE0] =	vst v4  }
0x79d: {  	v4 =	vld [tilespmem:s23+$0x1970];
	[tilespmem:s20+$0x160] =	vst v2  }
0x79e: {  	[tilespmem:s20+$0xFFFFFE70] =	vst v1;
	v1 =	vld [tilespmem:s24+$0x1970]  }
0x79f: {  	[tilespmem:s20+$0xFFFFFEF0] =	vst v0;
	v0 =	vld [tilespmem:s25+$0x1970]  }
0x7a0: {  	[tilespmem:s20+$0xFFFFFF70] =	vst v5  }
0x7a1: {  	[tilespmem:s20+$0xFFFFFFF0] =	vst v3  }
0x7a2: {  	[tilespmem:s20+$0x70] =	vst v4  }
0x7a3: {  	[tilespmem:s20+$0xF0] =	vst v1  }
0x7a4: {  	[tilespmem:s20+$0x170] =	vst v0  }
0x7a5: {  	s0 =	rddreg [dreg:$0x15]  }
0x7a6: {  	[hbm4b:s0+s3] =	stream.linear.scatter [tilespmem:s14], [sflag:$0x4], $0xC800, $0x38;
	[tilespmem:$0x1AD00] =	vst v63  }
0x7a7: {  	_ =	swait.ge [sflag:s15], $0x190  }
0x7a8: {  	[sflag:s15] =	ssyncset.done $0x0  }
0x7a9: {  	[sflag:s15] =	ssyncadd.s32 $0xFFFFFE70  }
0x7aa: {  	[smem:s3], [sflag:$0x2] =	stream.linear.gather [spmem:s8], $0x190, $0x38;
	[tilespmem:$0x1AD00] =	vst v63  }
0x7ab: {  	_ =	swait.ge [sflag:s17], $0xC800  }
0x7ac: {  	[sflag:s17] =	ssyncset.done $0x0  }
0x7ad: {  	[sflag:s17] =	ssyncadd.s32 $0xFFFF3800  }
0x7ae: {  	s21 =	sld [smem:$0x197]  }
0x7af: {  	s2 =	sld [smem:$0x191]  }
0x7b0: {  	s22 =	sld [smem:$0x192]  }
0x7b1: {  	s23 =	sld [smem:$0x193];
	s0 =	sshll.u32 s21, $0x9  }
0x7b2: {  	s24 =	sld [smem:$0x194];
	s2 =	sshll.u32 s2, $0x9;
	s29 =	sshra.s32 s0, $0x2  }
0x7b3: {  	s25 =	sld [smem:$0x195];
	s28 =	sshra.s32 s2, $0x2;
	v0 =	vld [tilespmem:s29+$0x1900];
	s30 =	sshll.u32 s22, $0x9  }
0x7b4: {  	v1 =	vld [tilespmem:s28+$0x1900];
	s31 =	sld [smem:$0x196];
	s21 =	sshra.s32 s30, $0x2;
	s22 =	sshll.u32 s23, $0x9  }
0x7b5: {  	s26 =	sld [smem:$0x190];
	v2 =	vld [tilespmem:s21+$0x1900];
	s22 =	sshra.s32 s22, $0x2;
	s24 =	sshll.u32 s24, $0x9  }
0x7b6: {  	v3 =	vld [tilespmem:s22+$0x1900];
	s23 =	sshra.s32 s24, $0x2;
	s0 =	sshll.u32 s25, $0x9  }
0x7b7: {  	s20 =	simm.s32 $0xE500;
	v4 =	vld [tilespmem:s23+$0x1900];
	s24 =	sshra.s32 s0, $0x2  }
0x7b8: {  	s30 =	sshll.u32 s26, $0x9;
	v5 =	vld [tilespmem:s24+$0x1900];
	[tilespmem:s20+$0x380] =	vst v0  }
0x7b9: {  	s31 =	sshll.u32 s31, $0x9;
	s26 =	sshra.s32 s30, $0x2;
	[tilespmem:s20+$0x80] =	vst v1;
	v0 =	vld [tilespmem:s29+$0x1910]  }
0x7ba: {  	s25 =	sshra.s32 s31, $0x2;
	v1 =	vld [tilespmem:s26+$0x1900];
	[tilespmem:s20+$0x100] =	vst v2  }
0x7bb: {  	v2 =	vld [tilespmem:s25+$0x1900];
	[tilespmem:s20+$0x180] =	vst v3  }
0x7bc: {  	v3 =	vld [tilespmem:s28+$0x1910];
	[tilespmem:s20+$0x200] =	vst v4  }
0x7bd: {  	v4 =	vld [tilespmem:s21+$0x1910];
	[tilespmem:s20+$0x280] =	vst v5  }
0x7be: {  	v5 =	vld [tilespmem:s22+$0x1910];
	[tilespmem:s20+$0x390] =	vst v0  }
0x7bf: {  	[tilespmem:s20+$0x0] =	vst v1;
	v0 =	vld [tilespmem:s29+$0x1920]  }
0x7c0: {  	[tilespmem:s20+$0x300] =	vst v2;
	v2 =	vld [tilespmem:s23+$0x1910]  }
0x7c1: {  	v1 =	vld [tilespmem:s26+$0x1910];
	[tilespmem:s20+$0x90] =	vst v3  }
0x7c2: {  	v3 =	vld [tilespmem:s24+$0x1910];
	[tilespmem:s20+$0x110] =	vst v4  }
0x7c3: {  	v4 =	vld [tilespmem:s25+$0x1910];
	[tilespmem:s20+$0x190] =	vst v5  }
0x7c4: {  	v5 =	vld [tilespmem:s28+$0x1920];
	[tilespmem:s20+$0x3A0] =	vst v0  }
0x7c5: {  	[tilespmem:s20+$0x210] =	vst v2;
	v0 =	vld [tilespmem:s29+$0x1930]  }
0x7c6: {  	v2 =	vld [tilespmem:s21+$0x1920];
	[tilespmem:s20+$0x10] =	vst v1  }
0x7c7: {  	[tilespmem:s20+$0x290] =	vst v3;
	v1 =	vld [tilespmem:s26+$0x1920]  }
0x7c8: {  	v3 =	vld [tilespmem:s22+$0x1920];
	[tilespmem:s20+$0x310] =	vst v4  }
0x7c9: {  	v4 =	vld [tilespmem:s23+$0x1920];
	[tilespmem:s20+$0xA0] =	vst v5  }
0x7ca: {  	v5 =	vld [tilespmem:s24+$0x1920];
	[tilespmem:s20+$0x3B0] =	vst v0  }
0x7cb: {  	[tilespmem:s20+$0x120] =	vst v2;
	v0 =	vld [tilespmem:s29+$0x1940]  }
0x7cc: {  	[tilespmem:s20+$0x20] =	vst v1;
	v1 =	vld [tilespmem:s25+$0x1920]  }
0x7cd: {  	[tilespmem:s20+$0x1A0] =	vst v3;
	v3 =	vld [tilespmem:s28+$0x1930]  }
0x7ce: {  	[tilespmem:s20+$0x220] =	vst v4;
	v2 =	vld [tilespmem:s26+$0x1930]  }
0x7cf: {  	v4 =	vld [tilespmem:s21+$0x1930];
	[tilespmem:s20+$0x2A0] =	vst v5  }
0x7d0: {  	v5 =	vld [tilespmem:s22+$0x1930];
	[tilespmem:s20+$0x3C0] =	vst v0  }
0x7d1: {  	[tilespmem:s20+$0x320] =	vst v1;
	v1 =	vld [tilespmem:s23+$0x1930]  }
0x7d2: {  	[tilespmem:s20+$0xB0] =	vst v3;
	v0 =	vld [tilespmem:s29+$0x1950]  }
0x7d3: {  	[tilespmem:s20+$0x30] =	vst v2;
	v2 =	vld [tilespmem:s24+$0x1930]  }
0x7d4: {  	[tilespmem:s20+$0x130] =	vst v4;
	v3 =	vld [tilespmem:s25+$0x1930]  }
0x7d5: {  	[tilespmem:s20+$0x1B0] =	vst v5;
	v5 =	vld [tilespmem:s28+$0x1940]  }
0x7d6: {  	v4 =	vld [tilespmem:s26+$0x1940];
	[tilespmem:s20+$0x230] =	vst v1  }
0x7d7: {  	v1 =	vld [tilespmem:s21+$0x1940];
	[tilespmem:s20+$0x3D0] =	vst v0  }
0x7d8: {  	[tilespmem:s20+$0x2B0] =	vst v2;
	v2 =	vld [tilespmem:s22+$0x1940]  }
0x7d9: {  	[tilespmem:s20+$0x330] =	vst v3;
	v0 =	vld [tilespmem:s29+$0x1960]  }
0x7da: {  	v3 =	vld [tilespmem:s23+$0x1940];
	[tilespmem:s20+$0xC0] =	vst v5  }
0x7db: {  	[tilespmem:s20+$0x40] =	vst v4;
	v4 =	vld [tilespmem:s24+$0x1940]  }
0x7dc: {  	v5 =	vld [tilespmem:s25+$0x1940];
	[tilespmem:s20+$0x140] =	vst v1  }
0x7dd: {  	v1 =	vld [tilespmem:s26+$0x1950];
	[tilespmem:s20+$0x1C0] =	vst v2  }
0x7de: {  	v2 =	vld [tilespmem:s28+$0x1950];
	[tilespmem:s20+$0x3E0] =	vst v0  }
0x7df: {  	[tilespmem:s20+$0x240] =	vst v3;
	v0 =	vld [tilespmem:s29+$0x1970]  }
0x7e0: {  	v3 =	vld [tilespmem:s21+$0x1950];
	[tilespmem:s20+$0x2C0] =	vst v4  }
0x7e1: {  	v4 =	vld [tilespmem:s22+$0x1950];
	[tilespmem:s20+$0x340] =	vst v5  }
0x7e2: {  	v5 =	vld [tilespmem:s23+$0x1950];
	[tilespmem:s20+$0x50] =	vst v1  }
0x7e3: {  	v1 =	vld [tilespmem:s25+$0x1950];
	[tilespmem:s20+$0xD0] =	vst v2  }
0x7e4: {  	[tilespmem:s20+$0x3F0] =	vst v0;
	v0 =	vld [tilespmem:s24+$0x1950]  }
0x7e5: {  	v2 =	vld [tilespmem:s26+$0x1960];
	[tilespmem:s20+$0x150] =	vst v3  }
0x7e6: {  	v6 =	vld [tilespmem:s28+$0x1960];
	[tilespmem:s20+$0x1D0] =	vst v4  }
0x7e7: {  	v7 =	vld [tilespmem:s21+$0x1960];
	[tilespmem:s20+$0x250] =	vst v5  }
0x7e8: {  	v5 =	vld [tilespmem:s22+$0x1960];
	[tilespmem:s20+$0x350] =	vst v1  }
0x7e9: {  	v3 =	vld [tilespmem:s23+$0x1960];
	[tilespmem:s20+$0x2D0] =	vst v0  }
0x7ea: {  	[tilespmem:s20+$0x60] =	vst v2;
	v4 =	vld [tilespmem:s24+$0x1960]  }
0x7eb: {  	v2 =	vld [tilespmem:s25+$0x1960];
	[tilespmem:s20+$0xE0] =	vst v6  }
0x7ec: {  	v1 =	vld [tilespmem:s26+$0x1970];
	[tilespmem:s20+$0x160] =	vst v7  }
0x7ed: {  	s26 =	simm.s32 $0x0;
	v0 =	vld [tilespmem:s28+$0x1970];
	[tilespmem:s20+$0x1E0] =	vst v5;
	s28 =	simm.s32 $0x19F  }
.LBB2_28:
0x7ee: {  	s0 =	sld [smem:s28+$0x0];
	s26 =	sadd.s32 $0x8, s26;
	v5 =	vld [tilespmem:s21+$0x1970];
	[tilespmem:s20+$0x260] =	vst v3  }
0x7ef: {  	s2 =	sld [smem:s28+$0xFFFFFFFA];
	p0 =	slt.u32 s26, $0x188;
	v3 =	vld [tilespmem:s22+$0x1970];
	[tilespmem:s20+$0x2E0] =	vst v4  }
0x7f0: {  	s21 =	sld [smem:s28+$0xFFFFFFFB];
	v4 =	vld [tilespmem:s23+$0x1970];
	[tilespmem:s20+$0x360] =	vst v2  }
0x7f1: {  	s22 =	sld [smem:s28+$0xFFFFFFFC];
	s0 =	sshll.u32 s0, $0x9;
	[tilespmem:s20+$0x70] =	vst v1;
	v1 =	vld [tilespmem:s24+$0x1970]  }
0x7f2: {  	s2 =	sshll.u32 s2, $0x9;
	s23 =	sld [smem:s28+$0xFFFFFFFD];
	s31 =	sshra.s32 s0, $0x2;
	[tilespmem:s20+$0xF0] =	vst v0;
	v0 =	vld [tilespmem:s25+$0x1970]  }
0x7f3: {  	s29 =	sshra.s32 s2, $0x2;
	s0 =	sshll.u32 s21, $0x9;
	s2 =	sld [smem:s28+$0xFFFFFFFE];
	v2 =	vld [tilespmem:s31+$0x1900];
	[tilespmem:s20+$0x170] =	vst v5  }
0x7f4: {  	v5 =	vld [tilespmem:s29+$0x1900];
	s21 =	sshra.s32 s0, $0x2;
	s0 =	sshll.u32 s22, $0x9;
	s25 =	sld [smem:s28+$0xFFFFFFFF];
	[tilespmem:s20+$0x1F0] =	vst v3  }
0x7f5: {  	s30 =	sld [smem:s28+$0xFFFFFFF9];
	v3 =	vld [tilespmem:s21+$0x1900];
	s22 =	sshra.s32 s0, $0x2;
	s0 =	sshll.u32 s23, $0x9;
	[tilespmem:s20+$0x270] =	vst v4  }
0x7f6: {  	v4 =	vld [tilespmem:s22+$0x1900];
	s23 =	sshra.s32 s0, $0x2;
	s0 =	sshll.u32 s2, $0x9;
	[tilespmem:s20+$0x2F0] =	vst v1  }
0x7f7: {  	v1 =	vld [tilespmem:s23+$0x1900];
	s24 =	sshra.s32 s0, $0x2;
	s0 =	sshll.u32 s25, $0x9;
	[tilespmem:s20+$0x370] =	vst v0;
	s20 =	sadd.s32 $0x400, s20  }
0x7f8: {  	s2 =	sshll.u32 s30, $0x9;
	v0 =	vld [tilespmem:s24+$0x1900];
	s25 =	sshra.s32 s0, $0x2;
	[tilespmem:s20+$0x380] =	vst v2  }
0x7f9: {  	s30 =	sshra.s32 s2, $0x2;
	[tilespmem:s20+$0x80] =	vst v5;
	v2 =	vld [tilespmem:s31+$0x1910]  }
0x7fa: {  	v5 =	vld [tilespmem:s30+$0x1900];
	[tilespmem:s20+$0x100] =	vst v3  }
0x7fb: {  	[tilespmem:s20+$0x180] =	vst v4;
	v3 =	vld [tilespmem:s25+$0x1900]  }
0x7fc: {  	v4 =	vld [tilespmem:s29+$0x1910];
	[tilespmem:s20+$0x200] =	vst v1  }
0x7fd: {  	v1 =	vld [tilespmem:s21+$0x1910];
	[tilespmem:s20+$0x280] =	vst v0  }
0x7fe: {  	v0 =	vld [tilespmem:s22+$0x1910];
	[tilespmem:s20+$0x390] =	vst v2  }
0x7ff: {  	[tilespmem:s20+$0x0] =	vst v5;
	v2 =	vld [tilespmem:s31+$0x1920]  }
0x800: {  	v5 =	vld [tilespmem:s30+$0x1910];
	[tilespmem:s20+$0x300] =	vst v3  }
0x801: {  	[tilespmem:s20+$0x90] =	vst v4;
	v3 =	vld [tilespmem:s23+$0x1910]  }
0x802: {  	[tilespmem:s20+$0x110] =	vst v1;
	v1 =	vld [tilespmem:s24+$0x1910]  }
0x803: {  	[tilespmem:s20+$0x190] =	vst v0;
	v0 =	vld [tilespmem:s25+$0x1910]  }
0x804: {  	v4 =	vld [tilespmem:s29+$0x1920];
	[tilespmem:s20+$0x3A0] =	vst v2  }
0x805: {  	[tilespmem:s20+$0x10] =	vst v5;
	v2 =	vld [tilespmem:s31+$0x1930]  }
0x806: {  	v5 =	vld [tilespmem:s30+$0x1920];
	[tilespmem:s20+$0x210] =	vst v3  }
0x807: {  	v3 =	vld [tilespmem:s21+$0x1920];
	[tilespmem:s20+$0x290] =	vst v1  }
0x808: {  	v1 =	vld [tilespmem:s22+$0x1920];
	[tilespmem:s20+$0x310] =	vst v0  }
0x809: {  	[tilespmem:s20+$0xA0] =	vst v4;
	v0 =	vld [tilespmem:s23+$0x1920]  }
0x80a: {  	v4 =	vld [tilespmem:s24+$0x1920];
	[tilespmem:s20+$0x3B0] =	vst v2  }
0x80b: {  	[tilespmem:s20+$0x20] =	vst v5;
	v2 =	vld [tilespmem:s31+$0x1940]  }
0x80c: {  	[tilespmem:s20+$0x120] =	vst v3;
	v3 =	vld [tilespmem:s25+$0x1920]  }
0x80d: {  	v5 =	vld [tilespmem:s30+$0x1930];
	[tilespmem:s20+$0x1A0] =	vst v1  }
0x80e: {  	v1 =	vld [tilespmem:s29+$0x1930];
	[tilespmem:s20+$0x220] =	vst v0  }
0x80f: {  	v0 =	vld [tilespmem:s21+$0x1930];
	[tilespmem:s20+$0x2A0] =	vst v4  }
0x810: {  	v4 =	vld [tilespmem:s22+$0x1930];
	[tilespmem:s20+$0x3C0] =	vst v2  }
0x811: {  	[tilespmem:s20+$0x320] =	vst v3;
	v2 =	vld [tilespmem:s31+$0x1950]  }
0x812: {  	[tilespmem:s20+$0x30] =	vst v5;
	v3 =	vld [tilespmem:s23+$0x1930]  }
0x813: {  	[tilespmem:s20+$0xB0] =	vst v1;
	v1 =	vld [tilespmem:s24+$0x1930]  }
0x814: {  	[tilespmem:s20+$0x130] =	vst v0;
	v0 =	vld [tilespmem:s25+$0x1930]  }
0x815: {  	v5 =	vld [tilespmem:s30+$0x1940];
	[tilespmem:s20+$0x1B0] =	vst v4  }
0x816: {  	v4 =	vld [tilespmem:s29+$0x1940];
	[tilespmem:s20+$0x3D0] =	vst v2  }
0x817: {  	[tilespmem:s20+$0x230] =	vst v3;
	v2 =	vld [tilespmem:s31+$0x1960]  }
0x818: {  	v3 =	vld [tilespmem:s21+$0x1940];
	[tilespmem:s20+$0x2B0] =	vst v1  }
0x819: {  	v1 =	vld [tilespmem:s22+$0x1940];
	[tilespmem:s20+$0x330] =	vst v0  }
0x81a: {  	[tilespmem:s20+$0x40] =	vst v5;
	v0 =	vld [tilespmem:s23+$0x1940]  }
0x81b: {  	[tilespmem:s20+$0xC0] =	vst v4;
	v4 =	vld [tilespmem:s24+$0x1940]  }
0x81c: {  	v5 =	vld [tilespmem:s25+$0x1940];
	[tilespmem:s20+$0x3E0] =	vst v2  }
0x81d: {  	[tilespmem:s20+$0x140] =	vst v3;
	v2 =	vld [tilespmem:s31+$0x1970]  }
0x81e: {  	v3 =	vld [tilespmem:s30+$0x1950];
	[tilespmem:s20+$0x1C0] =	vst v1  }
0x81f: {  	v1 =	vld [tilespmem:s29+$0x1950];
	[tilespmem:s20+$0x240] =	vst v0  }
0x820: {  	v0 =	vld [tilespmem:s21+$0x1950];
	[tilespmem:s20+$0x2C0] =	vst v4  }
0x821: {  	v4 =	vld [tilespmem:s22+$0x1950];
	[tilespmem:s20+$0x340] =	vst v5  }
0x822: {  	v5 =	vld [tilespmem:s23+$0x1950];
	[tilespmem:s20+$0x3F0] =	vst v2  }
0x823: {  	[tilespmem:s20+$0x50] =	vst v3;
	v2 =	vld [tilespmem:s24+$0x1950]  }
0x824: {  	[tilespmem:s20+$0xD0] =	vst v1;
	v1 =	vld [tilespmem:s25+$0x1950]  }
0x825: {  	v6 =	vld [tilespmem:s30+$0x1960];
	[tilespmem:s20+$0x150] =	vst v0  }
0x826: {  	v0 =	vld [tilespmem:s29+$0x1960];
	[tilespmem:s20+$0x1D0] =	vst v4  }
0x827: {  	v7 =	vld [tilespmem:s21+$0x1960];
	[tilespmem:s20+$0x250] =	vst v5  }
0x828: {  	v5 =	vld [tilespmem:s22+$0x1960];
	[tilespmem:s20+$0x2D0] =	vst v2  }
.Ltmp13:
0x829: {  	v3 =	vld [tilespmem:s23+$0x1960];
	[tilespmem:s20+$0x350] =	vst v1;
	(pc) =	sbr.rel @p0 .LBB2_28-.Ltmp13, $4  }
0x82a: {  	[tilespmem:s20+$0x60] =	vst v6;
	v4 =	vld [tilespmem:s24+$0x1960]  }
0x82b: {  	[tilespmem:s20+$0xE0] =	vst v0;
	v2 =	vld [tilespmem:s25+$0x1960]  }
0x82c: {  	v1 =	vld [tilespmem:s30+$0x1970];
	[tilespmem:s20+$0x160] =	vst v7  }
0x82d: {  	s28 =	sadd.s32 $0x8, s28;
	v0 =	vld [tilespmem:s29+$0x1970];
	[tilespmem:s20+$0x1E0] =	vst v5  }
0x82e: {  	v5 =	vld [tilespmem:s21+$0x1970];
	[tilespmem:s20+$0x260] =	vst v3  }
0x82f: {  	v3 =	vld [tilespmem:s22+$0x1970];
	[tilespmem:s20+$0x2E0] =	vst v4  }
0x830: {  	v4 =	vld [tilespmem:s23+$0x1970];
	[tilespmem:s20+$0x360] =	vst v2  }
0x831: {  	[tilespmem:s20+$0x70] =	vst v1;
	v1 =	vld [tilespmem:s24+$0x1970]  }
0x832: {  	[tilespmem:s20+$0xF0] =	vst v0;
	v0 =	vld [tilespmem:s25+$0x1970]  }
0x833: {  	[tilespmem:s20+$0x170] =	vst v5  }
0x834: {  	[tilespmem:s20+$0x1F0] =	vst v3  }
0x835: {  	[tilespmem:s20+$0x270] =	vst v4  }
0x836: {  	[tilespmem:s20+$0x2F0] =	vst v1  }
0x837: {  	[tilespmem:s20+$0x370] =	vst v0  }
0x838: {  	s0 =	rddreg [dreg:$0x16]  }
0x839: {  	[hbm4b:s0+s3] =	stream.linear.scatter [tilespmem:s16], [sflag:$0x5], $0xC800, $0x38;
	[tilespmem:$0x1AD00] =	vst v63  }
0x83a: {  	_ =	swait.ge [sflag:s12], $0x190  }
0x83b: {  	[sflag:s12] =	ssyncset.done $0x0  }
0x83c: {  	s21 =	simm.s32 $0x4;
	[sflag:s12] =	ssyncadd.s32 $0xFFFFFE70  }
0x83d: {  	[smem:s13], [sflag:$0x3] =	stream.linear.gather [spmem:s9], $0x190, $0x38;
	[tilespmem:$0x1AD00] =	vst v63  }
0x83e: {  	_ =	swait.ge [sflag:s21], $0xC800  }
0x83f: {  	[sflag:s21] =	ssyncset.done $0x0  }
0x840: {  	[sflag:s21] =	ssyncadd.s32 $0xFFFF3800  }
0x841: {  	s0 =	sld [smem:$0x7]  }
0x842: {  	s2 =	sld [smem:$0x1]  }
0x843: {  	s22 =	sld [smem:$0x2]  }
0x844: {  	s23 =	sld [smem:$0x3];
	s0 =	sshll.u32 s0, $0x9  }
0x845: {  	s24 =	sld [smem:$0x4];
	s2 =	sshll.u32 s2, $0x9;
	s29 =	sshra.s32 s0, $0x2  }
0x846: {  	s25 =	sld [smem:$0x5];
	s28 =	sshra.s32 s2, $0x2;
	v0 =	vld [tilespmem:s29+$0x1900];
	s30 =	sshll.u32 s22, $0x9  }
0x847: {  	v1 =	vld [tilespmem:s28+$0x1900];
	s31 =	sld [smem:$0x6];
	s21 =	sshra.s32 s30, $0x2;
	s22 =	sshll.u32 s23, $0x9  }
0x848: {  	s26 =	sld [smem:$0x0];
	v2 =	vld [tilespmem:s21+$0x1900];
	s22 =	sshra.s32 s22, $0x2;
	s24 =	sshll.u32 s24, $0x9  }
0x849: {  	v3 =	vld [tilespmem:s22+$0x1900];
	s23 =	sshra.s32 s24, $0x2;
	s0 =	sshll.u32 s25, $0x9  }
0x84a: {  	s20 =	simm.s32 $0x1F00;
	v4 =	vld [tilespmem:s23+$0x1900];
	s24 =	sshra.s32 s0, $0x2  }
0x84b: {  	s30 =	sshll.u32 s26, $0x9;
	v5 =	vld [tilespmem:s24+$0x1900];
	[tilespmem:s20+$0x180] =	vst v0  }
0x84c: {  	s31 =	sshll.u32 s31, $0x9;
	s26 =	sshra.s32 s30, $0x2;
	[tilespmem:s20+$0xFFFFFE80] =	vst v1;
	v0 =	vld [tilespmem:s29+$0x1910]  }
0x84d: {  	s25 =	sshra.s32 s31, $0x2;
	v1 =	vld [tilespmem:s26+$0x1900];
	[tilespmem:s20+$0xFFFFFF00] =	vst v2  }
0x84e: {  	v2 =	vld [tilespmem:s25+$0x1900];
	[tilespmem:s20+$0xFFFFFF80] =	vst v3  }
0x84f: {  	v3 =	vld [tilespmem:s28+$0x1910];
	[tilespmem:s20+$0x0] =	vst v4  }
0x850: {  	v4 =	vld [tilespmem:s21+$0x1910];
	[tilespmem:s20+$0x80] =	vst v5  }
0x851: {  	v5 =	vld [tilespmem:s22+$0x1910];
	[tilespmem:s20+$0x190] =	vst v0  }
0x852: {  	[tilespmem:s20+$0xFFFFFE00] =	vst v1;
	v0 =	vld [tilespmem:s29+$0x1920]  }
0x853: {  	[tilespmem:s20+$0x100] =	vst v2;
	v2 =	vld [tilespmem:s23+$0x1910]  }
0x854: {  	v1 =	vld [tilespmem:s26+$0x1910];
	[tilespmem:s20+$0xFFFFFE90] =	vst v3  }
0x855: {  	v3 =	vld [tilespmem:s24+$0x1910];
	[tilespmem:s20+$0xFFFFFF10] =	vst v4  }
0x856: {  	v4 =	vld [tilespmem:s25+$0x1910];
	[tilespmem:s20+$0xFFFFFF90] =	vst v5  }
0x857: {  	v5 =	vld [tilespmem:s28+$0x1920];
	[tilespmem:s20+$0x1A0] =	vst v0  }
0x858: {  	[tilespmem:s20+$0x10] =	vst v2;
	v0 =	vld [tilespmem:s29+$0x1930]  }
0x859: {  	v2 =	vld [tilespmem:s21+$0x1920];
	[tilespmem:s20+$0xFFFFFE10] =	vst v1  }
0x85a: {  	[tilespmem:s20+$0x90] =	vst v3;
	v1 =	vld [tilespmem:s26+$0x1920]  }
0x85b: {  	v3 =	vld [tilespmem:s22+$0x1920];
	[tilespmem:s20+$0x110] =	vst v4  }
0x85c: {  	v4 =	vld [tilespmem:s23+$0x1920];
	[tilespmem:s20+$0xFFFFFEA0] =	vst v5  }
0x85d: {  	v5 =	vld [tilespmem:s24+$0x1920];
	[tilespmem:s20+$0x1B0] =	vst v0  }
0x85e: {  	[tilespmem:s20+$0xFFFFFF20] =	vst v2;
	v0 =	vld [tilespmem:s29+$0x1940]  }
0x85f: {  	[tilespmem:s20+$0xFFFFFE20] =	vst v1;
	v1 =	vld [tilespmem:s25+$0x1920]  }
0x860: {  	[tilespmem:s20+$0xFFFFFFA0] =	vst v3;
	v3 =	vld [tilespmem:s28+$0x1930]  }
0x861: {  	[tilespmem:s20+$0x20] =	vst v4;
	v2 =	vld [tilespmem:s26+$0x1930]  }
0x862: {  	v4 =	vld [tilespmem:s21+$0x1930];
	[tilespmem:s20+$0xA0] =	vst v5  }
0x863: {  	v5 =	vld [tilespmem:s22+$0x1930];
	[tilespmem:s20+$0x1C0] =	vst v0  }
0x864: {  	[tilespmem:s20+$0x120] =	vst v1;
	v1 =	vld [tilespmem:s23+$0x1930]  }
0x865: {  	[tilespmem:s20+$0xFFFFFEB0] =	vst v3;
	v0 =	vld [tilespmem:s29+$0x1950]  }
0x866: {  	[tilespmem:s20+$0xFFFFFE30] =	vst v2;
	v2 =	vld [tilespmem:s24+$0x1930]  }
0x867: {  	[tilespmem:s20+$0xFFFFFF30] =	vst v4;
	v3 =	vld [tilespmem:s25+$0x1930]  }
0x868: {  	[tilespmem:s20+$0xFFFFFFB0] =	vst v5;
	v5 =	vld [tilespmem:s28+$0x1940]  }
0x869: {  	v4 =	vld [tilespmem:s26+$0x1940];
	[tilespmem:s20+$0x30] =	vst v1  }
0x86a: {  	v1 =	vld [tilespmem:s21+$0x1940];
	[tilespmem:s20+$0x1D0] =	vst v0  }
0x86b: {  	[tilespmem:s20+$0xB0] =	vst v2;
	v2 =	vld [tilespmem:s22+$0x1940]  }
0x86c: {  	[tilespmem:s20+$0x130] =	vst v3;
	v0 =	vld [tilespmem:s29+$0x1960]  }
0x86d: {  	v3 =	vld [tilespmem:s23+$0x1940];
	[tilespmem:s20+$0xFFFFFEC0] =	vst v5  }
0x86e: {  	[tilespmem:s20+$0xFFFFFE40] =	vst v4;
	v4 =	vld [tilespmem:s24+$0x1940]  }
0x86f: {  	v5 =	vld [tilespmem:s25+$0x1940];
	[tilespmem:s20+$0xFFFFFF40] =	vst v1  }
0x870: {  	v1 =	vld [tilespmem:s26+$0x1950];
	[tilespmem:s20+$0xFFFFFFC0] =	vst v2  }
0x871: {  	v2 =	vld [tilespmem:s28+$0x1950];
	[tilespmem:s20+$0x1E0] =	vst v0  }
0x872: {  	[tilespmem:s20+$0x40] =	vst v3;
	v0 =	vld [tilespmem:s29+$0x1970]  }
0x873: {  	v3 =	vld [tilespmem:s21+$0x1950];
	[tilespmem:s20+$0xC0] =	vst v4  }
0x874: {  	v4 =	vld [tilespmem:s22+$0x1950];
	[tilespmem:s20+$0x140] =	vst v5  }
0x875: {  	v5 =	vld [tilespmem:s23+$0x1950];
	[tilespmem:s20+$0xFFFFFE50] =	vst v1  }
0x876: {  	v1 =	vld [tilespmem:s25+$0x1950];
	[tilespmem:s20+$0xFFFFFED0] =	vst v2  }
0x877: {  	[tilespmem:s20+$0x1F0] =	vst v0;
	v0 =	vld [tilespmem:s24+$0x1950]  }
0x878: {  	v2 =	vld [tilespmem:s26+$0x1960];
	[tilespmem:s20+$0xFFFFFF50] =	vst v3  }
0x879: {  	v6 =	vld [tilespmem:s28+$0x1960];
	[tilespmem:s20+$0xFFFFFFD0] =	vst v4  }
0x87a: {  	v7 =	vld [tilespmem:s21+$0x1960];
	[tilespmem:s20+$0x50] =	vst v5  }
0x87b: {  	v5 =	vld [tilespmem:s22+$0x1960];
	[tilespmem:s20+$0x150] =	vst v1  }
0x87c: {  	v3 =	vld [tilespmem:s23+$0x1960];
	[tilespmem:s20+$0xD0] =	vst v0  }
0x87d: {  	[tilespmem:s20+$0xFFFFFE60] =	vst v2;
	v4 =	vld [tilespmem:s24+$0x1960]  }
0x87e: {  	v2 =	vld [tilespmem:s25+$0x1960];
	[tilespmem:s20+$0xFFFFFEE0] =	vst v6  }
0x87f: {  	v1 =	vld [tilespmem:s26+$0x1970];
	[tilespmem:s20+$0xFFFFFF60] =	vst v7  }
0x880: {  	s26 =	simm.s32 $0x0;
	v0 =	vld [tilespmem:s28+$0x1970];
	[tilespmem:s20+$0xFFFFFFE0] =	vst v5;
	s28 =	simm.s32 $0xC  }
.LBB2_30:
0x881: {  	s0 =	sld [smem:s28+$0x3];
	s26 =	sadd.s32 $0x8, s26;
	v5 =	vld [tilespmem:s21+$0x1970];
	[tilespmem:s20+$0x60] =	vst v3  }
0x882: {  	s2 =	sld [smem:s28+$0xFFFFFFFD];
	p0 =	slt.u32 s26, $0x188;
	v3 =	vld [tilespmem:s22+$0x1970];
	[tilespmem:s20+$0xE0] =	vst v4  }
0x883: {  	s21 =	sld [smem:s28+$0xFFFFFFFE];
	v4 =	vld [tilespmem:s23+$0x1970];
	[tilespmem:s20+$0x160] =	vst v2  }
0x884: {  	s22 =	sld [smem:s28+$0xFFFFFFFF];
	s0 =	sshll.u32 s0, $0x9;
	[tilespmem:s20+$0xFFFFFE70] =	vst v1;
	v1 =	vld [tilespmem:s24+$0x1970]  }
0x885: {  	s2 =	sshll.u32 s2, $0x9;
	s23 =	sld [smem:s28+$0x0];
	s31 =	sshra.s32 s0, $0x2;
	[tilespmem:s20+$0xFFFFFEF0] =	vst v0;
	v0 =	vld [tilespmem:s25+$0x1970]  }
0x886: {  	s29 =	sshra.s32 s2, $0x2;
	s0 =	sshll.u32 s21, $0x9;
	s2 =	sld [smem:s28+$0x1];
	v2 =	vld [tilespmem:s31+$0x1900];
	[tilespmem:s20+$0xFFFFFF70] =	vst v5  }
0x887: {  	v5 =	vld [tilespmem:s29+$0x1900];
	s21 =	sshra.s32 s0, $0x2;
	s0 =	sshll.u32 s22, $0x9;
	s25 =	sld [smem:s28+$0x2];
	[tilespmem:s20+$0xFFFFFFF0] =	vst v3  }
0x888: {  	s30 =	sld [smem:s28+$0xFFFFFFFC];
	v3 =	vld [tilespmem:s21+$0x1900];
	s22 =	sshra.s32 s0, $0x2;
	s0 =	sshll.u32 s23, $0x9;
	[tilespmem:s20+$0x70] =	vst v4  }
0x889: {  	v4 =	vld [tilespmem:s22+$0x1900];
	s23 =	sshra.s32 s0, $0x2;
	s0 =	sshll.u32 s2, $0x9;
	[tilespmem:s20+$0xF0] =	vst v1  }
0x88a: {  	v1 =	vld [tilespmem:s23+$0x1900];
	s24 =	sshra.s32 s0, $0x2;
	s0 =	sshll.u32 s25, $0x9;
	[tilespmem:s20+$0x170] =	vst v0;
	s20 =	sadd.s32 $0x400, s20  }
0x88b: {  	s2 =	sshll.u32 s30, $0x9;
	v0 =	vld [tilespmem:s24+$0x1900];
	s25 =	sshra.s32 s0, $0x2;
	[tilespmem:s20+$0x180] =	vst v2  }
0x88c: {  	s30 =	sshra.s32 s2, $0x2;
	[tilespmem:s20+$0xFFFFFE80] =	vst v5;
	v2 =	vld [tilespmem:s31+$0x1910]  }
0x88d: {  	v5 =	vld [tilespmem:s30+$0x1900];
	[tilespmem:s20+$0xFFFFFF00] =	vst v3  }
0x88e: {  	[tilespmem:s20+$0xFFFFFF80] =	vst v4;
	v3 =	vld [tilespmem:s25+$0x1900]  }
0x88f: {  	v4 =	vld [tilespmem:s29+$0x1910];
	[tilespmem:s20+$0x0] =	vst v1  }
0x890: {  	v1 =	vld [tilespmem:s21+$0x1910];
	[tilespmem:s20+$0x80] =	vst v0  }
0x891: {  	v0 =	vld [tilespmem:s22+$0x1910];
	[tilespmem:s20+$0x190] =	vst v2  }
0x892: {  	[tilespmem:s20+$0xFFFFFE00] =	vst v5;
	v2 =	vld [tilespmem:s31+$0x1920]  }
0x893: {  	v5 =	vld [tilespmem:s30+$0x1910];
	[tilespmem:s20+$0x100] =	vst v3  }
0x894: {  	[tilespmem:s20+$0xFFFFFE90] =	vst v4;
	v3 =	vld [tilespmem:s23+$0x1910]  }
0x895: {  	[tilespmem:s20+$0xFFFFFF10] =	vst v1;
	v1 =	vld [tilespmem:s24+$0x1910]  }
0x896: {  	[tilespmem:s20+$0xFFFFFF90] =	vst v0;
	v0 =	vld [tilespmem:s25+$0x1910]  }
0x897: {  	v4 =	vld [tilespmem:s29+$0x1920];
	[tilespmem:s20+$0x1A0] =	vst v2  }
0x898: {  	[tilespmem:s20+$0xFFFFFE10] =	vst v5;
	v2 =	vld [tilespmem:s31+$0x1930]  }
0x899: {  	v5 =	vld [tilespmem:s30+$0x1920];
	[tilespmem:s20+$0x10] =	vst v3  }
0x89a: {  	v3 =	vld [tilespmem:s21+$0x1920];
	[tilespmem:s20+$0x90] =	vst v1  }
0x89b: {  	v1 =	vld [tilespmem:s22+$0x1920];
	[tilespmem:s20+$0x110] =	vst v0  }
0x89c: {  	[tilespmem:s20+$0xFFFFFEA0] =	vst v4;
	v0 =	vld [tilespmem:s23+$0x1920]  }
0x89d: {  	v4 =	vld [tilespmem:s24+$0x1920];
	[tilespmem:s20+$0x1B0] =	vst v2  }
0x89e: {  	[tilespmem:s20+$0xFFFFFE20] =	vst v5;
	v2 =	vld [tilespmem:s31+$0x1940]  }
0x89f: {  	[tilespmem:s20+$0xFFFFFF20] =	vst v3;
	v3 =	vld [tilespmem:s25+$0x1920]  }
0x8a0: {  	v5 =	vld [tilespmem:s30+$0x1930];
	[tilespmem:s20+$0xFFFFFFA0] =	vst v1  }
0x8a1: {  	v1 =	vld [tilespmem:s29+$0x1930];
	[tilespmem:s20+$0x20] =	vst v0  }
0x8a2: {  	v0 =	vld [tilespmem:s21+$0x1930];
	[tilespmem:s20+$0xA0] =	vst v4  }
0x8a3: {  	v4 =	vld [tilespmem:s22+$0x1930];
	[tilespmem:s20+$0x1C0] =	vst v2  }
0x8a4: {  	[tilespmem:s20+$0x120] =	vst v3;
	v2 =	vld [tilespmem:s31+$0x1950]  }
0x8a5: {  	[tilespmem:s20+$0xFFFFFE30] =	vst v5;
	v3 =	vld [tilespmem:s23+$0x1930]  }
0x8a6: {  	[tilespmem:s20+$0xFFFFFEB0] =	vst v1;
	v1 =	vld [tilespmem:s24+$0x1930]  }
0x8a7: {  	[tilespmem:s20+$0xFFFFFF30] =	vst v0;
	v0 =	vld [tilespmem:s25+$0x1930]  }
0x8a8: {  	v5 =	vld [tilespmem:s30+$0x1940];
	[tilespmem:s20+$0xFFFFFFB0] =	vst v4  }
0x8a9: {  	v4 =	vld [tilespmem:s29+$0x1940];
	[tilespmem:s20+$0x1D0] =	vst v2  }
0x8aa: {  	[tilespmem:s20+$0x30] =	vst v3;
	v2 =	vld [tilespmem:s31+$0x1960]  }
0x8ab: {  	v3 =	vld [tilespmem:s21+$0x1940];
	[tilespmem:s20+$0xB0] =	vst v1  }
0x8ac: {  	v1 =	vld [tilespmem:s22+$0x1940];
	[tilespmem:s20+$0x130] =	vst v0  }
0x8ad: {  	[tilespmem:s20+$0xFFFFFE40] =	vst v5;
	v0 =	vld [tilespmem:s23+$0x1940]  }
0x8ae: {  	[tilespmem:s20+$0xFFFFFEC0] =	vst v4;
	v4 =	vld [tilespmem:s24+$0x1940]  }
0x8af: {  	v5 =	vld [tilespmem:s25+$0x1940];
	[tilespmem:s20+$0x1E0] =	vst v2  }
0x8b0: {  	[tilespmem:s20+$0xFFFFFF40] =	vst v3;
	v2 =	vld [tilespmem:s31+$0x1970]  }
0x8b1: {  	v3 =	vld [tilespmem:s30+$0x1950];
	[tilespmem:s20+$0xFFFFFFC0] =	vst v1  }
0x8b2: {  	v1 =	vld [tilespmem:s29+$0x1950];
	[tilespmem:s20+$0x40] =	vst v0  }
0x8b3: {  	v0 =	vld [tilespmem:s21+$0x1950];
	[tilespmem:s20+$0xC0] =	vst v4  }
0x8b4: {  	v4 =	vld [tilespmem:s22+$0x1950];
	[tilespmem:s20+$0x140] =	vst v5  }
0x8b5: {  	v5 =	vld [tilespmem:s23+$0x1950];
	[tilespmem:s20+$0x1F0] =	vst v2  }
0x8b6: {  	[tilespmem:s20+$0xFFFFFE50] =	vst v3;
	v2 =	vld [tilespmem:s24+$0x1950]  }
0x8b7: {  	[tilespmem:s20+$0xFFFFFED0] =	vst v1;
	v1 =	vld [tilespmem:s25+$0x1950]  }
0x8b8: {  	v6 =	vld [tilespmem:s30+$0x1960];
	[tilespmem:s20+$0xFFFFFF50] =	vst v0  }
0x8b9: {  	v0 =	vld [tilespmem:s29+$0x1960];
	[tilespmem:s20+$0xFFFFFFD0] =	vst v4  }
0x8ba: {  	v7 =	vld [tilespmem:s21+$0x1960];
	[tilespmem:s20+$0x50] =	vst v5  }
0x8bb: {  	v5 =	vld [tilespmem:s22+$0x1960];
	[tilespmem:s20+$0xD0] =	vst v2  }
.Ltmp14:
0x8bc: {  	v3 =	vld [tilespmem:s23+$0x1960];
	[tilespmem:s20+$0x150] =	vst v1;
	(pc) =	sbr.rel @p0 .LBB2_30-.Ltmp14, $4  }
0x8bd: {  	[tilespmem:s20+$0xFFFFFE60] =	vst v6;
	v4 =	vld [tilespmem:s24+$0x1960]  }
0x8be: {  	[tilespmem:s20+$0xFFFFFEE0] =	vst v0;
	v2 =	vld [tilespmem:s25+$0x1960]  }
0x8bf: {  	v1 =	vld [tilespmem:s30+$0x1970];
	[tilespmem:s20+$0xFFFFFF60] =	vst v7  }
0x8c0: {  	s28 =	sadd.s32 $0x8, s28;
	v0 =	vld [tilespmem:s29+$0x1970];
	[tilespmem:s20+$0xFFFFFFE0] =	vst v5  }
0x8c1: {  	v5 =	vld [tilespmem:s21+$0x1970];
	[tilespmem:s20+$0x60] =	vst v3  }
0x8c2: {  	v3 =	vld [tilespmem:s22+$0x1970];
	[tilespmem:s20+$0xE0] =	vst v4  }
0x8c3: {  	v4 =	vld [tilespmem:s23+$0x1970];
	[tilespmem:s20+$0x160] =	vst v2  }
0x8c4: {  	[tilespmem:s20+$0xFFFFFE70] =	vst v1;
	v1 =	vld [tilespmem:s24+$0x1970]  }
0x8c5: {  	[tilespmem:s20+$0xFFFFFEF0] =	vst v0;
	v0 =	vld [tilespmem:s25+$0x1970]  }
0x8c6: {  	[tilespmem:s20+$0xFFFFFF70] =	vst v5  }
0x8c7: {  	[tilespmem:s20+$0xFFFFFFF0] =	vst v3  }
0x8c8: {  	[tilespmem:s20+$0x70] =	vst v4  }
0x8c9: {  	[tilespmem:s20+$0xF0] =	vst v1  }
0x8ca: {  	[tilespmem:s20+$0x170] =	vst v0  }
0x8cb: {  	s0 =	rddreg [dreg:$0x17]  }
0x8cc: {  	[hbm4b:s0+s3] =	stream.linear.scatter [tilespmem:s14], [sflag:$0x4], $0xC800, $0x38;
	[tilespmem:$0x1AD00] =	vst v63  }
0x8cd: {  	_ =	swait.ge [sflag:s15], $0x190  }
0x8ce: {  	[sflag:s15] =	ssyncset.done $0x0  }
0x8cf: {  	[sflag:s15] =	ssyncadd.s32 $0xFFFFFE70  }
0x8d0: {  	_ =	swait.ge [sflag:s17], $0xC800  }
0x8d1: {  	[sflag:s17] =	ssyncset.done $0x0  }
0x8d2: {  	[sflag:s17] =	ssyncadd.s32 $0xFFFF3800  }
0x8d3: {  	s21 =	sld [smem:$0x197]  }
0x8d4: {  	s2 =	sld [smem:$0x191]  }
0x8d5: {  	s22 =	sld [smem:$0x192]  }
0x8d6: {  	s23 =	sld [smem:$0x193];
	s0 =	sshll.u32 s21, $0x9  }
0x8d7: {  	s24 =	sld [smem:$0x194];
	s2 =	sshll.u32 s2, $0x9;
	s29 =	sshra.s32 s0, $0x2  }
0x8d8: {  	s25 =	sld [smem:$0x195];
	s28 =	sshra.s32 s2, $0x2;
	v0 =	vld [tilespmem:s29+$0x1900];
	s30 =	sshll.u32 s22, $0x9  }
0x8d9: {  	v1 =	vld [tilespmem:s28+$0x1900];
	s31 =	sld [smem:$0x196];
	s21 =	sshra.s32 s30, $0x2;
	s22 =	sshll.u32 s23, $0x9  }
0x8da: {  	s26 =	sld [smem:$0x190];
	v2 =	vld [tilespmem:s21+$0x1900];
	s22 =	sshra.s32 s22, $0x2;
	s24 =	sshll.u32 s24, $0x9  }
0x8db: {  	v3 =	vld [tilespmem:s22+$0x1900];
	s23 =	sshra.s32 s24, $0x2;
	s0 =	sshll.u32 s25, $0x9  }
0x8dc: {  	s20 =	simm.s32 $0xE500;
	v4 =	vld [tilespmem:s23+$0x1900];
	s24 =	sshra.s32 s0, $0x2  }
0x8dd: {  	s30 =	sshll.u32 s26, $0x9;
	v5 =	vld [tilespmem:s24+$0x1900];
	[tilespmem:s20+$0x380] =	vst v0  }
0x8de: {  	s31 =	sshll.u32 s31, $0x9;
	s26 =	sshra.s32 s30, $0x2;
	[tilespmem:s20+$0x80] =	vst v1;
	v0 =	vld [tilespmem:s29+$0x1910]  }
0x8df: {  	s25 =	sshra.s32 s31, $0x2;
	v1 =	vld [tilespmem:s26+$0x1900];
	[tilespmem:s20+$0x100] =	vst v2  }
0x8e0: {  	v2 =	vld [tilespmem:s25+$0x1900];
	[tilespmem:s20+$0x180] =	vst v3  }
0x8e1: {  	v3 =	vld [tilespmem:s28+$0x1910];
	[tilespmem:s20+$0x200] =	vst v4  }
0x8e2: {  	v4 =	vld [tilespmem:s21+$0x1910];
	[tilespmem:s20+$0x280] =	vst v5  }
0x8e3: {  	v5 =	vld [tilespmem:s22+$0x1910];
	[tilespmem:s20+$0x390] =	vst v0  }
0x8e4: {  	[tilespmem:s20+$0x0] =	vst v1;
	v0 =	vld [tilespmem:s29+$0x1920]  }
0x8e5: {  	[tilespmem:s20+$0x300] =	vst v2;
	v2 =	vld [tilespmem:s23+$0x1910]  }
0x8e6: {  	v1 =	vld [tilespmem:s26+$0x1910];
	[tilespmem:s20+$0x90] =	vst v3  }
0x8e7: {  	v3 =	vld [tilespmem:s24+$0x1910];
	[tilespmem:s20+$0x110] =	vst v4  }
0x8e8: {  	v4 =	vld [tilespmem:s25+$0x1910];
	[tilespmem:s20+$0x190] =	vst v5  }
0x8e9: {  	v5 =	vld [tilespmem:s28+$0x1920];
	[tilespmem:s20+$0x3A0] =	vst v0  }
0x8ea: {  	[tilespmem:s20+$0x210] =	vst v2;
	v0 =	vld [tilespmem:s29+$0x1930]  }
0x8eb: {  	v2 =	vld [tilespmem:s21+$0x1920];
	[tilespmem:s20+$0x10] =	vst v1  }
0x8ec: {  	[tilespmem:s20+$0x290] =	vst v3;
	v1 =	vld [tilespmem:s26+$0x1920]  }
0x8ed: {  	v3 =	vld [tilespmem:s22+$0x1920];
	[tilespmem:s20+$0x310] =	vst v4  }
0x8ee: {  	v4 =	vld [tilespmem:s23+$0x1920];
	[tilespmem:s20+$0xA0] =	vst v5  }
0x8ef: {  	v5 =	vld [tilespmem:s24+$0x1920];
	[tilespmem:s20+$0x3B0] =	vst v0  }
0x8f0: {  	[tilespmem:s20+$0x120] =	vst v2;
	v0 =	vld [tilespmem:s29+$0x1940]  }
0x8f1: {  	[tilespmem:s20+$0x20] =	vst v1;
	v1 =	vld [tilespmem:s25+$0x1920]  }
0x8f2: {  	[tilespmem:s20+$0x1A0] =	vst v3;
	v3 =	vld [tilespmem:s28+$0x1930]  }
0x8f3: {  	[tilespmem:s20+$0x220] =	vst v4;
	v2 =	vld [tilespmem:s26+$0x1930]  }
0x8f4: {  	v4 =	vld [tilespmem:s21+$0x1930];
	[tilespmem:s20+$0x2A0] =	vst v5  }
0x8f5: {  	v5 =	vld [tilespmem:s22+$0x1930];
	[tilespmem:s20+$0x3C0] =	vst v0  }
0x8f6: {  	[tilespmem:s20+$0x320] =	vst v1;
	v1 =	vld [tilespmem:s23+$0x1930]  }
0x8f7: {  	[tilespmem:s20+$0xB0] =	vst v3;
	v0 =	vld [tilespmem:s29+$0x1950]  }
0x8f8: {  	[tilespmem:s20+$0x30] =	vst v2;
	v2 =	vld [tilespmem:s24+$0x1930]  }
0x8f9: {  	[tilespmem:s20+$0x130] =	vst v4;
	v3 =	vld [tilespmem:s25+$0x1930]  }
0x8fa: {  	[tilespmem:s20+$0x1B0] =	vst v5;
	v5 =	vld [tilespmem:s28+$0x1940]  }
0x8fb: {  	v4 =	vld [tilespmem:s26+$0x1940];
	[tilespmem:s20+$0x230] =	vst v1  }
0x8fc: {  	v1 =	vld [tilespmem:s21+$0x1940];
	[tilespmem:s20+$0x3D0] =	vst v0  }
0x8fd: {  	[tilespmem:s20+$0x2B0] =	vst v2;
	v2 =	vld [tilespmem:s22+$0x1940]  }
0x8fe: {  	[tilespmem:s20+$0x330] =	vst v3;
	v0 =	vld [tilespmem:s29+$0x1960]  }
0x8ff: {  	v3 =	vld [tilespmem:s23+$0x1940];
	[tilespmem:s20+$0xC0] =	vst v5  }
0x900: {  	[tilespmem:s20+$0x40] =	vst v4;
	v4 =	vld [tilespmem:s24+$0x1940]  }
0x901: {  	v5 =	vld [tilespmem:s25+$0x1940];
	[tilespmem:s20+$0x140] =	vst v1  }
0x902: {  	v1 =	vld [tilespmem:s26+$0x1950];
	[tilespmem:s20+$0x1C0] =	vst v2  }
0x903: {  	v2 =	vld [tilespmem:s28+$0x1950];
	[tilespmem:s20+$0x3E0] =	vst v0  }
0x904: {  	[tilespmem:s20+$0x240] =	vst v3;
	v0 =	vld [tilespmem:s29+$0x1970]  }
0x905: {  	v3 =	vld [tilespmem:s21+$0x1950];
	[tilespmem:s20+$0x2C0] =	vst v4  }
0x906: {  	v4 =	vld [tilespmem:s22+$0x1950];
	[tilespmem:s20+$0x340] =	vst v5  }
0x907: {  	v5 =	vld [tilespmem:s23+$0x1950];
	[tilespmem:s20+$0x50] =	vst v1  }
0x908: {  	v1 =	vld [tilespmem:s25+$0x1950];
	[tilespmem:s20+$0xD0] =	vst v2  }
0x909: {  	[tilespmem:s20+$0x3F0] =	vst v0;
	v0 =	vld [tilespmem:s24+$0x1950]  }
0x90a: {  	v2 =	vld [tilespmem:s26+$0x1960];
	[tilespmem:s20+$0x150] =	vst v3  }
0x90b: {  	v6 =	vld [tilespmem:s28+$0x1960];
	[tilespmem:s20+$0x1D0] =	vst v4  }
0x90c: {  	v7 =	vld [tilespmem:s21+$0x1960];
	[tilespmem:s20+$0x250] =	vst v5  }
0x90d: {  	v5 =	vld [tilespmem:s22+$0x1960];
	[tilespmem:s20+$0x350] =	vst v1  }
0x90e: {  	v3 =	vld [tilespmem:s23+$0x1960];
	[tilespmem:s20+$0x2D0] =	vst v0  }
0x90f: {  	[tilespmem:s20+$0x60] =	vst v2;
	v4 =	vld [tilespmem:s24+$0x1960]  }
0x910: {  	v2 =	vld [tilespmem:s25+$0x1960];
	[tilespmem:s20+$0xE0] =	vst v6  }
0x911: {  	v1 =	vld [tilespmem:s26+$0x1970];
	[tilespmem:s20+$0x160] =	vst v7  }
0x912: {  	s26 =	simm.s32 $0x0;
	v0 =	vld [tilespmem:s28+$0x1970];
	[tilespmem:s20+$0x1E0] =	vst v5;
	s28 =	simm.s32 $0x19F  }
.LBB2_32:
0x913: {  	s0 =	sld [smem:s28+$0x0];
	s26 =	sadd.s32 $0x8, s26;
	v5 =	vld [tilespmem:s21+$0x1970];
	[tilespmem:s20+$0x260] =	vst v3  }
0x914: {  	s2 =	sld [smem:s28+$0xFFFFFFFA];
	p0 =	slt.u32 s26, $0x188;
	v3 =	vld [tilespmem:s22+$0x1970];
	[tilespmem:s20+$0x2E0] =	vst v4  }
0x915: {  	s21 =	sld [smem:s28+$0xFFFFFFFB];
	v4 =	vld [tilespmem:s23+$0x1970];
	[tilespmem:s20+$0x360] =	vst v2  }
0x916: {  	s22 =	sld [smem:s28+$0xFFFFFFFC];
	s0 =	sshll.u32 s0, $0x9;
	[tilespmem:s20+$0x70] =	vst v1;
	v1 =	vld [tilespmem:s24+$0x1970]  }
0x917: {  	s2 =	sshll.u32 s2, $0x9;
	s23 =	sld [smem:s28+$0xFFFFFFFD];
	s31 =	sshra.s32 s0, $0x2;
	[tilespmem:s20+$0xF0] =	vst v0;
	v0 =	vld [tilespmem:s25+$0x1970]  }
0x918: {  	s29 =	sshra.s32 s2, $0x2;
	s0 =	sshll.u32 s21, $0x9;
	s2 =	sld [smem:s28+$0xFFFFFFFE];
	v2 =	vld [tilespmem:s31+$0x1900];
	[tilespmem:s20+$0x170] =	vst v5  }
0x919: {  	v5 =	vld [tilespmem:s29+$0x1900];
	s21 =	sshra.s32 s0, $0x2;
	s0 =	sshll.u32 s22, $0x9;
	s25 =	sld [smem:s28+$0xFFFFFFFF];
	[tilespmem:s20+$0x1F0] =	vst v3  }
0x91a: {  	s30 =	sld [smem:s28+$0xFFFFFFF9];
	v3 =	vld [tilespmem:s21+$0x1900];
	s22 =	sshra.s32 s0, $0x2;
	s0 =	sshll.u32 s23, $0x9;
	[tilespmem:s20+$0x270] =	vst v4  }
0x91b: {  	v4 =	vld [tilespmem:s22+$0x1900];
	s23 =	sshra.s32 s0, $0x2;
	s0 =	sshll.u32 s2, $0x9;
	[tilespmem:s20+$0x2F0] =	vst v1  }
0x91c: {  	v1 =	vld [tilespmem:s23+$0x1900];
	s24 =	sshra.s32 s0, $0x2;
	s0 =	sshll.u32 s25, $0x9;
	[tilespmem:s20+$0x370] =	vst v0;
	s20 =	sadd.s32 $0x400, s20  }
0x91d: {  	s2 =	sshll.u32 s30, $0x9;
	v0 =	vld [tilespmem:s24+$0x1900];
	s25 =	sshra.s32 s0, $0x2;
	[tilespmem:s20+$0x380] =	vst v2  }
0x91e: {  	s30 =	sshra.s32 s2, $0x2;
	[tilespmem:s20+$0x80] =	vst v5;
	v2 =	vld [tilespmem:s31+$0x1910]  }
0x91f: {  	v5 =	vld [tilespmem:s30+$0x1900];
	[tilespmem:s20+$0x100] =	vst v3  }
0x920: {  	[tilespmem:s20+$0x180] =	vst v4;
	v3 =	vld [tilespmem:s25+$0x1900]  }
0x921: {  	v4 =	vld [tilespmem:s29+$0x1910];
	[tilespmem:s20+$0x200] =	vst v1  }
0x922: {  	v1 =	vld [tilespmem:s21+$0x1910];
	[tilespmem:s20+$0x280] =	vst v0  }
0x923: {  	v0 =	vld [tilespmem:s22+$0x1910];
	[tilespmem:s20+$0x390] =	vst v2  }
0x924: {  	[tilespmem:s20+$0x0] =	vst v5;
	v2 =	vld [tilespmem:s31+$0x1920]  }
0x925: {  	v5 =	vld [tilespmem:s30+$0x1910];
	[tilespmem:s20+$0x300] =	vst v3  }
0x926: {  	[tilespmem:s20+$0x90] =	vst v4;
	v3 =	vld [tilespmem:s23+$0x1910]  }
0x927: {  	[tilespmem:s20+$0x110] =	vst v1;
	v1 =	vld [tilespmem:s24+$0x1910]  }
0x928: {  	[tilespmem:s20+$0x190] =	vst v0;
	v0 =	vld [tilespmem:s25+$0x1910]  }
0x929: {  	v4 =	vld [tilespmem:s29+$0x1920];
	[tilespmem:s20+$0x3A0] =	vst v2  }
0x92a: {  	[tilespmem:s20+$0x10] =	vst v5;
	v2 =	vld [tilespmem:s31+$0x1930]  }
0x92b: {  	v5 =	vld [tilespmem:s30+$0x1920];
	[tilespmem:s20+$0x210] =	vst v3  }
0x92c: {  	v3 =	vld [tilespmem:s21+$0x1920];
	[tilespmem:s20+$0x290] =	vst v1  }
0x92d: {  	v1 =	vld [tilespmem:s22+$0x1920];
	[tilespmem:s20+$0x310] =	vst v0  }
0x92e: {  	[tilespmem:s20+$0xA0] =	vst v4;
	v0 =	vld [tilespmem:s23+$0x1920]  }
0x92f: {  	v4 =	vld [tilespmem:s24+$0x1920];
	[tilespmem:s20+$0x3B0] =	vst v2  }
0x930: {  	[tilespmem:s20+$0x20] =	vst v5;
	v2 =	vld [tilespmem:s31+$0x1940]  }
0x931: {  	[tilespmem:s20+$0x120] =	vst v3;
	v3 =	vld [tilespmem:s25+$0x1920]  }
0x932: {  	v5 =	vld [tilespmem:s30+$0x1930];
	[tilespmem:s20+$0x1A0] =	vst v1  }
0x933: {  	v1 =	vld [tilespmem:s29+$0x1930];
	[tilespmem:s20+$0x220] =	vst v0  }
0x934: {  	v0 =	vld [tilespmem:s21+$0x1930];
	[tilespmem:s20+$0x2A0] =	vst v4  }
0x935: {  	v4 =	vld [tilespmem:s22+$0x1930];
	[tilespmem:s20+$0x3C0] =	vst v2  }
0x936: {  	[tilespmem:s20+$0x320] =	vst v3;
	v2 =	vld [tilespmem:s31+$0x1950]  }
0x937: {  	[tilespmem:s20+$0x30] =	vst v5;
	v3 =	vld [tilespmem:s23+$0x1930]  }
0x938: {  	[tilespmem:s20+$0xB0] =	vst v1;
	v1 =	vld [tilespmem:s24+$0x1930]  }
0x939: {  	[tilespmem:s20+$0x130] =	vst v0;
	v0 =	vld [tilespmem:s25+$0x1930]  }
0x93a: {  	v5 =	vld [tilespmem:s30+$0x1940];
	[tilespmem:s20+$0x1B0] =	vst v4  }
0x93b: {  	v4 =	vld [tilespmem:s29+$0x1940];
	[tilespmem:s20+$0x3D0] =	vst v2  }
0x93c: {  	[tilespmem:s20+$0x230] =	vst v3;
	v2 =	vld [tilespmem:s31+$0x1960]  }
0x93d: {  	v3 =	vld [tilespmem:s21+$0x1940];
	[tilespmem:s20+$0x2B0] =	vst v1  }
0x93e: {  	v1 =	vld [tilespmem:s22+$0x1940];
	[tilespmem:s20+$0x330] =	vst v0  }
0x93f: {  	[tilespmem:s20+$0x40] =	vst v5;
	v0 =	vld [tilespmem:s23+$0x1940]  }
0x940: {  	[tilespmem:s20+$0xC0] =	vst v4;
	v4 =	vld [tilespmem:s24+$0x1940]  }
0x941: {  	v5 =	vld [tilespmem:s25+$0x1940];
	[tilespmem:s20+$0x3E0] =	vst v2  }
0x942: {  	[tilespmem:s20+$0x140] =	vst v3;
	v2 =	vld [tilespmem:s31+$0x1970]  }
0x943: {  	v3 =	vld [tilespmem:s30+$0x1950];
	[tilespmem:s20+$0x1C0] =	vst v1  }
0x944: {  	v1 =	vld [tilespmem:s29+$0x1950];
	[tilespmem:s20+$0x240] =	vst v0  }
0x945: {  	v0 =	vld [tilespmem:s21+$0x1950];
	[tilespmem:s20+$0x2C0] =	vst v4  }
0x946: {  	v4 =	vld [tilespmem:s22+$0x1950];
	[tilespmem:s20+$0x340] =	vst v5  }
0x947: {  	v5 =	vld [tilespmem:s23+$0x1950];
	[tilespmem:s20+$0x3F0] =	vst v2  }
0x948: {  	[tilespmem:s20+$0x50] =	vst v3;
	v2 =	vld [tilespmem:s24+$0x1950]  }
0x949: {  	[tilespmem:s20+$0xD0] =	vst v1;
	v1 =	vld [tilespmem:s25+$0x1950]  }
0x94a: {  	v6 =	vld [tilespmem:s30+$0x1960];
	[tilespmem:s20+$0x150] =	vst v0  }
0x94b: {  	v0 =	vld [tilespmem:s29+$0x1960];
	[tilespmem:s20+$0x1D0] =	vst v4  }
0x94c: {  	v7 =	vld [tilespmem:s21+$0x1960];
	[tilespmem:s20+$0x250] =	vst v5  }
0x94d: {  	v5 =	vld [tilespmem:s22+$0x1960];
	[tilespmem:s20+$0x2D0] =	vst v2  }
.Ltmp15:
0x94e: {  	v3 =	vld [tilespmem:s23+$0x1960];
	[tilespmem:s20+$0x350] =	vst v1;
	(pc) =	sbr.rel @p0 .LBB2_32-.Ltmp15, $4  }
0x94f: {  	[tilespmem:s20+$0x60] =	vst v6;
	v4 =	vld [tilespmem:s24+$0x1960]  }
0x950: {  	[tilespmem:s20+$0xE0] =	vst v0;
	v2 =	vld [tilespmem:s25+$0x1960]  }
0x951: {  	v1 =	vld [tilespmem:s30+$0x1970];
	[tilespmem:s20+$0x160] =	vst v7  }
0x952: {  	s28 =	sadd.s32 $0x8, s28;
	v0 =	vld [tilespmem:s29+$0x1970];
	[tilespmem:s20+$0x1E0] =	vst v5  }
0x953: {  	v5 =	vld [tilespmem:s21+$0x1970];
	[tilespmem:s20+$0x260] =	vst v3  }
0x954: {  	v60 =	vld [tilespmem:s22+$0x1970];
	[tilespmem:s20+$0x2E0] =	vst v4  }
0x955: {  	v61 =	vld [tilespmem:s23+$0x1970];
	[tilespmem:s20+$0x360] =	vst v2  }
0x956: {  	v62 =	vld [tilespmem:s24+$0x1970];
	[tilespmem:s20+$0x70] =	vst v1  }
0x957: {  	v63 =	vld [tilespmem:s25+$0x1970];
	[tilespmem:s20+$0xF0] =	vst v0  }
0x958: {  	[tilespmem:s20+$0x170] =	vst v5  }
0x959: {  	[tilespmem:s20+$0x1F0] =	vst v60  }
0x95a: {  	[tilespmem:s20+$0x270] =	vst v61  }
0x95b: {  	[tilespmem:s20+$0x2F0] =	vst v62  }
0x95c: {  	[tilespmem:s20+$0x370] =	vst v63  }
0x95d: {  	s0 =	rddreg [dreg:$0x18]  }
0x95e: {  	[hbm4b:s0+s3] =	stream.linear.scatter [tilespmem:s16], [sflag:$0x5], $0xC800, $0x38;
	[tilespmem:$0x1AD00] =	vst v63  }
0x95f: {  	_ =	swait.ge [sflag:s18], $0xC800  }
0x960: {  	[sflag:s18] =	ssyncset.done $0x0  }
0x961: {  	[sflag:s18] =	ssyncadd.s32 $0xFFFF3800  }
0x962: {  	_ =	swait.ge [sflag:s17], $0xC800  }
0x963: {  	s19 =	sadd.s32 $0x1, s19;
	s31 =	rddreg [dreg:$0x19]  }
0x964: {  	p0 =	sne.s32 s19, s31  }
.Ltmp16:
0x965: {  	_ = 	snop;
	(pc) =	sbr.rel @p0 .LBB2_1-.Ltmp16, $3  }
0x966: {  	_ =	sdelay $0x1  }
0x967: {  	[sflag:s17] =	ssyncset.done $0x0  }
0x968: {  	[sflag:s17] =	ssyncadd.s32 $0xFFFF3800  }
0x969: {  	_ =	sfence.sel $0x180000  }
0x96a: {  	[bflag:$0x0] =	sbarrier.arrive $0xFFFF  }
0x96b: {  	_ =	strace $0x90000047  }
0x96c: {  	s0 =	stileid.u32;
	[bflag:$0x2] =	sbarrier.arrive $0xFFFF  }
0x96d: {  	p0 =	sne.s32 s0, $0x0;
	s0 =	rddreg [dreg:$0x4]  }
0x96e: {  	s0 =	sadd.s32 @!p0 $0x100000, s0  }
0x96f: {  	[sflag:s0] =	ssyncadd.tile.s32 @!p0 $0x1;
	_ =	shalt  }
.Lfunc_end2:
_tile_overlayer_lowered:
.L_overlay_start_2:
0x970: {  	(tag) =	ssettag $0x2  }
0x971: {  	s0 =	rddreg [dreg:$0x0];
	s2 =	stileid.u32  }
0x972: {  	s1 =	rddreg [dreg:$0x1];
	p0 =	sne.s32 s2, $0x0  }
0x973: {  	s3 =	rddreg [dreg:$0x2];
	[bflag:$0x3] =	sbarrier.arrive $0xFFFF;
	s2 =	simm.s32 @!p0 $0x1C06  }
0x974: {  	[timem:s3], [sflag:s2] =	dma.local @!p0 [hbm:s0], s1  }
0x975: {  	s0 =	simm.s32 @!p0 $0x6  }
0x976: {  	_ =	swait.ge @!p0 [sflag:s0], s1  }
0x977: {  	s1 =	ssub.s32 @!p0 $0x0, s1;
	[sflag:s0] =	ssyncset.done @!p0 $0x0  }
0x978: {  	[sflag:s0] =	ssyncadd.s32 @!p0 s1  }
0x979: {  	[bflag:$0x3] =	sbarrier.arrive $0xFFFF  }
0x97a: {  	_ =	shalt  }

</sc_bundles>
